<compile_context>
chip_gen: v7x
topology: tpu7x:2x2x1
jax: 0.10.2.dev20260603
libtpu: 0.0.44.dev20260713+nightly
codegen_flags: <defaults>
</compile_context>

<pallas_src>
import functools

import jax
import jax.numpy as jnp
from jax import lax
from jax.experimental import pallas as pl
from jax.experimental.pallas import tpu as pltpu
from jax.experimental.pallas import tpu_sc as plsc

_N = 10000
_E = 160000
_DIM = 64
_SUB = 8
_NBONDS = 5
_RBDIM = 8
_CUTOFF = 5.0
_ZMAX = 86

_BE = 3200


def _edge_msg_body(d_ref, sw_ref, bo_ref, hg_ref, w0_ref, out_ref):
    d = d_ref[...]
    sw = sw_ref[...]
    theta = (jnp.pi / _CUTOFF) * d
    s1 = jnp.sin(theta)
    c2 = 2.0 * jnp.cos(theta)
    pref = jnp.sqrt(2.0 / _CUTOFF) * sw / d
    sins = [s1, c2 * s1]
    for _ in range(_RBDIM - 2):
        sins.append(c2 * sins[-1] - sins[-2])
    m = hg_ref[...].T[_SUB:2 * _SUB, :]
    bo = bo_ref[...]
    pieces = []
    for n in range(_RBDIM):
        rn = pref * sins[n]
        for b in range(_NBONDS):
            g = rn * bo[b:b + 1, :]
            pieces.append(g * m)
    xij = jnp.concatenate(pieces, axis=0)
    out_ref[...] = jax.lax.dot_general(
        xij, w0_ref[...], (((0,), (0,)), ((), ())),
        preferred_element_type=jnp.float32)


def _edge_messages(dist2, sw2, boT, hg, w0p, blk0, nblk):
    return pl.pallas_call(
        _edge_msg_body,
        grid=(nblk,),
        in_specs=[
            pl.BlockSpec((1, _BE), lambda i: (0, i + blk0)),
            pl.BlockSpec((1, _BE), lambda i: (0, i + blk0)),
            pl.BlockSpec((_NBONDS, _BE), lambda i: (0, i + blk0)),
            pl.BlockSpec((_BE, 2 * _SUB), lambda i: (i + blk0, 0)),
            pl.BlockSpec((_RBDIM * _SUB * _NBONDS, _DIM), lambda i: (0, 0)),
        ],
        out_specs=pl.BlockSpec((_BE, _DIM), lambda i: (i, 0)),
        out_shape=jax.ShapeDtypeStruct((nblk * _BE, _DIM), jnp.float32),
    )(dist2, sw2, boT, hg, w0p)


_NC = 2
_NS = 16
_NW = _NC * _NS
_NPAD = 10240
_NPS = _NPAD // _NS


_SCH = 128
_EH = _E // 2
_NFULL = 19
_WBASE = _NFULL * _SCH
_XBASE = _WBASE * _NW
_NX = (_EH - _XBASE) // _SCH


def _scat_body(e0, src_hbm, msg_hbm, out_hbm, idx0, idx1, rows0, rows1, zbuf,
               acc_sh, sem0, sem1):
    c = lax.axis_index("c")
    s = lax.axis_index("s")
    w = c * _NS + s

    def zfill(r, _):
        for k in range(_DIM // 16):
            zbuf[r, pl.ds(k * 16, 16)] = jnp.zeros((16,), jnp.float32)
        return 0

    lax.fori_loop(0, _NPS, zfill, 0)
    pltpu.sync_copy(zbuf, acc_sh.at[pl.ds(s * _NPS, _NPS)])
    plsc.subcore_barrier()

    base = w * _WBASE

    def start(g, idxv, rowsv, sem):
        eb = base + g * _SCH
        pltpu.async_copy(src_hbm.at[pl.ds(e0 + eb, _SCH)], idxv, sem)
        pltpu.async_copy(msg_hbm.at[pl.ds(eb, _SCH)], rowsv, sem)

    def fin(g, idxv, rowsv, sem):
        eb = base + g * _SCH
        pltpu.make_async_copy(src_hbm.at[pl.ds(e0 + eb, _SCH)], idxv,
                              sem).wait()
        pltpu.make_async_copy(msg_hbm.at[pl.ds(eb, _SCH)], rowsv, sem).wait()
        pltpu.sync_copy(rowsv, acc_sh.at[idxv], add=True)

    start(0, idx0, rows0, sem0)

    def body(i, _):
        g2 = 2 * i
        start(g2 + 1, idx1, rows1, sem1)
        fin(g2, idx0, rows0, sem0)
        start(g2 + 2, idx0, rows0, sem0)
        fin(g2 + 1, idx1, rows1, sem1)
        return 0

    lax.fori_loop(0, (_NFULL - 1) // 2, body, 0)
    fin(_NFULL - 1, idx0, rows0, sem0)

    @pl.when(w < _NX)
    def _extra():
        ebx = _XBASE + w * _SCH
        pltpu.sync_copy(src_hbm.at[pl.ds(e0 + ebx, _SCH)], idx0)
        pltpu.sync_copy(msg_hbm.at[pl.ds(ebx, _SCH)], rows0)
        pltpu.sync_copy(rows0, acc_sh.at[idx0], add=True)

    plsc.subcore_barrier()
    pltpu.sync_copy(acc_sh.at[pl.ds(s * _NPS, _NPS)], zbuf)
    pltpu.sync_copy(zbuf, out_hbm.at[w])


def _gath_body(pw, h_hbm, idx_hbm, out_hbm, idx_v, rows_v, sem):
    c = lax.axis_index("c")
    s = lax.axis_index("s")
    base = (c * _NS + s) * pw
    pltpu.sync_copy(idx_hbm.at[pl.ds(base, pw)], idx_v)
    pltpu.async_copy(h_hbm.at[idx_v], rows_v, sem).wait()
    pltpu.sync_copy(rows_v, out_hbm.at[pl.ds(base, pw)])


def _gather_sc(table, idx):
    b, d = idx.shape[0], table.shape[1]
    pw = b // _NW
    return pl.kernel(
        functools.partial(_gath_body, pw),
        compiler_params=pltpu.CompilerParams(use_tc_tiling_on_sc=False),
        out_type=jax.ShapeDtypeStruct((b, d), jnp.float32),
        mesh=plsc.VectorSubcoreMesh(core_axis_name="c", subcore_axis_name="s"),
        scratch_types=[
            pltpu.VMEM((pw,), jnp.int32),
            pltpu.VMEM((pw, d), jnp.float32),
            pltpu.SemaphoreType.DMA,
        ],
    )(table, idx)


def _gath2_body(pw, t1_hbm, t2_hbm, idx_hbm, out1_hbm, out2_hbm, idx_v,
                rows1_v, rows2_v, sem):
    c = lax.axis_index("c")
    s = lax.axis_index("s")
    base = (c * _NS + s) * pw
    pltpu.sync_copy(idx_hbm.at[pl.ds(base, pw)], idx_v)
    cp1 = pltpu.async_copy(t1_hbm.at[idx_v], rows1_v, sem)
    cp2 = pltpu.async_copy(t2_hbm.at[idx_v], rows2_v, sem)
    cp1.wait()
    cp2.wait()
    pltpu.sync_copy(rows1_v, out1_hbm.at[pl.ds(base, pw)])
    pltpu.sync_copy(rows2_v, out2_hbm.at[pl.ds(base, pw)])


def _gather2_sc(t1, t2, idx):
    b, d1, d2 = idx.shape[0], t1.shape[1], t2.shape[1]
    pw = b // _NW
    return pl.kernel(
        functools.partial(_gath2_body, pw),
        compiler_params=pltpu.CompilerParams(use_tc_tiling_on_sc=False),
        out_type=(jax.ShapeDtypeStruct((b, d1), jnp.float32),
                  jax.ShapeDtypeStruct((b, d2), jnp.float32)),
        mesh=plsc.VectorSubcoreMesh(core_axis_name="c", subcore_axis_name="s"),
        scratch_types=[
            pltpu.VMEM((pw,), jnp.int32),
            pltpu.VMEM((pw, d1), jnp.float32),
            pltpu.VMEM((pw, d2), jnp.float32),
            pltpu.SemaphoreType.DMA,
        ],
    )(t1, t2, idx)


def _segment_sum_sc(msg, edge_src, e0):
    out2 = pl.kernel(
        functools.partial(_scat_body, e0),
        compiler_params=pltpu.CompilerParams(use_tc_tiling_on_sc=False),
        out_type=jax.ShapeDtypeStruct((_NW, _NPS, _DIM), jnp.float32),
        mesh=plsc.VectorSubcoreMesh(core_axis_name="c", subcore_axis_name="s"),
        scratch_types=[
            pltpu.VMEM((_SCH,), jnp.int32),
            pltpu.VMEM((_SCH,), jnp.int32),
            pltpu.VMEM((_SCH, _DIM), jnp.float32),
            pltpu.VMEM((_SCH, _DIM), jnp.float32),
            pltpu.VMEM((_NPS, _DIM), jnp.float32),
            pltpu.VMEM_SHARED((_NPAD, _DIM), jnp.float32),
            pltpu.SemaphoreType.DMA,
            pltpu.SemaphoreType.DMA,
        ],
    )(edge_src, msg)
    return out2.reshape(_NC, _NPAD, _DIM)


_BN = 2048


def _ssp_p(x):
    return (jnp.maximum(x, 0.0) + jnp.log(1.0 + jnp.exp(-jnp.abs(x)))
            - jnp.log(2.0))


def _node_post_body(has_next, xi_ref, h_ref, agg_ref, aggb_ref, w0t_ref,
                    b0_ref, w1_ref, b1_ref, w2_ref, b2_ref, *rest):
    if has_next:
        lw_ref, lb_ref, xo_ref, ho_ref = rest
    else:
        xo_ref, = rest
    agg = (agg_ref[0] + agg_ref[1]) + (aggb_ref[0] + aggb_ref[1])
    si = h_ref[:, :_SUB]
    dxi = agg + jnp.dot(si, w0t_ref[...],
                        preferred_element_type=jnp.float32) + b0_ref[...]
    dxi = _ssp_p(dxi)
    dxi = _ssp_p(jnp.dot(dxi, w1_ref[...],
                         preferred_element_type=jnp.float32) + b1_ref[...])
    dxi = jnp.dot(dxi, w2_ref[...],
                  preferred_element_type=jnp.float32) + b2_ref[...]
    xn = xi_ref[...] + dxi
    xo_ref[...] = xn
    if has_next:
        ho_ref[...] = jnp.dot(xn, lw_ref[...],
                              preferred_element_type=jnp.float32) + lb_ref[...]


def _node_post(xi, h, agg2, agg2b, w0t, b0, w1, b1, w2, b2, lw=None, lb=None):
    has_next = lw is not None
    in_specs = [
        pl.BlockSpec((_BN, _DIM), lambda i: (i, 0)),
        pl.BlockSpec((_BN, 2 * _SUB), lambda i: (i, 0)),
        pl.BlockSpec((_NC, _BN, _DIM), lambda i: (0, i, 0)),
        pl.BlockSpec((_NC, _BN, _DIM), lambda i: (0, i, 0)),
        pl.BlockSpec((_SUB, _DIM), lambda i: (0, 0)),
        pl.BlockSpec((1, _DIM), lambda i: (0, 0)),
        pl.BlockSpec((_DIM, _DIM), lambda i: (0, 0)),
        pl.BlockSpec((1, _DIM), lambda i: (0, 0)),
        pl.BlockSpec((_DIM, _DIM), lambda i: (0, 0)),
        pl.BlockSpec((1, _DIM), lambda i: (0, 0)),
    ]
    args = [xi, h, agg2, agg2b, w0t, b0.reshape(1, _DIM), w1,
            b1.reshape(1, _DIM), w2, b2.reshape(1, _DIM)]
    out_specs = [pl.BlockSpec((_BN, _DIM), lambda i: (i, 0))]
    out_shape = [jax.ShapeDtypeStruct((_NPAD, _DIM), jnp.float32)]
    if has_next:
        in_specs += [pl.BlockSpec((_DIM, 2 * _SUB), lambda i: (0, 0)),
                     pl.BlockSpec((1, 2 * _SUB), lambda i: (0, 0))]
        args += [lw, lb.reshape(1, 2 * _SUB)]
        out_specs += [pl.BlockSpec((_BN, 2 * _SUB), lambda i: (i, 0))]
        out_shape += [jax.ShapeDtypeStruct((_NPAD, 2 * _SUB), jnp.float32)]
    res = pl.pallas_call(
        functools.partial(_node_post_body, has_next),
        grid=(_NPAD // _BN,),
        in_specs=in_specs,
        out_specs=out_specs,
        out_shape=out_shape,
    )(*args)
    return res if has_next else (res[0],)


def kernel(species, edge_src, edge_dst, distances, switch, bond_order, params):
    p = params
    nfc = _RBDIM * _SUB * _NBONDS
    sp_pad = jnp.pad(species.astype(jnp.int32), (0, _NPAD - _N))
    t2 = p['W_species'] @ p['lin0_W'] + p['lin0_b'][None, :]
    xi, h = _gather2_sc(p['W_species'], t2, sp_pad)
    dist2 = distances.reshape(1, _E)
    sw2 = switch.reshape(1, _E)
    boT = bond_order.T
    nblk_h = _EH // _BE
    for l in range(3):
        w0 = p[f'fc{l}_W0']
        w0p = (w0[:nfc].reshape(_RBDIM, _SUB, _NBONDS, _DIM)
               .transpose(0, 2, 1, 3).reshape(nfc, _DIM))
        hg = _gather_sc(h, edge_dst)
        msga = _edge_messages(dist2, sw2, boT, hg, w0p, 0, nblk_h)
        agg2a = _segment_sum_sc(msga, edge_src, 0)
        msgb = _edge_messages(dist2, sw2, boT, hg, w0p, nblk_h, nblk_h)
        agg2b = _segment_sum_sc(msgb, edge_src, _EH)
        nxt = (p[f'lin{l + 1}_W'], p[f'lin{l + 1}_b']) if l < 2 else (None,
                                                                      None)
        out = _node_post(xi, h, agg2a, agg2b, w0[nfc:], p[f'fc{l}_b0'],
                         p[f'fc{l}_W1'], p[f'fc{l}_b1'],
                         p[f'fc{l}_W2'], p[f'fc{l}_b2'], *nxt)
        if l < 2:
            xi, h = out
        else:
            xi = out[0]
    return xi[:_N]

# --- scband reference (transcript-rebuilt; emitter-appended) ---
"""Pipeline reference for scband-ecfp-9457517985899 (READ-ONLY COPY).

The authoritative reference and input builder live on the scoring server;
editing this copy changes nothing except your own understanding.
"""

import jax, jax.numpy as jnp
import numpy as np

N = 10000
E = 160000
DIM = 64
NLAYERS = 3
SUB = 8
NBONDS = 5
RBDIM = 8
CUTOFF = 5.0
ZMAX = 86
CONV_HIDDEN = [64, 64]


def ssp(x):
    # shifted softplus: log(0.5*exp(x) + 0.5)
    return jax.nn.softplus(x) - jnp.log(2.0)


def radial_basis(d):
    # Bessel radial basis (FeNNol default): sqrt(2/c) * sin(n*pi*d/c) / d
    n = jnp.arange(1, RBDIM + 1, dtype=jnp.float32)
    return jnp.sqrt(2.0 / CUTOFF) * jnp.sin(n[None, :] * jnp.pi * d[:, None] / CUTOFF) / d[:, None]


def setup_inputs(seed: int = 0) -> dict:
    key = jax.random.key(seed)
    ks = jax.random.split(key, 16)
    species = jax.random.randint(ks[0], (N,), 0, ZMAX)
    edge_src = jax.random.randint(ks[1], (E,), 0, N)
    edge_dst = jax.random.randint(ks[2], (E,), 0, N)
    distances = jax.random.uniform(ks[3], (E,), jnp.float32, 0.1, CUTOFF)
    switch = jax.random.uniform(ks[4], (E,), jnp.float32)
    bond_order = jax.random.uniform(ks[5], (E, NBONDS), jnp.float32)
    params = {}
    params['W_species'] = jax.random.normal(ks[6], (ZMAX, DIM), jnp.float32) / jnp.sqrt(float(ZMAX))
    in_fc = RBDIM * SUB * NBONDS + SUB
    for l in range(NLAYERS):
        k = jax.random.split(ks[7 + l], 8)
        params[f'lin{l}_W'] = jax.random.normal(k[0], (DIM, 2 * SUB), jnp.float32) / jnp.sqrt(float(DIM))
        params[f'lin{l}_b'] = jnp.zeros((2 * SUB,), jnp.float32)
        dims = [in_fc] + CONV_HIDDEN + [DIM]
        for i in range(len(dims) - 1):
            params[f'fc{l}_W{i}'] = jax.random.normal(k[1 + i], (dims[i], dims[i + 1]), jnp.float32) / jnp.sqrt(float(dims[i]))
            params[f'fc{l}_b{i}'] = jnp.zeros((dims[i + 1],), jnp.float32)
    return {"species": species, "edge_src": edge_src, "edge_dst": edge_dst,
            "distances": distances, "switch": switch, "bond_order": bond_order,
            "params": params}


def reference(species, edge_src, edge_dst, distances, switch, bond_order, params):
    rb = radial_basis(distances)                      # [E, RBDIM]
    onehot = jax.nn.one_hot(species, ZMAX, dtype=jnp.float32)
    xi = onehot @ params['W_species']                 # [N, DIM]
    sw = switch[:, None]                              # [E, 1]
    bo = bond_order.reshape(-1, NBONDS)
    n_fc = len(CONV_HIDDEN) + 1
    for l in range(NLAYERS):
        h = xi @ params[f'lin{l}_W'] + params[f'lin{l}_b']
        si, mi = h[:, :SUB], h[:, SUB:]
        xi_shape = rb.shape[1] * mi.shape[1] * bo.shape[1]
        xi_j = (rb[:, :, None, None] * mi[edge_dst][:, None, :, None] * bo[:, None, None, :]).reshape(rb.shape[0], xi_shape)
        dxi = jax.ops.segment_sum(xi_j * sw, edge_src, num_segments=N)
        dxi = jnp.concatenate([dxi, si], axis=-1)
        for i in range(n_fc):
            dxi = dxi @ params[f'fc{l}_W{i}'] + params[f'fc{l}_b{i}']
            if i < n_fc - 1:
                dxi = ssp(dxi)
        xi = xi + dxi
    return xi

if __name__ == "__main__":
    import jax
    _d = setup_inputs()
    print(jax.jit(kernel)(*tuple(_d.values())))

</pallas_src>

<mosaic_0001>
#map = affine_map<(d0, d1) -> (0)>
#map1 = affine_map<(d0, d1) -> (0, 0)>
#map2 = affine_map<(d0, d1) -> (0, 0, 0)>
module attributes {stable_mosaic.version = 14 : i64} {
  func.func @_scat_body(%arg0: i32, %arg1: i32, %arg2: memref<160000xi32, #tpu.memory_space<hbm>>, %arg3: memref<80000x64xf32, #tpu.memory_space<hbm>>, %arg4: memref<32x640x64xf32, #tpu.memory_space<hbm>>, %arg5: memref<128xi32, #tpu.memory_space<vmem>>, %arg6: memref<128xi32, #tpu.memory_space<vmem>>, %arg7: memref<128x64xf32, #tpu.memory_space<vmem>>, %arg8: memref<128x64xf32, #tpu.memory_space<vmem>>, %arg9: memref<640x64xf32, #tpu.memory_space<vmem>>, %arg10: memref<10240x64xf32, #tpu.memory_space<vmem_shared>>, %arg11: memref<!tpu.dma_semaphore, #tpu.memory_space<semaphore_mem>>, %arg12: memref<!tpu.dma_semaphore, #tpu.memory_space<semaphore_mem>>) attributes {dimension_semantics = [#tpu.dimension_semantics<core_parallel>, #tpu.dimension_semantics<subcore_parallel>], iteration_bounds = array<i64: 2, 16>, scalar_prefetch = 0 : i64, scratch_operands = 8 : i64, tpu.core_type = #tpu.core_type<sc_vector_subcore>, window_params = [{transform_indices = #map}, {transform_indices = #map1}, {transform_indices = #map2}]} {
    %mul3A = arith.constant 16 : i32
    %mul3A_0 = arith.muli %arg0, %mul3A : i32
    %add3A = arith.addi %mul3A_0, %arg1 : i32
    %scan3A = arith.constant 0 : i32
    %scan3A_1 = arith.constant 0 : i32
    %scan3A_2 = arith.constant 640 : i32
    %scan3A_3 = arith.addi %scan3A_1, %scan3A_2 : i32
    %scan3A_4 = arith.constant 1 : i32
    %scan3A_5 = scf.for %scan3A_41 = %scan3A_1 to %scan3A_3 step %scan3A_4 iter_args(%scan3A_42 = %scan3A) -> (i32)  : i32 {
      %broadcast_in_dim3A = arith.constant 0.000000e+00 : f32
      %broadcast_in_dim3A_43 = vector.broadcast %broadcast_in_dim3A : f32 to vector<16xf32>
      %swap3A = arith.index_cast %scan3A_41 : i32 to index
      %swap3A_44 = arith.constant 0 : index
      %swap3A_45 = tpu.vector_load %arg9[%swap3A, %swap3A_44] {strides = array<i32>} : memref<640x64xf32, #tpu.memory_space<vmem>>, vector<1x16xf32>,
      %swap3A_46 = vector.shape_cast %swap3A_45 : vector<1x16xf32> to vector<16xf32>
      %swap3A_47 = vector.shape_cast %broadcast_in_dim3A_43 : vector<16xf32> to vector<1x16xf32>
      tpu.vector_store %arg9[%swap3A, %swap3A_44], %swap3A_47 {strides = array<i32>} : memref<640x64xf32, #tpu.memory_space<vmem>>, vector<1x16xf32>,
      %broadcast_in_dim3A_48 = arith.constant 0.000000e+00 : f32
      %broadcast_in_dim3A_49 = vector.broadcast %broadcast_in_dim3A_48 : f32 to vector<16xf32>
      %swap3A_50 = arith.index_cast %scan3A_41 : i32 to index
      %swap3A_51 = arith.constant 16 : index
      %swap3A_52 = tpu.vector_load %arg9[%swap3A_50, %swap3A_51] {strides = array<i32>} : memref<640x64xf32, #tpu.memory_space<vmem>>, vector<1x16xf32>,
      %swap3A_53 = vector.shape_cast %swap3A_52 : vector<1x16xf32> to vector<16xf32>
      %swap3A_54 = vector.shape_cast %broadcast_in_dim3A_49 : vector<16xf32> to vector<1x16xf32>
      tpu.vector_store %arg9[%swap3A_50, %swap3A_51], %swap3A_54 {strides = array<i32>} : memref<640x64xf32, #tpu.memory_space<vmem>>, vector<1x16xf32>,
      %broadcast_in_dim3A_55 = arith.constant 0.000000e+00 : f32
      %broadcast_in_dim3A_56 = vector.broadcast %broadcast_in_dim3A_55 : f32 to vector<16xf32>
      %swap3A_57 = arith.index_cast %scan3A_41 : i32 to index
      %swap3A_58 = arith.constant 32 : index
      %swap3A_59 = tpu.vector_load %arg9[%swap3A_57, %swap3A_58] {strides = array<i32>} : memref<640x64xf32, #tpu.memory_space<vmem>>, vector<1x16xf32>,
      %swap3A_60 = vector.shape_cast %swap3A_59 : vector<1x16xf32> to vector<16xf32>
      %swap3A_61 = vector.shape_cast %broadcast_in_dim3A_56 : vector<16xf32> to vector<1x16xf32>
      tpu.vector_store %arg9[%swap3A_57, %swap3A_58], %swap3A_61 {strides = array<i32>} : memref<640x64xf32, #tpu.memory_space<vmem>>, vector<1x16xf32>,
      %broadcast_in_dim3A_62 = arith.constant 0.000000e+00 : f32
      %broadcast_in_dim3A_63 = vector.broadcast %broadcast_in_dim3A_62 : f32 to vector<16xf32>
      %swap3A_64 = arith.index_cast %scan3A_41 : i32 to index
      %swap3A_65 = arith.constant 48 : index
      %swap3A_66 = tpu.vector_load %arg9[%swap3A_64, %swap3A_65] {strides = array<i32>} : memref<640x64xf32, #tpu.memory_space<vmem>>, vector<1x16xf32>,
      %swap3A_67 = vector.shape_cast %swap3A_66 : vector<1x16xf32> to vector<16xf32>
      %swap3A_68 = vector.shape_cast %broadcast_in_dim3A_63 : vector<16xf32> to vector<1x16xf32>
      tpu.vector_store %arg9[%swap3A_64, %swap3A_65], %swap3A_68 {strides = array<i32>} : memref<640x64xf32, #tpu.memory_space<vmem>>, vector<1x16xf32>,
      %scan3A_69 = arith.constant 0 : i32
      scf.yield %scan3A_69 : i32
    }
    %scan3A_6 = arith.constant 640 : i32
    %mul3A_7 = arith.constant 640 : i32
    %mul3A_8 = arith.muli %arg1, %mul3A_7 : i32
    "tpu.region"() ({
      %run_scoped3A = tpu.sem_alloc : memref<!tpu.dma_semaphore, #tpu.memory_space<semaphore_mem>>
      %dma_start3A_41 = arith.constant 0 : i32
      %dma_start3A_42 = tpu.memref_slice %arg10[%mul3A_8, %dma_start3A_41] : memref<10240x64xf32, #tpu.memory_space<vmem_shared>> -> memref<640x64xf32, #tpu.memory_space<vmem_shared>>
      %dma_start3A_43 = arith.constant 0 : i32
      %dma_start3A_44 = tpu.memref_slice %arg10[%mul3A_8, %dma_start3A_43] : memref<10240x64xf32, #tpu.memory_space<vmem_shared>> -> memref<640x64xf32, #tpu.memory_space<vmem_shared>>
      tpu.enqueue_dma source(%arg9 : memref<640x64xf32, #tpu.memory_space<vmem>>) target(%dma_start3A_44 : memref<640x64xf32, #tpu.memory_space<vmem_shared>>) target_semaphore(%run_scoped3A : memref<!tpu.dma_semaphore, #tpu.memory_space<semaphore_mem>>)
      %dma_wait3A_45 = arith.constant 0 : i32
      %dma_wait3A_46 = tpu.memref_slice %arg10[%mul3A_8, %dma_wait3A_45] : memref<10240x64xf32, #tpu.memory_space<vmem_shared>> -> memref<640x64xf32, #tpu.memory_space<vmem_shared>>
      %dma_wait3A_47 = arith.constant 0 : i32
      %dma_wait3A_48 = tpu.memref_slice %arg10[%mul3A_8, %dma_wait3A_47] : memref<10240x64xf32, #tpu.memory_space<vmem_shared>> -> memref<640x64xf32, #tpu.memory_space<vmem_shared>>
      tpu.wait_dma2 semaphore(%run_scoped3A : memref<!tpu.dma_semaphore, #tpu.memory_space<semaphore_mem>>) src(%arg9 : memref<640x64xf32, #tpu.memory_space<vmem>>) dst(%dma_wait3A_48 : memref<640x64xf32, #tpu.memory_space<vmem_shared>>)
      tpu.yield
    }) : () -> ()
    %barrier3A = arith.constant 0 : index
    tpu.barrier barrier_id(%barrier3A)
    %mul3A_9 = arith.constant 2432 : i32
    %mul3A_10 = arith.muli %add3A, %mul3A_9 : i32
    %add3A_11 = arith.constant 0 : i32
    %add3A_12 = arith.addi %mul3A_10, %add3A_11 : i32
    %add3A_13 = arith.constant 0 : i32
    %add3A_14 = arith.addi %add3A_13, %add3A_12 : i32
    %dma_start3A = tpu.memref_slice %arg2[%add3A_14] : memref<160000xi32, #tpu.memory_space<hbm>> -> memref<128xi32, #tpu.memory_space<hbm>>
    %dma_start3A_15 = tpu.memref_slice %arg2[%add3A_14] : memref<160000xi32, #tpu.memory_space<hbm>> -> memref<128xi32, #tpu.memory_space<hbm>>
    tpu.enqueue_dma source(%dma_start3A_15 : memref<128xi32, #tpu.memory_space<hbm>>) target(%arg5 : memref<128xi32, #tpu.memory_space<vmem>>) target_semaphore(%arg11 : memref<!tpu.dma_semaphore, #tpu.memory_space<semaphore_mem>>)
    %dma_start3A_16 = arith.constant 0 : i32
    %dma_start3A_17 = tpu.memref_slice %arg3[%add3A_12, %dma_start3A_16] : memref<80000x64xf32, #tpu.memory_space<hbm>> -> memref<128x64xf32, #tpu.memory_space<hbm>>
    %dma_start3A_18 = arith.constant 0 : i32
    %dma_start3A_19 = tpu.memref_slice %arg3[%add3A_12, %dma_start3A_18] : memref<80000x64xf32, #tpu.memory_space<hbm>> -> memref<128x64xf32, #tpu.memory_space<hbm>>
    tpu.enqueue_dma source(%dma_start3A_19 : memref<128x64xf32, #tpu.memory_space<hbm>>) target(%arg7 : memref<128x64xf32, #tpu.memory_space<vmem>>) target_semaphore(%arg11 : memref<!tpu.dma_semaphore, #tpu.memory_space<semaphore_mem>>)
    %scan3A_20 = arith.constant 0 : i32
    %scan3A_21 = arith.constant 0 : i32
    %scan3A_22 = arith.constant 9 : i32
    %scan3A_23 = arith.addi %scan3A_21, %scan3A_22 : i32
    %scan3A_24 = arith.constant 1 : i32
    %scan3A_25 = scf.for %scan3A_41 = %scan3A_21 to %scan3A_23 step %scan3A_24 iter_args(%scan3A_42 = %scan3A_20) -> (i32)  : i32 {
      %mul3A_43 = arith.constant 2 : i32
      %mul3A_44 = arith.muli %mul3A_43, %scan3A_41 : i32
      %add3A_45 = arith.constant 1 : i32
      %add3A_46 = arith.addi %mul3A_44, %add3A_45 : i32
      %mul3A_47 = arith.constant 128 : i32
      %mul3A_48 = arith.muli %add3A_46, %mul3A_47 : i32
      %add3A_49 = arith.addi %mul3A_10, %mul3A_48 : i32
      %add3A_50 = arith.constant 0 : i32
      %add3A_51 = arith.addi %add3A_50, %add3A_49 : i32
      %dma_start3A_52 = tpu.memref_slice %arg2[%add3A_51] : memref<160000xi32, #tpu.memory_space<hbm>> -> memref<128xi32, #tpu.memory_space<hbm>>
      %dma_start3A_53 = tpu.memref_slice %arg2[%add3A_51] : memref<160000xi32, #tpu.memory_space<hbm>> -> memref<128xi32, #tpu.memory_space<hbm>>
      tpu.enqueue_dma source(%dma_start3A_53 : memref<128xi32, #tpu.memory_space<hbm>>) target(%arg6 : memref<128xi32, #tpu.memory_space<vmem>>) target_semaphore(%arg12 : memref<!tpu.dma_semaphore, #tpu.memory_space<semaphore_mem>>)
      %dma_start3A_54 = arith.constant 0 : i32
      %dma_start3A_55 = tpu.memref_slice %arg3[%add3A_49, %dma_start3A_54] : memref<80000x64xf32, #tpu.memory_space<hbm>> -> memref<128x64xf32, #tpu.memory_space<hbm>>
      %dma_start3A_56 = arith.constant 0 : i32
      %dma_start3A_57 = tpu.memref_slice %arg3[%add3A_49, %dma_start3A_56] : memref<80000x64xf32, #tpu.memory_space<hbm>> -> memref<128x64xf32, #tpu.memory_space<hbm>>
      tpu.enqueue_dma source(%dma_start3A_57 : memref<128x64xf32, #tpu.memory_space<hbm>>) target(%arg8 : memref<128x64xf32, #tpu.memory_space<vmem>>) target_semaphore(%arg12 : memref<!tpu.dma_semaphore, #tpu.memory_space<semaphore_mem>>)
      %mul3A_58 = arith.constant 128 : i32
      %mul3A_59 = arith.muli %mul3A_44, %mul3A_58 : i32
      %add3A_60 = arith.addi %mul3A_10, %mul3A_59 : i32
      %add3A_61 = arith.constant 0 : i32
      %add3A_62 = arith.addi %add3A_61, %add3A_60 : i32
      %dma_wait3A_63 = tpu.memref_slice %arg2[%add3A_62] : memref<160000xi32, #tpu.memory_space<hbm>> -> memref<128xi32, #tpu.memory_space<hbm>>
      %dma_wait3A_64 = tpu.memref_slice %arg2[%add3A_62] : memref<160000xi32, #tpu.memory_space<hbm>> -> memref<128xi32, #tpu.memory_space<hbm>>
      tpu.wait_dma2 semaphore(%arg11 : memref<!tpu.dma_semaphore, #tpu.memory_space<semaphore_mem>>) src(%dma_wait3A_64 : memref<128xi32, #tpu.memory_space<hbm>>) dst(%arg5 : memref<128xi32, #tpu.memory_space<vmem>>)
      %dma_wait3A_65 = arith.constant 0 : i32
      %dma_wait3A_66 = tpu.memref_slice %arg3[%add3A_60, %dma_wait3A_65] : memref<80000x64xf32, #tpu.memory_space<hbm>> -> memref<128x64xf32, #tpu.memory_space<hbm>>
      %dma_wait3A_67 = arith.constant 0 : i32
      %dma_wait3A_68 = tpu.memref_slice %arg3[%add3A_60, %dma_wait3A_67] : memref<80000x64xf32, #tpu.memory_space<hbm>> -> memref<128x64xf32, #tpu.memory_space<hbm>>
      tpu.wait_dma2 semaphore(%arg11 : memref<!tpu.dma_semaphore, #tpu.memory_space<semaphore_mem>>) src(%dma_wait3A_68 : memref<128x64xf32, #tpu.memory_space<hbm>>) dst(%arg7 : memref<128x64xf32, #tpu.memory_space<vmem>>)
      "tpu.region"() ({
        %run_scoped3A = tpu.sem_alloc : memref<!tpu.dma_semaphore, #tpu.memory_space<semaphore_mem>>
        %dma_start3A_96 = arith.constant 0 : i32
        %dma_start3A_97 = arith.constant 0 : i32
        %dma_start3A_98 = tpu.memref_slice %arg10[%dma_start3A_96, %dma_start3A_97] : memref<10240x64xf32, #tpu.memory_space<vmem_shared>> -> memref<10240x64xf32, #tpu.memory_space<vmem_shared>>
        tpu.enqueue_indirect_dma source(%arg7 : memref<128x64xf32, #tpu.memory_space<vmem>>) target(%dma_start3A_98 : memref<10240x64xf32, #tpu.memory_space<vmem_shared>>) offsets(%arg5 : memref<128xi32, #tpu.memory_space<vmem>>) semaphore(%run_scoped3A : memref<!tpu.dma_semaphore, #tpu.memory_space<semaphore_mem>>) {add = true}
        %dma_wait3A_99 = arith.constant 0 : i32
        %dma_wait3A_100 = arith.constant 0 : i32
        %dma_wait3A_101 = tpu.memref_slice %arg10[%dma_wait3A_99, %dma_wait3A_100] : memref<10240x64xf32, #tpu.memory_space<vmem_shared>> -> memref<10240x64xf32, #tpu.memory_space<vmem_shared>>
        tpu.wait_indirect_dma semaphore(%run_scoped3A : memref<!tpu.dma_semaphore, #tpu.memory_space<semaphore_mem>>) src(%arg7 : memref<128x64xf32, #tpu.memory_space<vmem>>) dst(%dma_wait3A_101 : memref<10240x64xf32, #tpu.memory_space<vmem_shared>>)
        tpu.yield
      }) : () -> ()
      %add3A_69 = arith.constant 2 : i32
      %add3A_70 = arith.addi %mul3A_44, %add3A_69 : i32
      %mul3A_71 = arith.constant 128 : i32
      %mul3A_72 = arith.muli %add3A_70, %mul3A_71 : i32
      %add3A_73 = arith.addi %mul3A_10, %mul3A_72 : i32
      %add3A_74 = arith.constant 0 : i32
      %add3A_75 = arith.addi %add3A_74, %add3A_73 : i32
      %dma_start3A_76 = tpu.memref_slice %arg2[%add3A_75] : memref<160000xi32, #tpu.memory_space<hbm>> -> memref<128xi32, #tpu.memory_space<hbm>>
      %dma_start3A_77 = tpu.memref_slice %arg2[%add3A_75] : memref<160000xi32, #tpu.memory_space<hbm>> -> memref<128xi32, #tpu.memory_space<hbm>>
      tpu.enqueue_dma source(%dma_start3A_77 : memref<128xi32, #tpu.memory_space<hbm>>) target(%arg5 : memref<128xi32, #tpu.memory_space<vmem>>) target_semaphore(%arg11 : memref<!tpu.dma_semaphore, #tpu.memory_space<semaphore_mem>>)
      %dma_start3A_78 = arith.constant 0 : i32
      %dma_start3A_79 = tpu.memref_slice %arg3[%add3A_73, %dma_start3A_78] : memref<80000x64xf32, #tpu.memory_space<hbm>> -> memref<128x64xf32, #tpu.memory_space<hbm>>
      %dma_start3A_80 = arith.constant 0 : i32
      %dma_start3A_81 = tpu.memref_slice %arg3[%add3A_73, %dma_start3A_80] : memref<80000x64xf32, #tpu.memory_space<hbm>> -> memref<128x64xf32, #tpu.memory_space<hbm>>
      tpu.enqueue_dma source(%dma_start3A_81 : memref<128x64xf32, #tpu.memory_space<hbm>>) target(%arg7 : memref<128x64xf32, #tpu.memory_space<vmem>>) target_semaphore(%arg11 : memref<!tpu.dma_semaphore, #tpu.memory_space<semaphore_mem>>)
      %add3A_82 = arith.constant 1 : i32
      %add3A_83 = arith.addi %mul3A_44, %add3A_82 : i32
      %mul3A_84 = arith.constant 128 : i32
      %mul3A_85 = arith.muli %add3A_83, %mul3A_84 : i32
      %add3A_86 = arith.addi %mul3A_10, %mul3A_85 : i32
      %add3A_87 = arith.constant 0 : i32
      %add3A_88 = arith.addi %add3A_87, %add3A_86 : i32
      %dma_wait3A_89 = tpu.memref_slice %arg2[%add3A_88] : memref<160000xi32, #tpu.memory_space<hbm>> -> memref<128xi32, #tpu.memory_space<hbm>>
      %dma_wait3A_90 = tpu.memref_slice %arg2[%add3A_88] : memref<160000xi32, #tpu.memory_space<hbm>> -> memref<128xi32, #tpu.memory_space<hbm>>
      tpu.wait_dma2 semaphore(%arg12 : memref<!tpu.dma_semaphore, #tpu.memory_space<semaphore_mem>>) src(%dma_wait3A_90 : memref<128xi32, #tpu.memory_space<hbm>>) dst(%arg6 : memref<128xi32, #tpu.memory_space<vmem>>)
      %dma_wait3A_91 = arith.constant 0 : i32
      %dma_wait3A_92 = tpu.memref_slice %arg3[%add3A_86, %dma_wait3A_91] : memref<80000x64xf32, #tpu.memory_space<hbm>> -> memref<128x64xf32, #tpu.memory_space<hbm>>
      %dma_wait3A_93 = arith.constant 0 : i32
      %dma_wait3A_94 = tpu.memref_slice %arg3[%add3A_86, %dma_wait3A_93] : memref<80000x64xf32, #tpu.memory_space<hbm>> -> memref<128x64xf32, #tpu.memory_space<hbm>>
      tpu.wait_dma2 semaphore(%arg12 : memref<!tpu.dma_semaphore, #tpu.memory_space<semaphore_mem>>) src(%dma_wait3A_94 : memref<128x64xf32, #tpu.memory_space<hbm>>) dst(%arg8 : memref<128x64xf32, #tpu.memory_space<vmem>>)
      "tpu.region"() ({
        %run_scoped3A = tpu.sem_alloc : memref<!tpu.dma_semaphore, #tpu.memory_space<semaphore_mem>>
        %dma_start3A_96 = arith.constant 0 : i32
        %dma_start3A_97 = arith.constant 0 : i32
        %dma_start3A_98 = tpu.memref_slice %arg10[%dma_start3A_96, %dma_start3A_97] : memref<10240x64xf32, #tpu.memory_space<vmem_shared>> -> memref<10240x64xf32, #tpu.memory_space<vmem_shared>>
        tpu.enqueue_indirect_dma source(%arg8 : memref<128x64xf32, #tpu.memory_space<vmem>>) target(%dma_start3A_98 : memref<10240x64xf32, #tpu.memory_space<vmem_shared>>) offsets(%arg6 : memref<128xi32, #tpu.memory_space<vmem>>) semaphore(%run_scoped3A : memref<!tpu.dma_semaphore, #tpu.memory_space<semaphore_mem>>) {add = true}
        %dma_wait3A_99 = arith.constant 0 : i32
        %dma_wait3A_100 = arith.constant 0 : i32
        %dma_wait3A_101 = tpu.memref_slice %arg10[%dma_wait3A_99, %dma_wait3A_100] : memref<10240x64xf32, #tpu.memory_space<vmem_shared>> -> memref<10240x64xf32, #tpu.memory_space<vmem_shared>>
        tpu.wait_indirect_dma semaphore(%run_scoped3A : memref<!tpu.dma_semaphore, #tpu.memory_space<semaphore_mem>>) src(%arg8 : memref<128x64xf32, #tpu.memory_space<vmem>>) dst(%dma_wait3A_101 : memref<10240x64xf32, #tpu.memory_space<vmem_shared>>)
        tpu.yield
      }) : () -> ()
      %scan3A_95 = arith.constant 0 : i32
      scf.yield %scan3A_95 : i32
    }
    %scan3A_26 = arith.constant 9 : i32
    %add3A_27 = arith.constant 2304 : i32
    %add3A_28 = arith.addi %mul3A_10, %add3A_27 : i32
    %add3A_29 = arith.constant 0 : i32
    %add3A_30 = arith.addi %add3A_29, %add3A_28 : i32
    %dma_wait3A = tpu.memref_slice %arg2[%add3A_30] : memref<160000xi32, #tpu.memory_space<hbm>> -> memref<128xi32, #tpu.memory_space<hbm>>
    %dma_wait3A_31 = tpu.memref_slice %arg2[%add3A_30] : memref<160000xi32, #tpu.memory_space<hbm>> -> memref<128xi32, #tpu.memory_space<hbm>>
    tpu.wait_dma2 semaphore(%arg11 : memref<!tpu.dma_semaphore, #tpu.memory_space<semaphore_mem>>) src(%dma_wait3A_31 : memref<128xi32, #tpu.memory_space<hbm>>) dst(%arg5 : memref<128xi32, #tpu.memory_space<vmem>>)
    %dma_wait3A_32 = arith.constant 0 : i32
    %dma_wait3A_33 = tpu.memref_slice %arg3[%add3A_28, %dma_wait3A_32] : memref<80000x64xf32, #tpu.memory_space<hbm>> -> memref<128x64xf32, #tpu.memory_space<hbm>>
    %dma_wait3A_34 = arith.constant 0 : i32
    %dma_wait3A_35 = tpu.memref_slice %arg3[%add3A_28, %dma_wait3A_34] : memref<80000x64xf32, #tpu.memory_space<hbm>> -> memref<128x64xf32, #tpu.memory_space<hbm>>
    tpu.wait_dma2 semaphore(%arg11 : memref<!tpu.dma_semaphore, #tpu.memory_space<semaphore_mem>>) src(%dma_wait3A_35 : memref<128x64xf32, #tpu.memory_space<hbm>>) dst(%arg7 : memref<128x64xf32, #tpu.memory_space<vmem>>)
    "tpu.region"() ({
      %run_scoped3A = tpu.sem_alloc : memref<!tpu.dma_semaphore, #tpu.memory_space<semaphore_mem>>
      %dma_start3A_41 = arith.constant 0 : i32
      %dma_start3A_42 = arith.constant 0 : i32
      %dma_start3A_43 = tpu.memref_slice %arg10[%dma_start3A_41, %dma_start3A_42] : memref<10240x64xf32, #tpu.memory_space<vmem_shared>> -> memref<10240x64xf32, #tpu.memory_space<vmem_shared>>
      tpu.enqueue_indirect_dma source(%arg7 : memref<128x64xf32, #tpu.memory_space<vmem>>) target(%dma_start3A_43 : memref<10240x64xf32, #tpu.memory_space<vmem_shared>>) offsets(%arg5 : memref<128xi32, #tpu.memory_space<vmem>>) semaphore(%run_scoped3A : memref<!tpu.dma_semaphore, #tpu.memory_space<semaphore_mem>>) {add = true}
      %dma_wait3A_44 = arith.constant 0 : i32
      %dma_wait3A_45 = arith.constant 0 : i32
      %dma_wait3A_46 = tpu.memref_slice %arg10[%dma_wait3A_44, %dma_wait3A_45] : memref<10240x64xf32, #tpu.memory_space<vmem_shared>> -> memref<10240x64xf32, #tpu.memory_space<vmem_shared>>
      tpu.wait_indirect_dma semaphore(%run_scoped3A : memref<!tpu.dma_semaphore, #tpu.memory_space<semaphore_mem>>) src(%arg7 : memref<128x64xf32, #tpu.memory_space<vmem>>) dst(%dma_wait3A_46 : memref<10240x64xf32, #tpu.memory_space<vmem_shared>>)
      tpu.yield
    }) : () -> ()
    %lt3A = arith.constant 17 : i32
    %lt3A_36 = arith.cmpi slt, %add3A, %lt3A : i32
    %convert_element_type3A = arith.extui %lt3A_36 : i1 to i32
    %cond3A = arith.constant 0 : i32
    %cond3A_37 = arith.cmpi ne, %convert_element_type3A, %cond3A : i32
    scf.if %cond3A_37 {
      %mul3A_41 = arith.constant 128 : i32
      %mul3A_42 = arith.muli %add3A, %mul3A_41 : i32
      %add3A_43 = arith.constant 77824 : i32
      %add3A_44 = arith.addi %add3A_43, %mul3A_42 : i32
      %add3A_45 = arith.constant 0 : i32
      %add3A_46 = arith.addi %add3A_45, %add3A_44 : i32
      "tpu.region"() ({
        %run_scoped3A = tpu.sem_alloc : memref<!tpu.dma_semaphore, #tpu.memory_space<semaphore_mem>>
        %dma_start3A_47 = tpu.memref_slice %arg2[%add3A_46] : memref<160000xi32, #tpu.memory_space<hbm>> -> memref<128xi32, #tpu.memory_space<hbm>>
        %dma_start3A_48 = tpu.memref_slice %arg2[%add3A_46] : memref<160000xi32, #tpu.memory_space<hbm>> -> memref<128xi32, #tpu.memory_space<hbm>>
        tpu.enqueue_dma source(%dma_start3A_48 : memref<128xi32, #tpu.memory_space<hbm>>) target(%arg5 : memref<128xi32, #tpu.memory_space<vmem>>) target_semaphore(%run_scoped3A : memref<!tpu.dma_semaphore, #tpu.memory_space<semaphore_mem>>)
        %dma_wait3A_49 = tpu.memref_slice %arg2[%add3A_46] : memref<160000xi32, #tpu.memory_space<hbm>> -> memref<128xi32, #tpu.memory_space<hbm>>
        %dma_wait3A_50 = tpu.memref_slice %arg2[%add3A_46] : memref<160000xi32, #tpu.memory_space<hbm>> -> memref<128xi32, #tpu.memory_space<hbm>>
        tpu.wait_dma2 semaphore(%run_scoped3A : memref<!tpu.dma_semaphore, #tpu.memory_space<semaphore_mem>>) src(%dma_wait3A_50 : memref<128xi32, #tpu.memory_space<hbm>>) dst(%arg5 : memref<128xi32, #tpu.memory_space<vmem>>)
        tpu.yield
      }) : () -> ()
      "tpu.region"() ({
        %run_scoped3A = tpu.sem_alloc : memref<!tpu.dma_semaphore, #tpu.memory_space<semaphore_mem>>
        %dma_start3A_47 = arith.constant 0 : i32
        %dma_start3A_48 = tpu.memref_slice %arg3[%add3A_44, %dma_start3A_47] : memref<80000x64xf32, #tpu.memory_space<hbm>> -> memref<128x64xf32, #tpu.memory_space<hbm>>
        %dma_start3A_49 = arith.constant 0 : i32
        %dma_start3A_50 = tpu.memref_slice %arg3[%add3A_44, %dma_start3A_49] : memref<80000x64xf32, #tpu.memory_space<hbm>> -> memref<128x64xf32, #tpu.memory_space<hbm>>
        tpu.enqueue_dma source(%dma_start3A_50 : memref<128x64xf32, #tpu.memory_space<hbm>>) target(%arg7 : memref<128x64xf32, #tpu.memory_space<vmem>>) target_semaphore(%run_scoped3A : memref<!tpu.dma_semaphore, #tpu.memory_space<semaphore_mem>>)
        %dma_wait3A_51 = arith.constant 0 : i32
        %dma_wait3A_52 = tpu.memref_slice %arg3[%add3A_44, %dma_wait3A_51] : memref<80000x64xf32, #tpu.memory_space<hbm>> -> memref<128x64xf32, #tpu.memory_space<hbm>>
        %dma_wait3A_53 = arith.constant 0 : i32
        %dma_wait3A_54 = tpu.memref_slice %arg3[%add3A_44, %dma_wait3A_53] : memref<80000x64xf32, #tpu.memory_space<hbm>> -> memref<128x64xf32, #tpu.memory_space<hbm>>
        tpu.wait_dma2 semaphore(%run_scoped3A : memref<!tpu.dma_semaphore, #tpu.memory_space<semaphore_mem>>) src(%dma_wait3A_54 : memref<128x64xf32, #tpu.memory_space<hbm>>) dst(%arg7 : memref<128x64xf32, #tpu.memory_space<vmem>>)
        tpu.yield
      }) : () -> ()
      "tpu.region"() ({
        %run_scoped3A = tpu.sem_alloc : memref<!tpu.dma_semaphore, #tpu.memory_space<semaphore_mem>>
        %dma_start3A_47 = arith.constant 0 : i32
        %dma_start3A_48 = arith.constant 0 : i32
        %dma_start3A_49 = tpu.memref_slice %arg10[%dma_start3A_47, %dma_start3A_48] : memref<10240x64xf32, #tpu.memory_space<vmem_shared>> -> memref<10240x64xf32, #tpu.memory_space<vmem_shared>>
        tpu.enqueue_indirect_dma source(%arg7 : memref<128x64xf32, #tpu.memory_space<vmem>>) target(%dma_start3A_49 : memref<10240x64xf32, #tpu.memory_space<vmem_shared>>) offsets(%arg5 : memref<128xi32, #tpu.memory_space<vmem>>) semaphore(%run_scoped3A : memref<!tpu.dma_semaphore, #tpu.memory_space<semaphore_mem>>) {add = true}
        %dma_wait3A_50 = arith.constant 0 : i32
        %dma_wait3A_51 = arith.constant 0 : i32
        %dma_wait3A_52 = tpu.memref_slice %arg10[%dma_wait3A_50, %dma_wait3A_51] : memref<10240x64xf32, #tpu.memory_space<vmem_shared>> -> memref<10240x64xf32, #tpu.memory_space<vmem_shared>>
        tpu.wait_indirect_dma semaphore(%run_scoped3A : memref<!tpu.dma_semaphore, #tpu.memory_space<semaphore_mem>>) src(%arg7 : memref<128x64xf32, #tpu.memory_space<vmem>>) dst(%dma_wait3A_52 : memref<10240x64xf32, #tpu.memory_space<vmem_shared>>)
        tpu.yield
      }) : () -> ()
    } else {
    }
    %barrier3A_38 = arith.constant 0 : index
    tpu.barrier barrier_id(%barrier3A_38)
    %mul3A_39 = arith.constant 640 : i32
    %mul3A_40 = arith.muli %arg1, %mul3A_39 : i32
    "tpu.region"() ({
      %run_scoped3A = tpu.sem_alloc : memref<!tpu.dma_semaphore, #tpu.memory_space<semaphore_mem>>
      %dma_start3A_41 = arith.constant 0 : i32
      %dma_start3A_42 = tpu.memref_slice %arg10[%mul3A_40, %dma_start3A_41] : memref<10240x64xf32, #tpu.memory_space<vmem_shared>> -> memref<640x64xf32, #tpu.memory_space<vmem_shared>>
      %dma_start3A_43 = arith.constant 0 : i32
      %dma_start3A_44 = tpu.memref_slice %arg10[%mul3A_40, %dma_start3A_43] : memref<10240x64xf32, #tpu.memory_space<vmem_shared>> -> memref<640x64xf32, #tpu.memory_space<vmem_shared>>
      tpu.enqueue_dma source(%dma_start3A_44 : memref<640x64xf32, #tpu.memory_space<vmem_shared>>) target(%arg9 : memref<640x64xf32, #tpu.memory_space<vmem>>) target_semaphore(%run_scoped3A : memref<!tpu.dma_semaphore, #tpu.memory_space<semaphore_mem>>)
      %dma_wait3A_45 = arith.constant 0 : i32
      %dma_wait3A_46 = tpu.memref_slice %arg10[%mul3A_40, %dma_wait3A_45] : memref<10240x64xf32, #tpu.memory_space<vmem_shared>> -> memref<640x64xf32, #tpu.memory_space<vmem_shared>>
      %dma_wait3A_47 = arith.constant 0 : i32
      %dma_wait3A_48 = tpu.memref_slice %arg10[%mul3A_40, %dma_wait3A_47] : memref<10240x64xf32, #tpu.memory_space<vmem_shared>> -> memref<640x64xf32, #tpu.memory_space<vmem_shared>>
      tpu.wait_dma2 semaphore(%run_scoped3A : memref<!tpu.dma_semaphore, #tpu.memory_space<semaphore_mem>>) src(%dma_wait3A_48 : memref<640x64xf32, #tpu.memory_space<vmem_shared>>) dst(%arg9 : memref<640x64xf32, #tpu.memory_space<vmem>>)
      tpu.yield
    }) : () -> ()
    "tpu.region"() ({
      %run_scoped3A = tpu.sem_alloc : memref<!tpu.dma_semaphore, #tpu.memory_space<semaphore_mem>>
      %dma_start3A_41 = arith.constant 0 : i32
      %dma_start3A_42 = arith.constant 0 : i32
      %dma_start3A_43 = tpu.memref_slice %arg4[%add3A, %dma_start3A_41, %dma_start3A_42] : memref<32x640x64xf32, #tpu.memory_space<hbm>> -> memref<1x640x64xf32, #tpu.memory_space<hbm>>
      %dma_start3A_44 = tpu.memref_squeeze %dma_start3A_43 : memref<1x640x64xf32, #tpu.memory_space<hbm>> -> memref<640x64xf32, #tpu.memory_space<hbm>>
      %dma_start3A_45 = arith.constant 0 : i32
      %dma_start3A_46 = arith.constant 0 : i32
      %dma_start3A_47 = tpu.memref_slice %arg4[%add3A, %dma_start3A_45, %dma_start3A_46] : memref<32x640x64xf32, #tpu.memory_space<hbm>> -> memref<1x640x64xf32, #tpu.memory_space<hbm>>
      %dma_start3A_48 = tpu.memref_squeeze %dma_start3A_47 : memref<1x640x64xf32, #tpu.memory_space<hbm>> -> memref<640x64xf32, #tpu.memory_space<hbm>>
      tpu.enqueue_dma source(%arg9 : memref<640x64xf32, #tpu.memory_space<vmem>>) target(%dma_start3A_48 : memref<640x64xf32, #tpu.memory_space<hbm>>) target_semaphore(%run_scoped3A : memref<!tpu.dma_semaphore, #tpu.memory_space<semaphore_mem>>)
      %dma_wait3A_49 = arith.constant 0 : i32
      %dma_wait3A_50 = arith.constant 0 : i32
      %dma_wait3A_51 = tpu.memref_slice %arg4[%add3A, %dma_wait3A_49, %dma_wait3A_50] : memref<32x640x64xf32, #tpu.memory_space<hbm>> -> memref<1x640x64xf32, #tpu.memory_space<hbm>>
      %dma_wait3A_52 = tpu.memref_squeeze %dma_wait3A_51 : memref<1x640x64xf32, #tpu.memory_space<hbm>> -> memref<640x64xf32, #tpu.memory_space<hbm>>
      %dma_wait3A_53 = arith.constant 0 : i32
      %dma_wait3A_54 = arith.constant 0 : i32
      %dma_wait3A_55 = tpu.memref_slice %arg4[%add3A, %dma_wait3A_53, %dma_wait3A_54] : memref<32x640x64xf32, #tpu.memory_space<hbm>> -> memref<1x640x64xf32, #tpu.memory_space<hbm>>
      %dma_wait3A_56 = tpu.memref_squeeze %dma_wait3A_55 : memref<1x640x64xf32, #tpu.memory_space<hbm>> -> memref<640x64xf32, #tpu.memory_space<hbm>>
      tpu.wait_dma2 semaphore(%run_scoped3A : memref<!tpu.dma_semaphore, #tpu.memory_space<semaphore_mem>>) src(%arg9 : memref<640x64xf32, #tpu.memory_space<vmem>>) dst(%dma_wait3A_56 : memref<640x64xf32, #tpu.memory_space<hbm>>)
      tpu.yield
    }) : () -> ()
    return
  }
}

#map = affine_map<(d0, d1) -> (0, 0)>
#map1 = affine_map<(d0, d1) -> (0)>
module attributes {stable_mosaic.version = 14 : i64} {
  func.func @_gath2_body(%arg0: i32, %arg1: i32, %arg2: memref<86x64xf32, #tpu.memory_space<hbm>>, %arg3: memref<86x16xf32, #tpu.memory_space<hbm>>, %arg4: memref<10240xi32, #tpu.memory_space<hbm>>, %arg5: memref<10240x64xf32, #tpu.memory_space<hbm>>, %arg6: memref<10240x16xf32, #tpu.memory_space<hbm>>, %arg7: memref<320xi32, #tpu.memory_space<vmem>>, %arg8: memref<320x64xf32, #tpu.memory_space<vmem>>, %arg9: memref<320x16xf32, #tpu.memory_space<vmem>>, %arg10: memref<!tpu.dma_semaphore, #tpu.memory_space<semaphore_mem>>) attributes {dimension_semantics = [#tpu.dimension_semantics<core_parallel>, #tpu.dimension_semantics<subcore_parallel>], iteration_bounds = array<i64: 2, 16>, scalar_prefetch = 0 : i64, scratch_operands = 4 : i64, tpu.core_type = #tpu.core_type<sc_vector_subcore>, window_params = [{transform_indices = #map}, {transform_indices = #map}, {transform_indices = #map1}, {transform_indices = #map}, {transform_indices = #map}]} {
    %mul3A = arith.constant 16 : i32
    %mul3A_0 = arith.muli %arg0, %mul3A : i32
    %add3A = arith.addi %mul3A_0, %arg1 : i32
    %mul3A_1 = arith.constant 320 : i32
    %mul3A_2 = arith.muli %add3A, %mul3A_1 : i32
    "tpu.region"() ({
      %run_scoped3A = tpu.sem_alloc : memref<!tpu.dma_semaphore, #tpu.memory_space<semaphore_mem>>
      %dma_start3A_13 = tpu.memref_slice %arg4[%mul3A_2] : memref<10240xi32, #tpu.memory_space<hbm>> -> memref<320xi32, #tpu.memory_space<hbm>>
      %dma_start3A_14 = tpu.memref_slice %arg4[%mul3A_2] : memref<10240xi32, #tpu.memory_space<hbm>> -> memref<320xi32, #tpu.memory_space<hbm>>
      tpu.enqueue_dma source(%dma_start3A_14 : memref<320xi32, #tpu.memory_space<hbm>>) target(%arg7 : memref<320xi32, #tpu.memory_space<vmem>>) target_semaphore(%run_scoped3A : memref<!tpu.dma_semaphore, #tpu.memory_space<semaphore_mem>>)
      %dma_wait3A_15 = tpu.memref_slice %arg4[%mul3A_2] : memref<10240xi32, #tpu.memory_space<hbm>> -> memref<320xi32, #tpu.memory_space<hbm>>
      %dma_wait3A_16 = tpu.memref_slice %arg4[%mul3A_2] : memref<10240xi32, #tpu.memory_space<hbm>> -> memref<320xi32, #tpu.memory_space<hbm>>
      tpu.wait_dma2 semaphore(%run_scoped3A : memref<!tpu.dma_semaphore, #tpu.memory_space<semaphore_mem>>) src(%dma_wait3A_16 : memref<320xi32, #tpu.memory_space<hbm>>) dst(%arg7 : memref<320xi32, #tpu.memory_space<vmem>>)
      tpu.yield
    }) : () -> ()
    %dma_start3A = arith.constant 0 : i32
    %dma_start3A_3 = arith.constant 0 : i32
    %dma_start3A_4 = tpu.memref_slice %arg2[%dma_start3A, %dma_start3A_3] : memref<86x64xf32, #tpu.memory_space<hbm>> -> memref<86x64xf32, #tpu.memory_space<hbm>>
    tpu.enqueue_indirect_dma source(%dma_start3A_4 : memref<86x64xf32, #tpu.memory_space<hbm>>) target(%arg8 : memref<320x64xf32, #tpu.memory_space<vmem>>) offsets(%arg7 : memref<320xi32, #tpu.memory_space<vmem>>) semaphore(%arg10 : memref<!tpu.dma_semaphore, #tpu.memory_space<semaphore_mem>>)
    %dma_start3A_5 = arith.constant 0 : i32
    %dma_start3A_6 = arith.constant 0 : i32
    %dma_start3A_7 = tpu.memref_slice %arg3[%dma_start3A_5, %dma_start3A_6] : memref<86x16xf32, #tpu.memory_space<hbm>> -> memref<86x16xf32, #tpu.memory_space<hbm>>
    tpu.enqueue_indirect_dma source(%dma_start3A_7 : memref<86x16xf32, #tpu.memory_space<hbm>>) target(%arg9 : memref<320x16xf32, #tpu.memory_space<vmem>>) offsets(%arg7 : memref<320xi32, #tpu.memory_space<vmem>>) semaphore(%arg10 : memref<!tpu.dma_semaphore, #tpu.memory_space<semaphore_mem>>)
    %dma_wait3A = arith.constant 0 : i32
    %dma_wait3A_8 = arith.constant 0 : i32
    %dma_wait3A_9 = tpu.memref_slice %arg2[%dma_wait3A, %dma_wait3A_8] : memref<86x64xf32, #tpu.memory_space<hbm>> -> memref<86x64xf32, #tpu.memory_space<hbm>>
    tpu.wait_indirect_dma semaphore(%arg10 : memref<!tpu.dma_semaphore, #tpu.memory_space<semaphore_mem>>) src(%dma_wait3A_9 : memref<86x64xf32, #tpu.memory_space<hbm>>) dst(%arg8 : memref<320x64xf32, #tpu.memory_space<vmem>>)
    %dma_wait3A_10 = arith.constant 0 : i32
    %dma_wait3A_11 = arith.constant 0 : i32
    %dma_wait3A_12 = tpu.memref_slice %arg3[%dma_wait3A_10, %dma_wait3A_11] : memref<86x16xf32, #tpu.memory_space<hbm>> -> memref<86x16xf32, #tpu.memory_space<hbm>>
    tpu.wait_indirect_dma semaphore(%arg10 : memref<!tpu.dma_semaphore, #tpu.memory_space<semaphore_mem>>) src(%dma_wait3A_12 : memref<86x16xf32, #tpu.memory_space<hbm>>) dst(%arg9 : memref<320x16xf32, #tpu.memory_space<vmem>>)
    "tpu.region"() ({
      %run_scoped3A = tpu.sem_alloc : memref<!tpu.dma_semaphore, #tpu.memory_space<semaphore_mem>>
      %dma_start3A_13 = arith.constant 0 : i32
      %dma_start3A_14 = tpu.memref_slice %arg5[%mul3A_2, %dma_start3A_13] : memref<10240x64xf32, #tpu.memory_space<hbm>> -> memref<320x64xf32, #tpu.memory_space<hbm>>
      %dma_start3A_15 = arith.constant 0 : i32
      %dma_start3A_16 = tpu.memref_slice %arg5[%mul3A_2, %dma_start3A_15] : memref<10240x64xf32, #tpu.memory_space<hbm>> -> memref<320x64xf32, #tpu.memory_space<hbm>>
      tpu.enqueue_dma source(%arg8 : memref<320x64xf32, #tpu.memory_space<vmem>>) target(%dma_start3A_16 : memref<320x64xf32, #tpu.memory_space<hbm>>) target_semaphore(%run_scoped3A : memref<!tpu.dma_semaphore, #tpu.memory_space<semaphore_mem>>)
      %dma_wait3A_17 = arith.constant 0 : i32
      %dma_wait3A_18 = tpu.memref_slice %arg5[%mul3A_2, %dma_wait3A_17] : memref<10240x64xf32, #tpu.memory_space<hbm>> -> memref<320x64xf32, #tpu.memory_space<hbm>>
      %dma_wait3A_19 = arith.constant 0 : i32
      %dma_wait3A_20 = tpu.memref_slice %arg5[%mul3A_2, %dma_wait3A_19] : memref<10240x64xf32, #tpu.memory_space<hbm>> -> memref<320x64xf32, #tpu.memory_space<hbm>>
      tpu.wait_dma2 semaphore(%run_scoped3A : memref<!tpu.dma_semaphore, #tpu.memory_space<semaphore_mem>>) src(%arg8 : memref<320x64xf32, #tpu.memory_space<vmem>>) dst(%dma_wait3A_20 : memref<320x64xf32, #tpu.memory_space<hbm>>)
      tpu.yield
    }) : () -> ()
    "tpu.region"() ({
      %run_scoped3A = tpu.sem_alloc : memref<!tpu.dma_semaphore, #tpu.memory_space<semaphore_mem>>
      %dma_start3A_13 = arith.constant 0 : i32
      %dma_start3A_14 = tpu.memref_slice %arg6[%mul3A_2, %dma_start3A_13] : memref<10240x16xf32, #tpu.memory_space<hbm>> -> memref<320x16xf32, #tpu.memory_space<hbm>>
      %dma_start3A_15 = arith.constant 0 : i32
      %dma_start3A_16 = tpu.memref_slice %arg6[%mul3A_2, %dma_start3A_15] : memref<10240x16xf32, #tpu.memory_space<hbm>> -> memref<320x16xf32, #tpu.memory_space<hbm>>
      tpu.enqueue_dma source(%arg9 : memref<320x16xf32, #tpu.memory_space<vmem>>) target(%dma_start3A_16 : memref<320x16xf32, #tpu.memory_space<hbm>>) target_semaphore(%run_scoped3A : memref<!tpu.dma_semaphore, #tpu.memory_space<semaphore_mem>>)
      %dma_wait3A_17 = arith.constant 0 : i32
      %dma_wait3A_18 = tpu.memref_slice %arg6[%mul3A_2, %dma_wait3A_17] : memref<10240x16xf32, #tpu.memory_space<hbm>> -> memref<320x16xf32, #tpu.memory_space<hbm>>
      %dma_wait3A_19 = arith.constant 0 : i32
      %dma_wait3A_20 = tpu.memref_slice %arg6[%mul3A_2, %dma_wait3A_19] : memref<10240x16xf32, #tpu.memory_space<hbm>> -> memref<320x16xf32, #tpu.memory_space<hbm>>
      tpu.wait_dma2 semaphore(%run_scoped3A : memref<!tpu.dma_semaphore, #tpu.memory_space<semaphore_mem>>) src(%arg9 : memref<320x16xf32, #tpu.memory_space<vmem>>) dst(%dma_wait3A_20 : memref<320x16xf32, #tpu.memory_space<hbm>>)
      tpu.yield
    }) : () -> ()
    return
  }
}

#map = affine_map<(d0, d1) -> (0)>
#map1 = affine_map<(d0, d1) -> (0, 0)>
#map2 = affine_map<(d0, d1) -> (0, 0, 0)>
module attributes {stable_mosaic.version = 14 : i64} {
  func.func @_scat_body(%arg0: i32, %arg1: i32, %arg2: memref<160000xi32, #tpu.memory_space<hbm>>, %arg3: memref<80000x64xf32, #tpu.memory_space<hbm>>, %arg4: memref<32x640x64xf32, #tpu.memory_space<hbm>>, %arg5: memref<128xi32, #tpu.memory_space<vmem>>, %arg6: memref<128xi32, #tpu.memory_space<vmem>>, %arg7: memref<128x64xf32, #tpu.memory_space<vmem>>, %arg8: memref<128x64xf32, #tpu.memory_space<vmem>>, %arg9: memref<640x64xf32, #tpu.memory_space<vmem>>, %arg10: memref<10240x64xf32, #tpu.memory_space<vmem_shared>>, %arg11: memref<!tpu.dma_semaphore, #tpu.memory_space<semaphore_mem>>, %arg12: memref<!tpu.dma_semaphore, #tpu.memory_space<semaphore_mem>>) attributes {dimension_semantics = [#tpu.dimension_semantics<core_parallel>, #tpu.dimension_semantics<subcore_parallel>], iteration_bounds = array<i64: 2, 16>, scalar_prefetch = 0 : i64, scratch_operands = 8 : i64, tpu.core_type = #tpu.core_type<sc_vector_subcore>, window_params = [{transform_indices = #map}, {transform_indices = #map1}, {transform_indices = #map2}]} {
    %mul3A = arith.constant 16 : i32
    %mul3A_0 = arith.muli %arg0, %mul3A : i32
    %add3A = arith.addi %mul3A_0, %arg1 : i32
    %scan3A = arith.constant 0 : i32
    %scan3A_1 = arith.constant 0 : i32
    %scan3A_2 = arith.constant 640 : i32
    %scan3A_3 = arith.addi %scan3A_1, %scan3A_2 : i32
    %scan3A_4 = arith.constant 1 : i32
    %scan3A_5 = scf.for %scan3A_41 = %scan3A_1 to %scan3A_3 step %scan3A_4 iter_args(%scan3A_42 = %scan3A) -> (i32)  : i32 {
      %broadcast_in_dim3A = arith.constant 0.000000e+00 : f32
      %broadcast_in_dim3A_43 = vector.broadcast %broadcast_in_dim3A : f32 to vector<16xf32>
      %swap3A = arith.index_cast %scan3A_41 : i32 to index
      %swap3A_44 = arith.constant 0 : index
      %swap3A_45 = tpu.vector_load %arg9[%swap3A, %swap3A_44] {strides = array<i32>} : memref<640x64xf32, #tpu.memory_space<vmem>>, vector<1x16xf32>,
      %swap3A_46 = vector.shape_cast %swap3A_45 : vector<1x16xf32> to vector<16xf32>
      %swap3A_47 = vector.shape_cast %broadcast_in_dim3A_43 : vector<16xf32> to vector<1x16xf32>
      tpu.vector_store %arg9[%swap3A, %swap3A_44], %swap3A_47 {strides = array<i32>} : memref<640x64xf32, #tpu.memory_space<vmem>>, vector<1x16xf32>,
      %broadcast_in_dim3A_48 = arith.constant 0.000000e+00 : f32
      %broadcast_in_dim3A_49 = vector.broadcast %broadcast_in_dim3A_48 : f32 to vector<16xf32>
      %swap3A_50 = arith.index_cast %scan3A_41 : i32 to index
      %swap3A_51 = arith.constant 16 : index
      %swap3A_52 = tpu.vector_load %arg9[%swap3A_50, %swap3A_51] {strides = array<i32>} : memref<640x64xf32, #tpu.memory_space<vmem>>, vector<1x16xf32>,
      %swap3A_53 = vector.shape_cast %swap3A_52 : vector<1x16xf32> to vector<16xf32>
      %swap3A_54 = vector.shape_cast %broadcast_in_dim3A_49 : vector<16xf32> to vector<1x16xf32>
      tpu.vector_store %arg9[%swap3A_50, %swap3A_51], %swap3A_54 {strides = array<i32>} : memref<640x64xf32, #tpu.memory_space<vmem>>, vector<1x16xf32>,
      %broadcast_in_dim3A_55 = arith.constant 0.000000e+00 : f32
      %broadcast_in_dim3A_56 = vector.broadcast %broadcast_in_dim3A_55 : f32 to vector<16xf32>
      %swap3A_57 = arith.index_cast %scan3A_41 : i32 to index
      %swap3A_58 = arith.constant 32 : index
      %swap3A_59 = tpu.vector_load %arg9[%swap3A_57, %swap3A_58] {strides = array<i32>} : memref<640x64xf32, #tpu.memory_space<vmem>>, vector<1x16xf32>,
      %swap3A_60 = vector.shape_cast %swap3A_59 : vector<1x16xf32> to vector<16xf32>
      %swap3A_61 = vector.shape_cast %broadcast_in_dim3A_56 : vector<16xf32> to vector<1x16xf32>
      tpu.vector_store %arg9[%swap3A_57, %swap3A_58], %swap3A_61 {strides = array<i32>} : memref<640x64xf32, #tpu.memory_space<vmem>>, vector<1x16xf32>,
      %broadcast_in_dim3A_62 = arith.constant 0.000000e+00 : f32
      %broadcast_in_dim3A_63 = vector.broadcast %broadcast_in_dim3A_62 : f32 to vector<16xf32>
      %swap3A_64 = arith.index_cast %scan3A_41 : i32 to index
      %swap3A_65 = arith.constant 48 : index
      %swap3A_66 = tpu.vector_load %arg9[%swap3A_64, %swap3A_65] {strides = array<i32>} : memref<640x64xf32, #tpu.memory_space<vmem>>, vector<1x16xf32>,
      %swap3A_67 = vector.shape_cast %swap3A_66 : vector<1x16xf32> to vector<16xf32>
      %swap3A_68 = vector.shape_cast %broadcast_in_dim3A_63 : vector<16xf32> to vector<1x16xf32>
      tpu.vector_store %arg9[%swap3A_64, %swap3A_65], %swap3A_68 {strides = array<i32>} : memref<640x64xf32, #tpu.memory_space<vmem>>, vector<1x16xf32>,
      %scan3A_69 = arith.constant 0 : i32
      scf.yield %scan3A_69 : i32
    }
    %scan3A_6 = arith.constant 640 : i32
    %mul3A_7 = arith.constant 640 : i32
    %mul3A_8 = arith.muli %arg1, %mul3A_7 : i32
    "tpu.region"() ({
      %run_scoped3A = tpu.sem_alloc : memref<!tpu.dma_semaphore, #tpu.memory_space<semaphore_mem>>
      %dma_start3A_41 = arith.constant 0 : i32
      %dma_start3A_42 = tpu.memref_slice %arg10[%mul3A_8, %dma_start3A_41] : memref<10240x64xf32, #tpu.memory_space<vmem_shared>> -> memref<640x64xf32, #tpu.memory_space<vmem_shared>>
      %dma_start3A_43 = arith.constant 0 : i32
      %dma_start3A_44 = tpu.memref_slice %arg10[%mul3A_8, %dma_start3A_43] : memref<10240x64xf32, #tpu.memory_space<vmem_shared>> -> memref<640x64xf32, #tpu.memory_space<vmem_shared>>
      tpu.enqueue_dma source(%arg9 : memref<640x64xf32, #tpu.memory_space<vmem>>) target(%dma_start3A_44 : memref<640x64xf32, #tpu.memory_space<vmem_shared>>) target_semaphore(%run_scoped3A : memref<!tpu.dma_semaphore, #tpu.memory_space<semaphore_mem>>)
      %dma_wait3A_45 = arith.constant 0 : i32
      %dma_wait3A_46 = tpu.memref_slice %arg10[%mul3A_8, %dma_wait3A_45] : memref<10240x64xf32, #tpu.memory_space<vmem_shared>> -> memref<640x64xf32, #tpu.memory_space<vmem_shared>>
      %dma_wait3A_47 = arith.constant 0 : i32
      %dma_wait3A_48 = tpu.memref_slice %arg10[%mul3A_8, %dma_wait3A_47] : memref<10240x64xf32, #tpu.memory_space<vmem_shared>> -> memref<640x64xf32, #tpu.memory_space<vmem_shared>>
      tpu.wait_dma2 semaphore(%run_scoped3A : memref<!tpu.dma_semaphore, #tpu.memory_space<semaphore_mem>>) src(%arg9 : memref<640x64xf32, #tpu.memory_space<vmem>>) dst(%dma_wait3A_48 : memref<640x64xf32, #tpu.memory_space<vmem_shared>>)
      tpu.yield
    }) : () -> ()
    %barrier3A = arith.constant 0 : index
    tpu.barrier barrier_id(%barrier3A)
    %mul3A_9 = arith.constant 2432 : i32
    %mul3A_10 = arith.muli %add3A, %mul3A_9 : i32
    %add3A_11 = arith.constant 0 : i32
    %add3A_12 = arith.addi %mul3A_10, %add3A_11 : i32
    %add3A_13 = arith.constant 80000 : i32
    %add3A_14 = arith.addi %add3A_13, %add3A_12 : i32
    %dma_start3A = tpu.memref_slice %arg2[%add3A_14] : memref<160000xi32, #tpu.memory_space<hbm>> -> memref<128xi32, #tpu.memory_space<hbm>>
    %dma_start3A_15 = tpu.memref_slice %arg2[%add3A_14] : memref<160000xi32, #tpu.memory_space<hbm>> -> memref<128xi32, #tpu.memory_space<hbm>>
    tpu.enqueue_dma source(%dma_start3A_15 : memref<128xi32, #tpu.memory_space<hbm>>) target(%arg5 : memref<128xi32, #tpu.memory_space<vmem>>) target_semaphore(%arg11 : memref<!tpu.dma_semaphore, #tpu.memory_space<semaphore_mem>>)
    %dma_start3A_16 = arith.constant 0 : i32
    %dma_start3A_17 = tpu.memref_slice %arg3[%add3A_12, %dma_start3A_16] : memref<80000x64xf32, #tpu.memory_space<hbm>> -> memref<128x64xf32, #tpu.memory_space<hbm>>
    %dma_start3A_18 = arith.constant 0 : i32
    %dma_start3A_19 = tpu.memref_slice %arg3[%add3A_12, %dma_start3A_18] : memref<80000x64xf32, #tpu.memory_space<hbm>> -> memref<128x64xf32, #tpu.memory_space<hbm>>
    tpu.enqueue_dma source(%dma_start3A_19 : memref<128x64xf32, #tpu.memory_space<hbm>>) target(%arg7 : memref<128x64xf32, #tpu.memory_space<vmem>>) target_semaphore(%arg11 : memref<!tpu.dma_semaphore, #tpu.memory_space<semaphore_mem>>)
    %scan3A_20 = arith.constant 0 : i32
    %scan3A_21 = arith.constant 0 : i32
    %scan3A_22 = arith.constant 9 : i32
    %scan3A_23 = arith.addi %scan3A_21, %scan3A_22 : i32
    %scan3A_24 = arith.constant 1 : i32
    %scan3A_25 = scf.for %scan3A_41 = %scan3A_21 to %scan3A_23 step %scan3A_24 iter_args(%scan3A_42 = %scan3A_20) -> (i32)  : i32 {
      %mul3A_43 = arith.constant 2 : i32
      %mul3A_44 = arith.muli %mul3A_43, %scan3A_41 : i32
      %add3A_45 = arith.constant 1 : i32
      %add3A_46 = arith.addi %mul3A_44, %add3A_45 : i32
      %mul3A_47 = arith.constant 128 : i32
      %mul3A_48 = arith.muli %add3A_46, %mul3A_47 : i32
      %add3A_49 = arith.addi %mul3A_10, %mul3A_48 : i32
      %add3A_50 = arith.constant 80000 : i32
      %add3A_51 = arith.addi %add3A_50, %add3A_49 : i32
      %dma_start3A_52 = tpu.memref_slice %arg2[%add3A_51] : memref<160000xi32, #tpu.memory_space<hbm>> -> memref<128xi32, #tpu.memory_space<hbm>>
      %dma_start3A_53 = tpu.memref_slice %arg2[%add3A_51] : memref<160000xi32, #tpu.memory_space<hbm>> -> memref<128xi32, #tpu.memory_space<hbm>>
      tpu.enqueue_dma source(%dma_start3A_53 : memref<128xi32, #tpu.memory_space<hbm>>) target(%arg6 : memref<128xi32, #tpu.memory_space<vmem>>) target_semaphore(%arg12 : memref<!tpu.dma_semaphore, #tpu.memory_space<semaphore_mem>>)
      %dma_start3A_54 = arith.constant 0 : i32
      %dma_start3A_55 = tpu.memref_slice %arg3[%add3A_49, %dma_start3A_54] : memref<80000x64xf32, #tpu.memory_space<hbm>> -> memref<128x64xf32, #tpu.memory_space<hbm>>
      %dma_start3A_56 = arith.constant 0 : i32
      %dma_start3A_57 = tpu.memref_slice %arg3[%add3A_49, %dma_start3A_56] : memref<80000x64xf32, #tpu.memory_space<hbm>> -> memref<128x64xf32, #tpu.memory_space<hbm>>
      tpu.enqueue_dma source(%dma_start3A_57 : memref<128x64xf32, #tpu.memory_space<hbm>>) target(%arg8 : memref<128x64xf32, #tpu.memory_space<vmem>>) target_semaphore(%arg12 : memref<!tpu.dma_semaphore, #tpu.memory_space<semaphore_mem>>)
      %mul3A_58 = arith.constant 128 : i32
      %mul3A_59 = arith.muli %mul3A_44, %mul3A_58 : i32
      %add3A_60 = arith.addi %mul3A_10, %mul3A_59 : i32
      %add3A_61 = arith.constant 80000 : i32
      %add3A_62 = arith.addi %add3A_61, %add3A_60 : i32
      %dma_wait3A_63 = tpu.memref_slice %arg2[%add3A_62] : memref<160000xi32, #tpu.memory_space<hbm>> -> memref<128xi32, #tpu.memory_space<hbm>>
      %dma_wait3A_64 = tpu.memref_slice %arg2[%add3A_62] : memref<160000xi32, #tpu.memory_space<hbm>> -> memref<128xi32, #tpu.memory_space<hbm>>
      tpu.wait_dma2 semaphore(%arg11 : memref<!tpu.dma_semaphore, #tpu.memory_space<semaphore_mem>>) src(%dma_wait3A_64 : memref<128xi32, #tpu.memory_space<hbm>>) dst(%arg5 : memref<128xi32, #tpu.memory_space<vmem>>)
      %dma_wait3A_65 = arith.constant 0 : i32
      %dma_wait3A_66 = tpu.memref_slice %arg3[%add3A_60, %dma_wait3A_65] : memref<80000x64xf32, #tpu.memory_space<hbm>> -> memref<128x64xf32, #tpu.memory_space<hbm>>
      %dma_wait3A_67 = arith.constant 0 : i32
      %dma_wait3A_68 = tpu.memref_slice %arg3[%add3A_60, %dma_wait3A_67] : memref<80000x64xf32, #tpu.memory_space<hbm>> -> memref<128x64xf32, #tpu.memory_space<hbm>>
      tpu.wait_dma2 semaphore(%arg11 : memref<!tpu.dma_semaphore, #tpu.memory_space<semaphore_mem>>) src(%dma_wait3A_68 : memref<128x64xf32, #tpu.memory_space<hbm>>) dst(%arg7 : memref<128x64xf32, #tpu.memory_space<vmem>>)
      "tpu.region"() ({
        %run_scoped3A = tpu.sem_alloc : memref<!tpu.dma_semaphore, #tpu.memory_space<semaphore_mem>>
        %dma_start3A_96 = arith.constant 0 : i32
        %dma_start3A_97 = arith.constant 0 : i32
        %dma_start3A_98 = tpu.memref_slice %arg10[%dma_start3A_96, %dma_start3A_97] : memref<10240x64xf32, #tpu.memory_space<vmem_shared>> -> memref<10240x64xf32, #tpu.memory_space<vmem_shared>>
        tpu.enqueue_indirect_dma source(%arg7 : memref<128x64xf32, #tpu.memory_space<vmem>>) target(%dma_start3A_98 : memref<10240x64xf32, #tpu.memory_space<vmem_shared>>) offsets(%arg5 : memref<128xi32, #tpu.memory_space<vmem>>) semaphore(%run_scoped3A : memref<!tpu.dma_semaphore, #tpu.memory_space<semaphore_mem>>) {add = true}
        %dma_wait3A_99 = arith.constant 0 : i32
        %dma_wait3A_100 = arith.constant 0 : i32
        %dma_wait3A_101 = tpu.memref_slice %arg10[%dma_wait3A_99, %dma_wait3A_100] : memref<10240x64xf32, #tpu.memory_space<vmem_shared>> -> memref<10240x64xf32, #tpu.memory_space<vmem_shared>>
        tpu.wait_indirect_dma semaphore(%run_scoped3A : memref<!tpu.dma_semaphore, #tpu.memory_space<semaphore_mem>>) src(%arg7 : memref<128x64xf32, #tpu.memory_space<vmem>>) dst(%dma_wait3A_101 : memref<10240x64xf32, #tpu.memory_space<vmem_shared>>)
        tpu.yield
      }) : () -> ()
      %add3A_69 = arith.constant 2 : i32
      %add3A_70 = arith.addi %mul3A_44, %add3A_69 : i32
      %mul3A_71 = arith.constant 128 : i32
      %mul3A_72 = arith.muli %add3A_70, %mul3A_71 : i32
      %add3A_73 = arith.addi %mul3A_10, %mul3A_72 : i32
      %add3A_74 = arith.constant 80000 : i32
      %add3A_75 = arith.addi %add3A_74, %add3A_73 : i32
      %dma_start3A_76 = tpu.memref_slice %arg2[%add3A_75] : memref<160000xi32, #tpu.memory_space<hbm>> -> memref<128xi32, #tpu.memory_space<hbm>>
      %dma_start3A_77 = tpu.memref_slice %arg2[%add3A_75] : memref<160000xi32, #tpu.memory_space<hbm>> -> memref<128xi32, #tpu.memory_space<hbm>>
      tpu.enqueue_dma source(%dma_start3A_77 : memref<128xi32, #tpu.memory_space<hbm>>) target(%arg5 : memref<128xi32, #tpu.memory_space<vmem>>) target_semaphore(%arg11 : memref<!tpu.dma_semaphore, #tpu.memory_space<semaphore_mem>>)
      %dma_start3A_78 = arith.constant 0 : i32
      %dma_start3A_79 = tpu.memref_slice %arg3[%add3A_73, %dma_start3A_78] : memref<80000x64xf32, #tpu.memory_space<hbm>> -> memref<128x64xf32, #tpu.memory_space<hbm>>
      %dma_start3A_80 = arith.constant 0 : i32
      %dma_start3A_81 = tpu.memref_slice %arg3[%add3A_73, %dma_start3A_80] : memref<80000x64xf32, #tpu.memory_space<hbm>> -> memref<128x64xf32, #tpu.memory_space<hbm>>
      tpu.enqueue_dma source(%dma_start3A_81 : memref<128x64xf32, #tpu.memory_space<hbm>>) target(%arg7 : memref<128x64xf32, #tpu.memory_space<vmem>>) target_semaphore(%arg11 : memref<!tpu.dma_semaphore, #tpu.memory_space<semaphore_mem>>)
      %add3A_82 = arith.constant 1 : i32
      %add3A_83 = arith.addi %mul3A_44, %add3A_82 : i32
      %mul3A_84 = arith.constant 128 : i32
      %mul3A_85 = arith.muli %add3A_83, %mul3A_84 : i32
      %add3A_86 = arith.addi %mul3A_10, %mul3A_85 : i32
      %add3A_87 = arith.constant 80000 : i32
      %add3A_88 = arith.addi %add3A_87, %add3A_86 : i32
      %dma_wait3A_89 = tpu.memref_slice %arg2[%add3A_88] : memref<160000xi32, #tpu.memory_space<hbm>> -> memref<128xi32, #tpu.memory_space<hbm>>
      %dma_wait3A_90 = tpu.memref_slice %arg2[%add3A_88] : memref<160000xi32, #tpu.memory_space<hbm>> -> memref<128xi32, #tpu.memory_space<hbm>>
      tpu.wait_dma2 semaphore(%arg12 : memref<!tpu.dma_semaphore, #tpu.memory_space<semaphore_mem>>) src(%dma_wait3A_90 : memref<128xi32, #tpu.memory_space<hbm>>) dst(%arg6 : memref<128xi32, #tpu.memory_space<vmem>>)
      %dma_wait3A_91 = arith.constant 0 : i32
      %dma_wait3A_92 = tpu.memref_slice %arg3[%add3A_86, %dma_wait3A_91] : memref<80000x64xf32, #tpu.memory_space<hbm>> -> memref<128x64xf32, #tpu.memory_space<hbm>>
      %dma_wait3A_93 = arith.constant 0 : i32
      %dma_wait3A_94 = tpu.memref_slice %arg3[%add3A_86, %dma_wait3A_93] : memref<80000x64xf32, #tpu.memory_space<hbm>> -> memref<128x64xf32, #tpu.memory_space<hbm>>
      tpu.wait_dma2 semaphore(%arg12 : memref<!tpu.dma_semaphore, #tpu.memory_space<semaphore_mem>>) src(%dma_wait3A_94 : memref<128x64xf32, #tpu.memory_space<hbm>>) dst(%arg8 : memref<128x64xf32, #tpu.memory_space<vmem>>)
      "tpu.region"() ({
        %run_scoped3A = tpu.sem_alloc : memref<!tpu.dma_semaphore, #tpu.memory_space<semaphore_mem>>
        %dma_start3A_96 = arith.constant 0 : i32
        %dma_start3A_97 = arith.constant 0 : i32
        %dma_start3A_98 = tpu.memref_slice %arg10[%dma_start3A_96, %dma_start3A_97] : memref<10240x64xf32, #tpu.memory_space<vmem_shared>> -> memref<10240x64xf32, #tpu.memory_space<vmem_shared>>
        tpu.enqueue_indirect_dma source(%arg8 : memref<128x64xf32, #tpu.memory_space<vmem>>) target(%dma_start3A_98 : memref<10240x64xf32, #tpu.memory_space<vmem_shared>>) offsets(%arg6 : memref<128xi32, #tpu.memory_space<vmem>>) semaphore(%run_scoped3A : memref<!tpu.dma_semaphore, #tpu.memory_space<semaphore_mem>>) {add = true}
        %dma_wait3A_99 = arith.constant 0 : i32
        %dma_wait3A_100 = arith.constant 0 : i32
        %dma_wait3A_101 = tpu.memref_slice %arg10[%dma_wait3A_99, %dma_wait3A_100] : memref<10240x64xf32, #tpu.memory_space<vmem_shared>> -> memref<10240x64xf32, #tpu.memory_space<vmem_shared>>
        tpu.wait_indirect_dma semaphore(%run_scoped3A : memref<!tpu.dma_semaphore, #tpu.memory_space<semaphore_mem>>) src(%arg8 : memref<128x64xf32, #tpu.memory_space<vmem>>) dst(%dma_wait3A_101 : memref<10240x64xf32, #tpu.memory_space<vmem_shared>>)
        tpu.yield
      }) : () -> ()
      %scan3A_95 = arith.constant 0 : i32
      scf.yield %scan3A_95 : i32
    }
    %scan3A_26 = arith.constant 9 : i32
    %add3A_27 = arith.constant 2304 : i32
    %add3A_28 = arith.addi %mul3A_10, %add3A_27 : i32
    %add3A_29 = arith.constant 80000 : i32
    %add3A_30 = arith.addi %add3A_29, %add3A_28 : i32
    %dma_wait3A = tpu.memref_slice %arg2[%add3A_30] : memref<160000xi32, #tpu.memory_space<hbm>> -> memref<128xi32, #tpu.memory_space<hbm>>
    %dma_wait3A_31 = tpu.memref_slice %arg2[%add3A_30] : memref<160000xi32, #tpu.memory_space<hbm>> -> memref<128xi32, #tpu.memory_space<hbm>>
    tpu.wait_dma2 semaphore(%arg11 : memref<!tpu.dma_semaphore, #tpu.memory_space<semaphore_mem>>) src(%dma_wait3A_31 : memref<128xi32, #tpu.memory_space<hbm>>) dst(%arg5 : memref<128xi32, #tpu.memory_space<vmem>>)
    %dma_wait3A_32 = arith.constant 0 : i32
    %dma_wait3A_33 = tpu.memref_slice %arg3[%add3A_28, %dma_wait3A_32] : memref<80000x64xf32, #tpu.memory_space<hbm>> -> memref<128x64xf32, #tpu.memory_space<hbm>>
    %dma_wait3A_34 = arith.constant 0 : i32
    %dma_wait3A_35 = tpu.memref_slice %arg3[%add3A_28, %dma_wait3A_34] : memref<80000x64xf32, #tpu.memory_space<hbm>> -> memref<128x64xf32, #tpu.memory_space<hbm>>
    tpu.wait_dma2 semaphore(%arg11 : memref<!tpu.dma_semaphore, #tpu.memory_space<semaphore_mem>>) src(%dma_wait3A_35 : memref<128x64xf32, #tpu.memory_space<hbm>>) dst(%arg7 : memref<128x64xf32, #tpu.memory_space<vmem>>)
    "tpu.region"() ({
      %run_scoped3A = tpu.sem_alloc : memref<!tpu.dma_semaphore, #tpu.memory_space<semaphore_mem>>
      %dma_start3A_41 = arith.constant 0 : i32
      %dma_start3A_42 = arith.constant 0 : i32
      %dma_start3A_43 = tpu.memref_slice %arg10[%dma_start3A_41, %dma_start3A_42] : memref<10240x64xf32, #tpu.memory_space<vmem_shared>> -> memref<10240x64xf32, #tpu.memory_space<vmem_shared>>
      tpu.enqueue_indirect_dma source(%arg7 : memref<128x64xf32, #tpu.memory_space<vmem>>) target(%dma_start3A_43 : memref<10240x64xf32, #tpu.memory_space<vmem_shared>>) offsets(%arg5 : memref<128xi32, #tpu.memory_space<vmem>>) semaphore(%run_scoped3A : memref<!tpu.dma_semaphore, #tpu.memory_space<semaphore_mem>>) {add = true}
      %dma_wait3A_44 = arith.constant 0 : i32
      %dma_wait3A_45 = arith.constant 0 : i32
      %dma_wait3A_46 = tpu.memref_slice %arg10[%dma_wait3A_44, %dma_wait3A_45] : memref<10240x64xf32, #tpu.memory_space<vmem_shared>> -> memref<10240x64xf32, #tpu.memory_space<vmem_shared>>
      tpu.wait_indirect_dma semaphore(%run_scoped3A : memref<!tpu.dma_semaphore, #tpu.memory_space<semaphore_mem>>) src(%arg7 : memref<128x64xf32, #tpu.memory_space<vmem>>) dst(%dma_wait3A_46 : memref<10240x64xf32, #tpu.memory_space<vmem_shared>>)
      tpu.yield
    }) : () -> ()
    %lt3A = arith.constant 17 : i32
    %lt3A_36 = arith.cmpi slt, %add3A, %lt3A : i32
    %convert_element_type3A = arith.extui %lt3A_36 : i1 to i32
    %cond3A = arith.constant 0 : i32
    %cond3A_37 = arith.cmpi ne, %convert_element_type3A, %cond3A : i32
    scf.if %cond3A_37 {
      %mul3A_41 = arith.constant 128 : i32
      %mul3A_42 = arith.muli %add3A, %mul3A_41 : i32
      %add3A_43 = arith.constant 77824 : i32
      %add3A_44 = arith.addi %add3A_43, %mul3A_42 : i32
      %add3A_45 = arith.constant 80000 : i32
      %add3A_46 = arith.addi %add3A_45, %add3A_44 : i32
      "tpu.region"() ({
        %run_scoped3A = tpu.sem_alloc : memref<!tpu.dma_semaphore, #tpu.memory_space<semaphore_mem>>
        %dma_start3A_47 = tpu.memref_slice %arg2[%add3A_46] : memref<160000xi32, #tpu.memory_space<hbm>> -> memref<128xi32, #tpu.memory_space<hbm>>
        %dma_start3A_48 = tpu.memref_slice %arg2[%add3A_46] : memref<160000xi32, #tpu.memory_space<hbm>> -> memref<128xi32, #tpu.memory_space<hbm>>
        tpu.enqueue_dma source(%dma_start3A_48 : memref<128xi32, #tpu.memory_space<hbm>>) target(%arg5 : memref<128xi32, #tpu.memory_space<vmem>>) target_semaphore(%run_scoped3A : memref<!tpu.dma_semaphore, #tpu.memory_space<semaphore_mem>>)
        %dma_wait3A_49 = tpu.memref_slice %arg2[%add3A_46] : memref<160000xi32, #tpu.memory_space<hbm>> -> memref<128xi32, #tpu.memory_space<hbm>>
        %dma_wait3A_50 = tpu.memref_slice %arg2[%add3A_46] : memref<160000xi32, #tpu.memory_space<hbm>> -> memref<128xi32, #tpu.memory_space<hbm>>
        tpu.wait_dma2 semaphore(%run_scoped3A : memref<!tpu.dma_semaphore, #tpu.memory_space<semaphore_mem>>) src(%dma_wait3A_50 : memref<128xi32, #tpu.memory_space<hbm>>) dst(%arg5 : memref<128xi32, #tpu.memory_space<vmem>>)
        tpu.yield
      }) : () -> ()
      "tpu.region"() ({
        %run_scoped3A = tpu.sem_alloc : memref<!tpu.dma_semaphore, #tpu.memory_space<semaphore_mem>>
        %dma_start3A_47 = arith.constant 0 : i32
        %dma_start3A_48 = tpu.memref_slice %arg3[%add3A_44, %dma_start3A_47] : memref<80000x64xf32, #tpu.memory_space<hbm>> -> memref<128x64xf32, #tpu.memory_space<hbm>>
        %dma_start3A_49 = arith.constant 0 : i32
        %dma_start3A_50 = tpu.memref_slice %arg3[%add3A_44, %dma_start3A_49] : memref<80000x64xf32, #tpu.memory_space<hbm>> -> memref<128x64xf32, #tpu.memory_space<hbm>>
        tpu.enqueue_dma source(%dma_start3A_50 : memref<128x64xf32, #tpu.memory_space<hbm>>) target(%arg7 : memref<128x64xf32, #tpu.memory_space<vmem>>) target_semaphore(%run_scoped3A : memref<!tpu.dma_semaphore, #tpu.memory_space<semaphore_mem>>)
        %dma_wait3A_51 = arith.constant 0 : i32
        %dma_wait3A_52 = tpu.memref_slice %arg3[%add3A_44, %dma_wait3A_51] : memref<80000x64xf32, #tpu.memory_space<hbm>> -> memref<128x64xf32, #tpu.memory_space<hbm>>
        %dma_wait3A_53 = arith.constant 0 : i32
        %dma_wait3A_54 = tpu.memref_slice %arg3[%add3A_44, %dma_wait3A_53] : memref<80000x64xf32, #tpu.memory_space<hbm>> -> memref<128x64xf32, #tpu.memory_space<hbm>>
        tpu.wait_dma2 semaphore(%run_scoped3A : memref<!tpu.dma_semaphore, #tpu.memory_space<semaphore_mem>>) src(%dma_wait3A_54 : memref<128x64xf32, #tpu.memory_space<hbm>>) dst(%arg7 : memref<128x64xf32, #tpu.memory_space<vmem>>)
        tpu.yield
      }) : () -> ()
      "tpu.region"() ({
        %run_scoped3A = tpu.sem_alloc : memref<!tpu.dma_semaphore, #tpu.memory_space<semaphore_mem>>
        %dma_start3A_47 = arith.constant 0 : i32
        %dma_start3A_48 = arith.constant 0 : i32
        %dma_start3A_49 = tpu.memref_slice %arg10[%dma_start3A_47, %dma_start3A_48] : memref<10240x64xf32, #tpu.memory_space<vmem_shared>> -> memref<10240x64xf32, #tpu.memory_space<vmem_shared>>
        tpu.enqueue_indirect_dma source(%arg7 : memref<128x64xf32, #tpu.memory_space<vmem>>) target(%dma_start3A_49 : memref<10240x64xf32, #tpu.memory_space<vmem_shared>>) offsets(%arg5 : memref<128xi32, #tpu.memory_space<vmem>>) semaphore(%run_scoped3A : memref<!tpu.dma_semaphore, #tpu.memory_space<semaphore_mem>>) {add = true}
        %dma_wait3A_50 = arith.constant 0 : i32
        %dma_wait3A_51 = arith.constant 0 : i32
        %dma_wait3A_52 = tpu.memref_slice %arg10[%dma_wait3A_50, %dma_wait3A_51] : memref<10240x64xf32, #tpu.memory_space<vmem_shared>> -> memref<10240x64xf32, #tpu.memory_space<vmem_shared>>
        tpu.wait_indirect_dma semaphore(%run_scoped3A : memref<!tpu.dma_semaphore, #tpu.memory_space<semaphore_mem>>) src(%arg7 : memref<128x64xf32, #tpu.memory_space<vmem>>) dst(%dma_wait3A_52 : memref<10240x64xf32, #tpu.memory_space<vmem_shared>>)
        tpu.yield
      }) : () -> ()
    } else {
    }
    %barrier3A_38 = arith.constant 0 : index
    tpu.barrier barrier_id(%barrier3A_38)
    %mul3A_39 = arith.constant 640 : i32
    %mul3A_40 = arith.muli %arg1, %mul3A_39 : i32
    "tpu.region"() ({
      %run_scoped3A = tpu.sem_alloc : memref<!tpu.dma_semaphore, #tpu.memory_space<semaphore_mem>>
      %dma_start3A_41 = arith.constant 0 : i32
      %dma_start3A_42 = tpu.memref_slice %arg10[%mul3A_40, %dma_start3A_41] : memref<10240x64xf32, #tpu.memory_space<vmem_shared>> -> memref<640x64xf32, #tpu.memory_space<vmem_shared>>
      %dma_start3A_43 = arith.constant 0 : i32
      %dma_start3A_44 = tpu.memref_slice %arg10[%mul3A_40, %dma_start3A_43] : memref<10240x64xf32, #tpu.memory_space<vmem_shared>> -> memref<640x64xf32, #tpu.memory_space<vmem_shared>>
      tpu.enqueue_dma source(%dma_start3A_44 : memref<640x64xf32, #tpu.memory_space<vmem_shared>>) target(%arg9 : memref<640x64xf32, #tpu.memory_space<vmem>>) target_semaphore(%run_scoped3A : memref<!tpu.dma_semaphore, #tpu.memory_space<semaphore_mem>>)
      %dma_wait3A_45 = arith.constant 0 : i32
      %dma_wait3A_46 = tpu.memref_slice %arg10[%mul3A_40, %dma_wait3A_45] : memref<10240x64xf32, #tpu.memory_space<vmem_shared>> -> memref<640x64xf32, #tpu.memory_space<vmem_shared>>
      %dma_wait3A_47 = arith.constant 0 : i32
      %dma_wait3A_48 = tpu.memref_slice %arg10[%mul3A_40, %dma_wait3A_47] : memref<10240x64xf32, #tpu.memory_space<vmem_shared>> -> memref<640x64xf32, #tpu.memory_space<vmem_shared>>
      tpu.wait_dma2 semaphore(%run_scoped3A : memref<!tpu.dma_semaphore, #tpu.memory_space<semaphore_mem>>) src(%dma_wait3A_48 : memref<640x64xf32, #tpu.memory_space<vmem_shared>>) dst(%arg9 : memref<640x64xf32, #tpu.memory_space<vmem>>)
      tpu.yield
    }) : () -> ()
    "tpu.region"() ({
      %run_scoped3A = tpu.sem_alloc : memref<!tpu.dma_semaphore, #tpu.memory_space<semaphore_mem>>
      %dma_start3A_41 = arith.constant 0 : i32
      %dma_start3A_42 = arith.constant 0 : i32
      %dma_start3A_43 = tpu.memref_slice %arg4[%add3A, %dma_start3A_41, %dma_start3A_42] : memref<32x640x64xf32, #tpu.memory_space<hbm>> -> memref<1x640x64xf32, #tpu.memory_space<hbm>>
      %dma_start3A_44 = tpu.memref_squeeze %dma_start3A_43 : memref<1x640x64xf32, #tpu.memory_space<hbm>> -> memref<640x64xf32, #tpu.memory_space<hbm>>
      %dma_start3A_45 = arith.constant 0 : i32
      %dma_start3A_46 = arith.constant 0 : i32
      %dma_start3A_47 = tpu.memref_slice %arg4[%add3A, %dma_start3A_45, %dma_start3A_46] : memref<32x640x64xf32, #tpu.memory_space<hbm>> -> memref<1x640x64xf32, #tpu.memory_space<hbm>>
      %dma_start3A_48 = tpu.memref_squeeze %dma_start3A_47 : memref<1x640x64xf32, #tpu.memory_space<hbm>> -> memref<640x64xf32, #tpu.memory_space<hbm>>
      tpu.enqueue_dma source(%arg9 : memref<640x64xf32, #tpu.memory_space<vmem>>) target(%dma_start3A_48 : memref<640x64xf32, #tpu.memory_space<hbm>>) target_semaphore(%run_scoped3A : memref<!tpu.dma_semaphore, #tpu.memory_space<semaphore_mem>>)
      %dma_wait3A_49 = arith.constant 0 : i32
      %dma_wait3A_50 = arith.constant 0 : i32
      %dma_wait3A_51 = tpu.memref_slice %arg4[%add3A, %dma_wait3A_49, %dma_wait3A_50] : memref<32x640x64xf32, #tpu.memory_space<hbm>> -> memref<1x640x64xf32, #tpu.memory_space<hbm>>
      %dma_wait3A_52 = tpu.memref_squeeze %dma_wait3A_51 : memref<1x640x64xf32, #tpu.memory_space<hbm>> -> memref<640x64xf32, #tpu.memory_space<hbm>>
      %dma_wait3A_53 = arith.constant 0 : i32
      %dma_wait3A_54 = arith.constant 0 : i32
      %dma_wait3A_55 = tpu.memref_slice %arg4[%add3A, %dma_wait3A_53, %dma_wait3A_54] : memref<32x640x64xf32, #tpu.memory_space<hbm>> -> memref<1x640x64xf32, #tpu.memory_space<hbm>>
      %dma_wait3A_56 = tpu.memref_squeeze %dma_wait3A_55 : memref<1x640x64xf32, #tpu.memory_space<hbm>> -> memref<640x64xf32, #tpu.memory_space<hbm>>
      tpu.wait_dma2 semaphore(%run_scoped3A : memref<!tpu.dma_semaphore, #tpu.memory_space<semaphore_mem>>) src(%arg9 : memref<640x64xf32, #tpu.memory_space<vmem>>) dst(%dma_wait3A_56 : memref<640x64xf32, #tpu.memory_space<hbm>>)
      tpu.yield
    }) : () -> ()
    return
  }
}

#map = affine_map<(d0, d1) -> (0, 0)>
#map1 = affine_map<(d0, d1) -> (0)>
module attributes {stable_mosaic.version = 14 : i64} {
  func.func @_gath_body(%arg0: i32, %arg1: i32, %arg2: memref<10240x16xf32, #tpu.memory_space<hbm>>, %arg3: memref<160000xi32, #tpu.memory_space<hbm>>, %arg4: memref<160000x16xf32, #tpu.memory_space<hbm>>, %arg5: memref<5000xi32, #tpu.memory_space<vmem>>, %arg6: memref<5000x16xf32, #tpu.memory_space<vmem>>, %arg7: memref<!tpu.dma_semaphore, #tpu.memory_space<semaphore_mem>>) attributes {dimension_semantics = [#tpu.dimension_semantics<core_parallel>, #tpu.dimension_semantics<subcore_parallel>], iteration_bounds = array<i64: 2, 16>, scalar_prefetch = 0 : i64, scratch_operands = 3 : i64, tpu.core_type = #tpu.core_type<sc_vector_subcore>, window_params = [{transform_indices = #map}, {transform_indices = #map1}, {transform_indices = #map}]} {
    %mul3A = arith.constant 16 : i32
    %mul3A_0 = arith.muli %arg0, %mul3A : i32
    %add3A = arith.addi %mul3A_0, %arg1 : i32
    %mul3A_1 = arith.constant 5000 : i32
    %mul3A_2 = arith.muli %add3A, %mul3A_1 : i32
    "tpu.region"() ({
      %run_scoped3A = tpu.sem_alloc : memref<!tpu.dma_semaphore, #tpu.memory_space<semaphore_mem>>
      %dma_start3A_7 = tpu.memref_slice %arg3[%mul3A_2] : memref<160000xi32, #tpu.memory_space<hbm>> -> memref<5000xi32, #tpu.memory_space<hbm>>
      %dma_start3A_8 = tpu.memref_slice %arg3[%mul3A_2] : memref<160000xi32, #tpu.memory_space<hbm>> -> memref<5000xi32, #tpu.memory_space<hbm>>
      tpu.enqueue_dma source(%dma_start3A_8 : memref<5000xi32, #tpu.memory_space<hbm>>) target(%arg5 : memref<5000xi32, #tpu.memory_space<vmem>>) target_semaphore(%run_scoped3A : memref<!tpu.dma_semaphore, #tpu.memory_space<semaphore_mem>>)
      %dma_wait3A_9 = tpu.memref_slice %arg3[%mul3A_2] : memref<160000xi32, #tpu.memory_space<hbm>> -> memref<5000xi32, #tpu.memory_space<hbm>>
      %dma_wait3A_10 = tpu.memref_slice %arg3[%mul3A_2] : memref<160000xi32, #tpu.memory_space<hbm>> -> memref<5000xi32, #tpu.memory_space<hbm>>
      tpu.wait_dma2 semaphore(%run_scoped3A : memref<!tpu.dma_semaphore, #tpu.memory_space<semaphore_mem>>) src(%dma_wait3A_10 : memref<5000xi32, #tpu.memory_space<hbm>>) dst(%arg5 : memref<5000xi32, #tpu.memory_space<vmem>>)
      tpu.yield
    }) : () -> ()
    %dma_start3A = arith.constant 0 : i32
    %dma_start3A_3 = arith.constant 0 : i32
    %dma_start3A_4 = tpu.memref_slice %arg2[%dma_start3A, %dma_start3A_3] : memref<10240x16xf32, #tpu.memory_space<hbm>> -> memref<10240x16xf32, #tpu.memory_space<hbm>>
    tpu.enqueue_indirect_dma source(%dma_start3A_4 : memref<10240x16xf32, #tpu.memory_space<hbm>>) target(%arg6 : memref<5000x16xf32, #tpu.memory_space<vmem>>) offsets(%arg5 : memref<5000xi32, #tpu.memory_space<vmem>>) semaphore(%arg7 : memref<!tpu.dma_semaphore, #tpu.memory_space<semaphore_mem>>)
    %dma_wait3A = arith.constant 0 : i32
    %dma_wait3A_5 = arith.constant 0 : i32
    %dma_wait3A_6 = tpu.memref_slice %arg2[%dma_wait3A, %dma_wait3A_5] : memref<10240x16xf32, #tpu.memory_space<hbm>> -> memref<10240x16xf32, #tpu.memory_space<hbm>>
    tpu.wait_indirect_dma semaphore(%arg7 : memref<!tpu.dma_semaphore, #tpu.memory_space<semaphore_mem>>) src(%dma_wait3A_6 : memref<10240x16xf32, #tpu.memory_space<hbm>>) dst(%arg6 : memref<5000x16xf32, #tpu.memory_space<vmem>>)
    "tpu.region"() ({
      %run_scoped3A = tpu.sem_alloc : memref<!tpu.dma_semaphore, #tpu.memory_space<semaphore_mem>>
      %dma_start3A_7 = arith.constant 0 : i32
      %dma_start3A_8 = tpu.memref_slice %arg4[%mul3A_2, %dma_start3A_7] : memref<160000x16xf32, #tpu.memory_space<hbm>> -> memref<5000x16xf32, #tpu.memory_space<hbm>>
      %dma_start3A_9 = arith.constant 0 : i32
      %dma_start3A_10 = tpu.memref_slice %arg4[%mul3A_2, %dma_start3A_9] : memref<160000x16xf32, #tpu.memory_space<hbm>> -> memref<5000x16xf32, #tpu.memory_space<hbm>>
      tpu.enqueue_dma source(%arg6 : memref<5000x16xf32, #tpu.memory_space<vmem>>) target(%dma_start3A_10 : memref<5000x16xf32, #tpu.memory_space<hbm>>) target_semaphore(%run_scoped3A : memref<!tpu.dma_semaphore, #tpu.memory_space<semaphore_mem>>)
      %dma_wait3A_11 = arith.constant 0 : i32
      %dma_wait3A_12 = tpu.memref_slice %arg4[%mul3A_2, %dma_wait3A_11] : memref<160000x16xf32, #tpu.memory_space<hbm>> -> memref<5000x16xf32, #tpu.memory_space<hbm>>
      %dma_wait3A_13 = arith.constant 0 : i32
      %dma_wait3A_14 = tpu.memref_slice %arg4[%mul3A_2, %dma_wait3A_13] : memref<160000x16xf32, #tpu.memory_space<hbm>> -> memref<5000x16xf32, #tpu.memory_space<hbm>>
      tpu.wait_dma2 semaphore(%run_scoped3A : memref<!tpu.dma_semaphore, #tpu.memory_space<semaphore_mem>>) src(%arg6 : memref<5000x16xf32, #tpu.memory_space<vmem>>) dst(%dma_wait3A_14 : memref<5000x16xf32, #tpu.memory_space<hbm>>)
      tpu.yield
    }) : () -> ()
    return
  }
}

#map = affine_map<(d0, d1) -> (0, 0)>
#map1 = affine_map<(d0, d1) -> (0)>
module attributes {stable_mosaic.version = 14 : i64} {
  func.func @_gath_body(%arg0: i32, %arg1: i32, %arg2: memref<10240x16xf32, #tpu.memory_space<hbm>>, %arg3: memref<160000xi32, #tpu.memory_space<hbm>>, %arg4: memref<160000x16xf32, #tpu.memory_space<hbm>>, %arg5: memref<5000xi32, #tpu.memory_space<vmem>>, %arg6: memref<5000x16xf32, #tpu.memory_space<vmem>>, %arg7: memref<!tpu.dma_semaphore, #tpu.memory_space<semaphore_mem>>) attributes {dimension_semantics = [#tpu.dimension_semantics<core_parallel>, #tpu.dimension_semantics<subcore_parallel>], iteration_bounds = array<i64: 2, 16>, scalar_prefetch = 0 : i64, scratch_operands = 3 : i64, tpu.core_type = #tpu.core_type<sc_vector_subcore>, window_params = [{transform_indices = #map}, {transform_indices = #map1}, {transform_indices = #map}]} {
    %mul3A = arith.constant 16 : i32
    %mul3A_0 = arith.muli %arg0, %mul3A : i32
    %add3A = arith.addi %mul3A_0, %arg1 : i32
    %mul3A_1 = arith.constant 5000 : i32
    %mul3A_2 = arith.muli %add3A, %mul3A_1 : i32
    "tpu.region"() ({
      %run_scoped3A = tpu.sem_alloc : memref<!tpu.dma_semaphore, #tpu.memory_space<semaphore_mem>>
      %dma_start3A_7 = tpu.memref_slice %arg3[%mul3A_2] : memref<160000xi32, #tpu.memory_space<hbm>> -> memref<5000xi32, #tpu.memory_space<hbm>>
      %dma_start3A_8 = tpu.memref_slice %arg3[%mul3A_2] : memref<160000xi32, #tpu.memory_space<hbm>> -> memref<5000xi32, #tpu.memory_space<hbm>>
      tpu.enqueue_dma source(%dma_start3A_8 : memref<5000xi32, #tpu.memory_space<hbm>>) target(%arg5 : memref<5000xi32, #tpu.memory_space<vmem>>) target_semaphore(%run_scoped3A : memref<!tpu.dma_semaphore, #tpu.memory_space<semaphore_mem>>)
      %dma_wait3A_9 = tpu.memref_slice %arg3[%mul3A_2] : memref<160000xi32, #tpu.memory_space<hbm>> -> memref<5000xi32, #tpu.memory_space<hbm>>
      %dma_wait3A_10 = tpu.memref_slice %arg3[%mul3A_2] : memref<160000xi32, #tpu.memory_space<hbm>> -> memref<5000xi32, #tpu.memory_space<hbm>>
      tpu.wait_dma2 semaphore(%run_scoped3A : memref<!tpu.dma_semaphore, #tpu.memory_space<semaphore_mem>>) src(%dma_wait3A_10 : memref<5000xi32, #tpu.memory_space<hbm>>) dst(%arg5 : memref<5000xi32, #tpu.memory_space<vmem>>)
      tpu.yield
    }) : () -> ()
    %dma_start3A = arith.constant 0 : i32
    %dma_start3A_3 = arith.constant 0 : i32
    %dma_start3A_4 = tpu.memref_slice %arg2[%dma_start3A, %dma_start3A_3] : memref<10240x16xf32, #tpu.memory_space<hbm>> -> memref<10240x16xf32, #tpu.memory_space<hbm>>
    tpu.enqueue_indirect_dma source(%dma_start3A_4 : memref<10240x16xf32, #tpu.memory_space<hbm>>) target(%arg6 : memref<5000x16xf32, #tpu.memory_space<vmem>>) offsets(%arg5 : memref<5000xi32, #tpu.memory_space<vmem>>) semaphore(%arg7 : memref<!tpu.dma_semaphore, #tpu.memory_space<semaphore_mem>>)
    %dma_wait3A = arith.constant 0 : i32
    %dma_wait3A_5 = arith.constant 0 : i32
    %dma_wait3A_6 = tpu.memref_slice %arg2[%dma_wait3A, %dma_wait3A_5] : memref<10240x16xf32, #tpu.memory_space<hbm>> -> memref<10240x16xf32, #tpu.memory_space<hbm>>
    tpu.wait_indirect_dma semaphore(%arg7 : memref<!tpu.dma_semaphore, #tpu.memory_space<semaphore_mem>>) src(%dma_wait3A_6 : memref<10240x16xf32, #tpu.memory_space<hbm>>) dst(%arg6 : memref<5000x16xf32, #tpu.memory_space<vmem>>)
    "tpu.region"() ({
      %run_scoped3A = tpu.sem_alloc : memref<!tpu.dma_semaphore, #tpu.memory_space<semaphore_mem>>
      %dma_start3A_7 = arith.constant 0 : i32
      %dma_start3A_8 = tpu.memref_slice %arg4[%mul3A_2, %dma_start3A_7] : memref<160000x16xf32, #tpu.memory_space<hbm>> -> memref<5000x16xf32, #tpu.memory_space<hbm>>
      %dma_start3A_9 = arith.constant 0 : i32
      %dma_start3A_10 = tpu.memref_slice %arg4[%mul3A_2, %dma_start3A_9] : memref<160000x16xf32, #tpu.memory_space<hbm>> -> memref<5000x16xf32, #tpu.memory_space<hbm>>
      tpu.enqueue_dma source(%arg6 : memref<5000x16xf32, #tpu.memory_space<vmem>>) target(%dma_start3A_10 : memref<5000x16xf32, #tpu.memory_space<hbm>>) target_semaphore(%run_scoped3A : memref<!tpu.dma_semaphore, #tpu.memory_space<semaphore_mem>>)
      %dma_wait3A_11 = arith.constant 0 : i32
      %dma_wait3A_12 = tpu.memref_slice %arg4[%mul3A_2, %dma_wait3A_11] : memref<160000x16xf32, #tpu.memory_space<hbm>> -> memref<5000x16xf32, #tpu.memory_space<hbm>>
      %dma_wait3A_13 = arith.constant 0 : i32
      %dma_wait3A_14 = tpu.memref_slice %arg4[%mul3A_2, %dma_wait3A_13] : memref<160000x16xf32, #tpu.memory_space<hbm>> -> memref<5000x16xf32, #tpu.memory_space<hbm>>
      tpu.wait_dma2 semaphore(%run_scoped3A : memref<!tpu.dma_semaphore, #tpu.memory_space<semaphore_mem>>) src(%arg6 : memref<5000x16xf32, #tpu.memory_space<vmem>>) dst(%dma_wait3A_14 : memref<5000x16xf32, #tpu.memory_space<hbm>>)
      tpu.yield
    }) : () -> ()
    return
  }
}

#map = affine_map<(d0, d1) -> (0)>
#map1 = affine_map<(d0, d1) -> (0, 0)>
#map2 = affine_map<(d0, d1) -> (0, 0, 0)>
module attributes {stable_mosaic.version = 14 : i64} {
  func.func @_scat_body(%arg0: i32, %arg1: i32, %arg2: memref<160000xi32, #tpu.memory_space<hbm>>, %arg3: memref<80000x64xf32, #tpu.memory_space<hbm>>, %arg4: memref<32x640x64xf32, #tpu.memory_space<hbm>>, %arg5: memref<128xi32, #tpu.memory_space<vmem>>, %arg6: memref<128xi32, #tpu.memory_space<vmem>>, %arg7: memref<128x64xf32, #tpu.memory_space<vmem>>, %arg8: memref<128x64xf32, #tpu.memory_space<vmem>>, %arg9: memref<640x64xf32, #tpu.memory_space<vmem>>, %arg10: memref<10240x64xf32, #tpu.memory_space<vmem_shared>>, %arg11: memref<!tpu.dma_semaphore, #tpu.memory_space<semaphore_mem>>, %arg12: memref<!tpu.dma_semaphore, #tpu.memory_space<semaphore_mem>>) attributes {dimension_semantics = [#tpu.dimension_semantics<core_parallel>, #tpu.dimension_semantics<subcore_parallel>], iteration_bounds = array<i64: 2, 16>, scalar_prefetch = 0 : i64, scratch_operands = 8 : i64, tpu.core_type = #tpu.core_type<sc_vector_subcore>, window_params = [{transform_indices = #map}, {transform_indices = #map1}, {transform_indices = #map2}]} {
    %mul3A = arith.constant 16 : i32
    %mul3A_0 = arith.muli %arg0, %mul3A : i32
    %add3A = arith.addi %mul3A_0, %arg1 : i32
    %scan3A = arith.constant 0 : i32
    %scan3A_1 = arith.constant 0 : i32
    %scan3A_2 = arith.constant 640 : i32
    %scan3A_3 = arith.addi %scan3A_1, %scan3A_2 : i32
    %scan3A_4 = arith.constant 1 : i32
    %scan3A_5 = scf.for %scan3A_41 = %scan3A_1 to %scan3A_3 step %scan3A_4 iter_args(%scan3A_42 = %scan3A) -> (i32)  : i32 {
      %broadcast_in_dim3A = arith.constant 0.000000e+00 : f32
      %broadcast_in_dim3A_43 = vector.broadcast %broadcast_in_dim3A : f32 to vector<16xf32>
      %swap3A = arith.index_cast %scan3A_41 : i32 to index
      %swap3A_44 = arith.constant 0 : index
      %swap3A_45 = tpu.vector_load %arg9[%swap3A, %swap3A_44] {strides = array<i32>} : memref<640x64xf32, #tpu.memory_space<vmem>>, vector<1x16xf32>,
      %swap3A_46 = vector.shape_cast %swap3A_45 : vector<1x16xf32> to vector<16xf32>
      %swap3A_47 = vector.shape_cast %broadcast_in_dim3A_43 : vector<16xf32> to vector<1x16xf32>
      tpu.vector_store %arg9[%swap3A, %swap3A_44], %swap3A_47 {strides = array<i32>} : memref<640x64xf32, #tpu.memory_space<vmem>>, vector<1x16xf32>,
      %broadcast_in_dim3A_48 = arith.constant 0.000000e+00 : f32
      %broadcast_in_dim3A_49 = vector.broadcast %broadcast_in_dim3A_48 : f32 to vector<16xf32>
      %swap3A_50 = arith.index_cast %scan3A_41 : i32 to index
      %swap3A_51 = arith.constant 16 : index
      %swap3A_52 = tpu.vector_load %arg9[%swap3A_50, %swap3A_51] {strides = array<i32>} : memref<640x64xf32, #tpu.memory_space<vmem>>, vector<1x16xf32>,
      %swap3A_53 = vector.shape_cast %swap3A_52 : vector<1x16xf32> to vector<16xf32>
      %swap3A_54 = vector.shape_cast %broadcast_in_dim3A_49 : vector<16xf32> to vector<1x16xf32>
      tpu.vector_store %arg9[%swap3A_50, %swap3A_51], %swap3A_54 {strides = array<i32>} : memref<640x64xf32, #tpu.memory_space<vmem>>, vector<1x16xf32>,
      %broadcast_in_dim3A_55 = arith.constant 0.000000e+00 : f32
      %broadcast_in_dim3A_56 = vector.broadcast %broadcast_in_dim3A_55 : f32 to vector<16xf32>
      %swap3A_57 = arith.index_cast %scan3A_41 : i32 to index
      %swap3A_58 = arith.constant 32 : index
      %swap3A_59 = tpu.vector_load %arg9[%swap3A_57, %swap3A_58] {strides = array<i32>} : memref<640x64xf32, #tpu.memory_space<vmem>>, vector<1x16xf32>,
      %swap3A_60 = vector.shape_cast %swap3A_59 : vector<1x16xf32> to vector<16xf32>
      %swap3A_61 = vector.shape_cast %broadcast_in_dim3A_56 : vector<16xf32> to vector<1x16xf32>
      tpu.vector_store %arg9[%swap3A_57, %swap3A_58], %swap3A_61 {strides = array<i32>} : memref<640x64xf32, #tpu.memory_space<vmem>>, vector<1x16xf32>,
      %broadcast_in_dim3A_62 = arith.constant 0.000000e+00 : f32
      %broadcast_in_dim3A_63 = vector.broadcast %broadcast_in_dim3A_62 : f32 to vector<16xf32>
      %swap3A_64 = arith.index_cast %scan3A_41 : i32 to index
      %swap3A_65 = arith.constant 48 : index
      %swap3A_66 = tpu.vector_load %arg9[%swap3A_64, %swap3A_65] {strides = array<i32>} : memref<640x64xf32, #tpu.memory_space<vmem>>, vector<1x16xf32>,
      %swap3A_67 = vector.shape_cast %swap3A_66 : vector<1x16xf32> to vector<16xf32>
      %swap3A_68 = vector.shape_cast %broadcast_in_dim3A_63 : vector<16xf32> to vector<1x16xf32>
      tpu.vector_store %arg9[%swap3A_64, %swap3A_65], %swap3A_68 {strides = array<i32>} : memref<640x64xf32, #tpu.memory_space<vmem>>, vector<1x16xf32>,
      %scan3A_69 = arith.constant 0 : i32
      scf.yield %scan3A_69 : i32
    }
    %scan3A_6 = arith.constant 640 : i32
    %mul3A_7 = arith.constant 640 : i32
    %mul3A_8 = arith.muli %arg1, %mul3A_7 : i32
    "tpu.region"() ({
      %run_scoped3A = tpu.sem_alloc : memref<!tpu.dma_semaphore, #tpu.memory_space<semaphore_mem>>
      %dma_start3A_41 = arith.constant 0 : i32
      %dma_start3A_42 = tpu.memref_slice %arg10[%mul3A_8, %dma_start3A_41] : memref<10240x64xf32, #tpu.memory_space<vmem_shared>> -> memref<640x64xf32, #tpu.memory_space<vmem_shared>>
      %dma_start3A_43 = arith.constant 0 : i32
      %dma_start3A_44 = tpu.memref_slice %arg10[%mul3A_8, %dma_start3A_43] : memref<10240x64xf32, #tpu.memory_space<vmem_shared>> -> memref<640x64xf32, #tpu.memory_space<vmem_shared>>
      tpu.enqueue_dma source(%arg9 : memref<640x64xf32, #tpu.memory_space<vmem>>) target(%dma_start3A_44 : memref<640x64xf32, #tpu.memory_space<vmem_shared>>) target_semaphore(%run_scoped3A : memref<!tpu.dma_semaphore, #tpu.memory_space<semaphore_mem>>)
      %dma_wait3A_45 = arith.constant 0 : i32
      %dma_wait3A_46 = tpu.memref_slice %arg10[%mul3A_8, %dma_wait3A_45] : memref<10240x64xf32, #tpu.memory_space<vmem_shared>> -> memref<640x64xf32, #tpu.memory_space<vmem_shared>>
      %dma_wait3A_47 = arith.constant 0 : i32
      %dma_wait3A_48 = tpu.memref_slice %arg10[%mul3A_8, %dma_wait3A_47] : memref<10240x64xf32, #tpu.memory_space<vmem_shared>> -> memref<640x64xf32, #tpu.memory_space<vmem_shared>>
      tpu.wait_dma2 semaphore(%run_scoped3A : memref<!tpu.dma_semaphore, #tpu.memory_space<semaphore_mem>>) src(%arg9 : memref<640x64xf32, #tpu.memory_space<vmem>>) dst(%dma_wait3A_48 : memref<640x64xf32, #tpu.memory_space<vmem_shared>>)
      tpu.yield
    }) : () -> ()
    %barrier3A = arith.constant 0 : index
    tpu.barrier barrier_id(%barrier3A)
    %mul3A_9 = arith.constant 2432 : i32
    %mul3A_10 = arith.muli %add3A, %mul3A_9 : i32
    %add3A_11 = arith.constant 0 : i32
    %add3A_12 = arith.addi %mul3A_10, %add3A_11 : i32
    %add3A_13 = arith.constant 80000 : i32
    %add3A_14 = arith.addi %add3A_13, %add3A_12 : i32
    %dma_start3A = tpu.memref_slice %arg2[%add3A_14] : memref<160000xi32, #tpu.memory_space<hbm>> -> memref<128xi32, #tpu.memory_space<hbm>>
    %dma_start3A_15 = tpu.memref_slice %arg2[%add3A_14] : memref<160000xi32, #tpu.memory_space<hbm>> -> memref<128xi32, #tpu.memory_space<hbm>>
    tpu.enqueue_dma source(%dma_start3A_15 : memref<128xi32, #tpu.memory_space<hbm>>) target(%arg5 : memref<128xi32, #tpu.memory_space<vmem>>) target_semaphore(%arg11 : memref<!tpu.dma_semaphore, #tpu.memory_space<semaphore_mem>>)
    %dma_start3A_16 = arith.constant 0 : i32
    %dma_start3A_17 = tpu.memref_slice %arg3[%add3A_12, %dma_start3A_16] : memref<80000x64xf32, #tpu.memory_space<hbm>> -> memref<128x64xf32, #tpu.memory_space<hbm>>
    %dma_start3A_18 = arith.constant 0 : i32
    %dma_start3A_19 = tpu.memref_slice %arg3[%add3A_12, %dma_start3A_18] : memref<80000x64xf32, #tpu.memory_space<hbm>> -> memref<128x64xf32, #tpu.memory_space<hbm>>
    tpu.enqueue_dma source(%dma_start3A_19 : memref<128x64xf32, #tpu.memory_space<hbm>>) target(%arg7 : memref<128x64xf32, #tpu.memory_space<vmem>>) target_semaphore(%arg11 : memref<!tpu.dma_semaphore, #tpu.memory_space<semaphore_mem>>)
    %scan3A_20 = arith.constant 0 : i32
    %scan3A_21 = arith.constant 0 : i32
    %scan3A_22 = arith.constant 9 : i32
    %scan3A_23 = arith.addi %scan3A_21, %scan3A_22 : i32
    %scan3A_24 = arith.constant 1 : i32
    %scan3A_25 = scf.for %scan3A_41 = %scan3A_21 to %scan3A_23 step %scan3A_24 iter_args(%scan3A_42 = %scan3A_20) -> (i32)  : i32 {
      %mul3A_43 = arith.constant 2 : i32
      %mul3A_44 = arith.muli %mul3A_43, %scan3A_41 : i32
      %add3A_45 = arith.constant 1 : i32
      %add3A_46 = arith.addi %mul3A_44, %add3A_45 : i32
      %mul3A_47 = arith.constant 128 : i32
      %mul3A_48 = arith.muli %add3A_46, %mul3A_47 : i32
      %add3A_49 = arith.addi %mul3A_10, %mul3A_48 : i32
      %add3A_50 = arith.constant 80000 : i32
      %add3A_51 = arith.addi %add3A_50, %add3A_49 : i32
      %dma_start3A_52 = tpu.memref_slice %arg2[%add3A_51] : memref<160000xi32, #tpu.memory_space<hbm>> -> memref<128xi32, #tpu.memory_space<hbm>>
      %dma_start3A_53 = tpu.memref_slice %arg2[%add3A_51] : memref<160000xi32, #tpu.memory_space<hbm>> -> memref<128xi32, #tpu.memory_space<hbm>>
      tpu.enqueue_dma source(%dma_start3A_53 : memref<128xi32, #tpu.memory_space<hbm>>) target(%arg6 : memref<128xi32, #tpu.memory_space<vmem>>) target_semaphore(%arg12 : memref<!tpu.dma_semaphore, #tpu.memory_space<semaphore_mem>>)
      %dma_start3A_54 = arith.constant 0 : i32
      %dma_start3A_55 = tpu.memref_slice %arg3[%add3A_49, %dma_start3A_54] : memref<80000x64xf32, #tpu.memory_space<hbm>> -> memref<128x64xf32, #tpu.memory_space<hbm>>
      %dma_start3A_56 = arith.constant 0 : i32
      %dma_start3A_57 = tpu.memref_slice %arg3[%add3A_49, %dma_start3A_56] : memref<80000x64xf32, #tpu.memory_space<hbm>> -> memref<128x64xf32, #tpu.memory_space<hbm>>
      tpu.enqueue_dma source(%dma_start3A_57 : memref<128x64xf32, #tpu.memory_space<hbm>>) target(%arg8 : memref<128x64xf32, #tpu.memory_space<vmem>>) target_semaphore(%arg12 : memref<!tpu.dma_semaphore, #tpu.memory_space<semaphore_mem>>)
      %mul3A_58 = arith.constant 128 : i32
      %mul3A_59 = arith.muli %mul3A_44, %mul3A_58 : i32
      %add3A_60 = arith.addi %mul3A_10, %mul3A_59 : i32
      %add3A_61 = arith.constant 80000 : i32
      %add3A_62 = arith.addi %add3A_61, %add3A_60 : i32
      %dma_wait3A_63 = tpu.memref_slice %arg2[%add3A_62] : memref<160000xi32, #tpu.memory_space<hbm>> -> memref<128xi32, #tpu.memory_space<hbm>>
      %dma_wait3A_64 = tpu.memref_slice %arg2[%add3A_62] : memref<160000xi32, #tpu.memory_space<hbm>> -> memref<128xi32, #tpu.memory_space<hbm>>
      tpu.wait_dma2 semaphore(%arg11 : memref<!tpu.dma_semaphore, #tpu.memory_space<semaphore_mem>>) src(%dma_wait3A_64 : memref<128xi32, #tpu.memory_space<hbm>>) dst(%arg5 : memref<128xi32, #tpu.memory_space<vmem>>)
      %dma_wait3A_65 = arith.constant 0 : i32
      %dma_wait3A_66 = tpu.memref_slice %arg3[%add3A_60, %dma_wait3A_65] : memref<80000x64xf32, #tpu.memory_space<hbm>> -> memref<128x64xf32, #tpu.memory_space<hbm>>
      %dma_wait3A_67 = arith.constant 0 : i32
      %dma_wait3A_68 = tpu.memref_slice %arg3[%add3A_60, %dma_wait3A_67] : memref<80000x64xf32, #tpu.memory_space<hbm>> -> memref<128x64xf32, #tpu.memory_space<hbm>>
      tpu.wait_dma2 semaphore(%arg11 : memref<!tpu.dma_semaphore, #tpu.memory_space<semaphore_mem>>) src(%dma_wait3A_68 : memref<128x64xf32, #tpu.memory_space<hbm>>) dst(%arg7 : memref<128x64xf32, #tpu.memory_space<vmem>>)
      "tpu.region"() ({
        %run_scoped3A = tpu.sem_alloc : memref<!tpu.dma_semaphore, #tpu.memory_space<semaphore_mem>>
        %dma_start3A_96 = arith.constant 0 : i32
        %dma_start3A_97 = arith.constant 0 : i32
        %dma_start3A_98 = tpu.memref_slice %arg10[%dma_start3A_96, %dma_start3A_97] : memref<10240x64xf32, #tpu.memory_space<vmem_shared>> -> memref<10240x64xf32, #tpu.memory_space<vmem_shared>>
        tpu.enqueue_indirect_dma source(%arg7 : memref<128x64xf32, #tpu.memory_space<vmem>>) target(%dma_start3A_98 : memref<10240x64xf32, #tpu.memory_space<vmem_shared>>) offsets(%arg5 : memref<128xi32, #tpu.memory_space<vmem>>) semaphore(%run_scoped3A : memref<!tpu.dma_semaphore, #tpu.memory_space<semaphore_mem>>) {add = true}
        %dma_wait3A_99 = arith.constant 0 : i32
        %dma_wait3A_100 = arith.constant 0 : i32
        %dma_wait3A_101 = tpu.memref_slice %arg10[%dma_wait3A_99, %dma_wait3A_100] : memref<10240x64xf32, #tpu.memory_space<vmem_shared>> -> memref<10240x64xf32, #tpu.memory_space<vmem_shared>>
        tpu.wait_indirect_dma semaphore(%run_scoped3A : memref<!tpu.dma_semaphore, #tpu.memory_space<semaphore_mem>>) src(%arg7 : memref<128x64xf32, #tpu.memory_space<vmem>>) dst(%dma_wait3A_101 : memref<10240x64xf32, #tpu.memory_space<vmem_shared>>)
        tpu.yield
      }) : () -> ()
      %add3A_69 = arith.constant 2 : i32
      %add3A_70 = arith.addi %mul3A_44, %add3A_69 : i32
      %mul3A_71 = arith.constant 128 : i32
      %mul3A_72 = arith.muli %add3A_70, %mul3A_71 : i32
      %add3A_73 = arith.addi %mul3A_10, %mul3A_72 : i32
      %add3A_74 = arith.constant 80000 : i32
      %add3A_75 = arith.addi %add3A_74, %add3A_73 : i32
      %dma_start3A_76 = tpu.memref_slice %arg2[%add3A_75] : memref<160000xi32, #tpu.memory_space<hbm>> -> memref<128xi32, #tpu.memory_space<hbm>>
      %dma_start3A_77 = tpu.memref_slice %arg2[%add3A_75] : memref<160000xi32, #tpu.memory_space<hbm>> -> memref<128xi32, #tpu.memory_space<hbm>>
      tpu.enqueue_dma source(%dma_start3A_77 : memref<128xi32, #tpu.memory_space<hbm>>) target(%arg5 : memref<128xi32, #tpu.memory_space<vmem>>) target_semaphore(%arg11 : memref<!tpu.dma_semaphore, #tpu.memory_space<semaphore_mem>>)
      %dma_start3A_78 = arith.constant 0 : i32
      %dma_start3A_79 = tpu.memref_slice %arg3[%add3A_73, %dma_start3A_78] : memref<80000x64xf32, #tpu.memory_space<hbm>> -> memref<128x64xf32, #tpu.memory_space<hbm>>
      %dma_start3A_80 = arith.constant 0 : i32
      %dma_start3A_81 = tpu.memref_slice %arg3[%add3A_73, %dma_start3A_80] : memref<80000x64xf32, #tpu.memory_space<hbm>> -> memref<128x64xf32, #tpu.memory_space<hbm>>
      tpu.enqueue_dma source(%dma_start3A_81 : memref<128x64xf32, #tpu.memory_space<hbm>>) target(%arg7 : memref<128x64xf32, #tpu.memory_space<vmem>>) target_semaphore(%arg11 : memref<!tpu.dma_semaphore, #tpu.memory_space<semaphore_mem>>)
      %add3A_82 = arith.constant 1 : i32
      %add3A_83 = arith.addi %mul3A_44, %add3A_82 : i32
      %mul3A_84 = arith.constant 128 : i32
      %mul3A_85 = arith.muli %add3A_83, %mul3A_84 : i32
      %add3A_86 = arith.addi %mul3A_10, %mul3A_85 : i32
      %add3A_87 = arith.constant 80000 : i32
      %add3A_88 = arith.addi %add3A_87, %add3A_86 : i32
      %dma_wait3A_89 = tpu.memref_slice %arg2[%add3A_88] : memref<160000xi32, #tpu.memory_space<hbm>> -> memref<128xi32, #tpu.memory_space<hbm>>
      %dma_wait3A_90 = tpu.memref_slice %arg2[%add3A_88] : memref<160000xi32, #tpu.memory_space<hbm>> -> memref<128xi32, #tpu.memory_space<hbm>>
      tpu.wait_dma2 semaphore(%arg12 : memref<!tpu.dma_semaphore, #tpu.memory_space<semaphore_mem>>) src(%dma_wait3A_90 : memref<128xi32, #tpu.memory_space<hbm>>) dst(%arg6 : memref<128xi32, #tpu.memory_space<vmem>>)
      %dma_wait3A_91 = arith.constant 0 : i32
      %dma_wait3A_92 = tpu.memref_slice %arg3[%add3A_86, %dma_wait3A_91] : memref<80000x64xf32, #tpu.memory_space<hbm>> -> memref<128x64xf32, #tpu.memory_space<hbm>>
      %dma_wait3A_93 = arith.constant 0 : i32
      %dma_wait3A_94 = tpu.memref_slice %arg3[%add3A_86, %dma_wait3A_93] : memref<80000x64xf32, #tpu.memory_space<hbm>> -> memref<128x64xf32, #tpu.memory_space<hbm>>
      tpu.wait_dma2 semaphore(%arg12 : memref<!tpu.dma_semaphore, #tpu.memory_space<semaphore_mem>>) src(%dma_wait3A_94 : memref<128x64xf32, #tpu.memory_space<hbm>>) dst(%arg8 : memref<128x64xf32, #tpu.memory_space<vmem>>)
      "tpu.region"() ({
        %run_scoped3A = tpu.sem_alloc : memref<!tpu.dma_semaphore, #tpu.memory_space<semaphore_mem>>
        %dma_start3A_96 = arith.constant 0 : i32
        %dma_start3A_97 = arith.constant 0 : i32
        %dma_start3A_98 = tpu.memref_slice %arg10[%dma_start3A_96, %dma_start3A_97] : memref<10240x64xf32, #tpu.memory_space<vmem_shared>> -> memref<10240x64xf32, #tpu.memory_space<vmem_shared>>
        tpu.enqueue_indirect_dma source(%arg8 : memref<128x64xf32, #tpu.memory_space<vmem>>) target(%dma_start3A_98 : memref<10240x64xf32, #tpu.memory_space<vmem_shared>>) offsets(%arg6 : memref<128xi32, #tpu.memory_space<vmem>>) semaphore(%run_scoped3A : memref<!tpu.dma_semaphore, #tpu.memory_space<semaphore_mem>>) {add = true}
        %dma_wait3A_99 = arith.constant 0 : i32
        %dma_wait3A_100 = arith.constant 0 : i32
        %dma_wait3A_101 = tpu.memref_slice %arg10[%dma_wait3A_99, %dma_wait3A_100] : memref<10240x64xf32, #tpu.memory_space<vmem_shared>> -> memref<10240x64xf32, #tpu.memory_space<vmem_shared>>
        tpu.wait_indirect_dma semaphore(%run_scoped3A : memref<!tpu.dma_semaphore, #tpu.memory_space<semaphore_mem>>) src(%arg8 : memref<128x64xf32, #tpu.memory_space<vmem>>) dst(%dma_wait3A_101 : memref<10240x64xf32, #tpu.memory_space<vmem_shared>>)
        tpu.yield
      }) : () -> ()
      %scan3A_95 = arith.constant 0 : i32
      scf.yield %scan3A_95 : i32
    }
    %scan3A_26 = arith.constant 9 : i32
    %add3A_27 = arith.constant 2304 : i32
    %add3A_28 = arith.addi %mul3A_10, %add3A_27 : i32
    %add3A_29 = arith.constant 80000 : i32
    %add3A_30 = arith.addi %add3A_29, %add3A_28 : i32
    %dma_wait3A = tpu.memref_slice %arg2[%add3A_30] : memref<160000xi32, #tpu.memory_space<hbm>> -> memref<128xi32, #tpu.memory_space<hbm>>
    %dma_wait3A_31 = tpu.memref_slice %arg2[%add3A_30] : memref<160000xi32, #tpu.memory_space<hbm>> -> memref<128xi32, #tpu.memory_space<hbm>>
    tpu.wait_dma2 semaphore(%arg11 : memref<!tpu.dma_semaphore, #tpu.memory_space<semaphore_mem>>) src(%dma_wait3A_31 : memref<128xi32, #tpu.memory_space<hbm>>) dst(%arg5 : memref<128xi32, #tpu.memory_space<vmem>>)
    %dma_wait3A_32 = arith.constant 0 : i32
    %dma_wait3A_33 = tpu.memref_slice %arg3[%add3A_28, %dma_wait3A_32] : memref<80000x64xf32, #tpu.memory_space<hbm>> -> memref<128x64xf32, #tpu.memory_space<hbm>>
    %dma_wait3A_34 = arith.constant 0 : i32
    %dma_wait3A_35 = tpu.memref_slice %arg3[%add3A_28, %dma_wait3A_34] : memref<80000x64xf32, #tpu.memory_space<hbm>> -> memref<128x64xf32, #tpu.memory_space<hbm>>
    tpu.wait_dma2 semaphore(%arg11 : memref<!tpu.dma_semaphore, #tpu.memory_space<semaphore_mem>>) src(%dma_wait3A_35 : memref<128x64xf32, #tpu.memory_space<hbm>>) dst(%arg7 : memref<128x64xf32, #tpu.memory_space<vmem>>)
    "tpu.region"() ({
      %run_scoped3A = tpu.sem_alloc : memref<!tpu.dma_semaphore, #tpu.memory_space<semaphore_mem>>
      %dma_start3A_41 = arith.constant 0 : i32
      %dma_start3A_42 = arith.constant 0 : i32
      %dma_start3A_43 = tpu.memref_slice %arg10[%dma_start3A_41, %dma_start3A_42] : memref<10240x64xf32, #tpu.memory_space<vmem_shared>> -> memref<10240x64xf32, #tpu.memory_space<vmem_shared>>
      tpu.enqueue_indirect_dma source(%arg7 : memref<128x64xf32, #tpu.memory_space<vmem>>) target(%dma_start3A_43 : memref<10240x64xf32, #tpu.memory_space<vmem_shared>>) offsets(%arg5 : memref<128xi32, #tpu.memory_space<vmem>>) semaphore(%run_scoped3A : memref<!tpu.dma_semaphore, #tpu.memory_space<semaphore_mem>>) {add = true}
      %dma_wait3A_44 = arith.constant 0 : i32
      %dma_wait3A_45 = arith.constant 0 : i32
      %dma_wait3A_46 = tpu.memref_slice %arg10[%dma_wait3A_44, %dma_wait3A_45] : memref<10240x64xf32, #tpu.memory_space<vmem_shared>> -> memref<10240x64xf32, #tpu.memory_space<vmem_shared>>
      tpu.wait_indirect_dma semaphore(%run_scoped3A : memref<!tpu.dma_semaphore, #tpu.memory_space<semaphore_mem>>) src(%arg7 : memref<128x64xf32, #tpu.memory_space<vmem>>) dst(%dma_wait3A_46 : memref<10240x64xf32, #tpu.memory_space<vmem_shared>>)
      tpu.yield
    }) : () -> ()
    %lt3A = arith.constant 17 : i32
    %lt3A_36 = arith.cmpi slt, %add3A, %lt3A : i32
    %convert_element_type3A = arith.extui %lt3A_36 : i1 to i32
    %cond3A = arith.constant 0 : i32
    %cond3A_37 = arith.cmpi ne, %convert_element_type3A, %cond3A : i32
    scf.if %cond3A_37 {
      %mul3A_41 = arith.constant 128 : i32
      %mul3A_42 = arith.muli %add3A, %mul3A_41 : i32
      %add3A_43 = arith.constant 77824 : i32
      %add3A_44 = arith.addi %add3A_43, %mul3A_42 : i32
      %add3A_45 = arith.constant 80000 : i32
      %add3A_46 = arith.addi %add3A_45, %add3A_44 : i32
      "tpu.region"() ({
        %run_scoped3A = tpu.sem_alloc : memref<!tpu.dma_semaphore, #tpu.memory_space<semaphore_mem>>
        %dma_start3A_47 = tpu.memref_slice %arg2[%add3A_46] : memref<160000xi32, #tpu.memory_space<hbm>> -> memref<128xi32, #tpu.memory_space<hbm>>
        %dma_start3A_48 = tpu.memref_slice %arg2[%add3A_46] : memref<160000xi32, #tpu.memory_space<hbm>> -> memref<128xi32, #tpu.memory_space<hbm>>
        tpu.enqueue_dma source(%dma_start3A_48 : memref<128xi32, #tpu.memory_space<hbm>>) target(%arg5 : memref<128xi32, #tpu.memory_space<vmem>>) target_semaphore(%run_scoped3A : memref<!tpu.dma_semaphore, #tpu.memory_space<semaphore_mem>>)
        %dma_wait3A_49 = tpu.memref_slice %arg2[%add3A_46] : memref<160000xi32, #tpu.memory_space<hbm>> -> memref<128xi32, #tpu.memory_space<hbm>>
        %dma_wait3A_50 = tpu.memref_slice %arg2[%add3A_46] : memref<160000xi32, #tpu.memory_space<hbm>> -> memref<128xi32, #tpu.memory_space<hbm>>
        tpu.wait_dma2 semaphore(%run_scoped3A : memref<!tpu.dma_semaphore, #tpu.memory_space<semaphore_mem>>) src(%dma_wait3A_50 : memref<128xi32, #tpu.memory_space<hbm>>) dst(%arg5 : memref<128xi32, #tpu.memory_space<vmem>>)
        tpu.yield
      }) : () -> ()
      "tpu.region"() ({
        %run_scoped3A = tpu.sem_alloc : memref<!tpu.dma_semaphore, #tpu.memory_space<semaphore_mem>>
        %dma_start3A_47 = arith.constant 0 : i32
        %dma_start3A_48 = tpu.memref_slice %arg3[%add3A_44, %dma_start3A_47] : memref<80000x64xf32, #tpu.memory_space<hbm>> -> memref<128x64xf32, #tpu.memory_space<hbm>>
        %dma_start3A_49 = arith.constant 0 : i32
        %dma_start3A_50 = tpu.memref_slice %arg3[%add3A_44, %dma_start3A_49] : memref<80000x64xf32, #tpu.memory_space<hbm>> -> memref<128x64xf32, #tpu.memory_space<hbm>>
        tpu.enqueue_dma source(%dma_start3A_50 : memref<128x64xf32, #tpu.memory_space<hbm>>) target(%arg7 : memref<128x64xf32, #tpu.memory_space<vmem>>) target_semaphore(%run_scoped3A : memref<!tpu.dma_semaphore, #tpu.memory_space<semaphore_mem>>)
        %dma_wait3A_51 = arith.constant 0 : i32
        %dma_wait3A_52 = tpu.memref_slice %arg3[%add3A_44, %dma_wait3A_51] : memref<80000x64xf32, #tpu.memory_space<hbm>> -> memref<128x64xf32, #tpu.memory_space<hbm>>
        %dma_wait3A_53 = arith.constant 0 : i32
        %dma_wait3A_54 = tpu.memref_slice %arg3[%add3A_44, %dma_wait3A_53] : memref<80000x64xf32, #tpu.memory_space<hbm>> -> memref<128x64xf32, #tpu.memory_space<hbm>>
        tpu.wait_dma2 semaphore(%run_scoped3A : memref<!tpu.dma_semaphore, #tpu.memory_space<semaphore_mem>>) src(%dma_wait3A_54 : memref<128x64xf32, #tpu.memory_space<hbm>>) dst(%arg7 : memref<128x64xf32, #tpu.memory_space<vmem>>)
        tpu.yield
      }) : () -> ()
      "tpu.region"() ({
        %run_scoped3A = tpu.sem_alloc : memref<!tpu.dma_semaphore, #tpu.memory_space<semaphore_mem>>
        %dma_start3A_47 = arith.constant 0 : i32
        %dma_start3A_48 = arith.constant 0 : i32
        %dma_start3A_49 = tpu.memref_slice %arg10[%dma_start3A_47, %dma_start3A_48] : memref<10240x64xf32, #tpu.memory_space<vmem_shared>> -> memref<10240x64xf32, #tpu.memory_space<vmem_shared>>
        tpu.enqueue_indirect_dma source(%arg7 : memref<128x64xf32, #tpu.memory_space<vmem>>) target(%dma_start3A_49 : memref<10240x64xf32, #tpu.memory_space<vmem_shared>>) offsets(%arg5 : memref<128xi32, #tpu.memory_space<vmem>>) semaphore(%run_scoped3A : memref<!tpu.dma_semaphore, #tpu.memory_space<semaphore_mem>>) {add = true}
        %dma_wait3A_50 = arith.constant 0 : i32
        %dma_wait3A_51 = arith.constant 0 : i32
        %dma_wait3A_52 = tpu.memref_slice %arg10[%dma_wait3A_50, %dma_wait3A_51] : memref<10240x64xf32, #tpu.memory_space<vmem_shared>> -> memref<10240x64xf32, #tpu.memory_space<vmem_shared>>
        tpu.wait_indirect_dma semaphore(%run_scoped3A : memref<!tpu.dma_semaphore, #tpu.memory_space<semaphore_mem>>) src(%arg7 : memref<128x64xf32, #tpu.memory_space<vmem>>) dst(%dma_wait3A_52 : memref<10240x64xf32, #tpu.memory_space<vmem_shared>>)
        tpu.yield
      }) : () -> ()
    } else {
    }
    %barrier3A_38 = arith.constant 0 : index
    tpu.barrier barrier_id(%barrier3A_38)
    %mul3A_39 = arith.constant 640 : i32
    %mul3A_40 = arith.muli %arg1, %mul3A_39 : i32
    "tpu.region"() ({
      %run_scoped3A = tpu.sem_alloc : memref<!tpu.dma_semaphore, #tpu.memory_space<semaphore_mem>>
      %dma_start3A_41 = arith.constant 0 : i32
      %dma_start3A_42 = tpu.memref_slice %arg10[%mul3A_40, %dma_start3A_41] : memref<10240x64xf32, #tpu.memory_space<vmem_shared>> -> memref<640x64xf32, #tpu.memory_space<vmem_shared>>
      %dma_start3A_43 = arith.constant 0 : i32
      %dma_start3A_44 = tpu.memref_slice %arg10[%mul3A_40, %dma_start3A_43] : memref<10240x64xf32, #tpu.memory_space<vmem_shared>> -> memref<640x64xf32, #tpu.memory_space<vmem_shared>>
      tpu.enqueue_dma source(%dma_start3A_44 : memref<640x64xf32, #tpu.memory_space<vmem_shared>>) target(%arg9 : memref<640x64xf32, #tpu.memory_space<vmem>>) target_semaphore(%run_scoped3A : memref<!tpu.dma_semaphore, #tpu.memory_space<semaphore_mem>>)
      %dma_wait3A_45 = arith.constant 0 : i32
      %dma_wait3A_46 = tpu.memref_slice %arg10[%mul3A_40, %dma_wait3A_45] : memref<10240x64xf32, #tpu.memory_space<vmem_shared>> -> memref<640x64xf32, #tpu.memory_space<vmem_shared>>
      %dma_wait3A_47 = arith.constant 0 : i32
      %dma_wait3A_48 = tpu.memref_slice %arg10[%mul3A_40, %dma_wait3A_47] : memref<10240x64xf32, #tpu.memory_space<vmem_shared>> -> memref<640x64xf32, #tpu.memory_space<vmem_shared>>
      tpu.wait_dma2 semaphore(%run_scoped3A : memref<!tpu.dma_semaphore, #tpu.memory_space<semaphore_mem>>) src(%dma_wait3A_48 : memref<640x64xf32, #tpu.memory_space<vmem_shared>>) dst(%arg9 : memref<640x64xf32, #tpu.memory_space<vmem>>)
      tpu.yield
    }) : () -> ()
    "tpu.region"() ({
      %run_scoped3A = tpu.sem_alloc : memref<!tpu.dma_semaphore, #tpu.memory_space<semaphore_mem>>
      %dma_start3A_41 = arith.constant 0 : i32
      %dma_start3A_42 = arith.constant 0 : i32
      %dma_start3A_43 = tpu.memref_slice %arg4[%add3A, %dma_start3A_41, %dma_start3A_42] : memref<32x640x64xf32, #tpu.memory_space<hbm>> -> memref<1x640x64xf32, #tpu.memory_space<hbm>>
      %dma_start3A_44 = tpu.memref_squeeze %dma_start3A_43 : memref<1x640x64xf32, #tpu.memory_space<hbm>> -> memref<640x64xf32, #tpu.memory_space<hbm>>
      %dma_start3A_45 = arith.constant 0 : i32
      %dma_start3A_46 = arith.constant 0 : i32
      %dma_start3A_47 = tpu.memref_slice %arg4[%add3A, %dma_start3A_45, %dma_start3A_46] : memref<32x640x64xf32, #tpu.memory_space<hbm>> -> memref<1x640x64xf32, #tpu.memory_space<hbm>>
      %dma_start3A_48 = tpu.memref_squeeze %dma_start3A_47 : memref<1x640x64xf32, #tpu.memory_space<hbm>> -> memref<640x64xf32, #tpu.memory_space<hbm>>
      tpu.enqueue_dma source(%arg9 : memref<640x64xf32, #tpu.memory_space<vmem>>) target(%dma_start3A_48 : memref<640x64xf32, #tpu.memory_space<hbm>>) target_semaphore(%run_scoped3A : memref<!tpu.dma_semaphore, #tpu.memory_space<semaphore_mem>>)
      %dma_wait3A_49 = arith.constant 0 : i32
      %dma_wait3A_50 = arith.constant 0 : i32
      %dma_wait3A_51 = tpu.memref_slice %arg4[%add3A, %dma_wait3A_49, %dma_wait3A_50] : memref<32x640x64xf32, #tpu.memory_space<hbm>> -> memref<1x640x64xf32, #tpu.memory_space<hbm>>
      %dma_wait3A_52 = tpu.memref_squeeze %dma_wait3A_51 : memref<1x640x64xf32, #tpu.memory_space<hbm>> -> memref<640x64xf32, #tpu.memory_space<hbm>>
      %dma_wait3A_53 = arith.constant 0 : i32
      %dma_wait3A_54 = arith.constant 0 : i32
      %dma_wait3A_55 = tpu.memref_slice %arg4[%add3A, %dma_wait3A_53, %dma_wait3A_54] : memref<32x640x64xf32, #tpu.memory_space<hbm>> -> memref<1x640x64xf32, #tpu.memory_space<hbm>>
      %dma_wait3A_56 = tpu.memref_squeeze %dma_wait3A_55 : memref<1x640x64xf32, #tpu.memory_space<hbm>> -> memref<640x64xf32, #tpu.memory_space<hbm>>
      tpu.wait_dma2 semaphore(%run_scoped3A : memref<!tpu.dma_semaphore, #tpu.memory_space<semaphore_mem>>) src(%arg9 : memref<640x64xf32, #tpu.memory_space<vmem>>) dst(%dma_wait3A_56 : memref<640x64xf32, #tpu.memory_space<hbm>>)
      tpu.yield
    }) : () -> ()
    return
  }
}

#map = affine_map<(d0, d1) -> (0)>
#map1 = affine_map<(d0, d1) -> (0, 0)>
#map2 = affine_map<(d0, d1) -> (0, 0, 0)>
module attributes {stable_mosaic.version = 14 : i64} {
  func.func @_scat_body(%arg0: i32, %arg1: i32, %arg2: memref<160000xi32, #tpu.memory_space<hbm>>, %arg3: memref<80000x64xf32, #tpu.memory_space<hbm>>, %arg4: memref<32x640x64xf32, #tpu.memory_space<hbm>>, %arg5: memref<128xi32, #tpu.memory_space<vmem>>, %arg6: memref<128xi32, #tpu.memory_space<vmem>>, %arg7: memref<128x64xf32, #tpu.memory_space<vmem>>, %arg8: memref<128x64xf32, #tpu.memory_space<vmem>>, %arg9: memref<640x64xf32, #tpu.memory_space<vmem>>, %arg10: memref<10240x64xf32, #tpu.memory_space<vmem_shared>>, %arg11: memref<!tpu.dma_semaphore, #tpu.memory_space<semaphore_mem>>, %arg12: memref<!tpu.dma_semaphore, #tpu.memory_space<semaphore_mem>>) attributes {dimension_semantics = [#tpu.dimension_semantics<core_parallel>, #tpu.dimension_semantics<subcore_parallel>], iteration_bounds = array<i64: 2, 16>, scalar_prefetch = 0 : i64, scratch_operands = 8 : i64, tpu.core_type = #tpu.core_type<sc_vector_subcore>, window_params = [{transform_indices = #map}, {transform_indices = #map1}, {transform_indices = #map2}]} {
    %mul3A = arith.constant 16 : i32
    %mul3A_0 = arith.muli %arg0, %mul3A : i32
    %add3A = arith.addi %mul3A_0, %arg1 : i32
    %scan3A = arith.constant 0 : i32
    %scan3A_1 = arith.constant 0 : i32
    %scan3A_2 = arith.constant 640 : i32
    %scan3A_3 = arith.addi %scan3A_1, %scan3A_2 : i32
    %scan3A_4 = arith.constant 1 : i32
    %scan3A_5 = scf.for %scan3A_41 = %scan3A_1 to %scan3A_3 step %scan3A_4 iter_args(%scan3A_42 = %scan3A) -> (i32)  : i32 {
      %broadcast_in_dim3A = arith.constant 0.000000e+00 : f32
      %broadcast_in_dim3A_43 = vector.broadcast %broadcast_in_dim3A : f32 to vector<16xf32>
      %swap3A = arith.index_cast %scan3A_41 : i32 to index
      %swap3A_44 = arith.constant 0 : index
      %swap3A_45 = tpu.vector_load %arg9[%swap3A, %swap3A_44] {strides = array<i32>} : memref<640x64xf32, #tpu.memory_space<vmem>>, vector<1x16xf32>,
      %swap3A_46 = vector.shape_cast %swap3A_45 : vector<1x16xf32> to vector<16xf32>
      %swap3A_47 = vector.shape_cast %broadcast_in_dim3A_43 : vector<16xf32> to vector<1x16xf32>
      tpu.vector_store %arg9[%swap3A, %swap3A_44], %swap3A_47 {strides = array<i32>} : memref<640x64xf32, #tpu.memory_space<vmem>>, vector<1x16xf32>,
      %broadcast_in_dim3A_48 = arith.constant 0.000000e+00 : f32
      %broadcast_in_dim3A_49 = vector.broadcast %broadcast_in_dim3A_48 : f32 to vector<16xf32>
      %swap3A_50 = arith.index_cast %scan3A_41 : i32 to index
      %swap3A_51 = arith.constant 16 : index
      %swap3A_52 = tpu.vector_load %arg9[%swap3A_50, %swap3A_51] {strides = array<i32>} : memref<640x64xf32, #tpu.memory_space<vmem>>, vector<1x16xf32>,
      %swap3A_53 = vector.shape_cast %swap3A_52 : vector<1x16xf32> to vector<16xf32>
      %swap3A_54 = vector.shape_cast %broadcast_in_dim3A_49 : vector<16xf32> to vector<1x16xf32>
      tpu.vector_store %arg9[%swap3A_50, %swap3A_51], %swap3A_54 {strides = array<i32>} : memref<640x64xf32, #tpu.memory_space<vmem>>, vector<1x16xf32>,
      %broadcast_in_dim3A_55 = arith.constant 0.000000e+00 : f32
      %broadcast_in_dim3A_56 = vector.broadcast %broadcast_in_dim3A_55 : f32 to vector<16xf32>
      %swap3A_57 = arith.index_cast %scan3A_41 : i32 to index
      %swap3A_58 = arith.constant 32 : index
      %swap3A_59 = tpu.vector_load %arg9[%swap3A_57, %swap3A_58] {strides = array<i32>} : memref<640x64xf32, #tpu.memory_space<vmem>>, vector<1x16xf32>,
      %swap3A_60 = vector.shape_cast %swap3A_59 : vector<1x16xf32> to vector<16xf32>
      %swap3A_61 = vector.shape_cast %broadcast_in_dim3A_56 : vector<16xf32> to vector<1x16xf32>
      tpu.vector_store %arg9[%swap3A_57, %swap3A_58], %swap3A_61 {strides = array<i32>} : memref<640x64xf32, #tpu.memory_space<vmem>>, vector<1x16xf32>,
      %broadcast_in_dim3A_62 = arith.constant 0.000000e+00 : f32
      %broadcast_in_dim3A_63 = vector.broadcast %broadcast_in_dim3A_62 : f32 to vector<16xf32>
      %swap3A_64 = arith.index_cast %scan3A_41 : i32 to index
      %swap3A_65 = arith.constant 48 : index
      %swap3A_66 = tpu.vector_load %arg9[%swap3A_64, %swap3A_65] {strides = array<i32>} : memref<640x64xf32, #tpu.memory_space<vmem>>, vector<1x16xf32>,
      %swap3A_67 = vector.shape_cast %swap3A_66 : vector<1x16xf32> to vector<16xf32>
      %swap3A_68 = vector.shape_cast %broadcast_in_dim3A_63 : vector<16xf32> to vector<1x16xf32>
      tpu.vector_store %arg9[%swap3A_64, %swap3A_65], %swap3A_68 {strides = array<i32>} : memref<640x64xf32, #tpu.memory_space<vmem>>, vector<1x16xf32>,
      %scan3A_69 = arith.constant 0 : i32
      scf.yield %scan3A_69 : i32
    }
    %scan3A_6 = arith.constant 640 : i32
    %mul3A_7 = arith.constant 640 : i32
    %mul3A_8 = arith.muli %arg1, %mul3A_7 : i32
    "tpu.region"() ({
      %run_scoped3A = tpu.sem_alloc : memref<!tpu.dma_semaphore, #tpu.memory_space<semaphore_mem>>
      %dma_start3A_41 = arith.constant 0 : i32
      %dma_start3A_42 = tpu.memref_slice %arg10[%mul3A_8, %dma_start3A_41] : memref<10240x64xf32, #tpu.memory_space<vmem_shared>> -> memref<640x64xf32, #tpu.memory_space<vmem_shared>>
      %dma_start3A_43 = arith.constant 0 : i32
      %dma_start3A_44 = tpu.memref_slice %arg10[%mul3A_8, %dma_start3A_43] : memref<10240x64xf32, #tpu.memory_space<vmem_shared>> -> memref<640x64xf32, #tpu.memory_space<vmem_shared>>
      tpu.enqueue_dma source(%arg9 : memref<640x64xf32, #tpu.memory_space<vmem>>) target(%dma_start3A_44 : memref<640x64xf32, #tpu.memory_space<vmem_shared>>) target_semaphore(%run_scoped3A : memref<!tpu.dma_semaphore, #tpu.memory_space<semaphore_mem>>)
      %dma_wait3A_45 = arith.constant 0 : i32
      %dma_wait3A_46 = tpu.memref_slice %arg10[%mul3A_8, %dma_wait3A_45] : memref<10240x64xf32, #tpu.memory_space<vmem_shared>> -> memref<640x64xf32, #tpu.memory_space<vmem_shared>>
      %dma_wait3A_47 = arith.constant 0 : i32
      %dma_wait3A_48 = tpu.memref_slice %arg10[%mul3A_8, %dma_wait3A_47] : memref<10240x64xf32, #tpu.memory_space<vmem_shared>> -> memref<640x64xf32, #tpu.memory_space<vmem_shared>>
      tpu.wait_dma2 semaphore(%run_scoped3A : memref<!tpu.dma_semaphore, #tpu.memory_space<semaphore_mem>>) src(%arg9 : memref<640x64xf32, #tpu.memory_space<vmem>>) dst(%dma_wait3A_48 : memref<640x64xf32, #tpu.memory_space<vmem_shared>>)
      tpu.yield
    }) : () -> ()
    %barrier3A = arith.constant 0 : index
    tpu.barrier barrier_id(%barrier3A)
    %mul3A_9 = arith.constant 2432 : i32
    %mul3A_10 = arith.muli %add3A, %mul3A_9 : i32
    %add3A_11 = arith.constant 0 : i32
    %add3A_12 = arith.addi %mul3A_10, %add3A_11 : i32
    %add3A_13 = arith.constant 0 : i32
    %add3A_14 = arith.addi %add3A_13, %add3A_12 : i32
    %dma_start3A = tpu.memref_slice %arg2[%add3A_14] : memref<160000xi32, #tpu.memory_space<hbm>> -> memref<128xi32, #tpu.memory_space<hbm>>
    %dma_start3A_15 = tpu.memref_slice %arg2[%add3A_14] : memref<160000xi32, #tpu.memory_space<hbm>> -> memref<128xi32, #tpu.memory_space<hbm>>
    tpu.enqueue_dma source(%dma_start3A_15 : memref<128xi32, #tpu.memory_space<hbm>>) target(%arg5 : memref<128xi32, #tpu.memory_space<vmem>>) target_semaphore(%arg11 : memref<!tpu.dma_semaphore, #tpu.memory_space<semaphore_mem>>)
    %dma_start3A_16 = arith.constant 0 : i32
    %dma_start3A_17 = tpu.memref_slice %arg3[%add3A_12, %dma_start3A_16] : memref<80000x64xf32, #tpu.memory_space<hbm>> -> memref<128x64xf32, #tpu.memory_space<hbm>>
    %dma_start3A_18 = arith.constant 0 : i32
    %dma_start3A_19 = tpu.memref_slice %arg3[%add3A_12, %dma_start3A_18] : memref<80000x64xf32, #tpu.memory_space<hbm>> -> memref<128x64xf32, #tpu.memory_space<hbm>>
    tpu.enqueue_dma source(%dma_start3A_19 : memref<128x64xf32, #tpu.memory_space<hbm>>) target(%arg7 : memref<128x64xf32, #tpu.memory_space<vmem>>) target_semaphore(%arg11 : memref<!tpu.dma_semaphore, #tpu.memory_space<semaphore_mem>>)
    %scan3A_20 = arith.constant 0 : i32
    %scan3A_21 = arith.constant 0 : i32
    %scan3A_22 = arith.constant 9 : i32
    %scan3A_23 = arith.addi %scan3A_21, %scan3A_22 : i32
    %scan3A_24 = arith.constant 1 : i32
    %scan3A_25 = scf.for %scan3A_41 = %scan3A_21 to %scan3A_23 step %scan3A_24 iter_args(%scan3A_42 = %scan3A_20) -> (i32)  : i32 {
      %mul3A_43 = arith.constant 2 : i32
      %mul3A_44 = arith.muli %mul3A_43, %scan3A_41 : i32
      %add3A_45 = arith.constant 1 : i32
      %add3A_46 = arith.addi %mul3A_44, %add3A_45 : i32
      %mul3A_47 = arith.constant 128 : i32
      %mul3A_48 = arith.muli %add3A_46, %mul3A_47 : i32
      %add3A_49 = arith.addi %mul3A_10, %mul3A_48 : i32
      %add3A_50 = arith.constant 0 : i32
      %add3A_51 = arith.addi %add3A_50, %add3A_49 : i32
      %dma_start3A_52 = tpu.memref_slice %arg2[%add3A_51] : memref<160000xi32, #tpu.memory_space<hbm>> -> memref<128xi32, #tpu.memory_space<hbm>>
      %dma_start3A_53 = tpu.memref_slice %arg2[%add3A_51] : memref<160000xi32, #tpu.memory_space<hbm>> -> memref<128xi32, #tpu.memory_space<hbm>>
      tpu.enqueue_dma source(%dma_start3A_53 : memref<128xi32, #tpu.memory_space<hbm>>) target(%arg6 : memref<128xi32, #tpu.memory_space<vmem>>) target_semaphore(%arg12 : memref<!tpu.dma_semaphore, #tpu.memory_space<semaphore_mem>>)
      %dma_start3A_54 = arith.constant 0 : i32
      %dma_start3A_55 = tpu.memref_slice %arg3[%add3A_49, %dma_start3A_54] : memref<80000x64xf32, #tpu.memory_space<hbm>> -> memref<128x64xf32, #tpu.memory_space<hbm>>
      %dma_start3A_56 = arith.constant 0 : i32
      %dma_start3A_57 = tpu.memref_slice %arg3[%add3A_49, %dma_start3A_56] : memref<80000x64xf32, #tpu.memory_space<hbm>> -> memref<128x64xf32, #tpu.memory_space<hbm>>
      tpu.enqueue_dma source(%dma_start3A_57 : memref<128x64xf32, #tpu.memory_space<hbm>>) target(%arg8 : memref<128x64xf32, #tpu.memory_space<vmem>>) target_semaphore(%arg12 : memref<!tpu.dma_semaphore, #tpu.memory_space<semaphore_mem>>)
      %mul3A_58 = arith.constant 128 : i32
      %mul3A_59 = arith.muli %mul3A_44, %mul3A_58 : i32
      %add3A_60 = arith.addi %mul3A_10, %mul3A_59 : i32
      %add3A_61 = arith.constant 0 : i32
      %add3A_62 = arith.addi %add3A_61, %add3A_60 : i32
      %dma_wait3A_63 = tpu.memref_slice %arg2[%add3A_62] : memref<160000xi32, #tpu.memory_space<hbm>> -> memref<128xi32, #tpu.memory_space<hbm>>
      %dma_wait3A_64 = tpu.memref_slice %arg2[%add3A_62] : memref<160000xi32, #tpu.memory_space<hbm>> -> memref<128xi32, #tpu.memory_space<hbm>>
      tpu.wait_dma2 semaphore(%arg11 : memref<!tpu.dma_semaphore, #tpu.memory_space<semaphore_mem>>) src(%dma_wait3A_64 : memref<128xi32, #tpu.memory_space<hbm>>) dst(%arg5 : memref<128xi32, #tpu.memory_space<vmem>>)
      %dma_wait3A_65 = arith.constant 0 : i32
      %dma_wait3A_66 = tpu.memref_slice %arg3[%add3A_60, %dma_wait3A_65] : memref<80000x64xf32, #tpu.memory_space<hbm>> -> memref<128x64xf32, #tpu.memory_space<hbm>>
      %dma_wait3A_67 = arith.constant 0 : i32
      %dma_wait3A_68 = tpu.memref_slice %arg3[%add3A_60, %dma_wait3A_67] : memref<80000x64xf32, #tpu.memory_space<hbm>> -> memref<128x64xf32, #tpu.memory_space<hbm>>
      tpu.wait_dma2 semaphore(%arg11 : memref<!tpu.dma_semaphore, #tpu.memory_space<semaphore_mem>>) src(%dma_wait3A_68 : memref<128x64xf32, #tpu.memory_space<hbm>>) dst(%arg7 : memref<128x64xf32, #tpu.memory_space<vmem>>)
      "tpu.region"() ({
        %run_scoped3A = tpu.sem_alloc : memref<!tpu.dma_semaphore, #tpu.memory_space<semaphore_mem>>
        %dma_start3A_96 = arith.constant 0 : i32
        %dma_start3A_97 = arith.constant 0 : i32
        %dma_start3A_98 = tpu.memref_slice %arg10[%dma_start3A_96, %dma_start3A_97] : memref<10240x64xf32, #tpu.memory_space<vmem_shared>> -> memref<10240x64xf32, #tpu.memory_space<vmem_shared>>
        tpu.enqueue_indirect_dma source(%arg7 : memref<128x64xf32, #tpu.memory_space<vmem>>) target(%dma_start3A_98 : memref<10240x64xf32, #tpu.memory_space<vmem_shared>>) offsets(%arg5 : memref<128xi32, #tpu.memory_space<vmem>>) semaphore(%run_scoped3A : memref<!tpu.dma_semaphore, #tpu.memory_space<semaphore_mem>>) {add = true}
        %dma_wait3A_99 = arith.constant 0 : i32
        %dma_wait3A_100 = arith.constant 0 : i32
        %dma_wait3A_101 = tpu.memref_slice %arg10[%dma_wait3A_99, %dma_wait3A_100] : memref<10240x64xf32, #tpu.memory_space<vmem_shared>> -> memref<10240x64xf32, #tpu.memory_space<vmem_shared>>
        tpu.wait_indirect_dma semaphore(%run_scoped3A : memref<!tpu.dma_semaphore, #tpu.memory_space<semaphore_mem>>) src(%arg7 : memref<128x64xf32, #tpu.memory_space<vmem>>) dst(%dma_wait3A_101 : memref<10240x64xf32, #tpu.memory_space<vmem_shared>>)
        tpu.yield
      }) : () -> ()
      %add3A_69 = arith.constant 2 : i32
      %add3A_70 = arith.addi %mul3A_44, %add3A_69 : i32
      %mul3A_71 = arith.constant 128 : i32
      %mul3A_72 = arith.muli %add3A_70, %mul3A_71 : i32
      %add3A_73 = arith.addi %mul3A_10, %mul3A_72 : i32
      %add3A_74 = arith.constant 0 : i32
      %add3A_75 = arith.addi %add3A_74, %add3A_73 : i32
      %dma_start3A_76 = tpu.memref_slice %arg2[%add3A_75] : memref<160000xi32, #tpu.memory_space<hbm>> -> memref<128xi32, #tpu.memory_space<hbm>>
      %dma_start3A_77 = tpu.memref_slice %arg2[%add3A_75] : memref<160000xi32, #tpu.memory_space<hbm>> -> memref<128xi32, #tpu.memory_space<hbm>>
      tpu.enqueue_dma source(%dma_start3A_77 : memref<128xi32, #tpu.memory_space<hbm>>) target(%arg5 : memref<128xi32, #tpu.memory_space<vmem>>) target_semaphore(%arg11 : memref<!tpu.dma_semaphore, #tpu.memory_space<semaphore_mem>>)
      %dma_start3A_78 = arith.constant 0 : i32
      %dma_start3A_79 = tpu.memref_slice %arg3[%add3A_73, %dma_start3A_78] : memref<80000x64xf32, #tpu.memory_space<hbm>> -> memref<128x64xf32, #tpu.memory_space<hbm>>
      %dma_start3A_80 = arith.constant 0 : i32
      %dma_start3A_81 = tpu.memref_slice %arg3[%add3A_73, %dma_start3A_80] : memref<80000x64xf32, #tpu.memory_space<hbm>> -> memref<128x64xf32, #tpu.memory_space<hbm>>
      tpu.enqueue_dma source(%dma_start3A_81 : memref<128x64xf32, #tpu.memory_space<hbm>>) target(%arg7 : memref<128x64xf32, #tpu.memory_space<vmem>>) target_semaphore(%arg11 : memref<!tpu.dma_semaphore, #tpu.memory_space<semaphore_mem>>)
      %add3A_82 = arith.constant 1 : i32
      %add3A_83 = arith.addi %mul3A_44, %add3A_82 : i32
      %mul3A_84 = arith.constant 128 : i32
      %mul3A_85 = arith.muli %add3A_83, %mul3A_84 : i32
      %add3A_86 = arith.addi %mul3A_10, %mul3A_85 : i32
      %add3A_87 = arith.constant 0 : i32
      %add3A_88 = arith.addi %add3A_87, %add3A_86 : i32
      %dma_wait3A_89 = tpu.memref_slice %arg2[%add3A_88] : memref<160000xi32, #tpu.memory_space<hbm>> -> memref<128xi32, #tpu.memory_space<hbm>>
      %dma_wait3A_90 = tpu.memref_slice %arg2[%add3A_88] : memref<160000xi32, #tpu.memory_space<hbm>> -> memref<128xi32, #tpu.memory_space<hbm>>
      tpu.wait_dma2 semaphore(%arg12 : memref<!tpu.dma_semaphore, #tpu.memory_space<semaphore_mem>>) src(%dma_wait3A_90 : memref<128xi32, #tpu.memory_space<hbm>>) dst(%arg6 : memref<128xi32, #tpu.memory_space<vmem>>)
      %dma_wait3A_91 = arith.constant 0 : i32
      %dma_wait3A_92 = tpu.memref_slice %arg3[%add3A_86, %dma_wait3A_91] : memref<80000x64xf32, #tpu.memory_space<hbm>> -> memref<128x64xf32, #tpu.memory_space<hbm>>
      %dma_wait3A_93 = arith.constant 0 : i32
      %dma_wait3A_94 = tpu.memref_slice %arg3[%add3A_86, %dma_wait3A_93] : memref<80000x64xf32, #tpu.memory_space<hbm>> -> memref<128x64xf32, #tpu.memory_space<hbm>>
      tpu.wait_dma2 semaphore(%arg12 : memref<!tpu.dma_semaphore, #tpu.memory_space<semaphore_mem>>) src(%dma_wait3A_94 : memref<128x64xf32, #tpu.memory_space<hbm>>) dst(%arg8 : memref<128x64xf32, #tpu.memory_space<vmem>>)
      "tpu.region"() ({
        %run_scoped3A = tpu.sem_alloc : memref<!tpu.dma_semaphore, #tpu.memory_space<semaphore_mem>>
        %dma_start3A_96 = arith.constant 0 : i32
        %dma_start3A_97 = arith.constant 0 : i32
        %dma_start3A_98 = tpu.memref_slice %arg10[%dma_start3A_96, %dma_start3A_97] : memref<10240x64xf32, #tpu.memory_space<vmem_shared>> -> memref<10240x64xf32, #tpu.memory_space<vmem_shared>>
        tpu.enqueue_indirect_dma source(%arg8 : memref<128x64xf32, #tpu.memory_space<vmem>>) target(%dma_start3A_98 : memref<10240x64xf32, #tpu.memory_space<vmem_shared>>) offsets(%arg6 : memref<128xi32, #tpu.memory_space<vmem>>) semaphore(%run_scoped3A : memref<!tpu.dma_semaphore, #tpu.memory_space<semaphore_mem>>) {add = true}
        %dma_wait3A_99 = arith.constant 0 : i32
        %dma_wait3A_100 = arith.constant 0 : i32
        %dma_wait3A_101 = tpu.memref_slice %arg10[%dma_wait3A_99, %dma_wait3A_100] : memref<10240x64xf32, #tpu.memory_space<vmem_shared>> -> memref<10240x64xf32, #tpu.memory_space<vmem_shared>>
        tpu.wait_indirect_dma semaphore(%run_scoped3A : memref<!tpu.dma_semaphore, #tpu.memory_space<semaphore_mem>>) src(%arg8 : memref<128x64xf32, #tpu.memory_space<vmem>>) dst(%dma_wait3A_101 : memref<10240x64xf32, #tpu.memory_space<vmem_shared>>)
        tpu.yield
      }) : () -> ()
      %scan3A_95 = arith.constant 0 : i32
      scf.yield %scan3A_95 : i32
    }
    %scan3A_26 = arith.constant 9 : i32
    %add3A_27 = arith.constant 2304 : i32
    %add3A_28 = arith.addi %mul3A_10, %add3A_27 : i32
    %add3A_29 = arith.constant 0 : i32
    %add3A_30 = arith.addi %add3A_29, %add3A_28 : i32
    %dma_wait3A = tpu.memref_slice %arg2[%add3A_30] : memref<160000xi32, #tpu.memory_space<hbm>> -> memref<128xi32, #tpu.memory_space<hbm>>
    %dma_wait3A_31 = tpu.memref_slice %arg2[%add3A_30] : memref<160000xi32, #tpu.memory_space<hbm>> -> memref<128xi32, #tpu.memory_space<hbm>>
    tpu.wait_dma2 semaphore(%arg11 : memref<!tpu.dma_semaphore, #tpu.memory_space<semaphore_mem>>) src(%dma_wait3A_31 : memref<128xi32, #tpu.memory_space<hbm>>) dst(%arg5 : memref<128xi32, #tpu.memory_space<vmem>>)
    %dma_wait3A_32 = arith.constant 0 : i32
    %dma_wait3A_33 = tpu.memref_slice %arg3[%add3A_28, %dma_wait3A_32] : memref<80000x64xf32, #tpu.memory_space<hbm>> -> memref<128x64xf32, #tpu.memory_space<hbm>>
    %dma_wait3A_34 = arith.constant 0 : i32
    %dma_wait3A_35 = tpu.memref_slice %arg3[%add3A_28, %dma_wait3A_34] : memref<80000x64xf32, #tpu.memory_space<hbm>> -> memref<128x64xf32, #tpu.memory_space<hbm>>
    tpu.wait_dma2 semaphore(%arg11 : memref<!tpu.dma_semaphore, #tpu.memory_space<semaphore_mem>>) src(%dma_wait3A_35 : memref<128x64xf32, #tpu.memory_space<hbm>>) dst(%arg7 : memref<128x64xf32, #tpu.memory_space<vmem>>)
    "tpu.region"() ({
      %run_scoped3A = tpu.sem_alloc : memref<!tpu.dma_semaphore, #tpu.memory_space<semaphore_mem>>
      %dma_start3A_41 = arith.constant 0 : i32
      %dma_start3A_42 = arith.constant 0 : i32
      %dma_start3A_43 = tpu.memref_slice %arg10[%dma_start3A_41, %dma_start3A_42] : memref<10240x64xf32, #tpu.memory_space<vmem_shared>> -> memref<10240x64xf32, #tpu.memory_space<vmem_shared>>
      tpu.enqueue_indirect_dma source(%arg7 : memref<128x64xf32, #tpu.memory_space<vmem>>) target(%dma_start3A_43 : memref<10240x64xf32, #tpu.memory_space<vmem_shared>>) offsets(%arg5 : memref<128xi32, #tpu.memory_space<vmem>>) semaphore(%run_scoped3A : memref<!tpu.dma_semaphore, #tpu.memory_space<semaphore_mem>>) {add = true}
      %dma_wait3A_44 = arith.constant 0 : i32
      %dma_wait3A_45 = arith.constant 0 : i32
      %dma_wait3A_46 = tpu.memref_slice %arg10[%dma_wait3A_44, %dma_wait3A_45] : memref<10240x64xf32, #tpu.memory_space<vmem_shared>> -> memref<10240x64xf32, #tpu.memory_space<vmem_shared>>
      tpu.wait_indirect_dma semaphore(%run_scoped3A : memref<!tpu.dma_semaphore, #tpu.memory_space<semaphore_mem>>) src(%arg7 : memref<128x64xf32, #tpu.memory_space<vmem>>) dst(%dma_wait3A_46 : memref<10240x64xf32, #tpu.memory_space<vmem_shared>>)
      tpu.yield
    }) : () -> ()
    %lt3A = arith.constant 17 : i32
    %lt3A_36 = arith.cmpi slt, %add3A, %lt3A : i32
    %convert_element_type3A = arith.extui %lt3A_36 : i1 to i32
    %cond3A = arith.constant 0 : i32
    %cond3A_37 = arith.cmpi ne, %convert_element_type3A, %cond3A : i32
    scf.if %cond3A_37 {
      %mul3A_41 = arith.constant 128 : i32
      %mul3A_42 = arith.muli %add3A, %mul3A_41 : i32
      %add3A_43 = arith.constant 77824 : i32
      %add3A_44 = arith.addi %add3A_43, %mul3A_42 : i32
      %add3A_45 = arith.constant 0 : i32
      %add3A_46 = arith.addi %add3A_45, %add3A_44 : i32
      "tpu.region"() ({
        %run_scoped3A = tpu.sem_alloc : memref<!tpu.dma_semaphore, #tpu.memory_space<semaphore_mem>>
        %dma_start3A_47 = tpu.memref_slice %arg2[%add3A_46] : memref<160000xi32, #tpu.memory_space<hbm>> -> memref<128xi32, #tpu.memory_space<hbm>>
        %dma_start3A_48 = tpu.memref_slice %arg2[%add3A_46] : memref<160000xi32, #tpu.memory_space<hbm>> -> memref<128xi32, #tpu.memory_space<hbm>>
        tpu.enqueue_dma source(%dma_start3A_48 : memref<128xi32, #tpu.memory_space<hbm>>) target(%arg5 : memref<128xi32, #tpu.memory_space<vmem>>) target_semaphore(%run_scoped3A : memref<!tpu.dma_semaphore, #tpu.memory_space<semaphore_mem>>)
        %dma_wait3A_49 = tpu.memref_slice %arg2[%add3A_46] : memref<160000xi32, #tpu.memory_space<hbm>> -> memref<128xi32, #tpu.memory_space<hbm>>
        %dma_wait3A_50 = tpu.memref_slice %arg2[%add3A_46] : memref<160000xi32, #tpu.memory_space<hbm>> -> memref<128xi32, #tpu.memory_space<hbm>>
        tpu.wait_dma2 semaphore(%run_scoped3A : memref<!tpu.dma_semaphore, #tpu.memory_space<semaphore_mem>>) src(%dma_wait3A_50 : memref<128xi32, #tpu.memory_space<hbm>>) dst(%arg5 : memref<128xi32, #tpu.memory_space<vmem>>)
        tpu.yield
      }) : () -> ()
      "tpu.region"() ({
        %run_scoped3A = tpu.sem_alloc : memref<!tpu.dma_semaphore, #tpu.memory_space<semaphore_mem>>
        %dma_start3A_47 = arith.constant 0 : i32
        %dma_start3A_48 = tpu.memref_slice %arg3[%add3A_44, %dma_start3A_47] : memref<80000x64xf32, #tpu.memory_space<hbm>> -> memref<128x64xf32, #tpu.memory_space<hbm>>
        %dma_start3A_49 = arith.constant 0 : i32
        %dma_start3A_50 = tpu.memref_slice %arg3[%add3A_44, %dma_start3A_49] : memref<80000x64xf32, #tpu.memory_space<hbm>> -> memref<128x64xf32, #tpu.memory_space<hbm>>
        tpu.enqueue_dma source(%dma_start3A_50 : memref<128x64xf32, #tpu.memory_space<hbm>>) target(%arg7 : memref<128x64xf32, #tpu.memory_space<vmem>>) target_semaphore(%run_scoped3A : memref<!tpu.dma_semaphore, #tpu.memory_space<semaphore_mem>>)
        %dma_wait3A_51 = arith.constant 0 : i32
        %dma_wait3A_52 = tpu.memref_slice %arg3[%add3A_44, %dma_wait3A_51] : memref<80000x64xf32, #tpu.memory_space<hbm>> -> memref<128x64xf32, #tpu.memory_space<hbm>>
        %dma_wait3A_53 = arith.constant 0 : i32
        %dma_wait3A_54 = tpu.memref_slice %arg3[%add3A_44, %dma_wait3A_53] : memref<80000x64xf32, #tpu.memory_space<hbm>> -> memref<128x64xf32, #tpu.memory_space<hbm>>
        tpu.wait_dma2 semaphore(%run_scoped3A : memref<!tpu.dma_semaphore, #tpu.memory_space<semaphore_mem>>) src(%dma_wait3A_54 : memref<128x64xf32, #tpu.memory_space<hbm>>) dst(%arg7 : memref<128x64xf32, #tpu.memory_space<vmem>>)
        tpu.yield
      }) : () -> ()
      "tpu.region"() ({
        %run_scoped3A = tpu.sem_alloc : memref<!tpu.dma_semaphore, #tpu.memory_space<semaphore_mem>>
        %dma_start3A_47 = arith.constant 0 : i32
        %dma_start3A_48 = arith.constant 0 : i32
        %dma_start3A_49 = tpu.memref_slice %arg10[%dma_start3A_47, %dma_start3A_48] : memref<10240x64xf32, #tpu.memory_space<vmem_shared>> -> memref<10240x64xf32, #tpu.memory_space<vmem_shared>>
        tpu.enqueue_indirect_dma source(%arg7 : memref<128x64xf32, #tpu.memory_space<vmem>>) target(%dma_start3A_49 : memref<10240x64xf32, #tpu.memory_space<vmem_shared>>) offsets(%arg5 : memref<128xi32, #tpu.memory_space<vmem>>) semaphore(%run_scoped3A : memref<!tpu.dma_semaphore, #tpu.memory_space<semaphore_mem>>) {add = true}
        %dma_wait3A_50 = arith.constant 0 : i32
        %dma_wait3A_51 = arith.constant 0 : i32
        %dma_wait3A_52 = tpu.memref_slice %arg10[%dma_wait3A_50, %dma_wait3A_51] : memref<10240x64xf32, #tpu.memory_space<vmem_shared>> -> memref<10240x64xf32, #tpu.memory_space<vmem_shared>>
        tpu.wait_indirect_dma semaphore(%run_scoped3A : memref<!tpu.dma_semaphore, #tpu.memory_space<semaphore_mem>>) src(%arg7 : memref<128x64xf32, #tpu.memory_space<vmem>>) dst(%dma_wait3A_52 : memref<10240x64xf32, #tpu.memory_space<vmem_shared>>)
        tpu.yield
      }) : () -> ()
    } else {
    }
    %barrier3A_38 = arith.constant 0 : index
    tpu.barrier barrier_id(%barrier3A_38)
    %mul3A_39 = arith.constant 640 : i32
    %mul3A_40 = arith.muli %arg1, %mul3A_39 : i32
    "tpu.region"() ({
      %run_scoped3A = tpu.sem_alloc : memref<!tpu.dma_semaphore, #tpu.memory_space<semaphore_mem>>
      %dma_start3A_41 = arith.constant 0 : i32
      %dma_start3A_42 = tpu.memref_slice %arg10[%mul3A_40, %dma_start3A_41] : memref<10240x64xf32, #tpu.memory_space<vmem_shared>> -> memref<640x64xf32, #tpu.memory_space<vmem_shared>>
      %dma_start3A_43 = arith.constant 0 : i32
      %dma_start3A_44 = tpu.memref_slice %arg10[%mul3A_40, %dma_start3A_43] : memref<10240x64xf32, #tpu.memory_space<vmem_shared>> -> memref<640x64xf32, #tpu.memory_space<vmem_shared>>
      tpu.enqueue_dma source(%dma_start3A_44 : memref<640x64xf32, #tpu.memory_space<vmem_shared>>) target(%arg9 : memref<640x64xf32, #tpu.memory_space<vmem>>) target_semaphore(%run_scoped3A : memref<!tpu.dma_semaphore, #tpu.memory_space<semaphore_mem>>)
      %dma_wait3A_45 = arith.constant 0 : i32
      %dma_wait3A_46 = tpu.memref_slice %arg10[%mul3A_40, %dma_wait3A_45] : memref<10240x64xf32, #tpu.memory_space<vmem_shared>> -> memref<640x64xf32, #tpu.memory_space<vmem_shared>>
      %dma_wait3A_47 = arith.constant 0 : i32
      %dma_wait3A_48 = tpu.memref_slice %arg10[%mul3A_40, %dma_wait3A_47] : memref<10240x64xf32, #tpu.memory_space<vmem_shared>> -> memref<640x64xf32, #tpu.memory_space<vmem_shared>>
      tpu.wait_dma2 semaphore(%run_scoped3A : memref<!tpu.dma_semaphore, #tpu.memory_space<semaphore_mem>>) src(%dma_wait3A_48 : memref<640x64xf32, #tpu.memory_space<vmem_shared>>) dst(%arg9 : memref<640x64xf32, #tpu.memory_space<vmem>>)
      tpu.yield
    }) : () -> ()
    "tpu.region"() ({
      %run_scoped3A = tpu.sem_alloc : memref<!tpu.dma_semaphore, #tpu.memory_space<semaphore_mem>>
      %dma_start3A_41 = arith.constant 0 : i32
      %dma_start3A_42 = arith.constant 0 : i32
      %dma_start3A_43 = tpu.memref_slice %arg4[%add3A, %dma_start3A_41, %dma_start3A_42] : memref<32x640x64xf32, #tpu.memory_space<hbm>> -> memref<1x640x64xf32, #tpu.memory_space<hbm>>
      %dma_start3A_44 = tpu.memref_squeeze %dma_start3A_43 : memref<1x640x64xf32, #tpu.memory_space<hbm>> -> memref<640x64xf32, #tpu.memory_space<hbm>>
      %dma_start3A_45 = arith.constant 0 : i32
      %dma_start3A_46 = arith.constant 0 : i32
      %dma_start3A_47 = tpu.memref_slice %arg4[%add3A, %dma_start3A_45, %dma_start3A_46] : memref<32x640x64xf32, #tpu.memory_space<hbm>> -> memref<1x640x64xf32, #tpu.memory_space<hbm>>
      %dma_start3A_48 = tpu.memref_squeeze %dma_start3A_47 : memref<1x640x64xf32, #tpu.memory_space<hbm>> -> memref<640x64xf32, #tpu.memory_space<hbm>>
      tpu.enqueue_dma source(%arg9 : memref<640x64xf32, #tpu.memory_space<vmem>>) target(%dma_start3A_48 : memref<640x64xf32, #tpu.memory_space<hbm>>) target_semaphore(%run_scoped3A : memref<!tpu.dma_semaphore, #tpu.memory_space<semaphore_mem>>)
      %dma_wait3A_49 = arith.constant 0 : i32
      %dma_wait3A_50 = arith.constant 0 : i32
      %dma_wait3A_51 = tpu.memref_slice %arg4[%add3A, %dma_wait3A_49, %dma_wait3A_50] : memref<32x640x64xf32, #tpu.memory_space<hbm>> -> memref<1x640x64xf32, #tpu.memory_space<hbm>>
      %dma_wait3A_52 = tpu.memref_squeeze %dma_wait3A_51 : memref<1x640x64xf32, #tpu.memory_space<hbm>> -> memref<640x64xf32, #tpu.memory_space<hbm>>
      %dma_wait3A_53 = arith.constant 0 : i32
      %dma_wait3A_54 = arith.constant 0 : i32
      %dma_wait3A_55 = tpu.memref_slice %arg4[%add3A, %dma_wait3A_53, %dma_wait3A_54] : memref<32x640x64xf32, #tpu.memory_space<hbm>> -> memref<1x640x64xf32, #tpu.memory_space<hbm>>
      %dma_wait3A_56 = tpu.memref_squeeze %dma_wait3A_55 : memref<1x640x64xf32, #tpu.memory_space<hbm>> -> memref<640x64xf32, #tpu.memory_space<hbm>>
      tpu.wait_dma2 semaphore(%run_scoped3A : memref<!tpu.dma_semaphore, #tpu.memory_space<semaphore_mem>>) src(%arg9 : memref<640x64xf32, #tpu.memory_space<vmem>>) dst(%dma_wait3A_56 : memref<640x64xf32, #tpu.memory_space<hbm>>)
      tpu.yield
    }) : () -> ()
    return
  }
}

#map = affine_map<(d0, d1) -> (0, 0)>
#map1 = affine_map<(d0, d1) -> (0)>
module attributes {stable_mosaic.version = 14 : i64} {
  func.func @_gath_body(%arg0: i32, %arg1: i32, %arg2: memref<10240x16xf32, #tpu.memory_space<hbm>>, %arg3: memref<160000xi32, #tpu.memory_space<hbm>>, %arg4: memref<160000x16xf32, #tpu.memory_space<hbm>>, %arg5: memref<5000xi32, #tpu.memory_space<vmem>>, %arg6: memref<5000x16xf32, #tpu.memory_space<vmem>>, %arg7: memref<!tpu.dma_semaphore, #tpu.memory_space<semaphore_mem>>) attributes {dimension_semantics = [#tpu.dimension_semantics<core_parallel>, #tpu.dimension_semantics<subcore_parallel>], iteration_bounds = array<i64: 2, 16>, scalar_prefetch = 0 : i64, scratch_operands = 3 : i64, tpu.core_type = #tpu.core_type<sc_vector_subcore>, window_params = [{transform_indices = #map}, {transform_indices = #map1}, {transform_indices = #map}]} {
    %mul3A = arith.constant 16 : i32
    %mul3A_0 = arith.muli %arg0, %mul3A : i32
    %add3A = arith.addi %mul3A_0, %arg1 : i32
    %mul3A_1 = arith.constant 5000 : i32
    %mul3A_2 = arith.muli %add3A, %mul3A_1 : i32
    "tpu.region"() ({
      %run_scoped3A = tpu.sem_alloc : memref<!tpu.dma_semaphore, #tpu.memory_space<semaphore_mem>>
      %dma_start3A_7 = tpu.memref_slice %arg3[%mul3A_2] : memref<160000xi32, #tpu.memory_space<hbm>> -> memref<5000xi32, #tpu.memory_space<hbm>>
      %dma_start3A_8 = tpu.memref_slice %arg3[%mul3A_2] : memref<160000xi32, #tpu.memory_space<hbm>> -> memref<5000xi32, #tpu.memory_space<hbm>>
      tpu.enqueue_dma source(%dma_start3A_8 : memref<5000xi32, #tpu.memory_space<hbm>>) target(%arg5 : memref<5000xi32, #tpu.memory_space<vmem>>) target_semaphore(%run_scoped3A : memref<!tpu.dma_semaphore, #tpu.memory_space<semaphore_mem>>)
      %dma_wait3A_9 = tpu.memref_slice %arg3[%mul3A_2] : memref<160000xi32, #tpu.memory_space<hbm>> -> memref<5000xi32, #tpu.memory_space<hbm>>
      %dma_wait3A_10 = tpu.memref_slice %arg3[%mul3A_2] : memref<160000xi32, #tpu.memory_space<hbm>> -> memref<5000xi32, #tpu.memory_space<hbm>>
      tpu.wait_dma2 semaphore(%run_scoped3A : memref<!tpu.dma_semaphore, #tpu.memory_space<semaphore_mem>>) src(%dma_wait3A_10 : memref<5000xi32, #tpu.memory_space<hbm>>) dst(%arg5 : memref<5000xi32, #tpu.memory_space<vmem>>)
      tpu.yield
    }) : () -> ()
    %dma_start3A = arith.constant 0 : i32
    %dma_start3A_3 = arith.constant 0 : i32
    %dma_start3A_4 = tpu.memref_slice %arg2[%dma_start3A, %dma_start3A_3] : memref<10240x16xf32, #tpu.memory_space<hbm>> -> memref<10240x16xf32, #tpu.memory_space<hbm>>
    tpu.enqueue_indirect_dma source(%dma_start3A_4 : memref<10240x16xf32, #tpu.memory_space<hbm>>) target(%arg6 : memref<5000x16xf32, #tpu.memory_space<vmem>>) offsets(%arg5 : memref<5000xi32, #tpu.memory_space<vmem>>) semaphore(%arg7 : memref<!tpu.dma_semaphore, #tpu.memory_space<semaphore_mem>>)
    %dma_wait3A = arith.constant 0 : i32
    %dma_wait3A_5 = arith.constant 0 : i32
    %dma_wait3A_6 = tpu.memref_slice %arg2[%dma_wait3A, %dma_wait3A_5] : memref<10240x16xf32, #tpu.memory_space<hbm>> -> memref<10240x16xf32, #tpu.memory_space<hbm>>
    tpu.wait_indirect_dma semaphore(%arg7 : memref<!tpu.dma_semaphore, #tpu.memory_space<semaphore_mem>>) src(%dma_wait3A_6 : memref<10240x16xf32, #tpu.memory_space<hbm>>) dst(%arg6 : memref<5000x16xf32, #tpu.memory_space<vmem>>)
    "tpu.region"() ({
      %run_scoped3A = tpu.sem_alloc : memref<!tpu.dma_semaphore, #tpu.memory_space<semaphore_mem>>
      %dma_start3A_7 = arith.constant 0 : i32
      %dma_start3A_8 = tpu.memref_slice %arg4[%mul3A_2, %dma_start3A_7] : memref<160000x16xf32, #tpu.memory_space<hbm>> -> memref<5000x16xf32, #tpu.memory_space<hbm>>
      %dma_start3A_9 = arith.constant 0 : i32
      %dma_start3A_10 = tpu.memref_slice %arg4[%mul3A_2, %dma_start3A_9] : memref<160000x16xf32, #tpu.memory_space<hbm>> -> memref<5000x16xf32, #tpu.memory_space<hbm>>
      tpu.enqueue_dma source(%arg6 : memref<5000x16xf32, #tpu.memory_space<vmem>>) target(%dma_start3A_10 : memref<5000x16xf32, #tpu.memory_space<hbm>>) target_semaphore(%run_scoped3A : memref<!tpu.dma_semaphore, #tpu.memory_space<semaphore_mem>>)
      %dma_wait3A_11 = arith.constant 0 : i32
      %dma_wait3A_12 = tpu.memref_slice %arg4[%mul3A_2, %dma_wait3A_11] : memref<160000x16xf32, #tpu.memory_space<hbm>> -> memref<5000x16xf32, #tpu.memory_space<hbm>>
      %dma_wait3A_13 = arith.constant 0 : i32
      %dma_wait3A_14 = tpu.memref_slice %arg4[%mul3A_2, %dma_wait3A_13] : memref<160000x16xf32, #tpu.memory_space<hbm>> -> memref<5000x16xf32, #tpu.memory_space<hbm>>
      tpu.wait_dma2 semaphore(%run_scoped3A : memref<!tpu.dma_semaphore, #tpu.memory_space<semaphore_mem>>) src(%arg6 : memref<5000x16xf32, #tpu.memory_space<vmem>>) dst(%dma_wait3A_14 : memref<5000x16xf32, #tpu.memory_space<hbm>>)
      tpu.yield
    }) : () -> ()
    return
  }
}

#map = affine_map<(d0, d1) -> (0)>
#map1 = affine_map<(d0, d1) -> (0, 0)>
#map2 = affine_map<(d0, d1) -> (0, 0, 0)>
module attributes {stable_mosaic.version = 14 : i64} {
  func.func @_scat_body(%arg0: i32, %arg1: i32, %arg2: memref<160000xi32, #tpu.memory_space<hbm>>, %arg3: memref<80000x64xf32, #tpu.memory_space<hbm>>, %arg4: memref<32x640x64xf32, #tpu.memory_space<hbm>>, %arg5: memref<128xi32, #tpu.memory_space<vmem>>, %arg6: memref<128xi32, #tpu.memory_space<vmem>>, %arg7: memref<128x64xf32, #tpu.memory_space<vmem>>, %arg8: memref<128x64xf32, #tpu.memory_space<vmem>>, %arg9: memref<640x64xf32, #tpu.memory_space<vmem>>, %arg10: memref<10240x64xf32, #tpu.memory_space<vmem_shared>>, %arg11: memref<!tpu.dma_semaphore, #tpu.memory_space<semaphore_mem>>, %arg12: memref<!tpu.dma_semaphore, #tpu.memory_space<semaphore_mem>>) attributes {dimension_semantics = [#tpu.dimension_semantics<core_parallel>, #tpu.dimension_semantics<subcore_parallel>], iteration_bounds = array<i64: 2, 16>, scalar_prefetch = 0 : i64, scratch_operands = 8 : i64, tpu.core_type = #tpu.core_type<sc_vector_subcore>, window_params = [{transform_indices = #map}, {transform_indices = #map1}, {transform_indices = #map2}]} {
    %mul3A = arith.constant 16 : i32
    %mul3A_0 = arith.muli %arg0, %mul3A : i32
    %add3A = arith.addi %mul3A_0, %arg1 : i32
    %scan3A = arith.constant 0 : i32
    %scan3A_1 = arith.constant 0 : i32
    %scan3A_2 = arith.constant 640 : i32
    %scan3A_3 = arith.addi %scan3A_1, %scan3A_2 : i32
    %scan3A_4 = arith.constant 1 : i32
    %scan3A_5 = scf.for %scan3A_41 = %scan3A_1 to %scan3A_3 step %scan3A_4 iter_args(%scan3A_42 = %scan3A) -> (i32)  : i32 {
      %broadcast_in_dim3A = arith.constant 0.000000e+00 : f32
      %broadcast_in_dim3A_43 = vector.broadcast %broadcast_in_dim3A : f32 to vector<16xf32>
      %swap3A = arith.index_cast %scan3A_41 : i32 to index
      %swap3A_44 = arith.constant 0 : index
      %swap3A_45 = tpu.vector_load %arg9[%swap3A, %swap3A_44] {strides = array<i32>} : memref<640x64xf32, #tpu.memory_space<vmem>>, vector<1x16xf32>,
      %swap3A_46 = vector.shape_cast %swap3A_45 : vector<1x16xf32> to vector<16xf32>
      %swap3A_47 = vector.shape_cast %broadcast_in_dim3A_43 : vector<16xf32> to vector<1x16xf32>
      tpu.vector_store %arg9[%swap3A, %swap3A_44], %swap3A_47 {strides = array<i32>} : memref<640x64xf32, #tpu.memory_space<vmem>>, vector<1x16xf32>,
      %broadcast_in_dim3A_48 = arith.constant 0.000000e+00 : f32
      %broadcast_in_dim3A_49 = vector.broadcast %broadcast_in_dim3A_48 : f32 to vector<16xf32>
      %swap3A_50 = arith.index_cast %scan3A_41 : i32 to index
      %swap3A_51 = arith.constant 16 : index
      %swap3A_52 = tpu.vector_load %arg9[%swap3A_50, %swap3A_51] {strides = array<i32>} : memref<640x64xf32, #tpu.memory_space<vmem>>, vector<1x16xf32>,
      %swap3A_53 = vector.shape_cast %swap3A_52 : vector<1x16xf32> to vector<16xf32>
      %swap3A_54 = vector.shape_cast %broadcast_in_dim3A_49 : vector<16xf32> to vector<1x16xf32>
      tpu.vector_store %arg9[%swap3A_50, %swap3A_51], %swap3A_54 {strides = array<i32>} : memref<640x64xf32, #tpu.memory_space<vmem>>, vector<1x16xf32>,
      %broadcast_in_dim3A_55 = arith.constant 0.000000e+00 : f32
      %broadcast_in_dim3A_56 = vector.broadcast %broadcast_in_dim3A_55 : f32 to vector<16xf32>
      %swap3A_57 = arith.index_cast %scan3A_41 : i32 to index
      %swap3A_58 = arith.constant 32 : index
      %swap3A_59 = tpu.vector_load %arg9[%swap3A_57, %swap3A_58] {strides = array<i32>} : memref<640x64xf32, #tpu.memory_space<vmem>>, vector<1x16xf32>,
      %swap3A_60 = vector.shape_cast %swap3A_59 : vector<1x16xf32> to vector<16xf32>
      %swap3A_61 = vector.shape_cast %broadcast_in_dim3A_56 : vector<16xf32> to vector<1x16xf32>
      tpu.vector_store %arg9[%swap3A_57, %swap3A_58], %swap3A_61 {strides = array<i32>} : memref<640x64xf32, #tpu.memory_space<vmem>>, vector<1x16xf32>,
      %broadcast_in_dim3A_62 = arith.constant 0.000000e+00 : f32
      %broadcast_in_dim3A_63 = vector.broadcast %broadcast_in_dim3A_62 : f32 to vector<16xf32>
      %swap3A_64 = arith.index_cast %scan3A_41 : i32 to index
      %swap3A_65 = arith.constant 48 : index
      %swap3A_66 = tpu.vector_load %arg9[%swap3A_64, %swap3A_65] {strides = array<i32>} : memref<640x64xf32, #tpu.memory_space<vmem>>, vector<1x16xf32>,
      %swap3A_67 = vector.shape_cast %swap3A_66 : vector<1x16xf32> to vector<16xf32>
      %swap3A_68 = vector.shape_cast %broadcast_in_dim3A_63 : vector<16xf32> to vector<1x16xf32>
      tpu.vector_store %arg9[%swap3A_64, %swap3A_65], %swap3A_68 {strides = array<i32>} : memref<640x64xf32, #tpu.memory_space<vmem>>, vector<1x16xf32>,
      %scan3A_69 = arith.constant 0 : i32
      scf.yield %scan3A_69 : i32
    }
    %scan3A_6 = arith.constant 640 : i32
    %mul3A_7 = arith.constant 640 : i32
    %mul3A_8 = arith.muli %arg1, %mul3A_7 : i32
    "tpu.region"() ({
      %run_scoped3A = tpu.sem_alloc : memref<!tpu.dma_semaphore, #tpu.memory_space<semaphore_mem>>
      %dma_start3A_41 = arith.constant 0 : i32
      %dma_start3A_42 = tpu.memref_slice %arg10[%mul3A_8, %dma_start3A_41] : memref<10240x64xf32, #tpu.memory_space<vmem_shared>> -> memref<640x64xf32, #tpu.memory_space<vmem_shared>>
      %dma_start3A_43 = arith.constant 0 : i32
      %dma_start3A_44 = tpu.memref_slice %arg10[%mul3A_8, %dma_start3A_43] : memref<10240x64xf32, #tpu.memory_space<vmem_shared>> -> memref<640x64xf32, #tpu.memory_space<vmem_shared>>
      tpu.enqueue_dma source(%arg9 : memref<640x64xf32, #tpu.memory_space<vmem>>) target(%dma_start3A_44 : memref<640x64xf32, #tpu.memory_space<vmem_shared>>) target_semaphore(%run_scoped3A : memref<!tpu.dma_semaphore, #tpu.memory_space<semaphore_mem>>)
      %dma_wait3A_45 = arith.constant 0 : i32
      %dma_wait3A_46 = tpu.memref_slice %arg10[%mul3A_8, %dma_wait3A_45] : memref<10240x64xf32, #tpu.memory_space<vmem_shared>> -> memref<640x64xf32, #tpu.memory_space<vmem_shared>>
      %dma_wait3A_47 = arith.constant 0 : i32
      %dma_wait3A_48 = tpu.memref_slice %arg10[%mul3A_8, %dma_wait3A_47] : memref<10240x64xf32, #tpu.memory_space<vmem_shared>> -> memref<640x64xf32, #tpu.memory_space<vmem_shared>>
      tpu.wait_dma2 semaphore(%run_scoped3A : memref<!tpu.dma_semaphore, #tpu.memory_space<semaphore_mem>>) src(%arg9 : memref<640x64xf32, #tpu.memory_space<vmem>>) dst(%dma_wait3A_48 : memref<640x64xf32, #tpu.memory_space<vmem_shared>>)
      tpu.yield
    }) : () -> ()
    %barrier3A = arith.constant 0 : index
    tpu.barrier barrier_id(%barrier3A)
    %mul3A_9 = arith.constant 2432 : i32
    %mul3A_10 = arith.muli %add3A, %mul3A_9 : i32
    %add3A_11 = arith.constant 0 : i32
    %add3A_12 = arith.addi %mul3A_10, %add3A_11 : i32
    %add3A_13 = arith.constant 0 : i32
    %add3A_14 = arith.addi %add3A_13, %add3A_12 : i32
    %dma_start3A = tpu.memref_slice %arg2[%add3A_14] : memref<160000xi32, #tpu.memory_space<hbm>> -> memref<128xi32, #tpu.memory_space<hbm>>
    %dma_start3A_15 = tpu.memref_slice %arg2[%add3A_14] : memref<160000xi32, #tpu.memory_space<hbm>> -> memref<128xi32, #tpu.memory_space<hbm>>
    tpu.enqueue_dma source(%dma_start3A_15 : memref<128xi32, #tpu.memory_space<hbm>>) target(%arg5 : memref<128xi32, #tpu.memory_space<vmem>>) target_semaphore(%arg11 : memref<!tpu.dma_semaphore, #tpu.memory_space<semaphore_mem>>)
    %dma_start3A_16 = arith.constant 0 : i32
    %dma_start3A_17 = tpu.memref_slice %arg3[%add3A_12, %dma_start3A_16] : memref<80000x64xf32, #tpu.memory_space<hbm>> -> memref<128x64xf32, #tpu.memory_space<hbm>>
    %dma_start3A_18 = arith.constant 0 : i32
    %dma_start3A_19 = tpu.memref_slice %arg3[%add3A_12, %dma_start3A_18] : memref<80000x64xf32, #tpu.memory_space<hbm>> -> memref<128x64xf32, #tpu.memory_space<hbm>>
    tpu.enqueue_dma source(%dma_start3A_19 : memref<128x64xf32, #tpu.memory_space<hbm>>) target(%arg7 : memref<128x64xf32, #tpu.memory_space<vmem>>) target_semaphore(%arg11 : memref<!tpu.dma_semaphore, #tpu.memory_space<semaphore_mem>>)
    %scan3A_20 = arith.constant 0 : i32
    %scan3A_21 = arith.constant 0 : i32
    %scan3A_22 = arith.constant 9 : i32
    %scan3A_23 = arith.addi %scan3A_21, %scan3A_22 : i32
    %scan3A_24 = arith.constant 1 : i32
    %scan3A_25 = scf.for %scan3A_41 = %scan3A_21 to %scan3A_23 step %scan3A_24 iter_args(%scan3A_42 = %scan3A_20) -> (i32)  : i32 {
      %mul3A_43 = arith.constant 2 : i32
      %mul3A_44 = arith.muli %mul3A_43, %scan3A_41 : i32
      %add3A_45 = arith.constant 1 : i32
      %add3A_46 = arith.addi %mul3A_44, %add3A_45 : i32
      %mul3A_47 = arith.constant 128 : i32
      %mul3A_48 = arith.muli %add3A_46, %mul3A_47 : i32
      %add3A_49 = arith.addi %mul3A_10, %mul3A_48 : i32
      %add3A_50 = arith.constant 0 : i32
      %add3A_51 = arith.addi %add3A_50, %add3A_49 : i32
      %dma_start3A_52 = tpu.memref_slice %arg2[%add3A_51] : memref<160000xi32, #tpu.memory_space<hbm>> -> memref<128xi32, #tpu.memory_space<hbm>>
      %dma_start3A_53 = tpu.memref_slice %arg2[%add3A_51] : memref<160000xi32, #tpu.memory_space<hbm>> -> memref<128xi32, #tpu.memory_space<hbm>>
      tpu.enqueue_dma source(%dma_start3A_53 : memref<128xi32, #tpu.memory_space<hbm>>) target(%arg6 : memref<128xi32, #tpu.memory_space<vmem>>) target_semaphore(%arg12 : memref<!tpu.dma_semaphore, #tpu.memory_space<semaphore_mem>>)
      %dma_start3A_54 = arith.constant 0 : i32
      %dma_start3A_55 = tpu.memref_slice %arg3[%add3A_49, %dma_start3A_54] : memref<80000x64xf32, #tpu.memory_space<hbm>> -> memref<128x64xf32, #tpu.memory_space<hbm>>
      %dma_start3A_56 = arith.constant 0 : i32
      %dma_start3A_57 = tpu.memref_slice %arg3[%add3A_49, %dma_start3A_56] : memref<80000x64xf32, #tpu.memory_space<hbm>> -> memref<128x64xf32, #tpu.memory_space<hbm>>
      tpu.enqueue_dma source(%dma_start3A_57 : memref<128x64xf32, #tpu.memory_space<hbm>>) target(%arg8 : memref<128x64xf32, #tpu.memory_space<vmem>>) target_semaphore(%arg12 : memref<!tpu.dma_semaphore, #tpu.memory_space<semaphore_mem>>)
      %mul3A_58 = arith.constant 128 : i32
      %mul3A_59 = arith.muli %mul3A_44, %mul3A_58 : i32
      %add3A_60 = arith.addi %mul3A_10, %mul3A_59 : i32
      %add3A_61 = arith.constant 0 : i32
      %add3A_62 = arith.addi %add3A_61, %add3A_60 : i32
      %dma_wait3A_63 = tpu.memref_slice %arg2[%add3A_62] : memref<160000xi32, #tpu.memory_space<hbm>> -> memref<128xi32, #tpu.memory_space<hbm>>
      %dma_wait3A_64 = tpu.memref_slice %arg2[%add3A_62] : memref<160000xi32, #tpu.memory_space<hbm>> -> memref<128xi32, #tpu.memory_space<hbm>>
      tpu.wait_dma2 semaphore(%arg11 : memref<!tpu.dma_semaphore, #tpu.memory_space<semaphore_mem>>) src(%dma_wait3A_64 : memref<128xi32, #tpu.memory_space<hbm>>) dst(%arg5 : memref<128xi32, #tpu.memory_space<vmem>>)
      %dma_wait3A_65 = arith.constant 0 : i32
      %dma_wait3A_66 = tpu.memref_slice %arg3[%add3A_60, %dma_wait3A_65] : memref<80000x64xf32, #tpu.memory_space<hbm>> -> memref<128x64xf32, #tpu.memory_space<hbm>>
      %dma_wait3A_67 = arith.constant 0 : i32
      %dma_wait3A_68 = tpu.memref_slice %arg3[%add3A_60, %dma_wait3A_67] : memref<80000x64xf32, #tpu.memory_space<hbm>> -> memref<128x64xf32, #tpu.memory_space<hbm>>
      tpu.wait_dma2 semaphore(%arg11 : memref<!tpu.dma_semaphore, #tpu.memory_space<semaphore_mem>>) src(%dma_wait3A_68 : memref<128x64xf32, #tpu.memory_space<hbm>>) dst(%arg7 : memref<128x64xf32, #tpu.memory_space<vmem>>)
      "tpu.region"() ({
        %run_scoped3A = tpu.sem_alloc : memref<!tpu.dma_semaphore, #tpu.memory_space<semaphore_mem>>
        %dma_start3A_96 = arith.constant 0 : i32
        %dma_start3A_97 = arith.constant 0 : i32
        %dma_start3A_98 = tpu.memref_slice %arg10[%dma_start3A_96, %dma_start3A_97] : memref<10240x64xf32, #tpu.memory_space<vmem_shared>> -> memref<10240x64xf32, #tpu.memory_space<vmem_shared>>
        tpu.enqueue_indirect_dma source(%arg7 : memref<128x64xf32, #tpu.memory_space<vmem>>) target(%dma_start3A_98 : memref<10240x64xf32, #tpu.memory_space<vmem_shared>>) offsets(%arg5 : memref<128xi32, #tpu.memory_space<vmem>>) semaphore(%run_scoped3A : memref<!tpu.dma_semaphore, #tpu.memory_space<semaphore_mem>>) {add = true}
        %dma_wait3A_99 = arith.constant 0 : i32
        %dma_wait3A_100 = arith.constant 0 : i32
        %dma_wait3A_101 = tpu.memref_slice %arg10[%dma_wait3A_99, %dma_wait3A_100] : memref<10240x64xf32, #tpu.memory_space<vmem_shared>> -> memref<10240x64xf32, #tpu.memory_space<vmem_shared>>
        tpu.wait_indirect_dma semaphore(%run_scoped3A : memref<!tpu.dma_semaphore, #tpu.memory_space<semaphore_mem>>) src(%arg7 : memref<128x64xf32, #tpu.memory_space<vmem>>) dst(%dma_wait3A_101 : memref<10240x64xf32, #tpu.memory_space<vmem_shared>>)
        tpu.yield
      }) : () -> ()
      %add3A_69 = arith.constant 2 : i32
      %add3A_70 = arith.addi %mul3A_44, %add3A_69 : i32
      %mul3A_71 = arith.constant 128 : i32
      %mul3A_72 = arith.muli %add3A_70, %mul3A_71 : i32
      %add3A_73 = arith.addi %mul3A_10, %mul3A_72 : i32
      %add3A_74 = arith.constant 0 : i32
      %add3A_75 = arith.addi %add3A_74, %add3A_73 : i32
      %dma_start3A_76 = tpu.memref_slice %arg2[%add3A_75] : memref<160000xi32, #tpu.memory_space<hbm>> -> memref<128xi32, #tpu.memory_space<hbm>>
      %dma_start3A_77 = tpu.memref_slice %arg2[%add3A_75] : memref<160000xi32, #tpu.memory_space<hbm>> -> memref<128xi32, #tpu.memory_space<hbm>>
      tpu.enqueue_dma source(%dma_start3A_77 : memref<128xi32, #tpu.memory_space<hbm>>) target(%arg5 : memref<128xi32, #tpu.memory_space<vmem>>) target_semaphore(%arg11 : memref<!tpu.dma_semaphore, #tpu.memory_space<semaphore_mem>>)
      %dma_start3A_78 = arith.constant 0 : i32
      %dma_start3A_79 = tpu.memref_slice %arg3[%add3A_73, %dma_start3A_78] : memref<80000x64xf32, #tpu.memory_space<hbm>> -> memref<128x64xf32, #tpu.memory_space<hbm>>
      %dma_start3A_80 = arith.constant 0 : i32
      %dma_start3A_81 = tpu.memref_slice %arg3[%add3A_73, %dma_start3A_80] : memref<80000x64xf32, #tpu.memory_space<hbm>> -> memref<128x64xf32, #tpu.memory_space<hbm>>
      tpu.enqueue_dma source(%dma_start3A_81 : memref<128x64xf32, #tpu.memory_space<hbm>>) target(%arg7 : memref<128x64xf32, #tpu.memory_space<vmem>>) target_semaphore(%arg11 : memref<!tpu.dma_semaphore, #tpu.memory_space<semaphore_mem>>)
      %add3A_82 = arith.constant 1 : i32
      %add3A_83 = arith.addi %mul3A_44, %add3A_82 : i32
      %mul3A_84 = arith.constant 128 : i32
      %mul3A_85 = arith.muli %add3A_83, %mul3A_84 : i32
      %add3A_86 = arith.addi %mul3A_10, %mul3A_85 : i32
      %add3A_87 = arith.constant 0 : i32
      %add3A_88 = arith.addi %add3A_87, %add3A_86 : i32
      %dma_wait3A_89 = tpu.memref_slice %arg2[%add3A_88] : memref<160000xi32, #tpu.memory_space<hbm>> -> memref<128xi32, #tpu.memory_space<hbm>>
      %dma_wait3A_90 = tpu.memref_slice %arg2[%add3A_88] : memref<160000xi32, #tpu.memory_space<hbm>> -> memref<128xi32, #tpu.memory_space<hbm>>
      tpu.wait_dma2 semaphore(%arg12 : memref<!tpu.dma_semaphore, #tpu.memory_space<semaphore_mem>>) src(%dma_wait3A_90 : memref<128xi32, #tpu.memory_space<hbm>>) dst(%arg6 : memref<128xi32, #tpu.memory_space<vmem>>)
      %dma_wait3A_91 = arith.constant 0 : i32
      %dma_wait3A_92 = tpu.memref_slice %arg3[%add3A_86, %dma_wait3A_91] : memref<80000x64xf32, #tpu.memory_space<hbm>> -> memref<128x64xf32, #tpu.memory_space<hbm>>
      %dma_wait3A_93 = arith.constant 0 : i32
      %dma_wait3A_94 = tpu.memref_slice %arg3[%add3A_86, %dma_wait3A_93] : memref<80000x64xf32, #tpu.memory_space<hbm>> -> memref<128x64xf32, #tpu.memory_space<hbm>>
      tpu.wait_dma2 semaphore(%arg12 : memref<!tpu.dma_semaphore, #tpu.memory_space<semaphore_mem>>) src(%dma_wait3A_94 : memref<128x64xf32, #tpu.memory_space<hbm>>) dst(%arg8 : memref<128x64xf32, #tpu.memory_space<vmem>>)
      "tpu.region"() ({
        %run_scoped3A = tpu.sem_alloc : memref<!tpu.dma_semaphore, #tpu.memory_space<semaphore_mem>>
        %dma_start3A_96 = arith.constant 0 : i32
        %dma_start3A_97 = arith.constant 0 : i32
        %dma_start3A_98 = tpu.memref_slice %arg10[%dma_start3A_96, %dma_start3A_97] : memref<10240x64xf32, #tpu.memory_space<vmem_shared>> -> memref<10240x64xf32, #tpu.memory_space<vmem_shared>>
        tpu.enqueue_indirect_dma source(%arg8 : memref<128x64xf32, #tpu.memory_space<vmem>>) target(%dma_start3A_98 : memref<10240x64xf32, #tpu.memory_space<vmem_shared>>) offsets(%arg6 : memref<128xi32, #tpu.memory_space<vmem>>) semaphore(%run_scoped3A : memref<!tpu.dma_semaphore, #tpu.memory_space<semaphore_mem>>) {add = true}
        %dma_wait3A_99 = arith.constant 0 : i32
        %dma_wait3A_100 = arith.constant 0 : i32
        %dma_wait3A_101 = tpu.memref_slice %arg10[%dma_wait3A_99, %dma_wait3A_100] : memref<10240x64xf32, #tpu.memory_space<vmem_shared>> -> memref<10240x64xf32, #tpu.memory_space<vmem_shared>>
        tpu.wait_indirect_dma semaphore(%run_scoped3A : memref<!tpu.dma_semaphore, #tpu.memory_space<semaphore_mem>>) src(%arg8 : memref<128x64xf32, #tpu.memory_space<vmem>>) dst(%dma_wait3A_101 : memref<10240x64xf32, #tpu.memory_space<vmem_shared>>)
        tpu.yield
      }) : () -> ()
      %scan3A_95 = arith.constant 0 : i32
      scf.yield %scan3A_95 : i32
    }
    %scan3A_26 = arith.constant 9 : i32
    %add3A_27 = arith.constant 2304 : i32
    %add3A_28 = arith.addi %mul3A_10, %add3A_27 : i32
    %add3A_29 = arith.constant 0 : i32
    %add3A_30 = arith.addi %add3A_29, %add3A_28 : i32
    %dma_wait3A = tpu.memref_slice %arg2[%add3A_30] : memref<160000xi32, #tpu.memory_space<hbm>> -> memref<128xi32, #tpu.memory_space<hbm>>
    %dma_wait3A_31 = tpu.memref_slice %arg2[%add3A_30] : memref<160000xi32, #tpu.memory_space<hbm>> -> memref<128xi32, #tpu.memory_space<hbm>>
    tpu.wait_dma2 semaphore(%arg11 : memref<!tpu.dma_semaphore, #tpu.memory_space<semaphore_mem>>) src(%dma_wait3A_31 : memref<128xi32, #tpu.memory_space<hbm>>) dst(%arg5 : memref<128xi32, #tpu.memory_space<vmem>>)
    %dma_wait3A_32 = arith.constant 0 : i32
    %dma_wait3A_33 = tpu.memref_slice %arg3[%add3A_28, %dma_wait3A_32] : memref<80000x64xf32, #tpu.memory_space<hbm>> -> memref<128x64xf32, #tpu.memory_space<hbm>>
    %dma_wait3A_34 = arith.constant 0 : i32
    %dma_wait3A_35 = tpu.memref_slice %arg3[%add3A_28, %dma_wait3A_34] : memref<80000x64xf32, #tpu.memory_space<hbm>> -> memref<128x64xf32, #tpu.memory_space<hbm>>
    tpu.wait_dma2 semaphore(%arg11 : memref<!tpu.dma_semaphore, #tpu.memory_space<semaphore_mem>>) src(%dma_wait3A_35 : memref<128x64xf32, #tpu.memory_space<hbm>>) dst(%arg7 : memref<128x64xf32, #tpu.memory_space<vmem>>)
    "tpu.region"() ({
      %run_scoped3A = tpu.sem_alloc : memref<!tpu.dma_semaphore, #tpu.memory_space<semaphore_mem>>
      %dma_start3A_41 = arith.constant 0 : i32
      %dma_start3A_42 = arith.constant 0 : i32
      %dma_start3A_43 = tpu.memref_slice %arg10[%dma_start3A_41, %dma_start3A_42] : memref<10240x64xf32, #tpu.memory_space<vmem_shared>> -> memref<10240x64xf32, #tpu.memory_space<vmem_shared>>
      tpu.enqueue_indirect_dma source(%arg7 : memref<128x64xf32, #tpu.memory_space<vmem>>) target(%dma_start3A_43 : memref<10240x64xf32, #tpu.memory_space<vmem_shared>>) offsets(%arg5 : memref<128xi32, #tpu.memory_space<vmem>>) semaphore(%run_scoped3A : memref<!tpu.dma_semaphore, #tpu.memory_space<semaphore_mem>>) {add = true}
      %dma_wait3A_44 = arith.constant 0 : i32
      %dma_wait3A_45 = arith.constant 0 : i32
      %dma_wait3A_46 = tpu.memref_slice %arg10[%dma_wait3A_44, %dma_wait3A_45] : memref<10240x64xf32, #tpu.memory_space<vmem_shared>> -> memref<10240x64xf32, #tpu.memory_space<vmem_shared>>
      tpu.wait_indirect_dma semaphore(%run_scoped3A : memref<!tpu.dma_semaphore, #tpu.memory_space<semaphore_mem>>) src(%arg7 : memref<128x64xf32, #tpu.memory_space<vmem>>) dst(%dma_wait3A_46 : memref<10240x64xf32, #tpu.memory_space<vmem_shared>>)
      tpu.yield
    }) : () -> ()
    %lt3A = arith.constant 17 : i32
    %lt3A_36 = arith.cmpi slt, %add3A, %lt3A : i32
    %convert_element_type3A = arith.extui %lt3A_36 : i1 to i32
    %cond3A = arith.constant 0 : i32
    %cond3A_37 = arith.cmpi ne, %convert_element_type3A, %cond3A : i32
    scf.if %cond3A_37 {
      %mul3A_41 = arith.constant 128 : i32
      %mul3A_42 = arith.muli %add3A, %mul3A_41 : i32
      %add3A_43 = arith.constant 77824 : i32
      %add3A_44 = arith.addi %add3A_43, %mul3A_42 : i32
      %add3A_45 = arith.constant 0 : i32
      %add3A_46 = arith.addi %add3A_45, %add3A_44 : i32
      "tpu.region"() ({
        %run_scoped3A = tpu.sem_alloc : memref<!tpu.dma_semaphore, #tpu.memory_space<semaphore_mem>>
        %dma_start3A_47 = tpu.memref_slice %arg2[%add3A_46] : memref<160000xi32, #tpu.memory_space<hbm>> -> memref<128xi32, #tpu.memory_space<hbm>>
        %dma_start3A_48 = tpu.memref_slice %arg2[%add3A_46] : memref<160000xi32, #tpu.memory_space<hbm>> -> memref<128xi32, #tpu.memory_space<hbm>>
        tpu.enqueue_dma source(%dma_start3A_48 : memref<128xi32, #tpu.memory_space<hbm>>) target(%arg5 : memref<128xi32, #tpu.memory_space<vmem>>) target_semaphore(%run_scoped3A : memref<!tpu.dma_semaphore, #tpu.memory_space<semaphore_mem>>)
        %dma_wait3A_49 = tpu.memref_slice %arg2[%add3A_46] : memref<160000xi32, #tpu.memory_space<hbm>> -> memref<128xi32, #tpu.memory_space<hbm>>
        %dma_wait3A_50 = tpu.memref_slice %arg2[%add3A_46] : memref<160000xi32, #tpu.memory_space<hbm>> -> memref<128xi32, #tpu.memory_space<hbm>>
        tpu.wait_dma2 semaphore(%run_scoped3A : memref<!tpu.dma_semaphore, #tpu.memory_space<semaphore_mem>>) src(%dma_wait3A_50 : memref<128xi32, #tpu.memory_space<hbm>>) dst(%arg5 : memref<128xi32, #tpu.memory_space<vmem>>)
        tpu.yield
      }) : () -> ()
      "tpu.region"() ({
        %run_scoped3A = tpu.sem_alloc : memref<!tpu.dma_semaphore, #tpu.memory_space<semaphore_mem>>
        %dma_start3A_47 = arith.constant 0 : i32
        %dma_start3A_48 = tpu.memref_slice %arg3[%add3A_44, %dma_start3A_47] : memref<80000x64xf32, #tpu.memory_space<hbm>> -> memref<128x64xf32, #tpu.memory_space<hbm>>
        %dma_start3A_49 = arith.constant 0 : i32
        %dma_start3A_50 = tpu.memref_slice %arg3[%add3A_44, %dma_start3A_49] : memref<80000x64xf32, #tpu.memory_space<hbm>> -> memref<128x64xf32, #tpu.memory_space<hbm>>
        tpu.enqueue_dma source(%dma_start3A_50 : memref<128x64xf32, #tpu.memory_space<hbm>>) target(%arg7 : memref<128x64xf32, #tpu.memory_space<vmem>>) target_semaphore(%run_scoped3A : memref<!tpu.dma_semaphore, #tpu.memory_space<semaphore_mem>>)
        %dma_wait3A_51 = arith.constant 0 : i32
        %dma_wait3A_52 = tpu.memref_slice %arg3[%add3A_44, %dma_wait3A_51] : memref<80000x64xf32, #tpu.memory_space<hbm>> -> memref<128x64xf32, #tpu.memory_space<hbm>>
        %dma_wait3A_53 = arith.constant 0 : i32
        %dma_wait3A_54 = tpu.memref_slice %arg3[%add3A_44, %dma_wait3A_53] : memref<80000x64xf32, #tpu.memory_space<hbm>> -> memref<128x64xf32, #tpu.memory_space<hbm>>
        tpu.wait_dma2 semaphore(%run_scoped3A : memref<!tpu.dma_semaphore, #tpu.memory_space<semaphore_mem>>) src(%dma_wait3A_54 : memref<128x64xf32, #tpu.memory_space<hbm>>) dst(%arg7 : memref<128x64xf32, #tpu.memory_space<vmem>>)
        tpu.yield
      }) : () -> ()
      "tpu.region"() ({
        %run_scoped3A = tpu.sem_alloc : memref<!tpu.dma_semaphore, #tpu.memory_space<semaphore_mem>>
        %dma_start3A_47 = arith.constant 0 : i32
        %dma_start3A_48 = arith.constant 0 : i32
        %dma_start3A_49 = tpu.memref_slice %arg10[%dma_start3A_47, %dma_start3A_48] : memref<10240x64xf32, #tpu.memory_space<vmem_shared>> -> memref<10240x64xf32, #tpu.memory_space<vmem_shared>>
        tpu.enqueue_indirect_dma source(%arg7 : memref<128x64xf32, #tpu.memory_space<vmem>>) target(%dma_start3A_49 : memref<10240x64xf32, #tpu.memory_space<vmem_shared>>) offsets(%arg5 : memref<128xi32, #tpu.memory_space<vmem>>) semaphore(%run_scoped3A : memref<!tpu.dma_semaphore, #tpu.memory_space<semaphore_mem>>) {add = true}
        %dma_wait3A_50 = arith.constant 0 : i32
        %dma_wait3A_51 = arith.constant 0 : i32
        %dma_wait3A_52 = tpu.memref_slice %arg10[%dma_wait3A_50, %dma_wait3A_51] : memref<10240x64xf32, #tpu.memory_space<vmem_shared>> -> memref<10240x64xf32, #tpu.memory_space<vmem_shared>>
        tpu.wait_indirect_dma semaphore(%run_scoped3A : memref<!tpu.dma_semaphore, #tpu.memory_space<semaphore_mem>>) src(%arg7 : memref<128x64xf32, #tpu.memory_space<vmem>>) dst(%dma_wait3A_52 : memref<10240x64xf32, #tpu.memory_space<vmem_shared>>)
        tpu.yield
      }) : () -> ()
    } else {
    }
    %barrier3A_38 = arith.constant 0 : index
    tpu.barrier barrier_id(%barrier3A_38)
    %mul3A_39 = arith.constant 640 : i32
    %mul3A_40 = arith.muli %arg1, %mul3A_39 : i32
    "tpu.region"() ({
      %run_scoped3A = tpu.sem_alloc : memref<!tpu.dma_semaphore, #tpu.memory_space<semaphore_mem>>
      %dma_start3A_41 = arith.constant 0 : i32
      %dma_start3A_42 = tpu.memref_slice %arg10[%mul3A_40, %dma_start3A_41] : memref<10240x64xf32, #tpu.memory_space<vmem_shared>> -> memref<640x64xf32, #tpu.memory_space<vmem_shared>>
      %dma_start3A_43 = arith.constant 0 : i32
      %dma_start3A_44 = tpu.memref_slice %arg10[%mul3A_40, %dma_start3A_43] : memref<10240x64xf32, #tpu.memory_space<vmem_shared>> -> memref<640x64xf32, #tpu.memory_space<vmem_shared>>
      tpu.enqueue_dma source(%dma_start3A_44 : memref<640x64xf32, #tpu.memory_space<vmem_shared>>) target(%arg9 : memref<640x64xf32, #tpu.memory_space<vmem>>) target_semaphore(%run_scoped3A : memref<!tpu.dma_semaphore, #tpu.memory_space<semaphore_mem>>)
      %dma_wait3A_45 = arith.constant 0 : i32
      %dma_wait3A_46 = tpu.memref_slice %arg10[%mul3A_40, %dma_wait3A_45] : memref<10240x64xf32, #tpu.memory_space<vmem_shared>> -> memref<640x64xf32, #tpu.memory_space<vmem_shared>>
      %dma_wait3A_47 = arith.constant 0 : i32
      %dma_wait3A_48 = tpu.memref_slice %arg10[%mul3A_40, %dma_wait3A_47] : memref<10240x64xf32, #tpu.memory_space<vmem_shared>> -> memref<640x64xf32, #tpu.memory_space<vmem_shared>>
      tpu.wait_dma2 semaphore(%run_scoped3A : memref<!tpu.dma_semaphore, #tpu.memory_space<semaphore_mem>>) src(%dma_wait3A_48 : memref<640x64xf32, #tpu.memory_space<vmem_shared>>) dst(%arg9 : memref<640x64xf32, #tpu.memory_space<vmem>>)
      tpu.yield
    }) : () -> ()
    "tpu.region"() ({
      %run_scoped3A = tpu.sem_alloc : memref<!tpu.dma_semaphore, #tpu.memory_space<semaphore_mem>>
      %dma_start3A_41 = arith.constant 0 : i32
      %dma_start3A_42 = arith.constant 0 : i32
      %dma_start3A_43 = tpu.memref_slice %arg4[%add3A, %dma_start3A_41, %dma_start3A_42] : memref<32x640x64xf32, #tpu.memory_space<hbm>> -> memref<1x640x64xf32, #tpu.memory_space<hbm>>
      %dma_start3A_44 = tpu.memref_squeeze %dma_start3A_43 : memref<1x640x64xf32, #tpu.memory_space<hbm>> -> memref<640x64xf32, #tpu.memory_space<hbm>>
      %dma_start3A_45 = arith.constant 0 : i32
      %dma_start3A_46 = arith.constant 0 : i32
      %dma_start3A_47 = tpu.memref_slice %arg4[%add3A, %dma_start3A_45, %dma_start3A_46] : memref<32x640x64xf32, #tpu.memory_space<hbm>> -> memref<1x640x64xf32, #tpu.memory_space<hbm>>
      %dma_start3A_48 = tpu.memref_squeeze %dma_start3A_47 : memref<1x640x64xf32, #tpu.memory_space<hbm>> -> memref<640x64xf32, #tpu.memory_space<hbm>>
      tpu.enqueue_dma source(%arg9 : memref<640x64xf32, #tpu.memory_space<vmem>>) target(%dma_start3A_48 : memref<640x64xf32, #tpu.memory_space<hbm>>) target_semaphore(%run_scoped3A : memref<!tpu.dma_semaphore, #tpu.memory_space<semaphore_mem>>)
      %dma_wait3A_49 = arith.constant 0 : i32
      %dma_wait3A_50 = arith.constant 0 : i32
      %dma_wait3A_51 = tpu.memref_slice %arg4[%add3A, %dma_wait3A_49, %dma_wait3A_50] : memref<32x640x64xf32, #tpu.memory_space<hbm>> -> memref<1x640x64xf32, #tpu.memory_space<hbm>>
      %dma_wait3A_52 = tpu.memref_squeeze %dma_wait3A_51 : memref<1x640x64xf32, #tpu.memory_space<hbm>> -> memref<640x64xf32, #tpu.memory_space<hbm>>
      %dma_wait3A_53 = arith.constant 0 : i32
      %dma_wait3A_54 = arith.constant 0 : i32
      %dma_wait3A_55 = tpu.memref_slice %arg4[%add3A, %dma_wait3A_53, %dma_wait3A_54] : memref<32x640x64xf32, #tpu.memory_space<hbm>> -> memref<1x640x64xf32, #tpu.memory_space<hbm>>
      %dma_wait3A_56 = tpu.memref_squeeze %dma_wait3A_55 : memref<1x640x64xf32, #tpu.memory_space<hbm>> -> memref<640x64xf32, #tpu.memory_space<hbm>>
      tpu.wait_dma2 semaphore(%run_scoped3A : memref<!tpu.dma_semaphore, #tpu.memory_space<semaphore_mem>>) src(%arg9 : memref<640x64xf32, #tpu.memory_space<vmem>>) dst(%dma_wait3A_56 : memref<640x64xf32, #tpu.memory_space<hbm>>)
      tpu.yield
    }) : () -> ()
    return
  }
}

#map = affine_map<(d0, d1) -> (0)>
#map1 = affine_map<(d0, d1) -> (0, 0)>
#map2 = affine_map<(d0, d1) -> (0, 0, 0)>
module attributes {stable_mosaic.version = 14 : i64} {
  func.func @_scat_body(%arg0: i32, %arg1: i32, %arg2: memref<160000xi32, #tpu.memory_space<hbm>>, %arg3: memref<80000x64xf32, #tpu.memory_space<hbm>>, %arg4: memref<32x640x64xf32, #tpu.memory_space<hbm>>, %arg5: memref<128xi32, #tpu.memory_space<vmem>>, %arg6: memref<128xi32, #tpu.memory_space<vmem>>, %arg7: memref<128x64xf32, #tpu.memory_space<vmem>>, %arg8: memref<128x64xf32, #tpu.memory_space<vmem>>, %arg9: memref<640x64xf32, #tpu.memory_space<vmem>>, %arg10: memref<10240x64xf32, #tpu.memory_space<vmem_shared>>, %arg11: memref<!tpu.dma_semaphore, #tpu.memory_space<semaphore_mem>>, %arg12: memref<!tpu.dma_semaphore, #tpu.memory_space<semaphore_mem>>) attributes {dimension_semantics = [#tpu.dimension_semantics<core_parallel>, #tpu.dimension_semantics<subcore_parallel>], iteration_bounds = array<i64: 2, 16>, scalar_prefetch = 0 : i64, scratch_operands = 8 : i64, tpu.core_type = #tpu.core_type<sc_vector_subcore>, window_params = [{transform_indices = #map}, {transform_indices = #map1}, {transform_indices = #map2}]} {
    %mul3A = arith.constant 16 : i32
    %mul3A_0 = arith.muli %arg0, %mul3A : i32
    %add3A = arith.addi %mul3A_0, %arg1 : i32
    %scan3A = arith.constant 0 : i32
    %scan3A_1 = arith.constant 0 : i32
    %scan3A_2 = arith.constant 640 : i32
    %scan3A_3 = arith.addi %scan3A_1, %scan3A_2 : i32
    %scan3A_4 = arith.constant 1 : i32
    %scan3A_5 = scf.for %scan3A_41 = %scan3A_1 to %scan3A_3 step %scan3A_4 iter_args(%scan3A_42 = %scan3A) -> (i32)  : i32 {
      %broadcast_in_dim3A = arith.constant 0.000000e+00 : f32
      %broadcast_in_dim3A_43 = vector.broadcast %broadcast_in_dim3A : f32 to vector<16xf32>
      %swap3A = arith.index_cast %scan3A_41 : i32 to index
      %swap3A_44 = arith.constant 0 : index
      %swap3A_45 = tpu.vector_load %arg9[%swap3A, %swap3A_44] {strides = array<i32>} : memref<640x64xf32, #tpu.memory_space<vmem>>, vector<1x16xf32>,
      %swap3A_46 = vector.shape_cast %swap3A_45 : vector<1x16xf32> to vector<16xf32>
      %swap3A_47 = vector.shape_cast %broadcast_in_dim3A_43 : vector<16xf32> to vector<1x16xf32>
      tpu.vector_store %arg9[%swap3A, %swap3A_44], %swap3A_47 {strides = array<i32>} : memref<640x64xf32, #tpu.memory_space<vmem>>, vector<1x16xf32>,
      %broadcast_in_dim3A_48 = arith.constant 0.000000e+00 : f32
      %broadcast_in_dim3A_49 = vector.broadcast %broadcast_in_dim3A_48 : f32 to vector<16xf32>
      %swap3A_50 = arith.index_cast %scan3A_41 : i32 to index
      %swap3A_51 = arith.constant 16 : index
      %swap3A_52 = tpu.vector_load %arg9[%swap3A_50, %swap3A_51] {strides = array<i32>} : memref<640x64xf32, #tpu.memory_space<vmem>>, vector<1x16xf32>,
      %swap3A_53 = vector.shape_cast %swap3A_52 : vector<1x16xf32> to vector<16xf32>
      %swap3A_54 = vector.shape_cast %broadcast_in_dim3A_49 : vector<16xf32> to vector<1x16xf32>
      tpu.vector_store %arg9[%swap3A_50, %swap3A_51], %swap3A_54 {strides = array<i32>} : memref<640x64xf32, #tpu.memory_space<vmem>>, vector<1x16xf32>,
      %broadcast_in_dim3A_55 = arith.constant 0.000000e+00 : f32
      %broadcast_in_dim3A_56 = vector.broadcast %broadcast_in_dim3A_55 : f32 to vector<16xf32>
      %swap3A_57 = arith.index_cast %scan3A_41 : i32 to index
      %swap3A_58 = arith.constant 32 : index
      %swap3A_59 = tpu.vector_load %arg9[%swap3A_57, %swap3A_58] {strides = array<i32>} : memref<640x64xf32, #tpu.memory_space<vmem>>, vector<1x16xf32>,
      %swap3A_60 = vector.shape_cast %swap3A_59 : vector<1x16xf32> to vector<16xf32>
      %swap3A_61 = vector.shape_cast %broadcast_in_dim3A_56 : vector<16xf32> to vector<1x16xf32>
      tpu.vector_store %arg9[%swap3A_57, %swap3A_58], %swap3A_61 {strides = array<i32>} : memref<640x64xf32, #tpu.memory_space<vmem>>, vector<1x16xf32>,
      %broadcast_in_dim3A_62 = arith.constant 0.000000e+00 : f32
      %broadcast_in_dim3A_63 = vector.broadcast %broadcast_in_dim3A_62 : f32 to vector<16xf32>
      %swap3A_64 = arith.index_cast %scan3A_41 : i32 to index
      %swap3A_65 = arith.constant 48 : index
      %swap3A_66 = tpu.vector_load %arg9[%swap3A_64, %swap3A_65] {strides = array<i32>} : memref<640x64xf32, #tpu.memory_space<vmem>>, vector<1x16xf32>,
      %swap3A_67 = vector.shape_cast %swap3A_66 : vector<1x16xf32> to vector<16xf32>
      %swap3A_68 = vector.shape_cast %broadcast_in_dim3A_63 : vector<16xf32> to vector<1x16xf32>
      tpu.vector_store %arg9[%swap3A_64, %swap3A_65], %swap3A_68 {strides = array<i32>} : memref<640x64xf32, #tpu.memory_space<vmem>>, vector<1x16xf32>,
      %scan3A_69 = arith.constant 0 : i32
      scf.yield %scan3A_69 : i32
    }
    %scan3A_6 = arith.constant 640 : i32
    %mul3A_7 = arith.constant 640 : i32
    %mul3A_8 = arith.muli %arg1, %mul3A_7 : i32
    "tpu.region"() ({
      %run_scoped3A = tpu.sem_alloc : memref<!tpu.dma_semaphore, #tpu.memory_space<semaphore_mem>>
      %dma_start3A_41 = arith.constant 0 : i32
      %dma_start3A_42 = tpu.memref_slice %arg10[%mul3A_8, %dma_start3A_41] : memref<10240x64xf32, #tpu.memory_space<vmem_shared>> -> memref<640x64xf32, #tpu.memory_space<vmem_shared>>
      %dma_start3A_43 = arith.constant 0 : i32
      %dma_start3A_44 = tpu.memref_slice %arg10[%mul3A_8, %dma_start3A_43] : memref<10240x64xf32, #tpu.memory_space<vmem_shared>> -> memref<640x64xf32, #tpu.memory_space<vmem_shared>>
      tpu.enqueue_dma source(%arg9 : memref<640x64xf32, #tpu.memory_space<vmem>>) target(%dma_start3A_44 : memref<640x64xf32, #tpu.memory_space<vmem_shared>>) target_semaphore(%run_scoped3A : memref<!tpu.dma_semaphore, #tpu.memory_space<semaphore_mem>>)
      %dma_wait3A_45 = arith.constant 0 : i32
      %dma_wait3A_46 = tpu.memref_slice %arg10[%mul3A_8, %dma_wait3A_45] : memref<10240x64xf32, #tpu.memory_space<vmem_shared>> -> memref<640x64xf32, #tpu.memory_space<vmem_shared>>
      %dma_wait3A_47 = arith.constant 0 : i32
      %dma_wait3A_48 = tpu.memref_slice %arg10[%mul3A_8, %dma_wait3A_47] : memref<10240x64xf32, #tpu.memory_space<vmem_shared>> -> memref<640x64xf32, #tpu.memory_space<vmem_shared>>
      tpu.wait_dma2 semaphore(%run_scoped3A : memref<!tpu.dma_semaphore, #tpu.memory_space<semaphore_mem>>) src(%arg9 : memref<640x64xf32, #tpu.memory_space<vmem>>) dst(%dma_wait3A_48 : memref<640x64xf32, #tpu.memory_space<vmem_shared>>)
      tpu.yield
    }) : () -> ()
    %barrier3A = arith.constant 0 : index
    tpu.barrier barrier_id(%barrier3A)
    %mul3A_9 = arith.constant 2432 : i32
    %mul3A_10 = arith.muli %add3A, %mul3A_9 : i32
    %add3A_11 = arith.constant 0 : i32
    %add3A_12 = arith.addi %mul3A_10, %add3A_11 : i32
    %add3A_13 = arith.constant 80000 : i32
    %add3A_14 = arith.addi %add3A_13, %add3A_12 : i32
    %dma_start3A = tpu.memref_slice %arg2[%add3A_14] : memref<160000xi32, #tpu.memory_space<hbm>> -> memref<128xi32, #tpu.memory_space<hbm>>
    %dma_start3A_15 = tpu.memref_slice %arg2[%add3A_14] : memref<160000xi32, #tpu.memory_space<hbm>> -> memref<128xi32, #tpu.memory_space<hbm>>
    tpu.enqueue_dma source(%dma_start3A_15 : memref<128xi32, #tpu.memory_space<hbm>>) target(%arg5 : memref<128xi32, #tpu.memory_space<vmem>>) target_semaphore(%arg11 : memref<!tpu.dma_semaphore, #tpu.memory_space<semaphore_mem>>)
    %dma_start3A_16 = arith.constant 0 : i32
    %dma_start3A_17 = tpu.memref_slice %arg3[%add3A_12, %dma_start3A_16] : memref<80000x64xf32, #tpu.memory_space<hbm>> -> memref<128x64xf32, #tpu.memory_space<hbm>>
    %dma_start3A_18 = arith.constant 0 : i32
    %dma_start3A_19 = tpu.memref_slice %arg3[%add3A_12, %dma_start3A_18] : memref<80000x64xf32, #tpu.memory_space<hbm>> -> memref<128x64xf32, #tpu.memory_space<hbm>>
    tpu.enqueue_dma source(%dma_start3A_19 : memref<128x64xf32, #tpu.memory_space<hbm>>) target(%arg7 : memref<128x64xf32, #tpu.memory_space<vmem>>) target_semaphore(%arg11 : memref<!tpu.dma_semaphore, #tpu.memory_space<semaphore_mem>>)
    %scan3A_20 = arith.constant 0 : i32
    %scan3A_21 = arith.constant 0 : i32
    %scan3A_22 = arith.constant 9 : i32
    %scan3A_23 = arith.addi %scan3A_21, %scan3A_22 : i32
    %scan3A_24 = arith.constant 1 : i32
    %scan3A_25 = scf.for %scan3A_41 = %scan3A_21 to %scan3A_23 step %scan3A_24 iter_args(%scan3A_42 = %scan3A_20) -> (i32)  : i32 {
      %mul3A_43 = arith.constant 2 : i32
      %mul3A_44 = arith.muli %mul3A_43, %scan3A_41 : i32
      %add3A_45 = arith.constant 1 : i32
      %add3A_46 = arith.addi %mul3A_44, %add3A_45 : i32
      %mul3A_47 = arith.constant 128 : i32
      %mul3A_48 = arith.muli %add3A_46, %mul3A_47 : i32
      %add3A_49 = arith.addi %mul3A_10, %mul3A_48 : i32
      %add3A_50 = arith.constant 80000 : i32
      %add3A_51 = arith.addi %add3A_50, %add3A_49 : i32
      %dma_start3A_52 = tpu.memref_slice %arg2[%add3A_51] : memref<160000xi32, #tpu.memory_space<hbm>> -> memref<128xi32, #tpu.memory_space<hbm>>
      %dma_start3A_53 = tpu.memref_slice %arg2[%add3A_51] : memref<160000xi32, #tpu.memory_space<hbm>> -> memref<128xi32, #tpu.memory_space<hbm>>
      tpu.enqueue_dma source(%dma_start3A_53 : memref<128xi32, #tpu.memory_space<hbm>>) target(%arg6 : memref<128xi32, #tpu.memory_space<vmem>>) target_semaphore(%arg12 : memref<!tpu.dma_semaphore, #tpu.memory_space<semaphore_mem>>)
      %dma_start3A_54 = arith.constant 0 : i32
      %dma_start3A_55 = tpu.memref_slice %arg3[%add3A_49, %dma_start3A_54] : memref<80000x64xf32, #tpu.memory_space<hbm>> -> memref<128x64xf32, #tpu.memory_space<hbm>>
      %dma_start3A_56 = arith.constant 0 : i32
      %dma_start3A_57 = tpu.memref_slice %arg3[%add3A_49, %dma_start3A_56] : memref<80000x64xf32, #tpu.memory_space<hbm>> -> memref<128x64xf32, #tpu.memory_space<hbm>>
      tpu.enqueue_dma source(%dma_start3A_57 : memref<128x64xf32, #tpu.memory_space<hbm>>) target(%arg8 : memref<128x64xf32, #tpu.memory_space<vmem>>) target_semaphore(%arg12 : memref<!tpu.dma_semaphore, #tpu.memory_space<semaphore_mem>>)
      %mul3A_58 = arith.constant 128 : i32
      %mul3A_59 = arith.muli %mul3A_44, %mul3A_58 : i32
      %add3A_60 = arith.addi %mul3A_10, %mul3A_59 : i32
      %add3A_61 = arith.constant 80000 : i32
      %add3A_62 = arith.addi %add3A_61, %add3A_60 : i32
      %dma_wait3A_63 = tpu.memref_slice %arg2[%add3A_62] : memref<160000xi32, #tpu.memory_space<hbm>> -> memref<128xi32, #tpu.memory_space<hbm>>
      %dma_wait3A_64 = tpu.memref_slice %arg2[%add3A_62] : memref<160000xi32, #tpu.memory_space<hbm>> -> memref<128xi32, #tpu.memory_space<hbm>>
      tpu.wait_dma2 semaphore(%arg11 : memref<!tpu.dma_semaphore, #tpu.memory_space<semaphore_mem>>) src(%dma_wait3A_64 : memref<128xi32, #tpu.memory_space<hbm>>) dst(%arg5 : memref<128xi32, #tpu.memory_space<vmem>>)
      %dma_wait3A_65 = arith.constant 0 : i32
      %dma_wait3A_66 = tpu.memref_slice %arg3[%add3A_60, %dma_wait3A_65] : memref<80000x64xf32, #tpu.memory_space<hbm>> -> memref<128x64xf32, #tpu.memory_space<hbm>>
      %dma_wait3A_67 = arith.constant 0 : i32
      %dma_wait3A_68 = tpu.memref_slice %arg3[%add3A_60, %dma_wait3A_67] : memref<80000x64xf32, #tpu.memory_space<hbm>> -> memref<128x64xf32, #tpu.memory_space<hbm>>
      tpu.wait_dma2 semaphore(%arg11 : memref<!tpu.dma_semaphore, #tpu.memory_space<semaphore_mem>>) src(%dma_wait3A_68 : memref<128x64xf32, #tpu.memory_space<hbm>>) dst(%arg7 : memref<128x64xf32, #tpu.memory_space<vmem>>)
      "tpu.region"() ({
        %run_scoped3A = tpu.sem_alloc : memref<!tpu.dma_semaphore, #tpu.memory_space<semaphore_mem>>
        %dma_start3A_96 = arith.constant 0 : i32
        %dma_start3A_97 = arith.constant 0 : i32
        %dma_start3A_98 = tpu.memref_slice %arg10[%dma_start3A_96, %dma_start3A_97] : memref<10240x64xf32, #tpu.memory_space<vmem_shared>> -> memref<10240x64xf32, #tpu.memory_space<vmem_shared>>
        tpu.enqueue_indirect_dma source(%arg7 : memref<128x64xf32, #tpu.memory_space<vmem>>) target(%dma_start3A_98 : memref<10240x64xf32, #tpu.memory_space<vmem_shared>>) offsets(%arg5 : memref<128xi32, #tpu.memory_space<vmem>>) semaphore(%run_scoped3A : memref<!tpu.dma_semaphore, #tpu.memory_space<semaphore_mem>>) {add = true}
        %dma_wait3A_99 = arith.constant 0 : i32
        %dma_wait3A_100 = arith.constant 0 : i32
        %dma_wait3A_101 = tpu.memref_slice %arg10[%dma_wait3A_99, %dma_wait3A_100] : memref<10240x64xf32, #tpu.memory_space<vmem_shared>> -> memref<10240x64xf32, #tpu.memory_space<vmem_shared>>
        tpu.wait_indirect_dma semaphore(%run_scoped3A : memref<!tpu.dma_semaphore, #tpu.memory_space<semaphore_mem>>) src(%arg7 : memref<128x64xf32, #tpu.memory_space<vmem>>) dst(%dma_wait3A_101 : memref<10240x64xf32, #tpu.memory_space<vmem_shared>>)
        tpu.yield
      }) : () -> ()
      %add3A_69 = arith.constant 2 : i32
      %add3A_70 = arith.addi %mul3A_44, %add3A_69 : i32
      %mul3A_71 = arith.constant 128 : i32
      %mul3A_72 = arith.muli %add3A_70, %mul3A_71 : i32
      %add3A_73 = arith.addi %mul3A_10, %mul3A_72 : i32
      %add3A_74 = arith.constant 80000 : i32
      %add3A_75 = arith.addi %add3A_74, %add3A_73 : i32
      %dma_start3A_76 = tpu.memref_slice %arg2[%add3A_75] : memref<160000xi32, #tpu.memory_space<hbm>> -> memref<128xi32, #tpu.memory_space<hbm>>
      %dma_start3A_77 = tpu.memref_slice %arg2[%add3A_75] : memref<160000xi32, #tpu.memory_space<hbm>> -> memref<128xi32, #tpu.memory_space<hbm>>
      tpu.enqueue_dma source(%dma_start3A_77 : memref<128xi32, #tpu.memory_space<hbm>>) target(%arg5 : memref<128xi32, #tpu.memory_space<vmem>>) target_semaphore(%arg11 : memref<!tpu.dma_semaphore, #tpu.memory_space<semaphore_mem>>)
      %dma_start3A_78 = arith.constant 0 : i32
      %dma_start3A_79 = tpu.memref_slice %arg3[%add3A_73, %dma_start3A_78] : memref<80000x64xf32, #tpu.memory_space<hbm>> -> memref<128x64xf32, #tpu.memory_space<hbm>>
      %dma_start3A_80 = arith.constant 0 : i32
      %dma_start3A_81 = tpu.memref_slice %arg3[%add3A_73, %dma_start3A_80] : memref<80000x64xf32, #tpu.memory_space<hbm>> -> memref<128x64xf32, #tpu.memory_space<hbm>>
      tpu.enqueue_dma source(%dma_start3A_81 : memref<128x64xf32, #tpu.memory_space<hbm>>) target(%arg7 : memref<128x64xf32, #tpu.memory_space<vmem>>) target_semaphore(%arg11 : memref<!tpu.dma_semaphore, #tpu.memory_space<semaphore_mem>>)
      %add3A_82 = arith.constant 1 : i32
      %add3A_83 = arith.addi %mul3A_44, %add3A_82 : i32
      %mul3A_84 = arith.constant 128 : i32
      %mul3A_85 = arith.muli %add3A_83, %mul3A_84 : i32
      %add3A_86 = arith.addi %mul3A_10, %mul3A_85 : i32
      %add3A_87 = arith.constant 80000 : i32
      %add3A_88 = arith.addi %add3A_87, %add3A_86 : i32
      %dma_wait3A_89 = tpu.memref_slice %arg2[%add3A_88] : memref<160000xi32, #tpu.memory_space<hbm>> -> memref<128xi32, #tpu.memory_space<hbm>>
      %dma_wait3A_90 = tpu.memref_slice %arg2[%add3A_88] : memref<160000xi32, #tpu.memory_space<hbm>> -> memref<128xi32, #tpu.memory_space<hbm>>
      tpu.wait_dma2 semaphore(%arg12 : memref<!tpu.dma_semaphore, #tpu.memory_space<semaphore_mem>>) src(%dma_wait3A_90 : memref<128xi32, #tpu.memory_space<hbm>>) dst(%arg6 : memref<128xi32, #tpu.memory_space<vmem>>)
      %dma_wait3A_91 = arith.constant 0 : i32
      %dma_wait3A_92 = tpu.memref_slice %arg3[%add3A_86, %dma_wait3A_91] : memref<80000x64xf32, #tpu.memory_space<hbm>> -> memref<128x64xf32, #tpu.memory_space<hbm>>
      %dma_wait3A_93 = arith.constant 0 : i32
      %dma_wait3A_94 = tpu.memref_slice %arg3[%add3A_86, %dma_wait3A_93] : memref<80000x64xf32, #tpu.memory_space<hbm>> -> memref<128x64xf32, #tpu.memory_space<hbm>>
      tpu.wait_dma2 semaphore(%arg12 : memref<!tpu.dma_semaphore, #tpu.memory_space<semaphore_mem>>) src(%dma_wait3A_94 : memref<128x64xf32, #tpu.memory_space<hbm>>) dst(%arg8 : memref<128x64xf32, #tpu.memory_space<vmem>>)
      "tpu.region"() ({
        %run_scoped3A = tpu.sem_alloc : memref<!tpu.dma_semaphore, #tpu.memory_space<semaphore_mem>>
        %dma_start3A_96 = arith.constant 0 : i32
        %dma_start3A_97 = arith.constant 0 : i32
        %dma_start3A_98 = tpu.memref_slice %arg10[%dma_start3A_96, %dma_start3A_97] : memref<10240x64xf32, #tpu.memory_space<vmem_shared>> -> memref<10240x64xf32, #tpu.memory_space<vmem_shared>>
        tpu.enqueue_indirect_dma source(%arg8 : memref<128x64xf32, #tpu.memory_space<vmem>>) target(%dma_start3A_98 : memref<10240x64xf32, #tpu.memory_space<vmem_shared>>) offsets(%arg6 : memref<128xi32, #tpu.memory_space<vmem>>) semaphore(%run_scoped3A : memref<!tpu.dma_semaphore, #tpu.memory_space<semaphore_mem>>) {add = true}
        %dma_wait3A_99 = arith.constant 0 : i32
        %dma_wait3A_100 = arith.constant 0 : i32
        %dma_wait3A_101 = tpu.memref_slice %arg10[%dma_wait3A_99, %dma_wait3A_100] : memref<10240x64xf32, #tpu.memory_space<vmem_shared>> -> memref<10240x64xf32, #tpu.memory_space<vmem_shared>>
        tpu.wait_indirect_dma semaphore(%run_scoped3A : memref<!tpu.dma_semaphore, #tpu.memory_space<semaphore_mem>>) src(%arg8 : memref<128x64xf32, #tpu.memory_space<vmem>>) dst(%dma_wait3A_101 : memref<10240x64xf32, #tpu.memory_space<vmem_shared>>)
        tpu.yield
      }) : () -> ()
      %scan3A_95 = arith.constant 0 : i32
      scf.yield %scan3A_95 : i32
    }
    %scan3A_26 = arith.constant 9 : i32
    %add3A_27 = arith.constant 2304 : i32
    %add3A_28 = arith.addi %mul3A_10, %add3A_27 : i32
    %add3A_29 = arith.constant 80000 : i32
    %add3A_30 = arith.addi %add3A_29, %add3A_28 : i32
    %dma_wait3A = tpu.memref_slice %arg2[%add3A_30] : memref<160000xi32, #tpu.memory_space<hbm>> -> memref<128xi32, #tpu.memory_space<hbm>>
    %dma_wait3A_31 = tpu.memref_slice %arg2[%add3A_30] : memref<160000xi32, #tpu.memory_space<hbm>> -> memref<128xi32, #tpu.memory_space<hbm>>
    tpu.wait_dma2 semaphore(%arg11 : memref<!tpu.dma_semaphore, #tpu.memory_space<semaphore_mem>>) src(%dma_wait3A_31 : memref<128xi32, #tpu.memory_space<hbm>>) dst(%arg5 : memref<128xi32, #tpu.memory_space<vmem>>)
    %dma_wait3A_32 = arith.constant 0 : i32
    %dma_wait3A_33 = tpu.memref_slice %arg3[%add3A_28, %dma_wait3A_32] : memref<80000x64xf32, #tpu.memory_space<hbm>> -> memref<128x64xf32, #tpu.memory_space<hbm>>
    %dma_wait3A_34 = arith.constant 0 : i32
    %dma_wait3A_35 = tpu.memref_slice %arg3[%add3A_28, %dma_wait3A_34] : memref<80000x64xf32, #tpu.memory_space<hbm>> -> memref<128x64xf32, #tpu.memory_space<hbm>>
    tpu.wait_dma2 semaphore(%arg11 : memref<!tpu.dma_semaphore, #tpu.memory_space<semaphore_mem>>) src(%dma_wait3A_35 : memref<128x64xf32, #tpu.memory_space<hbm>>) dst(%arg7 : memref<128x64xf32, #tpu.memory_space<vmem>>)
    "tpu.region"() ({
      %run_scoped3A = tpu.sem_alloc : memref<!tpu.dma_semaphore, #tpu.memory_space<semaphore_mem>>
      %dma_start3A_41 = arith.constant 0 : i32
      %dma_start3A_42 = arith.constant 0 : i32
      %dma_start3A_43 = tpu.memref_slice %arg10[%dma_start3A_41, %dma_start3A_42] : memref<10240x64xf32, #tpu.memory_space<vmem_shared>> -> memref<10240x64xf32, #tpu.memory_space<vmem_shared>>
      tpu.enqueue_indirect_dma source(%arg7 : memref<128x64xf32, #tpu.memory_space<vmem>>) target(%dma_start3A_43 : memref<10240x64xf32, #tpu.memory_space<vmem_shared>>) offsets(%arg5 : memref<128xi32, #tpu.memory_space<vmem>>) semaphore(%run_scoped3A : memref<!tpu.dma_semaphore, #tpu.memory_space<semaphore_mem>>) {add = true}
      %dma_wait3A_44 = arith.constant 0 : i32
      %dma_wait3A_45 = arith.constant 0 : i32
      %dma_wait3A_46 = tpu.memref_slice %arg10[%dma_wait3A_44, %dma_wait3A_45] : memref<10240x64xf32, #tpu.memory_space<vmem_shared>> -> memref<10240x64xf32, #tpu.memory_space<vmem_shared>>
      tpu.wait_indirect_dma semaphore(%run_scoped3A : memref<!tpu.dma_semaphore, #tpu.memory_space<semaphore_mem>>) src(%arg7 : memref<128x64xf32, #tpu.memory_space<vmem>>) dst(%dma_wait3A_46 : memref<10240x64xf32, #tpu.memory_space<vmem_shared>>)
      tpu.yield
    }) : () -> ()
    %lt3A = arith.constant 17 : i32
    %lt3A_36 = arith.cmpi slt, %add3A, %lt3A : i32
    %convert_element_type3A = arith.extui %lt3A_36 : i1 to i32
    %cond3A = arith.constant 0 : i32
    %cond3A_37 = arith.cmpi ne, %convert_element_type3A, %cond3A : i32
    scf.if %cond3A_37 {
      %mul3A_41 = arith.constant 128 : i32
      %mul3A_42 = arith.muli %add3A, %mul3A_41 : i32
      %add3A_43 = arith.constant 77824 : i32
      %add3A_44 = arith.addi %add3A_43, %mul3A_42 : i32
      %add3A_45 = arith.constant 80000 : i32
      %add3A_46 = arith.addi %add3A_45, %add3A_44 : i32
      "tpu.region"() ({
        %run_scoped3A = tpu.sem_alloc : memref<!tpu.dma_semaphore, #tpu.memory_space<semaphore_mem>>
        %dma_start3A_47 = tpu.memref_slice %arg2[%add3A_46] : memref<160000xi32, #tpu.memory_space<hbm>> -> memref<128xi32, #tpu.memory_space<hbm>>
        %dma_start3A_48 = tpu.memref_slice %arg2[%add3A_46] : memref<160000xi32, #tpu.memory_space<hbm>> -> memref<128xi32, #tpu.memory_space<hbm>>
        tpu.enqueue_dma source(%dma_start3A_48 : memref<128xi32, #tpu.memory_space<hbm>>) target(%arg5 : memref<128xi32, #tpu.memory_space<vmem>>) target_semaphore(%run_scoped3A : memref<!tpu.dma_semaphore, #tpu.memory_space<semaphore_mem>>)
        %dma_wait3A_49 = tpu.memref_slice %arg2[%add3A_46] : memref<160000xi32, #tpu.memory_space<hbm>> -> memref<128xi32, #tpu.memory_space<hbm>>
        %dma_wait3A_50 = tpu.memref_slice %arg2[%add3A_46] : memref<160000xi32, #tpu.memory_space<hbm>> -> memref<128xi32, #tpu.memory_space<hbm>>
        tpu.wait_dma2 semaphore(%run_scoped3A : memref<!tpu.dma_semaphore, #tpu.memory_space<semaphore_mem>>) src(%dma_wait3A_50 : memref<128xi32, #tpu.memory_space<hbm>>) dst(%arg5 : memref<128xi32, #tpu.memory_space<vmem>>)
        tpu.yield
      }) : () -> ()
      "tpu.region"() ({
        %run_scoped3A = tpu.sem_alloc : memref<!tpu.dma_semaphore, #tpu.memory_space<semaphore_mem>>
        %dma_start3A_47 = arith.constant 0 : i32
        %dma_start3A_48 = tpu.memref_slice %arg3[%add3A_44, %dma_start3A_47] : memref<80000x64xf32, #tpu.memory_space<hbm>> -> memref<128x64xf32, #tpu.memory_space<hbm>>
        %dma_start3A_49 = arith.constant 0 : i32
        %dma_start3A_50 = tpu.memref_slice %arg3[%add3A_44, %dma_start3A_49] : memref<80000x64xf32, #tpu.memory_space<hbm>> -> memref<128x64xf32, #tpu.memory_space<hbm>>
        tpu.enqueue_dma source(%dma_start3A_50 : memref<128x64xf32, #tpu.memory_space<hbm>>) target(%arg7 : memref<128x64xf32, #tpu.memory_space<vmem>>) target_semaphore(%run_scoped3A : memref<!tpu.dma_semaphore, #tpu.memory_space<semaphore_mem>>)
        %dma_wait3A_51 = arith.constant 0 : i32
        %dma_wait3A_52 = tpu.memref_slice %arg3[%add3A_44, %dma_wait3A_51] : memref<80000x64xf32, #tpu.memory_space<hbm>> -> memref<128x64xf32, #tpu.memory_space<hbm>>
        %dma_wait3A_53 = arith.constant 0 : i32
        %dma_wait3A_54 = tpu.memref_slice %arg3[%add3A_44, %dma_wait3A_53] : memref<80000x64xf32, #tpu.memory_space<hbm>> -> memref<128x64xf32, #tpu.memory_space<hbm>>
        tpu.wait_dma2 semaphore(%run_scoped3A : memref<!tpu.dma_semaphore, #tpu.memory_space<semaphore_mem>>) src(%dma_wait3A_54 : memref<128x64xf32, #tpu.memory_space<hbm>>) dst(%arg7 : memref<128x64xf32, #tpu.memory_space<vmem>>)
        tpu.yield
      }) : () -> ()
      "tpu.region"() ({
        %run_scoped3A = tpu.sem_alloc : memref<!tpu.dma_semaphore, #tpu.memory_space<semaphore_mem>>
        %dma_start3A_47 = arith.constant 0 : i32
        %dma_start3A_48 = arith.constant 0 : i32
        %dma_start3A_49 = tpu.memref_slice %arg10[%dma_start3A_47, %dma_start3A_48] : memref<10240x64xf32, #tpu.memory_space<vmem_shared>> -> memref<10240x64xf32, #tpu.memory_space<vmem_shared>>
        tpu.enqueue_indirect_dma source(%arg7 : memref<128x64xf32, #tpu.memory_space<vmem>>) target(%dma_start3A_49 : memref<10240x64xf32, #tpu.memory_space<vmem_shared>>) offsets(%arg5 : memref<128xi32, #tpu.memory_space<vmem>>) semaphore(%run_scoped3A : memref<!tpu.dma_semaphore, #tpu.memory_space<semaphore_mem>>) {add = true}
        %dma_wait3A_50 = arith.constant 0 : i32
        %dma_wait3A_51 = arith.constant 0 : i32
        %dma_wait3A_52 = tpu.memref_slice %arg10[%dma_wait3A_50, %dma_wait3A_51] : memref<10240x64xf32, #tpu.memory_space<vmem_shared>> -> memref<10240x64xf32, #tpu.memory_space<vmem_shared>>
        tpu.wait_indirect_dma semaphore(%run_scoped3A : memref<!tpu.dma_semaphore, #tpu.memory_space<semaphore_mem>>) src(%arg7 : memref<128x64xf32, #tpu.memory_space<vmem>>) dst(%dma_wait3A_52 : memref<10240x64xf32, #tpu.memory_space<vmem_shared>>)
        tpu.yield
      }) : () -> ()
    } else {
    }
    %barrier3A_38 = arith.constant 0 : index
    tpu.barrier barrier_id(%barrier3A_38)
    %mul3A_39 = arith.constant 640 : i32
    %mul3A_40 = arith.muli %arg1, %mul3A_39 : i32
    "tpu.region"() ({
      %run_scoped3A = tpu.sem_alloc : memref<!tpu.dma_semaphore, #tpu.memory_space<semaphore_mem>>
      %dma_start3A_41 = arith.constant 0 : i32
      %dma_start3A_42 = tpu.memref_slice %arg10[%mul3A_40, %dma_start3A_41] : memref<10240x64xf32, #tpu.memory_space<vmem_shared>> -> memref<640x64xf32, #tpu.memory_space<vmem_shared>>
      %dma_start3A_43 = arith.constant 0 : i32
      %dma_start3A_44 = tpu.memref_slice %arg10[%mul3A_40, %dma_start3A_43] : memref<10240x64xf32, #tpu.memory_space<vmem_shared>> -> memref<640x64xf32, #tpu.memory_space<vmem_shared>>
      tpu.enqueue_dma source(%dma_start3A_44 : memref<640x64xf32, #tpu.memory_space<vmem_shared>>) target(%arg9 : memref<640x64xf32, #tpu.memory_space<vmem>>) target_semaphore(%run_scoped3A : memref<!tpu.dma_semaphore, #tpu.memory_space<semaphore_mem>>)
      %dma_wait3A_45 = arith.constant 0 : i32
      %dma_wait3A_46 = tpu.memref_slice %arg10[%mul3A_40, %dma_wait3A_45] : memref<10240x64xf32, #tpu.memory_space<vmem_shared>> -> memref<640x64xf32, #tpu.memory_space<vmem_shared>>
      %dma_wait3A_47 = arith.constant 0 : i32
      %dma_wait3A_48 = tpu.memref_slice %arg10[%mul3A_40, %dma_wait3A_47] : memref<10240x64xf32, #tpu.memory_space<vmem_shared>> -> memref<640x64xf32, #tpu.memory_space<vmem_shared>>
      tpu.wait_dma2 semaphore(%run_scoped3A : memref<!tpu.dma_semaphore, #tpu.memory_space<semaphore_mem>>) src(%dma_wait3A_48 : memref<640x64xf32, #tpu.memory_space<vmem_shared>>) dst(%arg9 : memref<640x64xf32, #tpu.memory_space<vmem>>)
      tpu.yield
    }) : () -> ()
    "tpu.region"() ({
      %run_scoped3A = tpu.sem_alloc : memref<!tpu.dma_semaphore, #tpu.memory_space<semaphore_mem>>
      %dma_start3A_41 = arith.constant 0 : i32
      %dma_start3A_42 = arith.constant 0 : i32
      %dma_start3A_43 = tpu.memref_slice %arg4[%add3A, %dma_start3A_41, %dma_start3A_42] : memref<32x640x64xf32, #tpu.memory_space<hbm>> -> memref<1x640x64xf32, #tpu.memory_space<hbm>>
      %dma_start3A_44 = tpu.memref_squeeze %dma_start3A_43 : memref<1x640x64xf32, #tpu.memory_space<hbm>> -> memref<640x64xf32, #tpu.memory_space<hbm>>
      %dma_start3A_45 = arith.constant 0 : i32
      %dma_start3A_46 = arith.constant 0 : i32
      %dma_start3A_47 = tpu.memref_slice %arg4[%add3A, %dma_start3A_45, %dma_start3A_46] : memref<32x640x64xf32, #tpu.memory_space<hbm>> -> memref<1x640x64xf32, #tpu.memory_space<hbm>>
      %dma_start3A_48 = tpu.memref_squeeze %dma_start3A_47 : memref<1x640x64xf32, #tpu.memory_space<hbm>> -> memref<640x64xf32, #tpu.memory_space<hbm>>
      tpu.enqueue_dma source(%arg9 : memref<640x64xf32, #tpu.memory_space<vmem>>) target(%dma_start3A_48 : memref<640x64xf32, #tpu.memory_space<hbm>>) target_semaphore(%run_scoped3A : memref<!tpu.dma_semaphore, #tpu.memory_space<semaphore_mem>>)
      %dma_wait3A_49 = arith.constant 0 : i32
      %dma_wait3A_50 = arith.constant 0 : i32
      %dma_wait3A_51 = tpu.memref_slice %arg4[%add3A, %dma_wait3A_49, %dma_wait3A_50] : memref<32x640x64xf32, #tpu.memory_space<hbm>> -> memref<1x640x64xf32, #tpu.memory_space<hbm>>
      %dma_wait3A_52 = tpu.memref_squeeze %dma_wait3A_51 : memref<1x640x64xf32, #tpu.memory_space<hbm>> -> memref<640x64xf32, #tpu.memory_space<hbm>>
      %dma_wait3A_53 = arith.constant 0 : i32
      %dma_wait3A_54 = arith.constant 0 : i32
      %dma_wait3A_55 = tpu.memref_slice %arg4[%add3A, %dma_wait3A_53, %dma_wait3A_54] : memref<32x640x64xf32, #tpu.memory_space<hbm>> -> memref<1x640x64xf32, #tpu.memory_space<hbm>>
      %dma_wait3A_56 = tpu.memref_squeeze %dma_wait3A_55 : memref<1x640x64xf32, #tpu.memory_space<hbm>> -> memref<640x64xf32, #tpu.memory_space<hbm>>
      tpu.wait_dma2 semaphore(%run_scoped3A : memref<!tpu.dma_semaphore, #tpu.memory_space<semaphore_mem>>) src(%arg9 : memref<640x64xf32, #tpu.memory_space<vmem>>) dst(%dma_wait3A_56 : memref<640x64xf32, #tpu.memory_space<hbm>>)
      tpu.yield
    }) : () -> ()
    return
  }
}

module attributes {stable_mosaic.version = 14 : i64} {
  func.func @_edge_msg_body(%arg0: i32, %arg1: memref<1x3200xf32, #tpu.memory_space<vmem>>, %arg2: memref<1x3200xf32, #tpu.memory_space<vmem>>, %arg3: memref<5x3200xf32, #tpu.memory_space<vmem>>, %arg4: memref<3200x16xf32, #tpu.memory_space<vmem>>, %arg5: memref<320x64xf32, #tpu.memory_space<vmem>>, %arg6: memref<3200x64xf32, #tpu.memory_space<vmem>>) attributes {dimension_semantics = [#tpu.dimension_semantics<arbitrary>], iteration_bounds = array<i64: 25>, scalar_prefetch = 0 : i64, scratch_operands = 0 : i64, tpu.core_type = #tpu.core_type<tc>, window_params = [{transform_indices = @transform_0, window_bounds = array<i64: 1, 3200>}, {transform_indices = @transform_1, window_bounds = array<i64: 1, 3200>}, {transform_indices = @transform_2, window_bounds = array<i64: 5, 3200>}, {transform_indices = @transform_3, window_bounds = array<i64: 3200, 16>}, {pipeline_mode = #tpu.pipeline_mode<synchronous>, transform_indices = @transform_4, window_bounds = array<i64: 320, 64>}, {transform_indices = @transform_5, window_bounds = array<i64: 3200, 64>}]} {
    %get3A = arith.constant 0 : index
    %get3A_0 = arith.constant 0 : index
    %get3A_1 = vector.load %arg1[%get3A, %get3A_0] : memref<1x3200xf32, #tpu.memory_space<vmem>>, vector<1x3200xf32>
    %get3A_2 = arith.constant 0 : index
    %get3A_3 = arith.constant 0 : index
    %get3A_4 = vector.load %arg2[%get3A_2, %get3A_3] : memref<1x3200xf32, #tpu.memory_space<vmem>>, vector<1x3200xf32>
    %mul3A = arith.constant 0.628318548 : f32
    %mul3A_5 = vector.broadcast %mul3A : f32 to vector<1x3200xf32>
    %mul3A_6 = arith.mulf %mul3A_5, %get3A_1 : vector<1x3200xf32>
    %sin3A = math.sin %mul3A_6 : vector<1x3200xf32>
    %cos3A = math.cos %mul3A_6 : vector<1x3200xf32>
    %mul3A_7 = arith.constant 2.000000e+00 : f32
    %mul3A_8 = vector.broadcast %mul3A_7 : f32 to vector<1x3200xf32>
    %mul3A_9 = arith.mulf %mul3A_8, %cos3A : vector<1x3200xf32>
    %sqrt3A = arith.constant 4.000000e-01 : f32
    %sqrt3A_10 = math.sqrt %sqrt3A : f32
    %mul3A_11 = vector.broadcast %sqrt3A_10 : f32 to vector<1x3200xf32>
    %mul3A_12 = arith.mulf %mul3A_11, %get3A_4 : vector<1x3200xf32>
    %div3A = arith.divf %mul3A_12, %get3A_1 : vector<1x3200xf32>
    %mul3A_13 = arith.mulf %mul3A_9, %sin3A : vector<1x3200xf32>
    %mul3A_14 = arith.mulf %mul3A_9, %mul3A_13 : vector<1x3200xf32>
    %sub3A = arith.subf %mul3A_14, %sin3A : vector<1x3200xf32>
    %mul3A_15 = arith.mulf %mul3A_9, %sub3A : vector<1x3200xf32>
    %sub3A_16 = arith.subf %mul3A_15, %mul3A_13 : vector<1x3200xf32>
    %mul3A_17 = arith.mulf %mul3A_9, %sub3A_16 : vector<1x3200xf32>
    %sub3A_18 = arith.subf %mul3A_17, %sub3A : vector<1x3200xf32>
    %mul3A_19 = arith.mulf %mul3A_9, %sub3A_18 : vector<1x3200xf32>
    %sub3A_20 = arith.subf %mul3A_19, %sub3A_16 : vector<1x3200xf32>
    %mul3A_21 = arith.mulf %mul3A_9, %sub3A_20 : vector<1x3200xf32>
    %sub3A_22 = arith.subf %mul3A_21, %sub3A_18 : vector<1x3200xf32>
    %mul3A_23 = arith.mulf %mul3A_9, %sub3A_22 : vector<1x3200xf32>
    %sub3A_24 = arith.subf %mul3A_23, %sub3A_20 : vector<1x3200xf32>
    %get3A_25 = arith.constant 0 : index
    %get3A_26 = arith.constant 0 : index
    %get3A_27 = vector.load %arg4[%get3A_25, %get3A_26] : memref<3200x16xf32, #tpu.memory_space<vmem>>, vector<3200x16xf32>
    %transpose3A = tpu.transpose %get3A_27, [1, 0] : vector<3200x16xf32> -> vector<16x3200xf32>
    %slice3A = vector.extract_strided_slice %transpose3A {offsets = [8, 0], sizes = [8, 3200], strides = [1, 1]} : vector<16x3200xf32> to vector<8x3200xf32>
    %get3A_28 = arith.constant 0 : index
    %get3A_29 = arith.constant 0 : index
    %get3A_30 = vector.load %arg3[%get3A_28, %get3A_29] : memref<5x3200xf32, #tpu.memory_space<vmem>>, vector<5x3200xf32>
    %mul3A_31 = arith.mulf %div3A, %sin3A : vector<1x3200xf32>
    %slice3A_32 = vector.extract_strided_slice %get3A_30 {offsets = [0, 0], sizes = [1, 3200], strides = [1, 1]} : vector<5x3200xf32> to vector<1x3200xf32>
    %mul3A_33 = arith.mulf %mul3A_31, %slice3A_32 : vector<1x3200xf32>
    %mul3A_34 = vector.broadcast %mul3A_33 : vector<1x3200xf32> to vector<8x3200xf32>
    %mul3A_35 = arith.mulf %mul3A_34, %slice3A : vector<8x3200xf32>
    %slice3A_36 = vector.extract_strided_slice %get3A_30 {offsets = [1, 0], sizes = [1, 3200], strides = [1, 1]} : vector<5x3200xf32> to vector<1x3200xf32>
    %mul3A_37 = arith.mulf %mul3A_31, %slice3A_36 : vector<1x3200xf32>
    %mul3A_38 = vector.broadcast %mul3A_37 : vector<1x3200xf32> to vector<8x3200xf32>
    %mul3A_39 = arith.mulf %mul3A_38, %slice3A : vector<8x3200xf32>
    %slice3A_40 = vector.extract_strided_slice %get3A_30 {offsets = [2, 0], sizes = [1, 3200], strides = [1, 1]} : vector<5x3200xf32> to vector<1x3200xf32>
    %mul3A_41 = arith.mulf %mul3A_31, %slice3A_40 : vector<1x3200xf32>
    %mul3A_42 = vector.broadcast %mul3A_41 : vector<1x3200xf32> to vector<8x3200xf32>
    %mul3A_43 = arith.mulf %mul3A_42, %slice3A : vector<8x3200xf32>
    %slice3A_44 = vector.extract_strided_slice %get3A_30 {offsets = [3, 0], sizes = [1, 3200], strides = [1, 1]} : vector<5x3200xf32> to vector<1x3200xf32>
    %mul3A_45 = arith.mulf %mul3A_31, %slice3A_44 : vector<1x3200xf32>
    %mul3A_46 = vector.broadcast %mul3A_45 : vector<1x3200xf32> to vector<8x3200xf32>
    %mul3A_47 = arith.mulf %mul3A_46, %slice3A : vector<8x3200xf32>
    %slice3A_48 = vector.extract_strided_slice %get3A_30 {offsets = [4, 0], sizes = [1, 3200], strides = [1, 1]} : vector<5x3200xf32> to vector<1x3200xf32>
    %mul3A_49 = arith.mulf %mul3A_31, %slice3A_48 : vector<1x3200xf32>
    %mul3A_50 = vector.broadcast %mul3A_49 : vector<1x3200xf32> to vector<8x3200xf32>
    %mul3A_51 = arith.mulf %mul3A_50, %slice3A : vector<8x3200xf32>
    %mul3A_52 = arith.mulf %div3A, %mul3A_13 : vector<1x3200xf32>
    %slice3A_53 = vector.extract_strided_slice %get3A_30 {offsets = [0, 0], sizes = [1, 3200], strides = [1, 1]} : vector<5x3200xf32> to vector<1x3200xf32>
    %mul3A_54 = arith.mulf %mul3A_52, %slice3A_53 : vector<1x3200xf32>
    %mul3A_55 = vector.broadcast %mul3A_54 : vector<1x3200xf32> to vector<8x3200xf32>
    %mul3A_56 = arith.mulf %mul3A_55, %slice3A : vector<8x3200xf32>
    %slice3A_57 = vector.extract_strided_slice %get3A_30 {offsets = [1, 0], sizes = [1, 3200], strides = [1, 1]} : vector<5x3200xf32> to vector<1x3200xf32>
    %mul3A_58 = arith.mulf %mul3A_52, %slice3A_57 : vector<1x3200xf32>
    %mul3A_59 = vector.broadcast %mul3A_58 : vector<1x3200xf32> to vector<8x3200xf32>
    %mul3A_60 = arith.mulf %mul3A_59, %slice3A : vector<8x3200xf32>
    %slice3A_61 = vector.extract_strided_slice %get3A_30 {offsets = [2, 0], sizes = [1, 3200], strides = [1, 1]} : vector<5x3200xf32> to vector<1x3200xf32>
    %mul3A_62 = arith.mulf %mul3A_52, %slice3A_61 : vector<1x3200xf32>
    %mul3A_63 = vector.broadcast %mul3A_62 : vector<1x3200xf32> to vector<8x3200xf32>
    %mul3A_64 = arith.mulf %mul3A_63, %slice3A : vector<8x3200xf32>
    %slice3A_65 = vector.extract_strided_slice %get3A_30 {offsets = [3, 0], sizes = [1, 3200], strides = [1, 1]} : vector<5x3200xf32> to vector<1x3200xf32>
    %mul3A_66 = arith.mulf %mul3A_52, %slice3A_65 : vector<1x3200xf32>
    %mul3A_67 = vector.broadcast %mul3A_66 : vector<1x3200xf32> to vector<8x3200xf32>
    %mul3A_68 = arith.mulf %mul3A_67, %slice3A : vector<8x3200xf32>
    %slice3A_69 = vector.extract_strided_slice %get3A_30 {offsets = [4, 0], sizes = [1, 3200], strides = [1, 1]} : vector<5x3200xf32> to vector<1x3200xf32>
    %mul3A_70 = arith.mulf %mul3A_52, %slice3A_69 : vector<1x3200xf32>
    %mul3A_71 = vector.broadcast %mul3A_70 : vector<1x3200xf32> to vector<8x3200xf32>
    %mul3A_72 = arith.mulf %mul3A_71, %slice3A : vector<8x3200xf32>
    %mul3A_73 = arith.mulf %div3A, %sub3A : vector<1x3200xf32>
    %slice3A_74 = vector.extract_strided_slice %get3A_30 {offsets = [0, 0], sizes = [1, 3200], strides = [1, 1]} : vector<5x3200xf32> to vector<1x3200xf32>
    %mul3A_75 = arith.mulf %mul3A_73, %slice3A_74 : vector<1x3200xf32>
    %mul3A_76 = vector.broadcast %mul3A_75 : vector<1x3200xf32> to vector<8x3200xf32>
    %mul3A_77 = arith.mulf %mul3A_76, %slice3A : vector<8x3200xf32>
    %slice3A_78 = vector.extract_strided_slice %get3A_30 {offsets = [1, 0], sizes = [1, 3200], strides = [1, 1]} : vector<5x3200xf32> to vector<1x3200xf32>
    %mul3A_79 = arith.mulf %mul3A_73, %slice3A_78 : vector<1x3200xf32>
    %mul3A_80 = vector.broadcast %mul3A_79 : vector<1x3200xf32> to vector<8x3200xf32>
    %mul3A_81 = arith.mulf %mul3A_80, %slice3A : vector<8x3200xf32>
    %slice3A_82 = vector.extract_strided_slice %get3A_30 {offsets = [2, 0], sizes = [1, 3200], strides = [1, 1]} : vector<5x3200xf32> to vector<1x3200xf32>
    %mul3A_83 = arith.mulf %mul3A_73, %slice3A_82 : vector<1x3200xf32>
    %mul3A_84 = vector.broadcast %mul3A_83 : vector<1x3200xf32> to vector<8x3200xf32>
    %mul3A_85 = arith.mulf %mul3A_84, %slice3A : vector<8x3200xf32>
    %slice3A_86 = vector.extract_strided_slice %get3A_30 {offsets = [3, 0], sizes = [1, 3200], strides = [1, 1]} : vector<5x3200xf32> to vector<1x3200xf32>
    %mul3A_87 = arith.mulf %mul3A_73, %slice3A_86 : vector<1x3200xf32>
    %mul3A_88 = vector.broadcast %mul3A_87 : vector<1x3200xf32> to vector<8x3200xf32>
    %mul3A_89 = arith.mulf %mul3A_88, %slice3A : vector<8x3200xf32>
    %slice3A_90 = vector.extract_strided_slice %get3A_30 {offsets = [4, 0], sizes = [1, 3200], strides = [1, 1]} : vector<5x3200xf32> to vector<1x3200xf32>
    %mul3A_91 = arith.mulf %mul3A_73, %slice3A_90 : vector<1x3200xf32>
    %mul3A_92 = vector.broadcast %mul3A_91 : vector<1x3200xf32> to vector<8x3200xf32>
    %mul3A_93 = arith.mulf %mul3A_92, %slice3A : vector<8x3200xf32>
    %mul3A_94 = arith.mulf %div3A, %sub3A_16 : vector<1x3200xf32>
    %slice3A_95 = vector.extract_strided_slice %get3A_30 {offsets = [0, 0], sizes = [1, 3200], strides = [1, 1]} : vector<5x3200xf32> to vector<1x3200xf32>
    %mul3A_96 = arith.mulf %mul3A_94, %slice3A_95 : vector<1x3200xf32>
    %mul3A_97 = vector.broadcast %mul3A_96 : vector<1x3200xf32> to vector<8x3200xf32>
    %mul3A_98 = arith.mulf %mul3A_97, %slice3A : vector<8x3200xf32>
    %slice3A_99 = vector.extract_strided_slice %get3A_30 {offsets = [1, 0], sizes = [1, 3200], strides = [1, 1]} : vector<5x3200xf32> to vector<1x3200xf32>
    %mul3A_100 = arith.mulf %mul3A_94, %slice3A_99 : vector<1x3200xf32>
    %mul3A_101 = vector.broadcast %mul3A_100 : vector<1x3200xf32> to vector<8x3200xf32>
    %mul3A_102 = arith.mulf %mul3A_101, %slice3A : vector<8x3200xf32>
    %slice3A_103 = vector.extract_strided_slice %get3A_30 {offsets = [2, 0], sizes = [1, 3200], strides = [1, 1]} : vector<5x3200xf32> to vector<1x3200xf32>
    %mul3A_104 = arith.mulf %mul3A_94, %slice3A_103 : vector<1x3200xf32>
    %mul3A_105 = vector.broadcast %mul3A_104 : vector<1x3200xf32> to vector<8x3200xf32>
    %mul3A_106 = arith.mulf %mul3A_105, %slice3A : vector<8x3200xf32>
    %slice3A_107 = vector.extract_strided_slice %get3A_30 {offsets = [3, 0], sizes = [1, 3200], strides = [1, 1]} : vector<5x3200xf32> to vector<1x3200xf32>
    %mul3A_108 = arith.mulf %mul3A_94, %slice3A_107 : vector<1x3200xf32>
    %mul3A_109 = vector.broadcast %mul3A_108 : vector<1x3200xf32> to vector<8x3200xf32>
    %mul3A_110 = arith.mulf %mul3A_109, %slice3A : vector<8x3200xf32>
    %slice3A_111 = vector.extract_strided_slice %get3A_30 {offsets = [4, 0], sizes = [1, 3200], strides = [1, 1]} : vector<5x3200xf32> to vector<1x3200xf32>
    %mul3A_112 = arith.mulf %mul3A_94, %slice3A_111 : vector<1x3200xf32>
    %mul3A_113 = vector.broadcast %mul3A_112 : vector<1x3200xf32> to vector<8x3200xf32>
    %mul3A_114 = arith.mulf %mul3A_113, %slice3A : vector<8x3200xf32>
    %mul3A_115 = arith.mulf %div3A, %sub3A_18 : vector<1x3200xf32>
    %slice3A_116 = vector.extract_strided_slice %get3A_30 {offsets = [0, 0], sizes = [1, 3200], strides = [1, 1]} : vector<5x3200xf32> to vector<1x3200xf32>
    %mul3A_117 = arith.mulf %mul3A_115, %slice3A_116 : vector<1x3200xf32>
    %mul3A_118 = vector.broadcast %mul3A_117 : vector<1x3200xf32> to vector<8x3200xf32>
    %mul3A_119 = arith.mulf %mul3A_118, %slice3A : vector<8x3200xf32>
    %slice3A_120 = vector.extract_strided_slice %get3A_30 {offsets = [1, 0], sizes = [1, 3200], strides = [1, 1]} : vector<5x3200xf32> to vector<1x3200xf32>
    %mul3A_121 = arith.mulf %mul3A_115, %slice3A_120 : vector<1x3200xf32>
    %mul3A_122 = vector.broadcast %mul3A_121 : vector<1x3200xf32> to vector<8x3200xf32>
    %mul3A_123 = arith.mulf %mul3A_122, %slice3A : vector<8x3200xf32>
    %slice3A_124 = vector.extract_strided_slice %get3A_30 {offsets = [2, 0], sizes = [1, 3200], strides = [1, 1]} : vector<5x3200xf32> to vector<1x3200xf32>
    %mul3A_125 = arith.mulf %mul3A_115, %slice3A_124 : vector<1x3200xf32>
    %mul3A_126 = vector.broadcast %mul3A_125 : vector<1x3200xf32> to vector<8x3200xf32>
    %mul3A_127 = arith.mulf %mul3A_126, %slice3A : vector<8x3200xf32>
    %slice3A_128 = vector.extract_strided_slice %get3A_30 {offsets = [3, 0], sizes = [1, 3200], strides = [1, 1]} : vector<5x3200xf32> to vector<1x3200xf32>
    %mul3A_129 = arith.mulf %mul3A_115, %slice3A_128 : vector<1x3200xf32>
    %mul3A_130 = vector.broadcast %mul3A_129 : vector<1x3200xf32> to vector<8x3200xf32>
    %mul3A_131 = arith.mulf %mul3A_130, %slice3A : vector<8x3200xf32>
    %slice3A_132 = vector.extract_strided_slice %get3A_30 {offsets = [4, 0], sizes = [1, 3200], strides = [1, 1]} : vector<5x3200xf32> to vector<1x3200xf32>
    %mul3A_133 = arith.mulf %mul3A_115, %slice3A_132 : vector<1x3200xf32>
    %mul3A_134 = vector.broadcast %mul3A_133 : vector<1x3200xf32> to vector<8x3200xf32>
    %mul3A_135 = arith.mulf %mul3A_134, %slice3A : vector<8x3200xf32>
    %mul3A_136 = arith.mulf %div3A, %sub3A_20 : vector<1x3200xf32>
    %slice3A_137 = vector.extract_strided_slice %get3A_30 {offsets = [0, 0], sizes = [1, 3200], strides = [1, 1]} : vector<5x3200xf32> to vector<1x3200xf32>
    %mul3A_138 = arith.mulf %mul3A_136, %slice3A_137 : vector<1x3200xf32>
    %mul3A_139 = vector.broadcast %mul3A_138 : vector<1x3200xf32> to vector<8x3200xf32>
    %mul3A_140 = arith.mulf %mul3A_139, %slice3A : vector<8x3200xf32>
    %slice3A_141 = vector.extract_strided_slice %get3A_30 {offsets = [1, 0], sizes = [1, 3200], strides = [1, 1]} : vector<5x3200xf32> to vector<1x3200xf32>
    %mul3A_142 = arith.mulf %mul3A_136, %slice3A_141 : vector<1x3200xf32>
    %mul3A_143 = vector.broadcast %mul3A_142 : vector<1x3200xf32> to vector<8x3200xf32>
    %mul3A_144 = arith.mulf %mul3A_143, %slice3A : vector<8x3200xf32>
    %slice3A_145 = vector.extract_strided_slice %get3A_30 {offsets = [2, 0], sizes = [1, 3200], strides = [1, 1]} : vector<5x3200xf32> to vector<1x3200xf32>
    %mul3A_146 = arith.mulf %mul3A_136, %slice3A_145 : vector<1x3200xf32>
    %mul3A_147 = vector.broadcast %mul3A_146 : vector<1x3200xf32> to vector<8x3200xf32>
    %mul3A_148 = arith.mulf %mul3A_147, %slice3A : vector<8x3200xf32>
    %slice3A_149 = vector.extract_strided_slice %get3A_30 {offsets = [3, 0], sizes = [1, 3200], strides = [1, 1]} : vector<5x3200xf32> to vector<1x3200xf32>
    %mul3A_150 = arith.mulf %mul3A_136, %slice3A_149 : vector<1x3200xf32>
    %mul3A_151 = vector.broadcast %mul3A_150 : vector<1x3200xf32> to vector<8x3200xf32>
    %mul3A_152 = arith.mulf %mul3A_151, %slice3A : vector<8x3200xf32>
    %slice3A_153 = vector.extract_strided_slice %get3A_30 {offsets = [4, 0], sizes = [1, 3200], strides = [1, 1]} : vector<5x3200xf32> to vector<1x3200xf32>
    %mul3A_154 = arith.mulf %mul3A_136, %slice3A_153 : vector<1x3200xf32>
    %mul3A_155 = vector.broadcast %mul3A_154 : vector<1x3200xf32> to vector<8x3200xf32>
    %mul3A_156 = arith.mulf %mul3A_155, %slice3A : vector<8x3200xf32>
    %mul3A_157 = arith.mulf %div3A, %sub3A_22 : vector<1x3200xf32>
    %slice3A_158 = vector.extract_strided_slice %get3A_30 {offsets = [0, 0], sizes = [1, 3200], strides = [1, 1]} : vector<5x3200xf32> to vector<1x3200xf32>
    %mul3A_159 = arith.mulf %mul3A_157, %slice3A_158 : vector<1x3200xf32>
    %mul3A_160 = vector.broadcast %mul3A_159 : vector<1x3200xf32> to vector<8x3200xf32>
    %mul3A_161 = arith.mulf %mul3A_160, %slice3A : vector<8x3200xf32>
    %slice3A_162 = vector.extract_strided_slice %get3A_30 {offsets = [1, 0], sizes = [1, 3200], strides = [1, 1]} : vector<5x3200xf32> to vector<1x3200xf32>
    %mul3A_163 = arith.mulf %mul3A_157, %slice3A_162 : vector<1x3200xf32>
    %mul3A_164 = vector.broadcast %mul3A_163 : vector<1x3200xf32> to vector<8x3200xf32>
    %mul3A_165 = arith.mulf %mul3A_164, %slice3A : vector<8x3200xf32>
    %slice3A_166 = vector.extract_strided_slice %get3A_30 {offsets = [2, 0], sizes = [1, 3200], strides = [1, 1]} : vector<5x3200xf32> to vector<1x3200xf32>
    %mul3A_167 = arith.mulf %mul3A_157, %slice3A_166 : vector<1x3200xf32>
    %mul3A_168 = vector.broadcast %mul3A_167 : vector<1x3200xf32> to vector<8x3200xf32>
    %mul3A_169 = arith.mulf %mul3A_168, %slice3A : vector<8x3200xf32>
    %slice3A_170 = vector.extract_strided_slice %get3A_30 {offsets = [3, 0], sizes = [1, 3200], strides = [1, 1]} : vector<5x3200xf32> to vector<1x3200xf32>
    %mul3A_171 = arith.mulf %mul3A_157, %slice3A_170 : vector<1x3200xf32>
    %mul3A_172 = vector.broadcast %mul3A_171 : vector<1x3200xf32> to vector<8x3200xf32>
    %mul3A_173 = arith.mulf %mul3A_172, %slice3A : vector<8x3200xf32>
    %slice3A_174 = vector.extract_strided_slice %get3A_30 {offsets = [4, 0], sizes = [1, 3200], strides = [1, 1]} : vector<5x3200xf32> to vector<1x3200xf32>
    %mul3A_175 = arith.mulf %mul3A_157, %slice3A_174 : vector<1x3200xf32>
    %mul3A_176 = vector.broadcast %mul3A_175 : vector<1x3200xf32> to vector<8x3200xf32>
    %mul3A_177 = arith.mulf %mul3A_176, %slice3A : vector<8x3200xf32>
    %mul3A_178 = arith.mulf %div3A, %sub3A_24 : vector<1x3200xf32>
    %slice3A_179 = vector.extract_strided_slice %get3A_30 {offsets = [0, 0], sizes = [1, 3200], strides = [1, 1]} : vector<5x3200xf32> to vector<1x3200xf32>
    %mul3A_180 = arith.mulf %mul3A_178, %slice3A_179 : vector<1x3200xf32>
    %mul3A_181 = vector.broadcast %mul3A_180 : vector<1x3200xf32> to vector<8x3200xf32>
    %mul3A_182 = arith.mulf %mul3A_181, %slice3A : vector<8x3200xf32>
    %slice3A_183 = vector.extract_strided_slice %get3A_30 {offsets = [1, 0], sizes = [1, 3200], strides = [1, 1]} : vector<5x3200xf32> to vector<1x3200xf32>
    %mul3A_184 = arith.mulf %mul3A_178, %slice3A_183 : vector<1x3200xf32>
    %mul3A_185 = vector.broadcast %mul3A_184 : vector<1x3200xf32> to vector<8x3200xf32>
    %mul3A_186 = arith.mulf %mul3A_185, %slice3A : vector<8x3200xf32>
    %slice3A_187 = vector.extract_strided_slice %get3A_30 {offsets = [2, 0], sizes = [1, 3200], strides = [1, 1]} : vector<5x3200xf32> to vector<1x3200xf32>
    %mul3A_188 = arith.mulf %mul3A_178, %slice3A_187 : vector<1x3200xf32>
    %mul3A_189 = vector.broadcast %mul3A_188 : vector<1x3200xf32> to vector<8x3200xf32>
    %mul3A_190 = arith.mulf %mul3A_189, %slice3A : vector<8x3200xf32>
    %slice3A_191 = vector.extract_strided_slice %get3A_30 {offsets = [3, 0], sizes = [1, 3200], strides = [1, 1]} : vector<5x3200xf32> to vector<1x3200xf32>
    %mul3A_192 = arith.mulf %mul3A_178, %slice3A_191 : vector<1x3200xf32>
    %mul3A_193 = vector.broadcast %mul3A_192 : vector<1x3200xf32> to vector<8x3200xf32>
    %mul3A_194 = arith.mulf %mul3A_193, %slice3A : vector<8x3200xf32>
    %slice3A_195 = vector.extract_strided_slice %get3A_30 {offsets = [4, 0], sizes = [1, 3200], strides = [1, 1]} : vector<5x3200xf32> to vector<1x3200xf32>
    %mul3A_196 = arith.mulf %mul3A_178, %slice3A_195 : vector<1x3200xf32>
    %mul3A_197 = vector.broadcast %mul3A_196 : vector<1x3200xf32> to vector<8x3200xf32>
    %mul3A_198 = arith.mulf %mul3A_197, %slice3A : vector<8x3200xf32>
    %concatenate3A = tpu.concatenate %mul3A_35, %mul3A_39, %mul3A_43, %mul3A_47, %mul3A_51, %mul3A_56, %mul3A_60, %mul3A_64, %mul3A_68, %mul3A_72, %mul3A_77, %mul3A_81, %mul3A_85, %mul3A_89, %mul3A_93, %mul3A_98, %mul3A_102, %mul3A_106, %mul3A_110, %mul3A_114, %mul3A_119, %mul3A_123, %mul3A_127, %mul3A_131, %mul3A_135, %mul3A_140, %mul3A_144, %mul3A_148, %mul3A_152, %mul3A_156, %mul3A_161, %mul3A_165, %mul3A_169, %mul3A_173, %mul3A_177, %mul3A_182, %mul3A_186, %mul3A_190, %mul3A_194, %mul3A_198 in 0 : vector<8x3200xf32>, vector<8x3200xf32>, vector<8x3200xf32>, vector<8x3200xf32>, vector<8x3200xf32>, vector<8x3200xf32>, vector<8x3200xf32>, vector<8x3200xf32>, vector<8x3200xf32>, vector<8x3200xf32>, vector<8x3200xf32>, vector<8x3200xf32>, vector<8x3200xf32>, vector<8x3200xf32>, vector<8x3200xf32>, vector<8x3200xf32>, vector<8x3200xf32>, vector<8x3200xf32>, vector<8x3200xf32>, vector<8x3200xf32>, vector<8x3200xf32>, vector<8x3200xf32>, vector<8x3200xf32>, vector<8x3200xf32>, vector<8x3200xf32>, vector<8x3200xf32>, vector<8x3200xf32>, vector<8x3200xf32>, vector<8x3200xf32>, vector<8x3200xf32>, vector<8x3200xf32>, vector<8x3200xf32>, vector<8x3200xf32>, vector<8x3200xf32>, vector<8x3200xf32>, vector<8x3200xf32>, vector<8x3200xf32>, vector<8x3200xf32>, vector<8x3200xf32>, vector<8x3200xf32> -> vector<320x3200xf32>
    %get3A_199 = arith.constant 0 : index
    %get3A_200 = arith.constant 0 : index
    %get3A_201 = vector.load %arg5[%get3A_199, %get3A_200] : memref<320x64xf32, #tpu.memory_space<vmem>>, vector<320x64xf32>
    %dot_general3A = arith.constant dense<0.000000e+00> : vector<3200x64xf32>
    %dot_general3A_202 = tpu.matmul %concatenate3A, %get3A_201, %dot_general3A {dimension_numbers = #tpu.dot_dimension_numbers<[0], [0], [1], [1], [0, 1, 1, 1], [], []>, transpose_lhs_hint = false} : vector<320x3200xf32>, vector<320x64xf32>, vector<3200x64xf32> -> vector<3200x64xf32>
    %swap3A = arith.constant 0 : index
    %swap3A_203 = arith.constant 0 : index
    %swap3A_204 = vector.load %arg6[%swap3A, %swap3A_203] : memref<3200x64xf32, #tpu.memory_space<vmem>>, vector<3200x64xf32>
    tpu.vector_store %arg6[%swap3A, %swap3A_203], %dot_general3A_202 {strides = array<i32>} : memref<3200x64xf32, #tpu.memory_space<vmem>>, vector<3200x64xf32>,
    return
  }
  func.func @transform_0(%arg0: i32) -> (i32, i32) {
    %add3A = arith.constant 0 : i32
    %add3A_0 = arith.addi %arg0, %add3A : i32
    %c0_i32 = arith.constant 0 : i32
    %c0_i32_1 = arith.constant 0 : i32
    return %c0_i32, %add3A_0 : i32, i32
  }
  func.func @transform_1(%arg0: i32) -> (i32, i32) {
    %add3A = arith.constant 0 : i32
    %add3A_0 = arith.addi %arg0, %add3A : i32
    %c0_i32 = arith.constant 0 : i32
    %c0_i32_1 = arith.constant 0 : i32
    return %c0_i32, %add3A_0 : i32, i32
  }
  func.func @transform_2(%arg0: i32) -> (i32, i32) {
    %add3A = arith.constant 0 : i32
    %add3A_0 = arith.addi %arg0, %add3A : i32
    %c0_i32 = arith.constant 0 : i32
    %c0_i32_1 = arith.constant 0 : i32
    return %c0_i32, %add3A_0 : i32, i32
  }
  func.func @transform_3(%arg0: i32) -> (i32, i32) {
    %add3A = arith.constant 0 : i32
    %add3A_0 = arith.addi %arg0, %add3A : i32
    %c0_i32 = arith.constant 0 : i32
    %c0_i32_1 = arith.constant 0 : i32
    return %add3A_0, %c0_i32 : i32, i32
  }
  func.func @transform_4(%arg0: i32) -> (i32, i32) {
    %c0_i32 = arith.constant 0 : i32
    %c0_i32_0 = arith.constant 0 : i32
    %c0_i32_1 = arith.constant 0 : i32
    return %c0_i32, %c0_i32_0 : i32, i32
  }
  func.func @transform_5(%arg0: i32) -> (i32, i32) {
    %c0_i32 = arith.constant 0 : i32
    %c0_i32_0 = arith.constant 0 : i32
    return %arg0, %c0_i32 : i32, i32
  }
}

module attributes {stable_mosaic.version = 14 : i64} {
  func.func @_edge_msg_body(%arg0: i32, %arg1: memref<1x3200xf32, #tpu.memory_space<vmem>>, %arg2: memref<1x3200xf32, #tpu.memory_space<vmem>>, %arg3: memref<5x3200xf32, #tpu.memory_space<vmem>>, %arg4: memref<3200x16xf32, #tpu.memory_space<vmem>>, %arg5: memref<320x64xf32, #tpu.memory_space<vmem>>, %arg6: memref<3200x64xf32, #tpu.memory_space<vmem>>) attributes {dimension_semantics = [#tpu.dimension_semantics<arbitrary>], iteration_bounds = array<i64: 25>, scalar_prefetch = 0 : i64, scratch_operands = 0 : i64, tpu.core_type = #tpu.core_type<tc>, window_params = [{transform_indices = @transform_0, window_bounds = array<i64: 1, 3200>}, {transform_indices = @transform_1, window_bounds = array<i64: 1, 3200>}, {transform_indices = @transform_2, window_bounds = array<i64: 5, 3200>}, {transform_indices = @transform_3, window_bounds = array<i64: 3200, 16>}, {pipeline_mode = #tpu.pipeline_mode<synchronous>, transform_indices = @transform_4, window_bounds = array<i64: 320, 64>}, {transform_indices = @transform_5, window_bounds = array<i64: 3200, 64>}]} {
    %get3A = arith.constant 0 : index
    %get3A_0 = arith.constant 0 : index
    %get3A_1 = vector.load %arg1[%get3A, %get3A_0] : memref<1x3200xf32, #tpu.memory_space<vmem>>, vector<1x3200xf32>
    %get3A_2 = arith.constant 0 : index
    %get3A_3 = arith.constant 0 : index
    %get3A_4 = vector.load %arg2[%get3A_2, %get3A_3] : memref<1x3200xf32, #tpu.memory_space<vmem>>, vector<1x3200xf32>
    %mul3A = arith.constant 0.628318548 : f32
    %mul3A_5 = vector.broadcast %mul3A : f32 to vector<1x3200xf32>
    %mul3A_6 = arith.mulf %mul3A_5, %get3A_1 : vector<1x3200xf32>
    %sin3A = math.sin %mul3A_6 : vector<1x3200xf32>
    %cos3A = math.cos %mul3A_6 : vector<1x3200xf32>
    %mul3A_7 = arith.constant 2.000000e+00 : f32
    %mul3A_8 = vector.broadcast %mul3A_7 : f32 to vector<1x3200xf32>
    %mul3A_9 = arith.mulf %mul3A_8, %cos3A : vector<1x3200xf32>
    %sqrt3A = arith.constant 4.000000e-01 : f32
    %sqrt3A_10 = math.sqrt %sqrt3A : f32
    %mul3A_11 = vector.broadcast %sqrt3A_10 : f32 to vector<1x3200xf32>
    %mul3A_12 = arith.mulf %mul3A_11, %get3A_4 : vector<1x3200xf32>
    %div3A = arith.divf %mul3A_12, %get3A_1 : vector<1x3200xf32>
    %mul3A_13 = arith.mulf %mul3A_9, %sin3A : vector<1x3200xf32>
    %mul3A_14 = arith.mulf %mul3A_9, %mul3A_13 : vector<1x3200xf32>
    %sub3A = arith.subf %mul3A_14, %sin3A : vector<1x3200xf32>
    %mul3A_15 = arith.mulf %mul3A_9, %sub3A : vector<1x3200xf32>
    %sub3A_16 = arith.subf %mul3A_15, %mul3A_13 : vector<1x3200xf32>
    %mul3A_17 = arith.mulf %mul3A_9, %sub3A_16 : vector<1x3200xf32>
    %sub3A_18 = arith.subf %mul3A_17, %sub3A : vector<1x3200xf32>
    %mul3A_19 = arith.mulf %mul3A_9, %sub3A_18 : vector<1x3200xf32>
    %sub3A_20 = arith.subf %mul3A_19, %sub3A_16 : vector<1x3200xf32>
    %mul3A_21 = arith.mulf %mul3A_9, %sub3A_20 : vector<1x3200xf32>
    %sub3A_22 = arith.subf %mul3A_21, %sub3A_18 : vector<1x3200xf32>
    %mul3A_23 = arith.mulf %mul3A_9, %sub3A_22 : vector<1x3200xf32>
    %sub3A_24 = arith.subf %mul3A_23, %sub3A_20 : vector<1x3200xf32>
    %get3A_25 = arith.constant 0 : index
    %get3A_26 = arith.constant 0 : index
    %get3A_27 = vector.load %arg4[%get3A_25, %get3A_26] : memref<3200x16xf32, #tpu.memory_space<vmem>>, vector<3200x16xf32>
    %transpose3A = tpu.transpose %get3A_27, [1, 0] : vector<3200x16xf32> -> vector<16x3200xf32>
    %slice3A = vector.extract_strided_slice %transpose3A {offsets = [8, 0], sizes = [8, 3200], strides = [1, 1]} : vector<16x3200xf32> to vector<8x3200xf32>
    %get3A_28 = arith.constant 0 : index
    %get3A_29 = arith.constant 0 : index
    %get3A_30 = vector.load %arg3[%get3A_28, %get3A_29] : memref<5x3200xf32, #tpu.memory_space<vmem>>, vector<5x3200xf32>
    %mul3A_31 = arith.mulf %div3A, %sin3A : vector<1x3200xf32>
    %slice3A_32 = vector.extract_strided_slice %get3A_30 {offsets = [0, 0], sizes = [1, 3200], strides = [1, 1]} : vector<5x3200xf32> to vector<1x3200xf32>
    %mul3A_33 = arith.mulf %mul3A_31, %slice3A_32 : vector<1x3200xf32>
    %mul3A_34 = vector.broadcast %mul3A_33 : vector<1x3200xf32> to vector<8x3200xf32>
    %mul3A_35 = arith.mulf %mul3A_34, %slice3A : vector<8x3200xf32>
    %slice3A_36 = vector.extract_strided_slice %get3A_30 {offsets = [1, 0], sizes = [1, 3200], strides = [1, 1]} : vector<5x3200xf32> to vector<1x3200xf32>
    %mul3A_37 = arith.mulf %mul3A_31, %slice3A_36 : vector<1x3200xf32>
    %mul3A_38 = vector.broadcast %mul3A_37 : vector<1x3200xf32> to vector<8x3200xf32>
    %mul3A_39 = arith.mulf %mul3A_38, %slice3A : vector<8x3200xf32>
    %slice3A_40 = vector.extract_strided_slice %get3A_30 {offsets = [2, 0], sizes = [1, 3200], strides = [1, 1]} : vector<5x3200xf32> to vector<1x3200xf32>
    %mul3A_41 = arith.mulf %mul3A_31, %slice3A_40 : vector<1x3200xf32>
    %mul3A_42 = vector.broadcast %mul3A_41 : vector<1x3200xf32> to vector<8x3200xf32>
    %mul3A_43 = arith.mulf %mul3A_42, %slice3A : vector<8x3200xf32>
    %slice3A_44 = vector.extract_strided_slice %get3A_30 {offsets = [3, 0], sizes = [1, 3200], strides = [1, 1]} : vector<5x3200xf32> to vector<1x3200xf32>
    %mul3A_45 = arith.mulf %mul3A_31, %slice3A_44 : vector<1x3200xf32>
    %mul3A_46 = vector.broadcast %mul3A_45 : vector<1x3200xf32> to vector<8x3200xf32>
    %mul3A_47 = arith.mulf %mul3A_46, %slice3A : vector<8x3200xf32>
    %slice3A_48 = vector.extract_strided_slice %get3A_30 {offsets = [4, 0], sizes = [1, 3200], strides = [1, 1]} : vector<5x3200xf32> to vector<1x3200xf32>
    %mul3A_49 = arith.mulf %mul3A_31, %slice3A_48 : vector<1x3200xf32>
    %mul3A_50 = vector.broadcast %mul3A_49 : vector<1x3200xf32> to vector<8x3200xf32>
    %mul3A_51 = arith.mulf %mul3A_50, %slice3A : vector<8x3200xf32>
    %mul3A_52 = arith.mulf %div3A, %mul3A_13 : vector<1x3200xf32>
    %slice3A_53 = vector.extract_strided_slice %get3A_30 {offsets = [0, 0], sizes = [1, 3200], strides = [1, 1]} : vector<5x3200xf32> to vector<1x3200xf32>
    %mul3A_54 = arith.mulf %mul3A_52, %slice3A_53 : vector<1x3200xf32>
    %mul3A_55 = vector.broadcast %mul3A_54 : vector<1x3200xf32> to vector<8x3200xf32>
    %mul3A_56 = arith.mulf %mul3A_55, %slice3A : vector<8x3200xf32>
    %slice3A_57 = vector.extract_strided_slice %get3A_30 {offsets = [1, 0], sizes = [1, 3200], strides = [1, 1]} : vector<5x3200xf32> to vector<1x3200xf32>
    %mul3A_58 = arith.mulf %mul3A_52, %slice3A_57 : vector<1x3200xf32>
    %mul3A_59 = vector.broadcast %mul3A_58 : vector<1x3200xf32> to vector<8x3200xf32>
    %mul3A_60 = arith.mulf %mul3A_59, %slice3A : vector<8x3200xf32>
    %slice3A_61 = vector.extract_strided_slice %get3A_30 {offsets = [2, 0], sizes = [1, 3200], strides = [1, 1]} : vector<5x3200xf32> to vector<1x3200xf32>
    %mul3A_62 = arith.mulf %mul3A_52, %slice3A_61 : vector<1x3200xf32>
    %mul3A_63 = vector.broadcast %mul3A_62 : vector<1x3200xf32> to vector<8x3200xf32>
    %mul3A_64 = arith.mulf %mul3A_63, %slice3A : vector<8x3200xf32>
    %slice3A_65 = vector.extract_strided_slice %get3A_30 {offsets = [3, 0], sizes = [1, 3200], strides = [1, 1]} : vector<5x3200xf32> to vector<1x3200xf32>
    %mul3A_66 = arith.mulf %mul3A_52, %slice3A_65 : vector<1x3200xf32>
    %mul3A_67 = vector.broadcast %mul3A_66 : vector<1x3200xf32> to vector<8x3200xf32>
    %mul3A_68 = arith.mulf %mul3A_67, %slice3A : vector<8x3200xf32>
    %slice3A_69 = vector.extract_strided_slice %get3A_30 {offsets = [4, 0], sizes = [1, 3200], strides = [1, 1]} : vector<5x3200xf32> to vector<1x3200xf32>
    %mul3A_70 = arith.mulf %mul3A_52, %slice3A_69 : vector<1x3200xf32>
    %mul3A_71 = vector.broadcast %mul3A_70 : vector<1x3200xf32> to vector<8x3200xf32>
    %mul3A_72 = arith.mulf %mul3A_71, %slice3A : vector<8x3200xf32>
    %mul3A_73 = arith.mulf %div3A, %sub3A : vector<1x3200xf32>
    %slice3A_74 = vector.extract_strided_slice %get3A_30 {offsets = [0, 0], sizes = [1, 3200], strides = [1, 1]} : vector<5x3200xf32> to vector<1x3200xf32>
    %mul3A_75 = arith.mulf %mul3A_73, %slice3A_74 : vector<1x3200xf32>
    %mul3A_76 = vector.broadcast %mul3A_75 : vector<1x3200xf32> to vector<8x3200xf32>
    %mul3A_77 = arith.mulf %mul3A_76, %slice3A : vector<8x3200xf32>
    %slice3A_78 = vector.extract_strided_slice %get3A_30 {offsets = [1, 0], sizes = [1, 3200], strides = [1, 1]} : vector<5x3200xf32> to vector<1x3200xf32>
    %mul3A_79 = arith.mulf %mul3A_73, %slice3A_78 : vector<1x3200xf32>
    %mul3A_80 = vector.broadcast %mul3A_79 : vector<1x3200xf32> to vector<8x3200xf32>
    %mul3A_81 = arith.mulf %mul3A_80, %slice3A : vector<8x3200xf32>
    %slice3A_82 = vector.extract_strided_slice %get3A_30 {offsets = [2, 0], sizes = [1, 3200], strides = [1, 1]} : vector<5x3200xf32> to vector<1x3200xf32>
    %mul3A_83 = arith.mulf %mul3A_73, %slice3A_82 : vector<1x3200xf32>
    %mul3A_84 = vector.broadcast %mul3A_83 : vector<1x3200xf32> to vector<8x3200xf32>
    %mul3A_85 = arith.mulf %mul3A_84, %slice3A : vector<8x3200xf32>
    %slice3A_86 = vector.extract_strided_slice %get3A_30 {offsets = [3, 0], sizes = [1, 3200], strides = [1, 1]} : vector<5x3200xf32> to vector<1x3200xf32>
    %mul3A_87 = arith.mulf %mul3A_73, %slice3A_86 : vector<1x3200xf32>
    %mul3A_88 = vector.broadcast %mul3A_87 : vector<1x3200xf32> to vector<8x3200xf32>
    %mul3A_89 = arith.mulf %mul3A_88, %slice3A : vector<8x3200xf32>
    %slice3A_90 = vector.extract_strided_slice %get3A_30 {offsets = [4, 0], sizes = [1, 3200], strides = [1, 1]} : vector<5x3200xf32> to vector<1x3200xf32>
    %mul3A_91 = arith.mulf %mul3A_73, %slice3A_90 : vector<1x3200xf32>
    %mul3A_92 = vector.broadcast %mul3A_91 : vector<1x3200xf32> to vector<8x3200xf32>
    %mul3A_93 = arith.mulf %mul3A_92, %slice3A : vector<8x3200xf32>
    %mul3A_94 = arith.mulf %div3A, %sub3A_16 : vector<1x3200xf32>
    %slice3A_95 = vector.extract_strided_slice %get3A_30 {offsets = [0, 0], sizes = [1, 3200], strides = [1, 1]} : vector<5x3200xf32> to vector<1x3200xf32>
    %mul3A_96 = arith.mulf %mul3A_94, %slice3A_95 : vector<1x3200xf32>
    %mul3A_97 = vector.broadcast %mul3A_96 : vector<1x3200xf32> to vector<8x3200xf32>
    %mul3A_98 = arith.mulf %mul3A_97, %slice3A : vector<8x3200xf32>
    %slice3A_99 = vector.extract_strided_slice %get3A_30 {offsets = [1, 0], sizes = [1, 3200], strides = [1, 1]} : vector<5x3200xf32> to vector<1x3200xf32>
    %mul3A_100 = arith.mulf %mul3A_94, %slice3A_99 : vector<1x3200xf32>
    %mul3A_101 = vector.broadcast %mul3A_100 : vector<1x3200xf32> to vector<8x3200xf32>
    %mul3A_102 = arith.mulf %mul3A_101, %slice3A : vector<8x3200xf32>
    %slice3A_103 = vector.extract_strided_slice %get3A_30 {offsets = [2, 0], sizes = [1, 3200], strides = [1, 1]} : vector<5x3200xf32> to vector<1x3200xf32>
    %mul3A_104 = arith.mulf %mul3A_94, %slice3A_103 : vector<1x3200xf32>
    %mul3A_105 = vector.broadcast %mul3A_104 : vector<1x3200xf32> to vector<8x3200xf32>
    %mul3A_106 = arith.mulf %mul3A_105, %slice3A : vector<8x3200xf32>
    %slice3A_107 = vector.extract_strided_slice %get3A_30 {offsets = [3, 0], sizes = [1, 3200], strides = [1, 1]} : vector<5x3200xf32> to vector<1x3200xf32>
    %mul3A_108 = arith.mulf %mul3A_94, %slice3A_107 : vector<1x3200xf32>
    %mul3A_109 = vector.broadcast %mul3A_108 : vector<1x3200xf32> to vector<8x3200xf32>
    %mul3A_110 = arith.mulf %mul3A_109, %slice3A : vector<8x3200xf32>
    %slice3A_111 = vector.extract_strided_slice %get3A_30 {offsets = [4, 0], sizes = [1, 3200], strides = [1, 1]} : vector<5x3200xf32> to vector<1x3200xf32>
    %mul3A_112 = arith.mulf %mul3A_94, %slice3A_111 : vector<1x3200xf32>
    %mul3A_113 = vector.broadcast %mul3A_112 : vector<1x3200xf32> to vector<8x3200xf32>
    %mul3A_114 = arith.mulf %mul3A_113, %slice3A : vector<8x3200xf32>
    %mul3A_115 = arith.mulf %div3A, %sub3A_18 : vector<1x3200xf32>
    %slice3A_116 = vector.extract_strided_slice %get3A_30 {offsets = [0, 0], sizes = [1, 3200], strides = [1, 1]} : vector<5x3200xf32> to vector<1x3200xf32>
    %mul3A_117 = arith.mulf %mul3A_115, %slice3A_116 : vector<1x3200xf32>
    %mul3A_118 = vector.broadcast %mul3A_117 : vector<1x3200xf32> to vector<8x3200xf32>
    %mul3A_119 = arith.mulf %mul3A_118, %slice3A : vector<8x3200xf32>
    %slice3A_120 = vector.extract_strided_slice %get3A_30 {offsets = [1, 0], sizes = [1, 3200], strides = [1, 1]} : vector<5x3200xf32> to vector<1x3200xf32>
    %mul3A_121 = arith.mulf %mul3A_115, %slice3A_120 : vector<1x3200xf32>
    %mul3A_122 = vector.broadcast %mul3A_121 : vector<1x3200xf32> to vector<8x3200xf32>
    %mul3A_123 = arith.mulf %mul3A_122, %slice3A : vector<8x3200xf32>
    %slice3A_124 = vector.extract_strided_slice %get3A_30 {offsets = [2, 0], sizes = [1, 3200], strides = [1, 1]} : vector<5x3200xf32> to vector<1x3200xf32>
    %mul3A_125 = arith.mulf %mul3A_115, %slice3A_124 : vector<1x3200xf32>
    %mul3A_126 = vector.broadcast %mul3A_125 : vector<1x3200xf32> to vector<8x3200xf32>
    %mul3A_127 = arith.mulf %mul3A_126, %slice3A : vector<8x3200xf32>
    %slice3A_128 = vector.extract_strided_slice %get3A_30 {offsets = [3, 0], sizes = [1, 3200], strides = [1, 1]} : vector<5x3200xf32> to vector<1x3200xf32>
    %mul3A_129 = arith.mulf %mul3A_115, %slice3A_128 : vector<1x3200xf32>
    %mul3A_130 = vector.broadcast %mul3A_129 : vector<1x3200xf32> to vector<8x3200xf32>
    %mul3A_131 = arith.mulf %mul3A_130, %slice3A : vector<8x3200xf32>
    %slice3A_132 = vector.extract_strided_slice %get3A_30 {offsets = [4, 0], sizes = [1, 3200], strides = [1, 1]} : vector<5x3200xf32> to vector<1x3200xf32>
    %mul3A_133 = arith.mulf %mul3A_115, %slice3A_132 : vector<1x3200xf32>
    %mul3A_134 = vector.broadcast %mul3A_133 : vector<1x3200xf32> to vector<8x3200xf32>
    %mul3A_135 = arith.mulf %mul3A_134, %slice3A : vector<8x3200xf32>
    %mul3A_136 = arith.mulf %div3A, %sub3A_20 : vector<1x3200xf32>
    %slice3A_137 = vector.extract_strided_slice %get3A_30 {offsets = [0, 0], sizes = [1, 3200], strides = [1, 1]} : vector<5x3200xf32> to vector<1x3200xf32>
    %mul3A_138 = arith.mulf %mul3A_136, %slice3A_137 : vector<1x3200xf32>
    %mul3A_139 = vector.broadcast %mul3A_138 : vector<1x3200xf32> to vector<8x3200xf32>
    %mul3A_140 = arith.mulf %mul3A_139, %slice3A : vector<8x3200xf32>
    %slice3A_141 = vector.extract_strided_slice %get3A_30 {offsets = [1, 0], sizes = [1, 3200], strides = [1, 1]} : vector<5x3200xf32> to vector<1x3200xf32>
    %mul3A_142 = arith.mulf %mul3A_136, %slice3A_141 : vector<1x3200xf32>
    %mul3A_143 = vector.broadcast %mul3A_142 : vector<1x3200xf32> to vector<8x3200xf32>
    %mul3A_144 = arith.mulf %mul3A_143, %slice3A : vector<8x3200xf32>
    %slice3A_145 = vector.extract_strided_slice %get3A_30 {offsets = [2, 0], sizes = [1, 3200], strides = [1, 1]} : vector<5x3200xf32> to vector<1x3200xf32>
    %mul3A_146 = arith.mulf %mul3A_136, %slice3A_145 : vector<1x3200xf32>
    %mul3A_147 = vector.broadcast %mul3A_146 : vector<1x3200xf32> to vector<8x3200xf32>
    %mul3A_148 = arith.mulf %mul3A_147, %slice3A : vector<8x3200xf32>
    %slice3A_149 = vector.extract_strided_slice %get3A_30 {offsets = [3, 0], sizes = [1, 3200], strides = [1, 1]} : vector<5x3200xf32> to vector<1x3200xf32>
    %mul3A_150 = arith.mulf %mul3A_136, %slice3A_149 : vector<1x3200xf32>
    %mul3A_151 = vector.broadcast %mul3A_150 : vector<1x3200xf32> to vector<8x3200xf32>
    %mul3A_152 = arith.mulf %mul3A_151, %slice3A : vector<8x3200xf32>
    %slice3A_153 = vector.extract_strided_slice %get3A_30 {offsets = [4, 0], sizes = [1, 3200], strides = [1, 1]} : vector<5x3200xf32> to vector<1x3200xf32>
    %mul3A_154 = arith.mulf %mul3A_136, %slice3A_153 : vector<1x3200xf32>
    %mul3A_155 = vector.broadcast %mul3A_154 : vector<1x3200xf32> to vector<8x3200xf32>
    %mul3A_156 = arith.mulf %mul3A_155, %slice3A : vector<8x3200xf32>
    %mul3A_157 = arith.mulf %div3A, %sub3A_22 : vector<1x3200xf32>
    %slice3A_158 = vector.extract_strided_slice %get3A_30 {offsets = [0, 0], sizes = [1, 3200], strides = [1, 1]} : vector<5x3200xf32> to vector<1x3200xf32>
    %mul3A_159 = arith.mulf %mul3A_157, %slice3A_158 : vector<1x3200xf32>
    %mul3A_160 = vector.broadcast %mul3A_159 : vector<1x3200xf32> to vector<8x3200xf32>
    %mul3A_161 = arith.mulf %mul3A_160, %slice3A : vector<8x3200xf32>
    %slice3A_162 = vector.extract_strided_slice %get3A_30 {offsets = [1, 0], sizes = [1, 3200], strides = [1, 1]} : vector<5x3200xf32> to vector<1x3200xf32>
    %mul3A_163 = arith.mulf %mul3A_157, %slice3A_162 : vector<1x3200xf32>
    %mul3A_164 = vector.broadcast %mul3A_163 : vector<1x3200xf32> to vector<8x3200xf32>
    %mul3A_165 = arith.mulf %mul3A_164, %slice3A : vector<8x3200xf32>
    %slice3A_166 = vector.extract_strided_slice %get3A_30 {offsets = [2, 0], sizes = [1, 3200], strides = [1, 1]} : vector<5x3200xf32> to vector<1x3200xf32>
    %mul3A_167 = arith.mulf %mul3A_157, %slice3A_166 : vector<1x3200xf32>
    %mul3A_168 = vector.broadcast %mul3A_167 : vector<1x3200xf32> to vector<8x3200xf32>
    %mul3A_169 = arith.mulf %mul3A_168, %slice3A : vector<8x3200xf32>
    %slice3A_170 = vector.extract_strided_slice %get3A_30 {offsets = [3, 0], sizes = [1, 3200], strides = [1, 1]} : vector<5x3200xf32> to vector<1x3200xf32>
    %mul3A_171 = arith.mulf %mul3A_157, %slice3A_170 : vector<1x3200xf32>
    %mul3A_172 = vector.broadcast %mul3A_171 : vector<1x3200xf32> to vector<8x3200xf32>
    %mul3A_173 = arith.mulf %mul3A_172, %slice3A : vector<8x3200xf32>
    %slice3A_174 = vector.extract_strided_slice %get3A_30 {offsets = [4, 0], sizes = [1, 3200], strides = [1, 1]} : vector<5x3200xf32> to vector<1x3200xf32>
    %mul3A_175 = arith.mulf %mul3A_157, %slice3A_174 : vector<1x3200xf32>
    %mul3A_176 = vector.broadcast %mul3A_175 : vector<1x3200xf32> to vector<8x3200xf32>
    %mul3A_177 = arith.mulf %mul3A_176, %slice3A : vector<8x3200xf32>
    %mul3A_178 = arith.mulf %div3A, %sub3A_24 : vector<1x3200xf32>
    %slice3A_179 = vector.extract_strided_slice %get3A_30 {offsets = [0, 0], sizes = [1, 3200], strides = [1, 1]} : vector<5x3200xf32> to vector<1x3200xf32>
    %mul3A_180 = arith.mulf %mul3A_178, %slice3A_179 : vector<1x3200xf32>
    %mul3A_181 = vector.broadcast %mul3A_180 : vector<1x3200xf32> to vector<8x3200xf32>
    %mul3A_182 = arith.mulf %mul3A_181, %slice3A : vector<8x3200xf32>
    %slice3A_183 = vector.extract_strided_slice %get3A_30 {offsets = [1, 0], sizes = [1, 3200], strides = [1, 1]} : vector<5x3200xf32> to vector<1x3200xf32>
    %mul3A_184 = arith.mulf %mul3A_178, %slice3A_183 : vector<1x3200xf32>
    %mul3A_185 = vector.broadcast %mul3A_184 : vector<1x3200xf32> to vector<8x3200xf32>
    %mul3A_186 = arith.mulf %mul3A_185, %slice3A : vector<8x3200xf32>
    %slice3A_187 = vector.extract_strided_slice %get3A_30 {offsets = [2, 0], sizes = [1, 3200], strides = [1, 1]} : vector<5x3200xf32> to vector<1x3200xf32>
    %mul3A_188 = arith.mulf %mul3A_178, %slice3A_187 : vector<1x3200xf32>
    %mul3A_189 = vector.broadcast %mul3A_188 : vector<1x3200xf32> to vector<8x3200xf32>
    %mul3A_190 = arith.mulf %mul3A_189, %slice3A : vector<8x3200xf32>
    %slice3A_191 = vector.extract_strided_slice %get3A_30 {offsets = [3, 0], sizes = [1, 3200], strides = [1, 1]} : vector<5x3200xf32> to vector<1x3200xf32>
    %mul3A_192 = arith.mulf %mul3A_178, %slice3A_191 : vector<1x3200xf32>
    %mul3A_193 = vector.broadcast %mul3A_192 : vector<1x3200xf32> to vector<8x3200xf32>
    %mul3A_194 = arith.mulf %mul3A_193, %slice3A : vector<8x3200xf32>
    %slice3A_195 = vector.extract_strided_slice %get3A_30 {offsets = [4, 0], sizes = [1, 3200], strides = [1, 1]} : vector<5x3200xf32> to vector<1x3200xf32>
    %mul3A_196 = arith.mulf %mul3A_178, %slice3A_195 : vector<1x3200xf32>
    %mul3A_197 = vector.broadcast %mul3A_196 : vector<1x3200xf32> to vector<8x3200xf32>
    %mul3A_198 = arith.mulf %mul3A_197, %slice3A : vector<8x3200xf32>
    %concatenate3A = tpu.concatenate %mul3A_35, %mul3A_39, %mul3A_43, %mul3A_47, %mul3A_51, %mul3A_56, %mul3A_60, %mul3A_64, %mul3A_68, %mul3A_72, %mul3A_77, %mul3A_81, %mul3A_85, %mul3A_89, %mul3A_93, %mul3A_98, %mul3A_102, %mul3A_106, %mul3A_110, %mul3A_114, %mul3A_119, %mul3A_123, %mul3A_127, %mul3A_131, %mul3A_135, %mul3A_140, %mul3A_144, %mul3A_148, %mul3A_152, %mul3A_156, %mul3A_161, %mul3A_165, %mul3A_169, %mul3A_173, %mul3A_177, %mul3A_182, %mul3A_186, %mul3A_190, %mul3A_194, %mul3A_198 in 0 : vector<8x3200xf32>, vector<8x3200xf32>, vector<8x3200xf32>, vector<8x3200xf32>, vector<8x3200xf32>, vector<8x3200xf32>, vector<8x3200xf32>, vector<8x3200xf32>, vector<8x3200xf32>, vector<8x3200xf32>, vector<8x3200xf32>, vector<8x3200xf32>, vector<8x3200xf32>, vector<8x3200xf32>, vector<8x3200xf32>, vector<8x3200xf32>, vector<8x3200xf32>, vector<8x3200xf32>, vector<8x3200xf32>, vector<8x3200xf32>, vector<8x3200xf32>, vector<8x3200xf32>, vector<8x3200xf32>, vector<8x3200xf32>, vector<8x3200xf32>, vector<8x3200xf32>, vector<8x3200xf32>, vector<8x3200xf32>, vector<8x3200xf32>, vector<8x3200xf32>, vector<8x3200xf32>, vector<8x3200xf32>, vector<8x3200xf32>, vector<8x3200xf32>, vector<8x3200xf32>, vector<8x3200xf32>, vector<8x3200xf32>, vector<8x3200xf32>, vector<8x3200xf32>, vector<8x3200xf32> -> vector<320x3200xf32>
    %get3A_199 = arith.constant 0 : index
    %get3A_200 = arith.constant 0 : index
    %get3A_201 = vector.load %arg5[%get3A_199, %get3A_200] : memref<320x64xf32, #tpu.memory_space<vmem>>, vector<320x64xf32>
    %dot_general3A = arith.constant dense<0.000000e+00> : vector<3200x64xf32>
    %dot_general3A_202 = tpu.matmul %concatenate3A, %get3A_201, %dot_general3A {dimension_numbers = #tpu.dot_dimension_numbers<[0], [0], [1], [1], [0, 1, 1, 1], [], []>, transpose_lhs_hint = false} : vector<320x3200xf32>, vector<320x64xf32>, vector<3200x64xf32> -> vector<3200x64xf32>
    %swap3A = arith.constant 0 : index
    %swap3A_203 = arith.constant 0 : index
    %swap3A_204 = vector.load %arg6[%swap3A, %swap3A_203] : memref<3200x64xf32, #tpu.memory_space<vmem>>, vector<3200x64xf32>
    tpu.vector_store %arg6[%swap3A, %swap3A_203], %dot_general3A_202 {strides = array<i32>} : memref<3200x64xf32, #tpu.memory_space<vmem>>, vector<3200x64xf32>,
    return
  }
  func.func @transform_0(%arg0: i32) -> (i32, i32) {
    %add3A = arith.constant 25 : i32
    %add3A_0 = arith.addi %arg0, %add3A : i32
    %c0_i32 = arith.constant 0 : i32
    %c0_i32_1 = arith.constant 0 : i32
    return %c0_i32, %add3A_0 : i32, i32
  }
  func.func @transform_1(%arg0: i32) -> (i32, i32) {
    %add3A = arith.constant 25 : i32
    %add3A_0 = arith.addi %arg0, %add3A : i32
    %c0_i32 = arith.constant 0 : i32
    %c0_i32_1 = arith.constant 0 : i32
    return %c0_i32, %add3A_0 : i32, i32
  }
  func.func @transform_2(%arg0: i32) -> (i32, i32) {
    %add3A = arith.constant 25 : i32
    %add3A_0 = arith.addi %arg0, %add3A : i32
    %c0_i32 = arith.constant 0 : i32
    %c0_i32_1 = arith.constant 0 : i32
    return %c0_i32, %add3A_0 : i32, i32
  }
  func.func @transform_3(%arg0: i32) -> (i32, i32) {
    %add3A = arith.constant 25 : i32
    %add3A_0 = arith.addi %arg0, %add3A : i32
    %c0_i32 = arith.constant 0 : i32
    %c0_i32_1 = arith.constant 0 : i32
    return %add3A_0, %c0_i32 : i32, i32
  }
  func.func @transform_4(%arg0: i32) -> (i32, i32) {
    %c0_i32 = arith.constant 0 : i32
    %c0_i32_0 = arith.constant 0 : i32
    %c0_i32_1 = arith.constant 0 : i32
    return %c0_i32, %c0_i32_0 : i32, i32
  }
  func.func @transform_5(%arg0: i32) -> (i32, i32) {
    %c0_i32 = arith.constant 0 : i32
    %c0_i32_0 = arith.constant 0 : i32
    return %arg0, %c0_i32 : i32, i32
  }
}

module attributes {stable_mosaic.version = 14 : i64} {
  func.func @_node_post_body(%arg0: i32, %arg1: memref<2048x64xf32, #tpu.memory_space<vmem>>, %arg2: memref<2048x16xf32, #tpu.memory_space<vmem>>, %arg3: memref<2x2048x64xf32, #tpu.memory_space<vmem>>, %arg4: memref<2x2048x64xf32, #tpu.memory_space<vmem>>, %arg5: memref<8x64xf32, #tpu.memory_space<vmem>>, %arg6: memref<1x64xf32, #tpu.memory_space<vmem>>, %arg7: memref<64x64xf32, #tpu.memory_space<vmem>>, %arg8: memref<1x64xf32, #tpu.memory_space<vmem>>, %arg9: memref<64x64xf32, #tpu.memory_space<vmem>>, %arg10: memref<1x64xf32, #tpu.memory_space<vmem>>, %arg11: memref<64x16xf32, #tpu.memory_space<vmem>>, %arg12: memref<1x16xf32, #tpu.memory_space<vmem>>, %arg13: memref<2048x64xf32, #tpu.memory_space<vmem>>, %arg14: memref<2048x16xf32, #tpu.memory_space<vmem>>) attributes {dimension_semantics = [#tpu.dimension_semantics<arbitrary>], iteration_bounds = array<i64: 5>, scalar_prefetch = 0 : i64, scratch_operands = 0 : i64, tpu.core_type = #tpu.core_type<tc>, window_params = [{transform_indices = @transform_0, window_bounds = array<i64: 2048, 64>}, {transform_indices = @transform_1, window_bounds = array<i64: 2048, 16>}, {transform_indices = @transform_2, window_bounds = array<i64: 2, 2048, 64>}, {transform_indices = @transform_3, window_bounds = array<i64: 2, 2048, 64>}, {pipeline_mode = #tpu.pipeline_mode<synchronous>, transform_indices = @transform_4, window_bounds = array<i64: 8, 64>}, {pipeline_mode = #tpu.pipeline_mode<synchronous>, transform_indices = @transform_5, window_bounds = array<i64: 1, 64>}, {pipeline_mode = #tpu.pipeline_mode<synchronous>, transform_indices = @transform_6, window_bounds = array<i64: 64, 64>}, {pipeline_mode = #tpu.pipeline_mode<synchronous>, transform_indices = @transform_7, window_bounds = array<i64: 1, 64>}, {pipeline_mode = #tpu.pipeline_mode<synchronous>, transform_indices = @transform_8, window_bounds = array<i64: 64, 64>}, {pipeline_mode = #tpu.pipeline_mode<synchronous>, transform_indices = @transform_9, window_bounds = array<i64: 1, 64>}, {pipeline_mode = #tpu.pipeline_mode<synchronous>, transform_indices = @transform_10, window_bounds = array<i64: 64, 16>}, {pipeline_mode = #tpu.pipeline_mode<synchronous>, transform_indices = @transform_11, window_bounds = array<i64: 1, 16>}, {transform_indices = @transform_12, window_bounds = array<i64: 2048, 64>}, {transform_indices = @transform_13, window_bounds = array<i64: 2048, 16>}]} {
    %get3A = arith.constant 0 : index
    %get3A_0 = arith.constant 0 : index
    %get3A_1 = arith.constant 0 : index
    %get3A_2 = vector.load %arg3[%get3A, %get3A_0, %get3A_1] : memref<2x2048x64xf32, #tpu.memory_space<vmem>>, vector<1x2048x64xf32>
    %get3A_3 = vector.shape_cast %get3A_2 : vector<1x2048x64xf32> to vector<2048x64xf32>
    %get3A_4 = arith.constant 1 : index
    %get3A_5 = arith.constant 0 : index
    %get3A_6 = arith.constant 0 : index
    %get3A_7 = vector.load %arg3[%get3A_4, %get3A_5, %get3A_6] : memref<2x2048x64xf32, #tpu.memory_space<vmem>>, vector<1x2048x64xf32>
    %get3A_8 = vector.shape_cast %get3A_7 : vector<1x2048x64xf32> to vector<2048x64xf32>
    %add3A = arith.addf %get3A_3, %get3A_8 : vector<2048x64xf32>
    %get3A_9 = arith.constant 0 : index
    %get3A_10 = arith.constant 0 : index
    %get3A_11 = arith.constant 0 : index
    %get3A_12 = vector.load %arg4[%get3A_9, %get3A_10, %get3A_11] : memref<2x2048x64xf32, #tpu.memory_space<vmem>>, vector<1x2048x64xf32>
    %get3A_13 = vector.shape_cast %get3A_12 : vector<1x2048x64xf32> to vector<2048x64xf32>
    %get3A_14 = arith.constant 1 : index
    %get3A_15 = arith.constant 0 : index
    %get3A_16 = arith.constant 0 : index
    %get3A_17 = vector.load %arg4[%get3A_14, %get3A_15, %get3A_16] : memref<2x2048x64xf32, #tpu.memory_space<vmem>>, vector<1x2048x64xf32>
    %get3A_18 = vector.shape_cast %get3A_17 : vector<1x2048x64xf32> to vector<2048x64xf32>
    %add3A_19 = arith.addf %get3A_13, %get3A_18 : vector<2048x64xf32>
    %add3A_20 = arith.addf %add3A, %add3A_19 : vector<2048x64xf32>
    %get3A_21 = arith.constant 0 : index
    %get3A_22 = arith.constant 0 : index
    %get3A_23 = vector.load %arg2[%get3A_21, %get3A_22] : memref<2048x16xf32, #tpu.memory_space<vmem>>, vector<2048x8xf32>
    %get3A_24 = arith.constant 0 : index
    %get3A_25 = arith.constant 0 : index
    %get3A_26 = vector.load %arg5[%get3A_24, %get3A_25] : memref<8x64xf32, #tpu.memory_space<vmem>>, vector<8x64xf32>
    %dot_general3A = arith.constant dense<0.000000e+00> : vector<2048x64xf32>
    %dot_general3A_27 = tpu.matmul %get3A_23, %get3A_26, %dot_general3A {dimension_numbers = #tpu.dot_dimension_numbers<[1], [0], [0], [1], [0, 0, 1, 1], [], []>, transpose_lhs_hint = false} : vector<2048x8xf32>, vector<8x64xf32>, vector<2048x64xf32> -> vector<2048x64xf32>
    %add3A_28 = arith.addf %add3A_20, %dot_general3A_27 : vector<2048x64xf32>
    %get3A_29 = arith.constant 0 : index
    %get3A_30 = arith.constant 0 : index
    %get3A_31 = vector.load %arg6[%get3A_29, %get3A_30] : memref<1x64xf32, #tpu.memory_space<vmem>>, vector<1x64xf32>
    %add3A_32 = vector.broadcast %get3A_31 : vector<1x64xf32> to vector<2048x64xf32>
    %add3A_33 = arith.addf %add3A_28, %add3A_32 : vector<2048x64xf32>
    %max3A = arith.constant 0.000000e+00 : f32
    %max3A_34 = vector.broadcast %max3A : f32 to vector<2048x64xf32>
    %max3A_35 = arith.maximumf %add3A_33, %max3A_34 : vector<2048x64xf32>
    %abs3A = math.absf %add3A_33 : vector<2048x64xf32>
    %neg3A = arith.constant 0.000000e+00 : f32
    %neg3A_36 = vector.broadcast %neg3A : f32 to vector<2048x64xf32>
    %neg3A_37 = arith.subf %neg3A_36, %abs3A : vector<2048x64xf32>
    %exp3A = math.exp %neg3A_37 : vector<2048x64xf32>
    %add3A_38 = arith.constant 1.000000e+00 : f32
    %add3A_39 = vector.broadcast %add3A_38 : f32 to vector<2048x64xf32>
    %add3A_40 = arith.addf %add3A_39, %exp3A : vector<2048x64xf32>
    %log3A = math.log %add3A_40 : vector<2048x64xf32>
    %add3A_41 = arith.addf %max3A_35, %log3A : vector<2048x64xf32>
    %log3A_42 = arith.constant 2.000000e+00 : f32
    %log3A_43 = math.log %log3A_42 : f32
    %sub3A = vector.broadcast %log3A_43 : f32 to vector<2048x64xf32>
    %sub3A_44 = arith.subf %add3A_41, %sub3A : vector<2048x64xf32>
    %get3A_45 = arith.constant 0 : index
    %get3A_46 = arith.constant 0 : index
    %get3A_47 = vector.load %arg7[%get3A_45, %get3A_46] : memref<64x64xf32, #tpu.memory_space<vmem>>, vector<64x64xf32>
    %dot_general3A_48 = arith.constant dense<0.000000e+00> : vector<2048x64xf32>
    %dot_general3A_49 = tpu.matmul %sub3A_44, %get3A_47, %dot_general3A_48 {dimension_numbers = #tpu.dot_dimension_numbers<[1], [0], [0], [1], [0, 0, 1, 1], [], []>, transpose_lhs_hint = false} : vector<2048x64xf32>, vector<64x64xf32>, vector<2048x64xf32> -> vector<2048x64xf32>
    %get3A_50 = arith.constant 0 : index
    %get3A_51 = arith.constant 0 : index
    %get3A_52 = vector.load %arg8[%get3A_50, %get3A_51] : memref<1x64xf32, #tpu.memory_space<vmem>>, vector<1x64xf32>
    %add3A_53 = vector.broadcast %get3A_52 : vector<1x64xf32> to vector<2048x64xf32>
    %add3A_54 = arith.addf %dot_general3A_49, %add3A_53 : vector<2048x64xf32>
    %max3A_55 = arith.constant 0.000000e+00 : f32
    %max3A_56 = vector.broadcast %max3A_55 : f32 to vector<2048x64xf32>
    %max3A_57 = arith.maximumf %add3A_54, %max3A_56 : vector<2048x64xf32>
    %abs3A_58 = math.absf %add3A_54 : vector<2048x64xf32>
    %neg3A_59 = arith.constant 0.000000e+00 : f32
    %neg3A_60 = vector.broadcast %neg3A_59 : f32 to vector<2048x64xf32>
    %neg3A_61 = arith.subf %neg3A_60, %abs3A_58 : vector<2048x64xf32>
    %exp3A_62 = math.exp %neg3A_61 : vector<2048x64xf32>
    %add3A_63 = arith.constant 1.000000e+00 : f32
    %add3A_64 = vector.broadcast %add3A_63 : f32 to vector<2048x64xf32>
    %add3A_65 = arith.addf %add3A_64, %exp3A_62 : vector<2048x64xf32>
    %log3A_66 = math.log %add3A_65 : vector<2048x64xf32>
    %add3A_67 = arith.addf %max3A_57, %log3A_66 : vector<2048x64xf32>
    %log3A_68 = arith.constant 2.000000e+00 : f32
    %log3A_69 = math.log %log3A_68 : f32
    %sub3A_70 = vector.broadcast %log3A_69 : f32 to vector<2048x64xf32>
    %sub3A_71 = arith.subf %add3A_67, %sub3A_70 : vector<2048x64xf32>
    %get3A_72 = arith.constant 0 : index
    %get3A_73 = arith.constant 0 : index
    %get3A_74 = vector.load %arg9[%get3A_72, %get3A_73] : memref<64x64xf32, #tpu.memory_space<vmem>>, vector<64x64xf32>
    %dot_general3A_75 = arith.constant dense<0.000000e+00> : vector<2048x64xf32>
    %dot_general3A_76 = tpu.matmul %sub3A_71, %get3A_74, %dot_general3A_75 {dimension_numbers = #tpu.dot_dimension_numbers<[1], [0], [0], [1], [0, 0, 1, 1], [], []>, transpose_lhs_hint = false} : vector<2048x64xf32>, vector<64x64xf32>, vector<2048x64xf32> -> vector<2048x64xf32>
    %get3A_77 = arith.constant 0 : index
    %get3A_78 = arith.constant 0 : index
    %get3A_79 = vector.load %arg10[%get3A_77, %get3A_78] : memref<1x64xf32, #tpu.memory_space<vmem>>, vector<1x64xf32>
    %add3A_80 = vector.broadcast %get3A_79 : vector<1x64xf32> to vector<2048x64xf32>
    %add3A_81 = arith.addf %dot_general3A_76, %add3A_80 : vector<2048x64xf32>
    %get3A_82 = arith.constant 0 : index
    %get3A_83 = arith.constant 0 : index
    %get3A_84 = vector.load %arg1[%get3A_82, %get3A_83] : memref<2048x64xf32, #tpu.memory_space<vmem>>, vector<2048x64xf32>
    %add3A_85 = arith.addf %get3A_84, %add3A_81 : vector<2048x64xf32>
    %swap3A = arith.constant 0 : index
    %swap3A_86 = arith.constant 0 : index
    %swap3A_87 = vector.load %arg13[%swap3A, %swap3A_86] : memref<2048x64xf32, #tpu.memory_space<vmem>>, vector<2048x64xf32>
    tpu.vector_store %arg13[%swap3A, %swap3A_86], %add3A_85 {strides = array<i32>} : memref<2048x64xf32, #tpu.memory_space<vmem>>, vector<2048x64xf32>,
    %get3A_88 = arith.constant 0 : index
    %get3A_89 = arith.constant 0 : index
    %get3A_90 = vector.load %arg11[%get3A_88, %get3A_89] : memref<64x16xf32, #tpu.memory_space<vmem>>, vector<64x16xf32>
    %dot_general3A_91 = arith.constant dense<0.000000e+00> : vector<2048x16xf32>
    %dot_general3A_92 = tpu.matmul %add3A_85, %get3A_90, %dot_general3A_91 {dimension_numbers = #tpu.dot_dimension_numbers<[1], [0], [0], [1], [0, 0, 1, 1], [], []>, transpose_lhs_hint = false} : vector<2048x64xf32>, vector<64x16xf32>, vector<2048x16xf32> -> vector<2048x16xf32>
    %get3A_93 = arith.constant 0 : index
    %get3A_94 = arith.constant 0 : index
    %get3A_95 = vector.load %arg12[%get3A_93, %get3A_94] : memref<1x16xf32, #tpu.memory_space<vmem>>, vector<1x16xf32>
    %add3A_96 = vector.broadcast %get3A_95 : vector<1x16xf32> to vector<2048x16xf32>
    %add3A_97 = arith.addf %dot_general3A_92, %add3A_96 : vector<2048x16xf32>
    %swap3A_98 = arith.constant 0 : index
    %swap3A_99 = arith.constant 0 : index
    %swap3A_100 = vector.load %arg14[%swap3A_98, %swap3A_99] : memref<2048x16xf32, #tpu.memory_space<vmem>>, vector<2048x16xf32>
    tpu.vector_store %arg14[%swap3A_98, %swap3A_99], %add3A_97 {strides = array<i32>} : memref<2048x16xf32, #tpu.memory_space<vmem>>, vector<2048x16xf32>,
    return
  }
  func.func @transform_0(%arg0: i32) -> (i32, i32) {
    %c0_i32 = arith.constant 0 : i32
    %c0_i32_0 = arith.constant 0 : i32
    return %arg0, %c0_i32 : i32, i32
  }
  func.func @transform_1(%arg0: i32) -> (i32, i32) {
    %c0_i32 = arith.constant 0 : i32
    %c0_i32_0 = arith.constant 0 : i32
    return %arg0, %c0_i32 : i32, i32
  }
  func.func @transform_2(%arg0: i32) -> (i32, i32, i32) {
    %c0_i32 = arith.constant 0 : i32
    %c0_i32_0 = arith.constant 0 : i32
    %c0_i32_1 = arith.constant 0 : i32
    return %c0_i32, %arg0, %c0_i32_0 : i32, i32, i32
  }
  func.func @transform_3(%arg0: i32) -> (i32, i32, i32) {
    %c0_i32 = arith.constant 0 : i32
    %c0_i32_0 = arith.constant 0 : i32
    %c0_i32_1 = arith.constant 0 : i32
    return %c0_i32, %arg0, %c0_i32_0 : i32, i32, i32
  }
  func.func @transform_4(%arg0: i32) -> (i32, i32) {
    %c0_i32 = arith.constant 0 : i32
    %c0_i32_0 = arith.constant 0 : i32
    %c0_i32_1 = arith.constant 0 : i32
    return %c0_i32, %c0_i32_0 : i32, i32
  }
  func.func @transform_5(%arg0: i32) -> (i32, i32) {
    %c0_i32 = arith.constant 0 : i32
    %c0_i32_0 = arith.constant 0 : i32
    %c0_i32_1 = arith.constant 0 : i32
    return %c0_i32, %c0_i32_0 : i32, i32
  }
  func.func @transform_6(%arg0: i32) -> (i32, i32) {
    %c0_i32 = arith.constant 0 : i32
    %c0_i32_0 = arith.constant 0 : i32
    %c0_i32_1 = arith.constant 0 : i32
    return %c0_i32, %c0_i32_0 : i32, i32
  }
  func.func @transform_7(%arg0: i32) -> (i32, i32) {
    %c0_i32 = arith.constant 0 : i32
    %c0_i32_0 = arith.constant 0 : i32
    %c0_i32_1 = arith.constant 0 : i32
    return %c0_i32, %c0_i32_0 : i32, i32
  }
  func.func @transform_8(%arg0: i32) -> (i32, i32) {
    %c0_i32 = arith.constant 0 : i32
    %c0_i32_0 = arith.constant 0 : i32
    %c0_i32_1 = arith.constant 0 : i32
    return %c0_i32, %c0_i32_0 : i32, i32
  }
  func.func @transform_9(%arg0: i32) -> (i32, i32) {
    %c0_i32 = arith.constant 0 : i32
    %c0_i32_0 = arith.constant 0 : i32
    %c0_i32_1 = arith.constant 0 : i32
    return %c0_i32, %c0_i32_0 : i32, i32
  }
  func.func @transform_10(%arg0: i32) -> (i32, i32) {
    %c0_i32 = arith.constant 0 : i32
    %c0_i32_0 = arith.constant 0 : i32
    %c0_i32_1 = arith.constant 0 : i32
    return %c0_i32, %c0_i32_0 : i32, i32
  }
  func.func @transform_11(%arg0: i32) -> (i32, i32) {
    %c0_i32 = arith.constant 0 : i32
    %c0_i32_0 = arith.constant 0 : i32
    %c0_i32_1 = arith.constant 0 : i32
    return %c0_i32, %c0_i32_0 : i32, i32
  }
  func.func @transform_12(%arg0: i32) -> (i32, i32) {
    %c0_i32 = arith.constant 0 : i32
    %c0_i32_0 = arith.constant 0 : i32
    return %arg0, %c0_i32 : i32, i32
  }
  func.func @transform_13(%arg0: i32) -> (i32, i32) {
    %c0_i32 = arith.constant 0 : i32
    %c0_i32_0 = arith.constant 0 : i32
    return %arg0, %c0_i32 : i32, i32
  }
}

module attributes {stable_mosaic.version = 14 : i64} {
  func.func @_node_post_body(%arg0: i32, %arg1: memref<2048x64xf32, #tpu.memory_space<vmem>>, %arg2: memref<2048x16xf32, #tpu.memory_space<vmem>>, %arg3: memref<2x2048x64xf32, #tpu.memory_space<vmem>>, %arg4: memref<2x2048x64xf32, #tpu.memory_space<vmem>>, %arg5: memref<8x64xf32, #tpu.memory_space<vmem>>, %arg6: memref<1x64xf32, #tpu.memory_space<vmem>>, %arg7: memref<64x64xf32, #tpu.memory_space<vmem>>, %arg8: memref<1x64xf32, #tpu.memory_space<vmem>>, %arg9: memref<64x64xf32, #tpu.memory_space<vmem>>, %arg10: memref<1x64xf32, #tpu.memory_space<vmem>>, %arg11: memref<2048x64xf32, #tpu.memory_space<vmem>>) attributes {dimension_semantics = [#tpu.dimension_semantics<arbitrary>], iteration_bounds = array<i64: 5>, scalar_prefetch = 0 : i64, scratch_operands = 0 : i64, tpu.core_type = #tpu.core_type<tc>, window_params = [{transform_indices = @transform_0, window_bounds = array<i64: 2048, 64>}, {transform_indices = @transform_1, window_bounds = array<i64: 2048, 16>}, {transform_indices = @transform_2, window_bounds = array<i64: 2, 2048, 64>}, {transform_indices = @transform_3, window_bounds = array<i64: 2, 2048, 64>}, {pipeline_mode = #tpu.pipeline_mode<synchronous>, transform_indices = @transform_4, window_bounds = array<i64: 8, 64>}, {pipeline_mode = #tpu.pipeline_mode<synchronous>, transform_indices = @transform_5, window_bounds = array<i64: 1, 64>}, {pipeline_mode = #tpu.pipeline_mode<synchronous>, transform_indices = @transform_6, window_bounds = array<i64: 64, 64>}, {pipeline_mode = #tpu.pipeline_mode<synchronous>, transform_indices = @transform_7, window_bounds = array<i64: 1, 64>}, {pipeline_mode = #tpu.pipeline_mode<synchronous>, transform_indices = @transform_8, window_bounds = array<i64: 64, 64>}, {pipeline_mode = #tpu.pipeline_mode<synchronous>, transform_indices = @transform_9, window_bounds = array<i64: 1, 64>}, {transform_indices = @transform_10, window_bounds = array<i64: 2048, 64>}]} {
    %get3A = arith.constant 0 : index
    %get3A_0 = arith.constant 0 : index
    %get3A_1 = arith.constant 0 : index
    %get3A_2 = vector.load %arg3[%get3A, %get3A_0, %get3A_1] : memref<2x2048x64xf32, #tpu.memory_space<vmem>>, vector<1x2048x64xf32>
    %get3A_3 = vector.shape_cast %get3A_2 : vector<1x2048x64xf32> to vector<2048x64xf32>
    %get3A_4 = arith.constant 1 : index
    %get3A_5 = arith.constant 0 : index
    %get3A_6 = arith.constant 0 : index
    %get3A_7 = vector.load %arg3[%get3A_4, %get3A_5, %get3A_6] : memref<2x2048x64xf32, #tpu.memory_space<vmem>>, vector<1x2048x64xf32>
    %get3A_8 = vector.shape_cast %get3A_7 : vector<1x2048x64xf32> to vector<2048x64xf32>
    %add3A = arith.addf %get3A_3, %get3A_8 : vector<2048x64xf32>
    %get3A_9 = arith.constant 0 : index
    %get3A_10 = arith.constant 0 : index
    %get3A_11 = arith.constant 0 : index
    %get3A_12 = vector.load %arg4[%get3A_9, %get3A_10, %get3A_11] : memref<2x2048x64xf32, #tpu.memory_space<vmem>>, vector<1x2048x64xf32>
    %get3A_13 = vector.shape_cast %get3A_12 : vector<1x2048x64xf32> to vector<2048x64xf32>
    %get3A_14 = arith.constant 1 : index
    %get3A_15 = arith.constant 0 : index
    %get3A_16 = arith.constant 0 : index
    %get3A_17 = vector.load %arg4[%get3A_14, %get3A_15, %get3A_16] : memref<2x2048x64xf32, #tpu.memory_space<vmem>>, vector<1x2048x64xf32>
    %get3A_18 = vector.shape_cast %get3A_17 : vector<1x2048x64xf32> to vector<2048x64xf32>
    %add3A_19 = arith.addf %get3A_13, %get3A_18 : vector<2048x64xf32>
    %add3A_20 = arith.addf %add3A, %add3A_19 : vector<2048x64xf32>
    %get3A_21 = arith.constant 0 : index
    %get3A_22 = arith.constant 0 : index
    %get3A_23 = vector.load %arg2[%get3A_21, %get3A_22] : memref<2048x16xf32, #tpu.memory_space<vmem>>, vector<2048x8xf32>
    %get3A_24 = arith.constant 0 : index
    %get3A_25 = arith.constant 0 : index
    %get3A_26 = vector.load %arg5[%get3A_24, %get3A_25] : memref<8x64xf32, #tpu.memory_space<vmem>>, vector<8x64xf32>
    %dot_general3A = arith.constant dense<0.000000e+00> : vector<2048x64xf32>
    %dot_general3A_27 = tpu.matmul %get3A_23, %get3A_26, %dot_general3A {dimension_numbers = #tpu.dot_dimension_numbers<[1], [0], [0], [1], [0, 0, 1, 1], [], []>, transpose_lhs_hint = false} : vector<2048x8xf32>, vector<8x64xf32>, vector<2048x64xf32> -> vector<2048x64xf32>
    %add3A_28 = arith.addf %add3A_20, %dot_general3A_27 : vector<2048x64xf32>
    %get3A_29 = arith.constant 0 : index
    %get3A_30 = arith.constant 0 : index
    %get3A_31 = vector.load %arg6[%get3A_29, %get3A_30] : memref<1x64xf32, #tpu.memory_space<vmem>>, vector<1x64xf32>
    %add3A_32 = vector.broadcast %get3A_31 : vector<1x64xf32> to vector<2048x64xf32>
    %add3A_33 = arith.addf %add3A_28, %add3A_32 : vector<2048x64xf32>
    %max3A = arith.constant 0.000000e+00 : f32
    %max3A_34 = vector.broadcast %max3A : f32 to vector<2048x64xf32>
    %max3A_35 = arith.maximumf %add3A_33, %max3A_34 : vector<2048x64xf32>
    %abs3A = math.absf %add3A_33 : vector<2048x64xf32>
    %neg3A = arith.constant 0.000000e+00 : f32
    %neg3A_36 = vector.broadcast %neg3A : f32 to vector<2048x64xf32>
    %neg3A_37 = arith.subf %neg3A_36, %abs3A : vector<2048x64xf32>
    %exp3A = math.exp %neg3A_37 : vector<2048x64xf32>
    %add3A_38 = arith.constant 1.000000e+00 : f32
    %add3A_39 = vector.broadcast %add3A_38 : f32 to vector<2048x64xf32>
    %add3A_40 = arith.addf %add3A_39, %exp3A : vector<2048x64xf32>
    %log3A = math.log %add3A_40 : vector<2048x64xf32>
    %add3A_41 = arith.addf %max3A_35, %log3A : vector<2048x64xf32>
    %log3A_42 = arith.constant 2.000000e+00 : f32
    %log3A_43 = math.log %log3A_42 : f32
    %sub3A = vector.broadcast %log3A_43 : f32 to vector<2048x64xf32>
    %sub3A_44 = arith.subf %add3A_41, %sub3A : vector<2048x64xf32>
    %get3A_45 = arith.constant 0 : index
    %get3A_46 = arith.constant 0 : index
    %get3A_47 = vector.load %arg7[%get3A_45, %get3A_46] : memref<64x64xf32, #tpu.memory_space<vmem>>, vector<64x64xf32>
    %dot_general3A_48 = arith.constant dense<0.000000e+00> : vector<2048x64xf32>
    %dot_general3A_49 = tpu.matmul %sub3A_44, %get3A_47, %dot_general3A_48 {dimension_numbers = #tpu.dot_dimension_numbers<[1], [0], [0], [1], [0, 0, 1, 1], [], []>, transpose_lhs_hint = false} : vector<2048x64xf32>, vector<64x64xf32>, vector<2048x64xf32> -> vector<2048x64xf32>
    %get3A_50 = arith.constant 0 : index
    %get3A_51 = arith.constant 0 : index
    %get3A_52 = vector.load %arg8[%get3A_50, %get3A_51] : memref<1x64xf32, #tpu.memory_space<vmem>>, vector<1x64xf32>
    %add3A_53 = vector.broadcast %get3A_52 : vector<1x64xf32> to vector<2048x64xf32>
    %add3A_54 = arith.addf %dot_general3A_49, %add3A_53 : vector<2048x64xf32>
    %max3A_55 = arith.constant 0.000000e+00 : f32
    %max3A_56 = vector.broadcast %max3A_55 : f32 to vector<2048x64xf32>
    %max3A_57 = arith.maximumf %add3A_54, %max3A_56 : vector<2048x64xf32>
    %abs3A_58 = math.absf %add3A_54 : vector<2048x64xf32>
    %neg3A_59 = arith.constant 0.000000e+00 : f32
    %neg3A_60 = vector.broadcast %neg3A_59 : f32 to vector<2048x64xf32>
    %neg3A_61 = arith.subf %neg3A_60, %abs3A_58 : vector<2048x64xf32>
    %exp3A_62 = math.exp %neg3A_61 : vector<2048x64xf32>
    %add3A_63 = arith.constant 1.000000e+00 : f32
    %add3A_64 = vector.broadcast %add3A_63 : f32 to vector<2048x64xf32>
    %add3A_65 = arith.addf %add3A_64, %exp3A_62 : vector<2048x64xf32>
    %log3A_66 = math.log %add3A_65 : vector<2048x64xf32>
    %add3A_67 = arith.addf %max3A_57, %log3A_66 : vector<2048x64xf32>
    %log3A_68 = arith.constant 2.000000e+00 : f32
    %log3A_69 = math.log %log3A_68 : f32
    %sub3A_70 = vector.broadcast %log3A_69 : f32 to vector<2048x64xf32>
    %sub3A_71 = arith.subf %add3A_67, %sub3A_70 : vector<2048x64xf32>
    %get3A_72 = arith.constant 0 : index
    %get3A_73 = arith.constant 0 : index
    %get3A_74 = vector.load %arg9[%get3A_72, %get3A_73] : memref<64x64xf32, #tpu.memory_space<vmem>>, vector<64x64xf32>
    %dot_general3A_75 = arith.constant dense<0.000000e+00> : vector<2048x64xf32>
    %dot_general3A_76 = tpu.matmul %sub3A_71, %get3A_74, %dot_general3A_75 {dimension_numbers = #tpu.dot_dimension_numbers<[1], [0], [0], [1], [0, 0, 1, 1], [], []>, transpose_lhs_hint = false} : vector<2048x64xf32>, vector<64x64xf32>, vector<2048x64xf32> -> vector<2048x64xf32>
    %get3A_77 = arith.constant 0 : index
    %get3A_78 = arith.constant 0 : index
    %get3A_79 = vector.load %arg10[%get3A_77, %get3A_78] : memref<1x64xf32, #tpu.memory_space<vmem>>, vector<1x64xf32>
    %add3A_80 = vector.broadcast %get3A_79 : vector<1x64xf32> to vector<2048x64xf32>
    %add3A_81 = arith.addf %dot_general3A_76, %add3A_80 : vector<2048x64xf32>
    %get3A_82 = arith.constant 0 : index
    %get3A_83 = arith.constant 0 : index
    %get3A_84 = vector.load %arg1[%get3A_82, %get3A_83] : memref<2048x64xf32, #tpu.memory_space<vmem>>, vector<2048x64xf32>
    %add3A_85 = arith.addf %get3A_84, %add3A_81 : vector<2048x64xf32>
    %swap3A = arith.constant 0 : index
    %swap3A_86 = arith.constant 0 : index
    %swap3A_87 = vector.load %arg11[%swap3A, %swap3A_86] : memref<2048x64xf32, #tpu.memory_space<vmem>>, vector<2048x64xf32>
    tpu.vector_store %arg11[%swap3A, %swap3A_86], %add3A_85 {strides = array<i32>} : memref<2048x64xf32, #tpu.memory_space<vmem>>, vector<2048x64xf32>,
    return
  }
  func.func @transform_0(%arg0: i32) -> (i32, i32) {
    %c0_i32 = arith.constant 0 : i32
    %c0_i32_0 = arith.constant 0 : i32
    return %arg0, %c0_i32 : i32, i32
  }
  func.func @transform_1(%arg0: i32) -> (i32, i32) {
    %c0_i32 = arith.constant 0 : i32
    %c0_i32_0 = arith.constant 0 : i32
    return %arg0, %c0_i32 : i32, i32
  }
  func.func @transform_2(%arg0: i32) -> (i32, i32, i32) {
    %c0_i32 = arith.constant 0 : i32
    %c0_i32_0 = arith.constant 0 : i32
    %c0_i32_1 = arith.constant 0 : i32
    return %c0_i32, %arg0, %c0_i32_0 : i32, i32, i32
  }
  func.func @transform_3(%arg0: i32) -> (i32, i32, i32) {
    %c0_i32 = arith.constant 0 : i32
    %c0_i32_0 = arith.constant 0 : i32
    %c0_i32_1 = arith.constant 0 : i32
    return %c0_i32, %arg0, %c0_i32_0 : i32, i32, i32
  }
  func.func @transform_4(%arg0: i32) -> (i32, i32) {
    %c0_i32 = arith.constant 0 : i32
    %c0_i32_0 = arith.constant 0 : i32
    %c0_i32_1 = arith.constant 0 : i32
    return %c0_i32, %c0_i32_0 : i32, i32
  }
  func.func @transform_5(%arg0: i32) -> (i32, i32) {
    %c0_i32 = arith.constant 0 : i32
    %c0_i32_0 = arith.constant 0 : i32
    %c0_i32_1 = arith.constant 0 : i32
    return %c0_i32, %c0_i32_0 : i32, i32
  }
  func.func @transform_6(%arg0: i32) -> (i32, i32) {
    %c0_i32 = arith.constant 0 : i32
    %c0_i32_0 = arith.constant 0 : i32
    %c0_i32_1 = arith.constant 0 : i32
    return %c0_i32, %c0_i32_0 : i32, i32
  }
  func.func @transform_7(%arg0: i32) -> (i32, i32) {
    %c0_i32 = arith.constant 0 : i32
    %c0_i32_0 = arith.constant 0 : i32
    %c0_i32_1 = arith.constant 0 : i32
    return %c0_i32, %c0_i32_0 : i32, i32
  }
  func.func @transform_8(%arg0: i32) -> (i32, i32) {
    %c0_i32 = arith.constant 0 : i32
    %c0_i32_0 = arith.constant 0 : i32
    %c0_i32_1 = arith.constant 0 : i32
    return %c0_i32, %c0_i32_0 : i32, i32
  }
  func.func @transform_9(%arg0: i32) -> (i32, i32) {
    %c0_i32 = arith.constant 0 : i32
    %c0_i32_0 = arith.constant 0 : i32
    %c0_i32_1 = arith.constant 0 : i32
    return %c0_i32, %c0_i32_0 : i32, i32
  }
  func.func @transform_10(%arg0: i32) -> (i32, i32) {
    %c0_i32 = arith.constant 0 : i32
    %c0_i32_0 = arith.constant 0 : i32
    return %arg0, %c0_i32 : i32, i32
  }
}

</mosaic_0001>

<sc_bundles>
// kernel: kernel.21.cloned.1.call-start
scs
__scs_entry_jumppad:
0x0: {  	(pc) =	sbr.rel $0x88, $3  }
0x1: {  	(tag) =	ssettag $0x0;
	lr =	simm.s32 $0x1  }
0x2: {  	[smem:$0x3F82] =	sst lr;
	_ =	strace $0xD0000000  }
0x3: {  	_ = 	snop  }
0x4: {  	_ = 	snop  }
0x5: {  	_ = 	snop  }
0x6: {  	_ = 	snop  }
0x7: {  	_ = 	snop  }
__scs_overlays_trampoline_lowered:
0x8: {  	[smem:$0x3F91] =	sst s0  }
0x9: {  	[smem:$0x3F92] =	sst s1  }
0xa: {  	[smem:$0x3F93] =	sst s2  }
0xb: {  	[smem:$0x3F94] =	sst s3  }
0xc: {  	[smem:$0x3F95] =	sst s4  }
0xd: {  	[smem:$0x3F96] =	sst s5  }
0xe: {  	[smem:$0x3F97] =	sst s6  }
0xf: {  	[smem:$0x3F98] =	sst s7  }
0x10: {  	[smem:$0x3F99] =	sst s8  }
0x11: {  	[smem:$0x3F9A] =	sst s9;
	s0 =	simm.s32 @!p0 $0x0  }
0x12: {  	s1 =	sld [smem:$0x3F80];
	s0 =	simm.s32 @p0 $0x1  }
0x13: {  	[smem:$0x3F9B] =	sst s0;
	s0 =	simm.s32 @!p1 $0x0  }
0x14: {  	s2 =	sld [smem:$0x3F7F];
	s0 =	simm.s32 @p1 $0x1  }
0x15: {  	[smem:$0x3F9C] =	sst s0;
	s0 =	simm.s32 @!p2 $0x0  }
0x16: {  	s3 =	sld [smem:$0x3FDB];
	s0 =	simm.s32 @p2 $0x1  }
0x17: {  	s4 =	simm.s32 $0x1BF5;
	[smem:$0x3F9E] =	sst s0  }
0x18: {  	s0 =	sld [smem:$0x3F81];
	_ =	swait.ge [sflag:s4], $0x0  }
0x19: {  	s7 =	sld [smem:$0x3F82]  }
0x1a: {  	s8 =	sadd.s32 $0xFFFFE003, lr  }
0x1b: {  	s9 =	sadd.s32 $0xFFFFFEF7, lr;
	s5 =	simm.s32 $0xFFFFFFFF;
	p2 =	slt.u32 s8, $0xFFFFF086  }
0x1c: {  	p1 =	slt.u32 s9, $0xF7A;
	s5 =	simm.s32 @!p2 $0x0  }
0x1d: {  	s5 =	simm.s32 @p1 $0x1;
	p0 =	seq.s32 s7, s2  }
0x1e: {  	s7 =	smul.u32 @!p0 $0xF7A, s2;
	p2 =	seq.s32 @!p0 s5, $0x0  }
0x1f: {  	s9 =	smul.u32 $0xF7A, s1;
	s8 =	simm.s32 @!p0 $0x1BF5;
	p2 =	por !p2, p0  }
0x20: {  	[sflag:s8] =	ssyncset.s32 @!p0 $0xFFFFF086;
	s6 =	sadd.s32 @!p0 s3, s7;
	s7 =	simm.s32 @!p0 $0x108  }
0x21: {  	s3 =	sadd.s32 s3, s9;
	s6 =	sadd.s32 @!p0 $0x88, s6;
	s7 =	simm.s32 @p2 $0x1082  }
0x22: {  	[simem:s7], [sflag:s8] =	dma.local @!p0 [hbm:s6], $0xF7A  }
0x23: {  	s9 =	sor.u32 $0xD0000000, s2;
	s6 =	simm.s32 $0x108;
	_ =	swait.ge @!p0 [sflag:s8], $0x0  }
0x24: {  	s3 =	sadd.s32 $0x88, s3;
	s6 =	simm.s32 @!p1 $0x1082;
	[sflag:s4] =	ssyncset.s32 $0xFFFFF086  }
0x25: {  	[simem:s6], [sflag:s4] =	dma.local [hbm:s3], $0xF7A  }
0x26: {  	[smem:$0x3F82] =	sst s1;
	(tag) =	ssettag s2;
	_ =	strace s9  }
0x27: {  	s1 =	sld [smem:$0x3F92]  }
0x28: {  	s2 =	sld [smem:$0x3F93]  }
0x29: {  	s4 =	sld [smem:$0x3F95]  }
0x2a: {  	p0 =	seq.s32 s5, $0x0;
	s5 =	sld [smem:$0x3F96]  }
0x2b: {  	s6 =	sld [smem:$0x3F97]  }
0x2c: {  	s7 =	sld [smem:$0x3F98]  }
0x2d: {  	s3 =	simm.s32 $0x108;
	s8 =	sld [smem:$0x3F99]  }
0x2e: {  	s3 =	simm.s32 @!p0 $0x1082;
	s9 =	sld [smem:$0x3F9A]  }
0x2f: {  	lr =	sadd.s32 s0, s3;
	s0 =	sld [smem:$0x3F91]  }
0x30: {  	s3 =	sld [smem:$0x3F94]  }
0x31: {  	[smem:$0x3F9D] =	sst s10  }
0x32: {  	s10 =	sld [smem:$0x3F9B];
	_ =	sdelay $0x3  }
0x33: {  	p0 =	seq.s32 s10, $0x1;
	s10 =	sld [smem:$0x3F9D];
	_ =	sdelay $0x3  }
0x34: {  	[smem:$0x3F9D] =	sst s10  }
0x35: {  	s10 =	sld [smem:$0x3F9C];
	_ =	sdelay $0x3  }
0x36: {  	p1 =	seq.s32 s10, $0x1;
	s10 =	sld [smem:$0x3F9D];
	_ =	sdelay $0x3  }
0x37: {  	[smem:$0x3F9D] =	sst s10  }
0x38: {  	s10 =	sld [smem:$0x3F9E]  }
0x39: {  	_ = 	snop;
	(pc) =	sbr.ind lr, $3  }
0x3a: {  	_ = 	snop  }
0x3b: {  	_ = 	snop  }
0x3c: {  	p2 =	seq.s32 s10, $0x1;
	s10 =	sld [smem:$0x3F9D]  }
0x3d: {  	_ =	shalt  }
0x3e: {  	_ =	shalt  }
0x3f: {  	_ =	shalt  }
0x40: {  	_ =	shalt  }
0x41: {  	_ =	shalt  }
0x42: {  	_ =	shalt  }
0x43: {  	_ =	shalt  }
0x44: {  	_ =	shalt  }
0x45: {  	_ =	shalt  }
0x46: {  	_ =	shalt  }
0x47: {  	_ =	shalt  }
0x48: {  	_ =	shalt  }
0x49: {  	_ =	shalt  }
0x4a: {  	_ =	shalt  }
0x4b: {  	_ =	shalt  }
0x4c: {  	_ =	shalt  }
0x4d: {  	_ =	shalt  }
0x4e: {  	_ =	shalt  }
0x4f: {  	_ =	shalt  }
0x50: {  	_ =	shalt  }
0x51: {  	_ =	shalt  }
0x52: {  	_ =	shalt  }
0x53: {  	_ =	shalt  }
0x54: {  	_ =	shalt  }
0x55: {  	_ =	shalt  }
0x56: {  	_ =	shalt  }
0x57: {  	_ =	shalt  }
0x58: {  	_ =	shalt  }
0x59: {  	_ =	shalt  }
0x5a: {  	_ =	shalt  }
0x5b: {  	_ =	shalt  }
0x5c: {  	_ =	shalt  }
0x5d: {  	_ =	shalt  }
0x5e: {  	_ =	shalt  }
0x5f: {  	_ =	shalt  }
0x60: {  	_ =	shalt  }
0x61: {  	_ =	shalt  }
0x62: {  	_ =	shalt  }
0x63: {  	_ =	shalt  }
0x64: {  	_ =	shalt  }
0x65: {  	_ =	shalt  }
0x66: {  	_ =	shalt  }
0x67: {  	_ =	shalt  }
0x68: {  	_ =	shalt  }
0x69: {  	_ =	shalt  }
0x6a: {  	_ =	shalt  }
0x6b: {  	_ =	shalt  }
0x6c: {  	_ =	shalt  }
0x6d: {  	_ =	shalt  }
0x6e: {  	_ =	shalt  }
0x6f: {  	_ =	shalt  }
0x70: {  	_ =	shalt  }
0x71: {  	_ =	shalt  }
0x72: {  	_ =	shalt  }
0x73: {  	_ =	shalt  }
0x74: {  	_ =	shalt  }
0x75: {  	_ =	shalt  }
0x76: {  	_ =	shalt  }
0x77: {  	_ =	shalt  }
0x78: {  	_ =	shalt  }
0x79: {  	_ =	shalt  }
0x7a: {  	_ =	shalt  }
0x7b: {  	_ =	shalt  }
0x7c: {  	_ =	shalt  }
0x7d: {  	_ =	shalt  }
0x7e: {  	_ =	shalt  }
0x7f: {  	_ =	shalt  }
0x80: {  	_ =	shalt  }
0x81: {  	_ =	shalt  }
0x82: {  	_ =	shalt  }
0x83: {  	_ =	shalt  }
0x84: {  	_ =	shalt  }
0x85: {  	_ =	shalt  }
0x86: {  	_ =	shalt  }
0x87: {  	_ =	shalt  }
.Lfunc_end0:
.L_simem_size_0:
called_computation_lowered:
.L_overlay_start_0:
0x88: {  	s2 =	sld [smem:$0x3FD9]  }
0x89: {  	s3 =	sld [smem:$0x3FFE];
	_ =	sdelay $0x1  }
0x8a: {  	s1 =	srdreg.scid  }
0x8b: {  	s0 =	sand.u32 $0x1, s1  }
0x8c: {  	s17 =	sshll.u32 s0, $0xA;
	s2 =	sadd.s32 s3, s2  }
0x8d: {  	s2 =	sadd.s32 s2, s17  }
0x8e: {  	[smem:$0x3FA9] =	sst s2  }
0x8f: {  	_ = 	snop  }
0x90: {  	s2 =	sld [smem:$0x3FD0];
	(tm) =	ssettm $0x1  }
0x91: {  	s18 =	sld [smem:$0x3FFB];
	_ =	sdelay $0x3  }
0x92: {  	_ =	strace s18  }
0x93: {  	s3 =	sld [smem:$0x3FFC];
	_ =	sdelay $0x3  }
0x94: {  	_ =	strace s3  }
0x95: {  	s3 =	sld [smem:$0x3FFD];
	_ =	sdelay $0x3  }
0x96: {  	_ =	strace s3  }
0x97: {  	_ =	strace $0x8FFFFFFF  }
0x98: {  	s19 =	sld [smem:$0x3FDB];
	_ =	sdelay $0x1  }
0x99: {  	s4 =	simm.s32 $_scs_section_size  }
0x9a: {  	s5 =	simm.s32 $_size__tile_overlayer_lowered;
	s6 =	simm.s32 $_tile_overlayer_lowered  }
0x9b: {  	s22 =	simm.s32 $0x1BFF;
	s21 =	sshll.u32 s6, $0x1;
	s3 =	sadd.s32 s4, s19  }
0x9c: {  	s7 =	simm.s32 $0x0;
	s20 =	sshll.u32 s5, $0x1;
	s5 =	sadd.s32 s21, s3  }
0x9d: {  	[timem:s7], [sflag:s22] =	dma.local [hbm:s5], s20  }
0x9e: {  	_ =	swait.ge [sflag:s22], s20  }
0x9f: {  	s4 =	ssub.s32 $0x0, s20;
	[sflag:s22] =	ssyncset.done $0x0  }
0xa0: {  	[sflag:s22] =	ssyncadd.s32 s4;
	_ =	sdelay $0x1  }
0xa1: {  	s23 =	simm.s32 $0x1B8B  }
0xa2: {  	_ =	swait.ge [sflag:s23], $0x1  }
0xa3: {  	[sflag:s23] =	ssyncset.done $0x0  }
0xa4: {  	s25 =	simm.s32 $0x1B8E;
	s24 =	sld [smem:$0x3FFE];
	[sflag:s23] =	ssyncadd.s32 $0xFFFFFFFF  }
0xa5: {  	s26 =	simm.s32 $execute0_lowered;
	[smem:$0x3FD2] =	sst s25  }
0xa6: {  	s5 =	sshll.u32 s26, $0x1;
	_ =	strace $0x80000046;
	[dreg:$0x1] =	wrdreg $0xFFFFFFFF  }
0xa7: {  	s28 =	simm.s32 $_size_execute0_lowered;
	s3 =	sadd.s32 s3, s5;
	[dreg:$0x0] =	wrdreg $0x0  }
0xa8: {  	s5 =	sshll.u32 s28, $0x1;
	[dreg:$0x2] =	wrdreg s3  }
0xa9: {  	[dreg:$0x3] =	wrdreg s5  }
0xaa: {  	[dreg:$0x4] =	wrdreg $0xC0  }
0xab: {  	_ =	task [dreg:s7], $0x5FFFF  }
0xac: {  	[dreg:$0x1] =	wrdreg $0xFFFFFFFF  }
0xad: {  	[dreg:$0x0] =	wrdreg $0x60  }
0xae: {  	[dreg:$0x2] =	wrdreg s24  }
0xaf: {  	[dreg:$0x3] =	wrdreg s2  }
0xb0: {  	[dreg:$0x4] =	wrdreg $0x9  }
0xb1: {  	_ =	task.clear_ibuf [dreg:s7], $0x5FFFF;
	_ =	strace $0x90000046  }
0xb2: {  	s29 =	simm.s32 $0x9;
	_ =	strace $0x80000048  }
0xb3: {  	_ =	swait.ge [sflag:s29], $0x1  }
0xb4: {  	[sflag:s29] =	ssyncadd.s32 $0xFFFFFFFF  }
0xb5: {  	_ =	strace $0x90000048  }
0xb6: {  	_ =	sfence  }
0xb7: {  	s30 =	sld [smem:$0x0];
	_ =	sdelay $0x2  }
0xb8: {  	s31 =	sshll.u32 s1, $0xD;
	s1 =	sshrl.u32 s1, $0x2  }
0xb9: {  	s3 =	sand.u32 $0x4000, s31;
	s1 =	sadd.s32 s1, s30  }
0xba: {  	s0 =	sor.u32 s3, s0;
	s1 =	sshll.u32 s1, $0x11  }
0xbb: {  	s0 =	sor.u32 s1, s0  }
0xbc: {  	s0 =	sadd.s32 $0x8F2B, s0  }
0xbd: {  	[sflag:s0] =	ssyncadd.remote.s32 $0x1  }
0xbe: {  	_ =	sfence.sel $0xFFFF  }
0xbf: {  	[dreg:$0x0] =	wrdreg $0xFFFFFFFF;
	(pc) =	sbr.abs _section_cstart, $3  }
0xc0: {  	[dreg:$0x1] =	wrdreg $0xFFFFFFFF  }
0xc1: {  	_ =	task.clear_ibuf [dreg:s7], $0x2FFFF;
	_ =	strace $0x9FFFFFFF  }
0xc2: {  	(tm) =	ssettm $0x7FFFFFFF  }
0xc3: {  	_ =	shalt  }
tec
execute0_lowered:
.L_overlay_start_1:
0x0: {  	(tag) =	ssettag $0x1  }
0x1: {  	s0 =	srdreg.scid  }
0x2: {  	s10 =	sand.u32 $0x1, s0  }
0x3: {  	s0 =	stileid.u32;
	s1 =	sshll.u32 s10, $0x4  }
0x4: {  	s11 =	rddreg [dreg:$0x0];
	s12 =	sor.u32 s0, s1  }
0x5: {  	s13 =	rddreg [dreg:$0x1];
	s2 =	simm.s32 $0x0;
	s3 =	smul.u32 $0x28, s12  }
0x6: {  	[smem:$0x7FF] =	sst s2  }
0x7: {  	s1 =	rddreg [dreg:$0x2];
	s3 =	sadd.s32 s3, s11  }
0x8: {  	_ =	strace $0x80000047;
	s4 =	sadd.s32 $0x9E00, s3;
	s3 =	simm.s32 $0x2  }
0x9: {  	[tilespmem:s2], [sflag:$0x2] =	stream.linear.gather [hbm4b:s4+s2], $0x140, $0x38;
	[tilespmem:$0x6540] =	vst v63  }
0xa: {  	_ =	swait.ge [sflag:s3], $0x140  }
0xb: {  	[sflag:s3] =	ssyncset.done $0x0  }
0xc: {  	s6 =	simm.s32 $0x140;
	s5 =	sadd.s32 $0x9800, s11;
	[sflag:s3] =	ssyncadd.s32 $0xFFFFFEC0  }
0xd: {  	[tilespmem:s6], [sflag:$0x1] =	stream.indirect.gather [hbm4b:s5+s6], $0x40, s2, s6, $0xb8;
	[tilespmem:$0x6540] =	vst v63  }
0xe: {  	s8 =	simm.s32 $0x5140;
	s9 =	simm.s32 $0x1;
	s7 =	sadd.s32 $0x9C00, s11  }
0xf: {  	[tilespmem:s8], [sflag:$0x1] =	stream.indirect.gather [hbm4b:s7+s6], $0x10, s2, s6, $0xb8;
	[tilespmem:$0x6540] =	vst v63  }
0x10: {  	_ =	swait.ge [sflag:s9], $0x5000  }
0x11: {  	[sflag:s9] =	ssyncset.done $0x0  }
0x12: {  	s29 =	ssub.s32 $0x2, s10;
	s14 =	smul.u32 $0xA00, s12;
	[sflag:s9] =	ssyncadd.s32 $0xFFFFB000  }
0x13: {  	s30 =	sshrl.u32 s29, $0x1;
	_ =	swait.ge [sflag:s9], $0x1400  }
0x14: {  	s11 =	sadd.s32 s14, s11;
	s14 =	ssub.s32 s29, s30;
	[sflag:s9] =	ssyncset.done $0x0  }
0x15: {  	s10 =	sadd.s32 $0xA400, s11;
	s31 =	smax.u32 s14, $0x1;
	[sflag:s9] =	ssyncadd.s32 $0xFFFFEC00  }
0x16: {  	[hbm4b:s10+s2] =	stream.linear.scatter [tilespmem:s6], [sflag:$0x2], $0x5000, $0x38;
	[tilespmem:$0x6540] =	vst v63  }
0x17: {  	s12 =	smul.u32 $0x280, s12;
	p0 =	sne.s32 s31, $0x1;
	_ =	swait.ge [sflag:s3], $0x5000  }
.Ltmp0:
0x18: {  	[sflag:s3] =	ssyncset.done $0x0;
	(pc) =	sbr.rel @!p0 .LBB2_2-.Ltmp0, $4  }
0x19: {  	s11 =	sadd.s32 s13, s12;
	[sflag:s3] =	ssyncadd.s32 $0xFFFFB000  }
0x1a: {  	[hbm4b:s11+s2] =	stream.linear.scatter [tilespmem:s8], [sflag:$0x2], $0x1400, $0x38;
	[tilespmem:$0x6540] =	vst v63  }
0x1b: {  	_ =	swait.ge [sflag:s3], $0x1400  }
0x1c: {  	s12 =	sadd.s32 $0xFFFFFFFF, s31;
	[sflag:s3] =	ssyncset.done $0x0  }
.LBB2_1:
0x1d: {  	p0 =	sne.s32 s12, $0x1;
	s12 =	sadd.s32 $0xFFFFFFFF, s12;
	[sflag:s3] =	ssyncadd.s32 $0xFFFFEC00  }
0x1e: {  	[tilespmem:s2], [sflag:$0x2] =	stream.linear.gather [hbm4b:s4+s2], $0x140, $0x38;
	[tilespmem:$0x6540] =	vst v63  }
0x1f: {  	_ =	swait.ge [sflag:s3], $0x140  }
0x20: {  	[sflag:s3] =	ssyncset.done $0x0  }
0x21: {  	[sflag:s3] =	ssyncadd.s32 $0xFFFFFEC0  }
0x22: {  	[tilespmem:s6], [sflag:$0x1] =	stream.indirect.gather [hbm4b:s5+s6], $0x40, s2, s6, $0xb8;
	[tilespmem:$0x6540] =	vst v63  }
0x23: {  	_ = 	snop  }
0x24: {  	[tilespmem:s8], [sflag:$0x1] =	stream.indirect.gather [hbm4b:s7+s6], $0x10, s2, s6, $0xb8;
	[tilespmem:$0x6540] =	vst v63  }
0x25: {  	_ =	swait.ge [sflag:s9], $0x5000  }
0x26: {  	[sflag:s9] =	ssyncset.done $0x0  }
0x27: {  	[sflag:s9] =	ssyncadd.s32 $0xFFFFB000  }
0x28: {  	_ =	swait.ge [sflag:s9], $0x1400  }
0x29: {  	[sflag:s9] =	ssyncset.done $0x0  }
0x2a: {  	[sflag:s9] =	ssyncadd.s32 $0xFFFFEC00  }
0x2b: {  	[hbm4b:s10+s2] =	stream.linear.scatter [tilespmem:s6], [sflag:$0x2], $0x5000, $0x38;
	[tilespmem:$0x6540] =	vst v63  }
0x2c: {  	_ =	swait.ge [sflag:s3], $0x5000  }
.Ltmp1:
0x2d: {  	[sflag:s3] =	ssyncset.done $0x0;
	(pc) =	sbr.rel @p0 .LBB2_1-.Ltmp1, $4  }
0x2e: {  	[sflag:s3] =	ssyncadd.s32 $0xFFFFB000  }
0x2f: {  	[hbm4b:s11+s2] =	stream.linear.scatter [tilespmem:s8], [sflag:$0x2], $0x1400, $0x38;
	[tilespmem:$0x6540] =	vst v63  }
0x30: {  	_ =	swait.ge [sflag:s3], $0x1400  }
0x31: {  	[sflag:s3] =	ssyncset.done $0x0  }
.LBB2_2:
0x32: {  	[sflag:s3] =	ssyncadd.s32 $0xFFFFEC00  }
0x33: {  	_ =	sfence.sel $0x180000  }
0x34: {  	[bflag:$0x0] =	sbarrier.arrive $0xFFFF  }
0x35: {  	p0 =	sne.s32 s0, $0x0;
	_ =	strace $0x90000047  }
0x36: {  	s0 =	sadd.s32 @!p0 $0x100000, s1;
	[bflag:$0x2] =	sbarrier.arrive $0xFFFF  }
0x37: {  	[sflag:s0] =	ssyncadd.tile.s32 @!p0 $0x1;
	_ =	shalt  }
.Lfunc_end2:
_tile_overlayer_lowered:
.L_overlay_start_2:
0x38: {  	(tag) =	ssettag $0x2  }
0x39: {  	s0 =	rddreg [dreg:$0x0];
	s2 =	stileid.u32  }
0x3a: {  	s1 =	rddreg [dreg:$0x1];
	p0 =	sne.s32 s2, $0x0  }
0x3b: {  	s3 =	rddreg [dreg:$0x2];
	[bflag:$0x3] =	sbarrier.arrive $0xFFFF;
	s2 =	simm.s32 @!p0 $0x1C02  }
0x3c: {  	[timem:s3], [sflag:s2] =	dma.local @!p0 [hbm:s0], s1  }
0x3d: {  	s0 =	simm.s32 @!p0 $0x2  }
0x3e: {  	_ =	swait.ge @!p0 [sflag:s0], s1  }
0x3f: {  	s1 =	ssub.s32 @!p0 $0x0, s1;
	[sflag:s0] =	ssyncset.done @!p0 $0x0  }
0x40: {  	[sflag:s0] =	ssyncadd.s32 @!p0 s1  }
0x41: {  	[bflag:$0x3] =	sbarrier.arrive $0xFFFF  }
0x42: {  	_ =	shalt  }

// kernel: kernel.24.cloned.1.call-start
scs
__scs_entry_jumppad:
0x0: {  	(pc) =	sbr.rel $0x88, $3  }
0x1: {  	(tag) =	ssettag $0x0;
	lr =	simm.s32 $0x1  }
0x2: {  	[smem:$0x3F82] =	sst lr;
	_ =	strace $0xD0000000  }
0x3: {  	_ = 	snop  }
0x4: {  	_ = 	snop  }
0x5: {  	_ = 	snop  }
0x6: {  	_ = 	snop  }
0x7: {  	_ = 	snop  }
__scs_overlays_trampoline_lowered:
0x8: {  	[smem:$0x3F91] =	sst s0  }
0x9: {  	[smem:$0x3F92] =	sst s1  }
0xa: {  	[smem:$0x3F93] =	sst s2  }
0xb: {  	[smem:$0x3F94] =	sst s3  }
0xc: {  	[smem:$0x3F95] =	sst s4  }
0xd: {  	[smem:$0x3F96] =	sst s5  }
0xe: {  	[smem:$0x3F97] =	sst s6  }
0xf: {  	[smem:$0x3F98] =	sst s7  }
0x10: {  	[smem:$0x3F99] =	sst s8  }
0x11: {  	[smem:$0x3F9A] =	sst s9;
	s0 =	simm.s32 @!p0 $0x0  }
0x12: {  	s1 =	sld [smem:$0x3F80];
	s0 =	simm.s32 @p0 $0x1  }
0x13: {  	[smem:$0x3F9B] =	sst s0;
	s0 =	simm.s32 @!p1 $0x0  }
0x14: {  	s2 =	sld [smem:$0x3F7F];
	s0 =	simm.s32 @p1 $0x1  }
0x15: {  	[smem:$0x3F9C] =	sst s0;
	s0 =	simm.s32 @!p2 $0x0  }
0x16: {  	s3 =	sld [smem:$0x3FDB];
	s0 =	simm.s32 @p2 $0x1  }
0x17: {  	s4 =	simm.s32 $0x1BF5;
	[smem:$0x3F9E] =	sst s0  }
0x18: {  	s0 =	sld [smem:$0x3F81];
	_ =	swait.ge [sflag:s4], $0x0  }
0x19: {  	s7 =	sld [smem:$0x3F82]  }
0x1a: {  	s8 =	sadd.s32 $0xFFFFE003, lr  }
0x1b: {  	s9 =	sadd.s32 $0xFFFFFEF7, lr;
	s5 =	simm.s32 $0xFFFFFFFF;
	p2 =	slt.u32 s8, $0xFFFFF086  }
0x1c: {  	p1 =	slt.u32 s9, $0xF7A;
	s5 =	simm.s32 @!p2 $0x0  }
0x1d: {  	s5 =	simm.s32 @p1 $0x1;
	p0 =	seq.s32 s7, s2  }
0x1e: {  	s7 =	smul.u32 @!p0 $0xF7A, s2;
	p2 =	seq.s32 @!p0 s5, $0x0  }
0x1f: {  	s9 =	smul.u32 $0xF7A, s1;
	s8 =	simm.s32 @!p0 $0x1BF5;
	p2 =	por !p2, p0  }
0x20: {  	[sflag:s8] =	ssyncset.s32 @!p0 $0xFFFFF086;
	s6 =	sadd.s32 @!p0 s3, s7;
	s7 =	simm.s32 @!p0 $0x108  }
0x21: {  	s3 =	sadd.s32 s3, s9;
	s6 =	sadd.s32 @!p0 $0x88, s6;
	s7 =	simm.s32 @p2 $0x1082  }
0x22: {  	[simem:s7], [sflag:s8] =	dma.local @!p0 [hbm:s6], $0xF7A  }
0x23: {  	s9 =	sor.u32 $0xD0000000, s2;
	s6 =	simm.s32 $0x108;
	_ =	swait.ge @!p0 [sflag:s8], $0x0  }
0x24: {  	s3 =	sadd.s32 $0x88, s3;
	s6 =	simm.s32 @!p1 $0x1082;
	[sflag:s4] =	ssyncset.s32 $0xFFFFF086  }
0x25: {  	[simem:s6], [sflag:s4] =	dma.local [hbm:s3], $0xF7A  }
0x26: {  	[smem:$0x3F82] =	sst s1;
	(tag) =	ssettag s2;
	_ =	strace s9  }
0x27: {  	s1 =	sld [smem:$0x3F92]  }
0x28: {  	s2 =	sld [smem:$0x3F93]  }
0x29: {  	s4 =	sld [smem:$0x3F95]  }
0x2a: {  	p0 =	seq.s32 s5, $0x0;
	s5 =	sld [smem:$0x3F96]  }
0x2b: {  	s6 =	sld [smem:$0x3F97]  }
0x2c: {  	s7 =	sld [smem:$0x3F98]  }
0x2d: {  	s3 =	simm.s32 $0x108;
	s8 =	sld [smem:$0x3F99]  }
0x2e: {  	s3 =	simm.s32 @!p0 $0x1082;
	s9 =	sld [smem:$0x3F9A]  }
0x2f: {  	lr =	sadd.s32 s0, s3;
	s0 =	sld [smem:$0x3F91]  }
0x30: {  	s3 =	sld [smem:$0x3F94]  }
0x31: {  	[smem:$0x3F9D] =	sst s10  }
0x32: {  	s10 =	sld [smem:$0x3F9B];
	_ =	sdelay $0x3  }
0x33: {  	p0 =	seq.s32 s10, $0x1;
	s10 =	sld [smem:$0x3F9D];
	_ =	sdelay $0x3  }
0x34: {  	[smem:$0x3F9D] =	sst s10  }
0x35: {  	s10 =	sld [smem:$0x3F9C];
	_ =	sdelay $0x3  }
0x36: {  	p1 =	seq.s32 s10, $0x1;
	s10 =	sld [smem:$0x3F9D];
	_ =	sdelay $0x3  }
0x37: {  	[smem:$0x3F9D] =	sst s10  }
0x38: {  	s10 =	sld [smem:$0x3F9E]  }
0x39: {  	_ = 	snop;
	(pc) =	sbr.ind lr, $3  }
0x3a: {  	_ = 	snop  }
0x3b: {  	_ = 	snop  }
0x3c: {  	p2 =	seq.s32 s10, $0x1;
	s10 =	sld [smem:$0x3F9D]  }
0x3d: {  	_ =	shalt  }
0x3e: {  	_ =	shalt  }
0x3f: {  	_ =	shalt  }
0x40: {  	_ =	shalt  }
0x41: {  	_ =	shalt  }
0x42: {  	_ =	shalt  }
0x43: {  	_ =	shalt  }
0x44: {  	_ =	shalt  }
0x45: {  	_ =	shalt  }
0x46: {  	_ =	shalt  }
0x47: {  	_ =	shalt  }
0x48: {  	_ =	shalt  }
0x49: {  	_ =	shalt  }
0x4a: {  	_ =	shalt  }
0x4b: {  	_ =	shalt  }
0x4c: {  	_ =	shalt  }
0x4d: {  	_ =	shalt  }
0x4e: {  	_ =	shalt  }
0x4f: {  	_ =	shalt  }
0x50: {  	_ =	shalt  }
0x51: {  	_ =	shalt  }
0x52: {  	_ =	shalt  }
0x53: {  	_ =	shalt  }
0x54: {  	_ =	shalt  }
0x55: {  	_ =	shalt  }
0x56: {  	_ =	shalt  }
0x57: {  	_ =	shalt  }
0x58: {  	_ =	shalt  }
0x59: {  	_ =	shalt  }
0x5a: {  	_ =	shalt  }
0x5b: {  	_ =	shalt  }
0x5c: {  	_ =	shalt  }
0x5d: {  	_ =	shalt  }
0x5e: {  	_ =	shalt  }
0x5f: {  	_ =	shalt  }
0x60: {  	_ =	shalt  }
0x61: {  	_ =	shalt  }
0x62: {  	_ =	shalt  }
0x63: {  	_ =	shalt  }
0x64: {  	_ =	shalt  }
0x65: {  	_ =	shalt  }
0x66: {  	_ =	shalt  }
0x67: {  	_ =	shalt  }
0x68: {  	_ =	shalt  }
0x69: {  	_ =	shalt  }
0x6a: {  	_ =	shalt  }
0x6b: {  	_ =	shalt  }
0x6c: {  	_ =	shalt  }
0x6d: {  	_ =	shalt  }
0x6e: {  	_ =	shalt  }
0x6f: {  	_ =	shalt  }
0x70: {  	_ =	shalt  }
0x71: {  	_ =	shalt  }
0x72: {  	_ =	shalt  }
0x73: {  	_ =	shalt  }
0x74: {  	_ =	shalt  }
0x75: {  	_ =	shalt  }
0x76: {  	_ =	shalt  }
0x77: {  	_ =	shalt  }
0x78: {  	_ =	shalt  }
0x79: {  	_ =	shalt  }
0x7a: {  	_ =	shalt  }
0x7b: {  	_ =	shalt  }
0x7c: {  	_ =	shalt  }
0x7d: {  	_ =	shalt  }
0x7e: {  	_ =	shalt  }
0x7f: {  	_ =	shalt  }
0x80: {  	_ =	shalt  }
0x81: {  	_ =	shalt  }
0x82: {  	_ =	shalt  }
0x83: {  	_ =	shalt  }
0x84: {  	_ =	shalt  }
0x85: {  	_ =	shalt  }
0x86: {  	_ =	shalt  }
0x87: {  	_ =	shalt  }
.Lfunc_end0:
.L_simem_size_0:
called_computation.1_lowered:
.L_overlay_start_0:
0x88: {  	s2 =	sld [smem:$0x3FD9]  }
0x89: {  	s3 =	sld [smem:$0x3FFE];
	_ =	sdelay $0x1  }
0x8a: {  	s1 =	srdreg.scid  }
0x8b: {  	s0 =	sand.u32 $0x1, s1  }
0x8c: {  	s17 =	sshll.u32 s0, $0xA;
	s2 =	sadd.s32 s3, s2  }
0x8d: {  	s2 =	sadd.s32 s2, s17  }
0x8e: {  	[smem:$0x3FA9] =	sst s2  }
0x8f: {  	_ = 	snop  }
0x90: {  	s2 =	sld [smem:$0x3FC7]  }
0x91: {  	s18 =	sld [smem:$0x3FD0];
	(tm) =	ssettm $0x1  }
0x92: {  	s4 =	sld [smem:$0x3FFB];
	_ =	sdelay $0x3  }
0x93: {  	_ =	strace s4  }
0x94: {  	s4 =	sld [smem:$0x3FFC];
	_ =	sdelay $0x3  }
0x95: {  	_ =	strace s4  }
0x96: {  	s4 =	sld [smem:$0x3FFD];
	_ =	sdelay $0x3  }
0x97: {  	_ =	strace s4  }
0x98: {  	_ =	strace $0x8FFFFFFF  }
0x99: {  	s19 =	sld [smem:$0x3FDB];
	_ =	sdelay $0x1  }
0x9a: {  	s5 =	simm.s32 $_scs_section_size  }
0x9b: {  	s6 =	simm.s32 $_size__tile_overlayer_lowered;
	s7 =	simm.s32 $_tile_overlayer_lowered  }
0x9c: {  	s22 =	simm.s32 $0x1BFF;
	s21 =	sshll.u32 s7, $0x1;
	s4 =	sadd.s32 s5, s19  }
0x9d: {  	s8 =	simm.s32 $0x0;
	s20 =	sshll.u32 s6, $0x1;
	s6 =	sadd.s32 s21, s4  }
0x9e: {  	[timem:s8], [sflag:s22] =	dma.local [hbm:s6], s20  }
0x9f: {  	_ =	swait.ge [sflag:s22], s20  }
0xa0: {  	s5 =	ssub.s32 $0x0, s20;
	[sflag:s22] =	ssyncset.done $0x0  }
0xa1: {  	[sflag:s22] =	ssyncadd.s32 s5;
	_ =	sdelay $0x1  }
0xa2: {  	s23 =	simm.s32 $0x1B8B  }
0xa3: {  	_ =	swait.ge [sflag:s23], $0x1  }
0xa4: {  	[sflag:s23] =	ssyncset.done $0x0  }
0xa5: {  	s25 =	simm.s32 $0x1B8E;
	s24 =	sld [smem:$0x3FFE];
	[sflag:s23] =	ssyncadd.s32 $0xFFFFFFFF  }
0xa6: {  	s26 =	simm.s32 $execute0_lowered;
	[smem:$0x3FD2] =	sst s25  }
0xa7: {  	s6 =	sshll.u32 s26, $0x1;
	_ =	strace $0x80000049;
	[dreg:$0x1] =	wrdreg $0xFFFFFFFF  }
0xa8: {  	s28 =	simm.s32 $_size_execute0_lowered;
	s4 =	sadd.s32 s4, s6;
	[dreg:$0x0] =	wrdreg $0x0  }
0xa9: {  	s6 =	sshll.u32 s28, $0x1;
	[dreg:$0x2] =	wrdreg s4  }
0xaa: {  	[dreg:$0x3] =	wrdreg s6  }
0xab: {  	[dreg:$0x4] =	wrdreg $0xC0  }
0xac: {  	_ =	task [dreg:s8], $0x5FFFF  }
0xad: {  	[dreg:$0x1] =	wrdreg $0xFFFFFFFF  }
0xae: {  	[dreg:$0x0] =	wrdreg $0x60  }
0xaf: {  	[dreg:$0x2] =	wrdreg s18  }
0xb0: {  	[dreg:$0x3] =	wrdreg s2  }
0xb1: {  	[dreg:$0x4] =	wrdreg s24  }
0xb2: {  	[dreg:$0x5] =	wrdreg $0x9  }
0xb3: {  	_ =	task.clear_ibuf [dreg:s8], $0x6FFFF;
	_ =	strace $0x90000049  }
0xb4: {  	s29 =	simm.s32 $0x9;
	_ =	strace $0x8000004B  }
0xb5: {  	_ =	swait.ge [sflag:s29], $0x1  }
0xb6: {  	[sflag:s29] =	ssyncadd.s32 $0xFFFFFFFF  }
0xb7: {  	_ =	strace $0x9000004B  }
0xb8: {  	_ =	sfence  }
0xb9: {  	s30 =	sld [smem:$0x0];
	_ =	sdelay $0x2  }
0xba: {  	s31 =	sshll.u32 s1, $0xD;
	s1 =	sshrl.u32 s1, $0x2  }
0xbb: {  	s3 =	sand.u32 $0x4000, s31;
	s1 =	sadd.s32 s1, s30  }
0xbc: {  	s0 =	sor.u32 s3, s0;
	s1 =	sshll.u32 s1, $0x11  }
0xbd: {  	s0 =	sor.u32 s1, s0  }
0xbe: {  	s0 =	sadd.s32 $0x8F2B, s0  }
0xbf: {  	[sflag:s0] =	ssyncadd.remote.s32 $0x1  }
0xc0: {  	_ =	sfence.sel $0xFFFF  }
0xc1: {  	[dreg:$0x0] =	wrdreg $0xFFFFFFFF;
	(pc) =	sbr.abs _section_cstart, $3  }
0xc2: {  	[dreg:$0x1] =	wrdreg $0xFFFFFFFF  }
0xc3: {  	_ =	task.clear_ibuf [dreg:s8], $0x2FFFF;
	_ =	strace $0x9FFFFFFF  }
0xc4: {  	(tm) =	ssettm $0x7FFFFFFF  }
0xc5: {  	_ =	shalt  }
tec
execute0_lowered:
.L_overlay_start_1:
0x0: {  	(tag) =	ssettag $0x1  }
0x1: {  	s0 =	srdreg.scid  }
0x2: {  	s2 =	rddreg [dreg:$0x0];
	s6 =	sand.u32 $0x1, s0  }
0x3: {  	s4 =	rddreg [dreg:$0x1];
	s0 =	stileid.u32;
	s1 =	sshll.u32 s6, $0x4  }
0x4: {  	s8 =	rddreg [dreg:$0x2];
	s3 =	simm.s32 $0x0;
	s7 =	sor.u32 s0, s1  }
0x5: {  	[smem:$0x7FF] =	sst s3;
	s5 =	smul.u32 $0x271, s7  }
0x6: {  	s10 =	ssub.s32 $0x2, s6;
	s6 =	simm.s32 $0x1388;
	s1 =	rddreg [dreg:$0x3]  }
0x7: {  	_ =	strace $0x8000004A;
	s5 =	sadd.s32 s4, s5;
	s4 =	simm.s32 $0x2  }
0x8: {  	[tilespmem:s3], [sflag:$0x2] =	stream.linear.gather [hbm4b:s5+s3], $0x1388, $0x38;
	[tilespmem:$0x14C08] =	vst v63  }
0x9: {  	s11 =	sshrl.u32 s10, $0x1;
	s9 =	smul.u32 $0x2710, s7;
	_ =	swait.ge [sflag:s4], $0x1388  }
0xa: {  	s7 =	simm.s32 $0x1;
	s31 =	ssub.s32 s10, s11;
	[sflag:s4] =	ssyncset.done $0x0  }
0xb: {  	s8 =	sadd.s32 s9, s8;
	s9 =	smax.u32 s31, $0x1;
	[sflag:s4] =	ssyncadd.s32 $0xFFFFEC78  }
0xc: {  	[tilespmem:s6], [sflag:$0x1] =	stream.indirect.gather [hbm4b:s2+s6], $0x10, s3, s6, $0xb8;
	[tilespmem:$0x14C08] =	vst v63  }
0xd: {  	p0 =	sne.s32 s9, $0x1;
	_ =	swait.ge [sflag:s7], $0x13880  }
.Ltmp0:
0xe: {  	[sflag:s7] =	ssyncset.done $0x0;
	(pc) =	sbr.rel @!p0 .LBB2_2-.Ltmp0, $4  }
0xf: {  	s8 =	sadd.s32 $0x1E400, s8;
	[sflag:s7] =	ssyncadd.s32 $0xFFFEC780  }
0x10: {  	[hbm4b:s8+s3] =	stream.linear.scatter [tilespmem:s6], [sflag:$0x2], $0x13880, $0x38;
	[tilespmem:$0x14C08] =	vst v63  }
0x11: {  	_ =	swait.ge [sflag:s4], $0x13880  }
0x12: {  	s9 =	sadd.s32 $0xFFFFFFFF, s9;
	[sflag:s4] =	ssyncset.done $0x0  }
.LBB2_1:
0x13: {  	p0 =	sne.s32 s9, $0x1;
	s9 =	sadd.s32 $0xFFFFFFFF, s9;
	[sflag:s4] =	ssyncadd.s32 $0xFFFEC780  }
0x14: {  	[tilespmem:s3], [sflag:$0x2] =	stream.linear.gather [hbm4b:s5+s3], $0x1388, $0x38;
	[tilespmem:$0x14C08] =	vst v63  }
0x15: {  	_ =	swait.ge [sflag:s4], $0x1388  }
0x16: {  	[sflag:s4] =	ssyncset.done $0x0  }
0x17: {  	[sflag:s4] =	ssyncadd.s32 $0xFFFFEC78  }
0x18: {  	[tilespmem:s6], [sflag:$0x1] =	stream.indirect.gather [hbm4b:s2+s6], $0x10, s3, s6, $0xb8;
	[tilespmem:$0x14C08] =	vst v63  }
0x19: {  	_ =	swait.ge [sflag:s7], $0x13880  }
.Ltmp1:
0x1a: {  	[sflag:s7] =	ssyncset.done $0x0;
	(pc) =	sbr.rel @p0 .LBB2_1-.Ltmp1, $4  }
0x1b: {  	[sflag:s7] =	ssyncadd.s32 $0xFFFEC780  }
0x1c: {  	[hbm4b:s8+s3] =	stream.linear.scatter [tilespmem:s6], [sflag:$0x2], $0x13880, $0x38;
	[tilespmem:$0x14C08] =	vst v63  }
0x1d: {  	_ =	swait.ge [sflag:s4], $0x13880  }
0x1e: {  	[sflag:s4] =	ssyncset.done $0x0  }
.LBB2_2:
0x1f: {  	[sflag:s4] =	ssyncadd.s32 $0xFFFEC780  }
0x20: {  	_ =	sfence.sel $0x180000  }
0x21: {  	[bflag:$0x0] =	sbarrier.arrive $0xFFFF  }
0x22: {  	p0 =	sne.s32 s0, $0x0;
	_ =	strace $0x9000004A  }
0x23: {  	s0 =	sadd.s32 @!p0 $0x100000, s1;
	[bflag:$0x2] =	sbarrier.arrive $0xFFFF  }
0x24: {  	[sflag:s0] =	ssyncadd.tile.s32 @!p0 $0x1;
	_ =	shalt  }
.Lfunc_end2:
_tile_overlayer_lowered:
.L_overlay_start_2:
0x25: {  	(tag) =	ssettag $0x2  }
0x26: {  	s0 =	rddreg [dreg:$0x0];
	s2 =	stileid.u32  }
0x27: {  	s1 =	rddreg [dreg:$0x1];
	p0 =	sne.s32 s2, $0x0  }
0x28: {  	s3 =	rddreg [dreg:$0x2];
	[bflag:$0x3] =	sbarrier.arrive $0xFFFF;
	s2 =	simm.s32 @!p0 $0x1C02  }
0x29: {  	[timem:s3], [sflag:s2] =	dma.local @!p0 [hbm:s0], s1  }
0x2a: {  	s0 =	simm.s32 @!p0 $0x2  }
0x2b: {  	_ =	swait.ge @!p0 [sflag:s0], s1  }
0x2c: {  	s1 =	ssub.s32 @!p0 $0x0, s1;
	[sflag:s0] =	ssyncset.done @!p0 $0x0  }
0x2d: {  	[sflag:s0] =	ssyncadd.s32 @!p0 s1  }
0x2e: {  	[bflag:$0x3] =	sbarrier.arrive $0xFFFF  }
0x2f: {  	_ =	shalt  }

// kernel: kernel.27.cloned.1.call-start
scs
__scs_entry_jumppad:
0x0: {  	(pc) =	sbr.rel $0x88, $3  }
0x1: {  	(tag) =	ssettag $0x0;
	lr =	simm.s32 $0x1  }
0x2: {  	[smem:$0x3F82] =	sst lr;
	_ =	strace $0xD0000000  }
0x3: {  	_ = 	snop  }
0x4: {  	_ = 	snop  }
0x5: {  	_ = 	snop  }
0x6: {  	_ = 	snop  }
0x7: {  	_ = 	snop  }
__scs_overlays_trampoline_lowered:
0x8: {  	[smem:$0x3F91] =	sst s0  }
0x9: {  	[smem:$0x3F92] =	sst s1  }
0xa: {  	[smem:$0x3F93] =	sst s2  }
0xb: {  	[smem:$0x3F94] =	sst s3  }
0xc: {  	[smem:$0x3F95] =	sst s4  }
0xd: {  	[smem:$0x3F96] =	sst s5  }
0xe: {  	[smem:$0x3F97] =	sst s6  }
0xf: {  	[smem:$0x3F98] =	sst s7  }
0x10: {  	[smem:$0x3F99] =	sst s8  }
0x11: {  	[smem:$0x3F9A] =	sst s9;
	s0 =	simm.s32 @!p0 $0x0  }
0x12: {  	s1 =	sld [smem:$0x3F80];
	s0 =	simm.s32 @p0 $0x1  }
0x13: {  	[smem:$0x3F9B] =	sst s0;
	s0 =	simm.s32 @!p1 $0x0  }
0x14: {  	s2 =	sld [smem:$0x3F7F];
	s0 =	simm.s32 @p1 $0x1  }
0x15: {  	[smem:$0x3F9C] =	sst s0;
	s0 =	simm.s32 @!p2 $0x0  }
0x16: {  	s3 =	sld [smem:$0x3FDB];
	s0 =	simm.s32 @p2 $0x1  }
0x17: {  	s4 =	simm.s32 $0x1BF5;
	[smem:$0x3F9E] =	sst s0  }
0x18: {  	s0 =	sld [smem:$0x3F81];
	_ =	swait.ge [sflag:s4], $0x0  }
0x19: {  	s7 =	sld [smem:$0x3F82]  }
0x1a: {  	s8 =	sadd.s32 $0xFFFFE003, lr  }
0x1b: {  	s9 =	sadd.s32 $0xFFFFFEF7, lr;
	s5 =	simm.s32 $0xFFFFFFFF;
	p2 =	slt.u32 s8, $0xFFFFF086  }
0x1c: {  	p1 =	slt.u32 s9, $0xF7A;
	s5 =	simm.s32 @!p2 $0x0  }
0x1d: {  	s5 =	simm.s32 @p1 $0x1;
	p0 =	seq.s32 s7, s2  }
0x1e: {  	s7 =	smul.u32 @!p0 $0xF7A, s2;
	p2 =	seq.s32 @!p0 s5, $0x0  }
0x1f: {  	s9 =	smul.u32 $0xF7A, s1;
	s8 =	simm.s32 @!p0 $0x1BF5;
	p2 =	por !p2, p0  }
0x20: {  	[sflag:s8] =	ssyncset.s32 @!p0 $0xFFFFF086;
	s6 =	sadd.s32 @!p0 s3, s7;
	s7 =	simm.s32 @!p0 $0x108  }
0x21: {  	s3 =	sadd.s32 s3, s9;
	s6 =	sadd.s32 @!p0 $0x88, s6;
	s7 =	simm.s32 @p2 $0x1082  }
0x22: {  	[simem:s7], [sflag:s8] =	dma.local @!p0 [hbm:s6], $0xF7A  }
0x23: {  	s9 =	sor.u32 $0xD0000000, s2;
	s6 =	simm.s32 $0x108;
	_ =	swait.ge @!p0 [sflag:s8], $0x0  }
0x24: {  	s3 =	sadd.s32 $0x88, s3;
	s6 =	simm.s32 @!p1 $0x1082;
	[sflag:s4] =	ssyncset.s32 $0xFFFFF086  }
0x25: {  	[simem:s6], [sflag:s4] =	dma.local [hbm:s3], $0xF7A  }
0x26: {  	[smem:$0x3F82] =	sst s1;
	(tag) =	ssettag s2;
	_ =	strace s9  }
0x27: {  	s1 =	sld [smem:$0x3F92]  }
0x28: {  	s2 =	sld [smem:$0x3F93]  }
0x29: {  	s4 =	sld [smem:$0x3F95]  }
0x2a: {  	p0 =	seq.s32 s5, $0x0;
	s5 =	sld [smem:$0x3F96]  }
0x2b: {  	s6 =	sld [smem:$0x3F97]  }
0x2c: {  	s7 =	sld [smem:$0x3F98]  }
0x2d: {  	s3 =	simm.s32 $0x108;
	s8 =	sld [smem:$0x3F99]  }
0x2e: {  	s3 =	simm.s32 @!p0 $0x1082;
	s9 =	sld [smem:$0x3F9A]  }
0x2f: {  	lr =	sadd.s32 s0, s3;
	s0 =	sld [smem:$0x3F91]  }
0x30: {  	s3 =	sld [smem:$0x3F94]  }
0x31: {  	[smem:$0x3F9D] =	sst s10  }
0x32: {  	s10 =	sld [smem:$0x3F9B];
	_ =	sdelay $0x3  }
0x33: {  	p0 =	seq.s32 s10, $0x1;
	s10 =	sld [smem:$0x3F9D];
	_ =	sdelay $0x3  }
0x34: {  	[smem:$0x3F9D] =	sst s10  }
0x35: {  	s10 =	sld [smem:$0x3F9C];
	_ =	sdelay $0x3  }
0x36: {  	p1 =	seq.s32 s10, $0x1;
	s10 =	sld [smem:$0x3F9D];
	_ =	sdelay $0x3  }
0x37: {  	[smem:$0x3F9D] =	sst s10  }
0x38: {  	s10 =	sld [smem:$0x3F9E]  }
0x39: {  	_ = 	snop;
	(pc) =	sbr.ind lr, $3  }
0x3a: {  	_ = 	snop  }
0x3b: {  	_ = 	snop  }
0x3c: {  	p2 =	seq.s32 s10, $0x1;
	s10 =	sld [smem:$0x3F9D]  }
0x3d: {  	_ =	shalt  }
0x3e: {  	_ =	shalt  }
0x3f: {  	_ =	shalt  }
0x40: {  	_ =	shalt  }
0x41: {  	_ =	shalt  }
0x42: {  	_ =	shalt  }
0x43: {  	_ =	shalt  }
0x44: {  	_ =	shalt  }
0x45: {  	_ =	shalt  }
0x46: {  	_ =	shalt  }
0x47: {  	_ =	shalt  }
0x48: {  	_ =	shalt  }
0x49: {  	_ =	shalt  }
0x4a: {  	_ =	shalt  }
0x4b: {  	_ =	shalt  }
0x4c: {  	_ =	shalt  }
0x4d: {  	_ =	shalt  }
0x4e: {  	_ =	shalt  }
0x4f: {  	_ =	shalt  }
0x50: {  	_ =	shalt  }
0x51: {  	_ =	shalt  }
0x52: {  	_ =	shalt  }
0x53: {  	_ =	shalt  }
0x54: {  	_ =	shalt  }
0x55: {  	_ =	shalt  }
0x56: {  	_ =	shalt  }
0x57: {  	_ =	shalt  }
0x58: {  	_ =	shalt  }
0x59: {  	_ =	shalt  }
0x5a: {  	_ =	shalt  }
0x5b: {  	_ =	shalt  }
0x5c: {  	_ =	shalt  }
0x5d: {  	_ =	shalt  }
0x5e: {  	_ =	shalt  }
0x5f: {  	_ =	shalt  }
0x60: {  	_ =	shalt  }
0x61: {  	_ =	shalt  }
0x62: {  	_ =	shalt  }
0x63: {  	_ =	shalt  }
0x64: {  	_ =	shalt  }
0x65: {  	_ =	shalt  }
0x66: {  	_ =	shalt  }
0x67: {  	_ =	shalt  }
0x68: {  	_ =	shalt  }
0x69: {  	_ =	shalt  }
0x6a: {  	_ =	shalt  }
0x6b: {  	_ =	shalt  }
0x6c: {  	_ =	shalt  }
0x6d: {  	_ =	shalt  }
0x6e: {  	_ =	shalt  }
0x6f: {  	_ =	shalt  }
0x70: {  	_ =	shalt  }
0x71: {  	_ =	shalt  }
0x72: {  	_ =	shalt  }
0x73: {  	_ =	shalt  }
0x74: {  	_ =	shalt  }
0x75: {  	_ =	shalt  }
0x76: {  	_ =	shalt  }
0x77: {  	_ =	shalt  }
0x78: {  	_ =	shalt  }
0x79: {  	_ =	shalt  }
0x7a: {  	_ =	shalt  }
0x7b: {  	_ =	shalt  }
0x7c: {  	_ =	shalt  }
0x7d: {  	_ =	shalt  }
0x7e: {  	_ =	shalt  }
0x7f: {  	_ =	shalt  }
0x80: {  	_ =	shalt  }
0x81: {  	_ =	shalt  }
0x82: {  	_ =	shalt  }
0x83: {  	_ =	shalt  }
0x84: {  	_ =	shalt  }
0x85: {  	_ =	shalt  }
0x86: {  	_ =	shalt  }
0x87: {  	_ =	shalt  }
.Lfunc_end0:
.L_simem_size_0:
called_computation.2_lowered:
.L_overlay_start_0:
0x88: {  	s2 =	sld [smem:$0x3FD9]  }
0x89: {  	s3 =	sld [smem:$0x3FFE];
	_ =	sdelay $0x1  }
0x8a: {  	s1 =	srdreg.scid  }
0x8b: {  	s0 =	sand.u32 $0x1, s1  }
0x8c: {  	s17 =	sshll.u32 s0, $0xA;
	s2 =	sadd.s32 s3, s2  }
0x8d: {  	s2 =	sadd.s32 s2, s17  }
0x8e: {  	[smem:$0x3FA9] =	sst s2  }
0x8f: {  	_ = 	snop  }
0x90: {  	s2 =	sld [smem:$0x3FC8];
	(tm) =	ssettm $0x1  }
0x91: {  	s18 =	sld [smem:$0x3FFB];
	_ =	sdelay $0x3  }
0x92: {  	_ =	strace s18  }
0x93: {  	s3 =	sld [smem:$0x3FFC];
	_ =	sdelay $0x3  }
0x94: {  	_ =	strace s3  }
0x95: {  	s3 =	sld [smem:$0x3FFD];
	_ =	sdelay $0x3  }
0x96: {  	_ =	strace s3  }
0x97: {  	_ =	strace $0x8FFFFFFF  }
0x98: {  	s19 =	sld [smem:$0x3FDB];
	_ =	sdelay $0x1  }
0x99: {  	s4 =	simm.s32 $_scs_section_size  }
0x9a: {  	s5 =	simm.s32 $_size__tile_overlayer_lowered;
	s6 =	simm.s32 $_tile_overlayer_lowered  }
0x9b: {  	s22 =	simm.s32 $0x1BFF;
	s21 =	sshll.u32 s6, $0x1;
	s3 =	sadd.s32 s4, s19  }
0x9c: {  	s7 =	simm.s32 $0x0;
	s20 =	sshll.u32 s5, $0x1;
	s5 =	sadd.s32 s21, s3  }
0x9d: {  	[timem:s7], [sflag:s22] =	dma.local [hbm:s5], s20  }
0x9e: {  	_ =	swait.ge [sflag:s22], s20  }
0x9f: {  	s4 =	ssub.s32 $0x0, s20;
	[sflag:s22] =	ssyncset.done $0x0  }
0xa0: {  	[sflag:s22] =	ssyncadd.s32 s4;
	_ =	sdelay $0x1  }
0xa1: {  	s23 =	simm.s32 $0x1B8B  }
0xa2: {  	_ =	swait.ge [sflag:s23], $0x1  }
0xa3: {  	[sflag:s23] =	ssyncset.done $0x0  }
0xa4: {  	s25 =	simm.s32 $0x1B8E;
	s24 =	sld [smem:$0x3FFE];
	[sflag:s23] =	ssyncadd.s32 $0xFFFFFFFF  }
0xa5: {  	s26 =	simm.s32 $execute0_lowered;
	[smem:$0x3FD2] =	sst s25  }
0xa6: {  	s5 =	sshll.u32 s26, $0x1;
	_ =	strace $0x8000004C;
	[dreg:$0x1] =	wrdreg $0xFFFFFFFF  }
0xa7: {  	s28 =	simm.s32 $_size_execute0_lowered;
	s3 =	sadd.s32 s3, s5;
	[dreg:$0x0] =	wrdreg $0x0  }
0xa8: {  	s5 =	sshll.u32 s28, $0x1;
	[dreg:$0x2] =	wrdreg s3  }
0xa9: {  	[dreg:$0x3] =	wrdreg s5  }
0xaa: {  	[dreg:$0x4] =	wrdreg $0xC0  }
0xab: {  	_ =	task [dreg:s7], $0x5FFFF  }
0xac: {  	[dreg:$0x1] =	wrdreg $0xFFFFFFFF  }
0xad: {  	[dreg:$0x0] =	wrdreg $0x60  }
0xae: {  	[dreg:$0x2] =	wrdreg s2  }
0xaf: {  	[dreg:$0x3] =	wrdreg s24  }
0xb0: {  	[dreg:$0x4] =	wrdreg $0xE1000  }
0xb1: {  	[dreg:$0x5] =	wrdreg $0x9  }
0xb2: {  	_ =	task.clear_ibuf [dreg:s7], $0x6FFFF;
	_ =	strace $0x9000004C  }
0xb3: {  	s29 =	simm.s32 $0x9;
	_ =	strace $0x8000004E  }
0xb4: {  	_ =	swait.ge [sflag:s29], $0x1  }
0xb5: {  	[sflag:s29] =	ssyncadd.s32 $0xFFFFFFFF  }
0xb6: {  	_ =	strace $0x9000004E  }
0xb7: {  	_ =	sfence  }
0xb8: {  	s30 =	sld [smem:$0x0];
	_ =	sdelay $0x2  }
0xb9: {  	s31 =	sshll.u32 s1, $0xD;
	s1 =	sshrl.u32 s1, $0x2  }
0xba: {  	s3 =	sand.u32 $0x4000, s31;
	s1 =	sadd.s32 s1, s30  }
0xbb: {  	s0 =	sor.u32 s3, s0;
	s1 =	sshll.u32 s1, $0x11  }
0xbc: {  	s0 =	sor.u32 s1, s0  }
0xbd: {  	s0 =	sadd.s32 $0x8F2B, s0  }
0xbe: {  	[sflag:s0] =	ssyncadd.remote.s32 $0x1  }
0xbf: {  	_ =	sfence.sel $0xFFFF  }
0xc0: {  	[dreg:$0x0] =	wrdreg $0xFFFFFFFF;
	(pc) =	sbr.abs _section_cstart, $3  }
0xc1: {  	[dreg:$0x1] =	wrdreg $0xFFFFFFFF  }
0xc2: {  	_ =	task.clear_ibuf [dreg:s7], $0x2FFFF;
	_ =	strace $0x9FFFFFFF  }
0xc3: {  	(tm) =	ssettm $0x7FFFFFFF  }
tec
execute0_lowered:
.L_overlay_start_1:
0x0: {  	(tag) =	ssettag $0x1  }
0x1: {  	s0 =	rddreg [dreg:$0x0]  }
0x2: {  	s1 =	srdreg.scid;
	s5 =	rddreg [dreg:$0x1]  }
0x3: {  	s3 =	rddreg [dreg:$0x2];
	s2 =	stileid.u32;
	s4 =	simm.s32 $0x0  }
0x4: {  	s18 =	simm.s32 $0x100;
	s19 =	simm.s32 $0x80;
	s20 =	simm.s32 $0x2100  }
0x5: {  	s21 =	simm.s32 $0x1;
	s6 =	sand.u32 $0x1, s1;
	s1 =	rddreg [dreg:$0x3]  }
0x6: {  	s22 =	simm.s32 $0x2;
	[smem:$0x7FF] =	sst s4;
	s9 =	smul.u32 $0x28000, s2  }
0x7: {  	s14 =	sadd.s32 $0x415E00, s5;
	s15 =	smul.u32 $0x980, s2;
	s7 =	sshll.u32 s6, $0x4  }
0x8: {  	s8 =	ssub.s32 $0x2, s6;
	s12 =	smul.u32 $0x9800, s6;
	s23 =	sor.u32 s2, s7  }
0x9: {  	_ =	strace $0x8000004D;
	s24 =	sshrl.u32 s8, $0x1;
	s7 =	smul.u32 $0x1400, s23  }
0xa: {  	s25 =	sshrl.u32 s9, $0x2;
	s11 =	ssub.s32 s8, s24;
	s26 =	smul.u32 $0x980, s23  }
0xb: {  	s28 =	smul.u32 $0x4C00, s23;
	s29 =	sshll.u32 s23, $0x7;
	s30 =	sadd.s32 s15, s12  }
0xc: {  	p0 =	sgt.u32 s23, $0x10;
	s23 =	simm.s32 $0x0;
	s9 =	sor.u32 $0x13000, s29  }
0xd: {  	s11 =	smax.u32 s11, $0x1;
	s12 =	sadd.s32 $0x100, s30;
	s10 =	sadd.s32 s7, s5  }
0xe: {  	s5 =	sadd.s32 s25, s3;
	s7 =	sshrl.u32 s26, $0x3;
	s13 =	sshrl.u32 s9, $0x3  }
0xf: {  	s9 =	sshll.u32 s9, $0x3;
	s31 =	sshll.u32 s12, $0x3;
	s6 =	sadd.s32 s0, s7  }
0x10: {  	s7 =	sadd.s32 s14, s28;
	s8 =	sadd.s32 s0, s13;
	s13 =	sadd.s32 $0x80, s30  }
0x11: {  	s9 =	sadd.s32 s14, s9;
	s10 =	sadd.s32 $0x1E400, s10;
	s16 =	sshll.u32 s13, $0x3  }
0x12: {  	s17 =	sshrl.u32 s13, $0x3;
	s13 =	sadd.s32 s31, s14;
	s14 =	sadd.s32 s16, s14  }
0x13: {  	v0 =	vimm.f32 $0.0e+00;
	s15 =	sadd.s32 s17, s0;
	s16 =	simm.s32 $0x4100;
	s17 =	simm.s32 $0x3  }
.LBB2_1:
0x14: {  	s25 =	simm.s32 $0x100;
	s24 =	simm.s32 $0x0  }
.LBB2_2:
0x15: {  	p1 =	sne.s32 s25, $0x27F00;
	[tilespmem:s24+$0x4130] =	vst v0;
	s26 =	smov.u32 s25;
	s25 =	sadd.s32 $0x100, s25  }
.Ltmp0:
0x16: {  	[tilespmem:s24+$0x4120] =	vst v0;
	(pc) =	sbr.rel @p1 .LBB2_2-.Ltmp0, $3  }
0x17: {  	[tilespmem:s24+$0x4100] =	vst v0  }
0x18: {  	[tilespmem:s24+$0x4110] =	vst v0;
	_ =	sdelay $0x1  }
0x19: {  	s24 =	sshra.s32 s26, $0x2  }
0x1a: {  	[tilespmem:s24+$0x4130] =	vst v0  }
0x1b: {  	[tilespmem:s24+$0x4120] =	vst v0  }
0x1c: {  	[tilespmem:s24+$0x4100] =	vst v0  }
0x1d: {  	[tilespmem:s24+$0x4110] =	vst v0  }
0x1e: {  	[spmem:s5] =	stream.linear.scatter [tilespmem:s16], [sflag:$0x3], $0xA000, $0x38;
	[tilespmem:$0x18100] =	vst v63  }
0x1f: {  	_ =	swait.ge [sflag:s17], $0xA000  }
0x20: {  	[sflag:s17] =	ssyncset.done $0x0  }
0x21: {  	[sflag:s17] =	ssyncadd.s32 $0xFFFF6000  }
0x22: {  	s28 =	simm.s32 $0x0;
	[bflag:$0x0] =	sbarrier.arrive $0xFFFF  }
0x23: {  	[tilespmem:s28], [sflag:$0x1] =	stream.linear.gather [hbm4b:s6+s28], $0x80, $0x38;
	[tilespmem:$0x18100] =	vst v63  }
0x24: {  	_ = 	snop  }
0x25: {  	[tilespmem:s18], [sflag:$0x1] =	stream.linear.gather [hbm4b:s7+s28], $0x2000, $0x38;
	[tilespmem:$0x18100] =	vst v63  }
0x26: {  	_ = 	snop  }
0x27: {  	[tilespmem:s19], [sflag:$0x2] =	stream.linear.gather [hbm4b:s15+s4], $0x80, $0x38;
	[tilespmem:$0x18100] =	vst v63  }
0x28: {  	s29 =	sadd.s32 $0x0, s14  }
0x29: {  	[tilespmem:s20], [sflag:$0x2] =	stream.linear.gather [hbm4b:s29+s4], $0x2000, $0x38;
	[tilespmem:$0x18100] =	vst v63  }
0x2a: {  	_ =	swait.ge [sflag:s21], $0x80  }
0x2b: {  	[sflag:s21] =	ssyncset.done $0x0  }
0x2c: {  	[sflag:s21] =	ssyncadd.s32 $0xFFFFFF80  }
0x2d: {  	_ =	swait.ge [sflag:s21], $0x2000  }
0x2e: {  	[sflag:s21] =	ssyncset.done $0x0  }
0x2f: {  	[sflag:s21] =	ssyncadd.s32 $0xFFFFE000  }
0x30: {  	[spmem:s3] =	stream.indirect.scatter.add.f32 [tilespmem:s18], [sflag:$0x3], $0x40, s4, s19, $0xb8;
	[tilespmem:$0x18100] =	vst v63  }
0x31: {  	_ =	swait.ge [sflag:s17], $0x2000  }
0x32: {  	s30 =	sshrl.u32 s12, $0x3;
	[sflag:s17] =	ssyncset.done $0x0  }
0x33: {  	s24 =	sadd.s32 s0, s30;
	[sflag:s17] =	ssyncadd.s32 $0xFFFFE000  }
0x34: {  	[tilespmem:s4], [sflag:$0x1] =	stream.linear.gather [hbm4b:s24+s4], $0x80, $0x38;
	[tilespmem:$0x18100] =	vst v63  }
0x35: {  	s31 =	sadd.s32 $0x0, s13  }
0x36: {  	[tilespmem:s18], [sflag:$0x1] =	stream.linear.gather [hbm4b:s31+s4], $0x2000, $0x38;
	[tilespmem:$0x18100] =	vst v63  }
0x37: {  	_ =	swait.ge [sflag:s22], $0x80  }
0x38: {  	[sflag:s22] =	ssyncset.done $0x0  }
0x39: {  	[sflag:s22] =	ssyncadd.s32 $0xFFFFFF80  }
0x3a: {  	_ =	swait.ge [sflag:s22], $0x2000  }
0x3b: {  	[sflag:s22] =	ssyncset.done $0x0  }
0x3c: {  	[sflag:s22] =	ssyncadd.s32 $0xFFFFE000  }
0x3d: {  	[spmem:s3] =	stream.indirect.scatter.add.f32 [tilespmem:s20], [sflag:$0x3], $0x40, s19, s19, $0xb8;
	[tilespmem:$0x18100] =	vst v63  }
0x3e: {  	s25 =	smov.u32 s12;
	_ =	swait.ge [sflag:s17], $0x2000  }
0x3f: {  	s26 =	smov.u32 s15;
	s24 =	simm.s32 $0x800;
	[sflag:s17] =	ssyncset.done $0x0  }
.LBB2_4:
0x40: {  	[sflag:s17] =	ssyncadd.s32 $0xFFFFE000  }
0x41: {  	s25 =	sadd.s32 $0x100, s25;
	s26 =	sadd.s32 $0x20, s26;
	s28 =	smov.u32 s24  }
0x42: {  	[tilespmem:s19], [sflag:$0x2] =	stream.linear.gather [hbm4b:s26+s4], $0x80, $0x38;
	[tilespmem:$0x18100] =	vst v63  }
0x43: {  	p1 =	sne.s32 s24, $0x4000;
	s24 =	sadd.s32 $0x800, s24;
	s29 =	sadd.s32 s28, s14  }
0x44: {  	[tilespmem:s20], [sflag:$0x2] =	stream.linear.gather [hbm4b:s29+s4], $0x2000, $0x38;
	[tilespmem:$0x18100] =	vst v63  }
0x45: {  	_ =	swait.ge [sflag:s21], $0x80  }
0x46: {  	[sflag:s21] =	ssyncset.done $0x0  }
0x47: {  	[sflag:s21] =	ssyncadd.s32 $0xFFFFFF80  }
0x48: {  	_ =	swait.ge [sflag:s21], $0x2000  }
0x49: {  	[sflag:s21] =	ssyncset.done $0x0  }
0x4a: {  	[sflag:s21] =	ssyncadd.s32 $0xFFFFE000  }
0x4b: {  	[spmem:s3] =	stream.indirect.scatter.add.f32 [tilespmem:s18], [sflag:$0x3], $0x40, s4, s19, $0xb8;
	[tilespmem:$0x18100] =	vst v63  }
0x4c: {  	_ =	swait.ge [sflag:s17], $0x2000  }
0x4d: {  	s29 =	sshrl.u32 s25, $0x3;
	[sflag:s17] =	ssyncset.done $0x0  }
0x4e: {  	s29 =	sadd.s32 s0, s29;
	[sflag:s17] =	ssyncadd.s32 $0xFFFFE000  }
0x4f: {  	[tilespmem:s4], [sflag:$0x1] =	stream.linear.gather [hbm4b:s29+s4], $0x80, $0x38;
	[tilespmem:$0x18100] =	vst v63  }
0x50: {  	s28 =	sadd.s32 s28, s13  }
0x51: {  	[tilespmem:s18], [sflag:$0x1] =	stream.linear.gather [hbm4b:s28+s4], $0x2000, $0x38;
	[tilespmem:$0x18100] =	vst v63  }
0x52: {  	_ =	swait.ge [sflag:s22], $0x80  }
0x53: {  	[sflag:s22] =	ssyncset.done $0x0  }
0x54: {  	[sflag:s22] =	ssyncadd.s32 $0xFFFFFF80  }
0x55: {  	_ =	swait.ge [sflag:s22], $0x2000  }
.Ltmp1:
0x56: {  	[sflag:s22] =	ssyncset.done $0x0;
	(pc) =	sbr.rel @p1 .LBB2_4-.Ltmp1, $4  }
0x57: {  	[sflag:s22] =	ssyncadd.s32 $0xFFFFE000  }
0x58: {  	[spmem:s3] =	stream.indirect.scatter.add.f32 [tilespmem:s20], [sflag:$0x3], $0x40, s19, s19, $0xb8;
	[tilespmem:$0x18100] =	vst v63  }
0x59: {  	_ =	swait.ge [sflag:s17], $0x2000  }
0x5a: {  	[sflag:s17] =	ssyncset.done $0x0  }
0x5b: {  	[sflag:s17] =	ssyncadd.s32 $0xFFFFE000  }
0x5c: {  	_ =	swait.ge [sflag:s21], $0x80  }
0x5d: {  	[sflag:s21] =	ssyncset.done $0x0  }
0x5e: {  	[sflag:s21] =	ssyncadd.s32 $0xFFFFFF80  }
0x5f: {  	_ =	swait.ge [sflag:s21], $0x2000  }
0x60: {  	[sflag:s21] =	ssyncset.done $0x0  }
0x61: {  	[sflag:s21] =	ssyncadd.s32 $0xFFFFE000  }
0x62: {  	[spmem:s3] =	stream.indirect.scatter.add.f32 [tilespmem:s18], [sflag:$0x3], $0x40, s4, s19, $0xb8;
	[tilespmem:$0x18100] =	vst v63  }
0x63: {  	_ =	swait.ge [sflag:s17], $0x2000  }
0x64: {  	[sflag:s17] =	ssyncset.done $0x0  }
0x65: {  	s24 =	simm.s32 @!p0 $0x0;
	s25 =	simm.s32 @!p0 $0x3;
	[sflag:s17] =	ssyncadd.s32 $0xFFFFE000  }
0x66: {  	[tilespmem:s24], [sflag:$0x3] =	stream.linear.gather @!p0 [hbm4b:s8+s24], $0x80, $0x38;
	[tilespmem:$0x18100] =	vst v63  }
0x67: {  	_ =	swait.ge @!p0 [sflag:s25], $0x80  }
0x68: {  	[sflag:s25] =	ssyncset.done @!p0 $0x0  }
0x69: {  	s26 =	simm.s32 @!p0 $0x100;
	[sflag:s25] =	ssyncadd.s32 @!p0 $0xFFFFFF80  }
0x6a: {  	[tilespmem:s26], [sflag:$0x3] =	stream.linear.gather @!p0 [hbm4b:s9+s24], $0x2000, $0x38;
	[tilespmem:$0x18100] =	vst v63  }
0x6b: {  	_ =	swait.ge @!p0 [sflag:s25], $0x2000  }
0x6c: {  	[sflag:s25] =	ssyncset.done @!p0 $0x0  }
0x6d: {  	s28 =	simm.s32 @!p0 $0x80;
	[sflag:s25] =	ssyncadd.s32 @!p0 $0xFFFFE000  }
0x6e: {  	[spmem:s3] =	stream.indirect.scatter.add.f32 @!p0 [tilespmem:s26], [sflag:$0x3], $0x40, s24, s28, $0xb8;
	[tilespmem:$0x18100] =	vst v63  }
0x6f: {  	_ =	swait.ge @!p0 [sflag:s25], $0x2000  }
0x70: {  	[sflag:s25] =	ssyncset.done @!p0 $0x0  }
0x71: {  	[sflag:s25] =	ssyncadd.s32 @!p0 $0xFFFFE000  }
0x72: {  	[bflag:$0x0] =	sbarrier.arrive $0xFFFF  }
0x73: {  	[tilespmem:s16], [sflag:$0x3] =	stream.linear.gather [spmem:s5], $0xA000, $0x38;
	[tilespmem:$0x18100] =	vst v63  }
0x74: {  	s23 =	sadd.s32 $0x1, s23;
	_ =	swait.ge [sflag:s17], $0xA000  }
0x75: {  	p1 =	sne.s32 s23, s11;
	[sflag:s17] =	ssyncset.done $0x0  }
.Ltmp2:
0x76: {  	[sflag:s17] =	ssyncadd.s32 $0xFFFF6000;
	(pc) =	sbr.rel @p1 .LBB2_1-.Ltmp2, $4  }
0x77: {  	[hbm4b:s10+s4] =	stream.linear.scatter [tilespmem:s16], [sflag:$0x3], $0xA000, $0x38;
	[tilespmem:$0x18100] =	vst v63  }
0x78: {  	_ =	swait.ge [sflag:s17], $0xA000  }
0x79: {  	[sflag:s17] =	ssyncset.done $0x0  }
0x7a: {  	[sflag:s17] =	ssyncadd.s32 $0xFFFF6000  }
0x7b: {  	_ =	sfence.sel $0x180000  }
0x7c: {  	[bflag:$0x0] =	sbarrier.arrive $0xFFFF  }
0x7d: {  	p0 =	sne.s32 s2, $0x0;
	_ =	strace $0x9000004D  }
0x7e: {  	s0 =	sadd.s32 @!p0 $0x100000, s1;
	[bflag:$0x2] =	sbarrier.arrive $0xFFFF  }
0x7f: {  	[sflag:s0] =	ssyncadd.tile.s32 @!p0 $0x1;
	_ =	shalt  }
.Lfunc_end2:
_tile_overlayer_lowered:
.L_overlay_start_2:
0x80: {  	(tag) =	ssettag $0x2  }
0x81: {  	s0 =	rddreg [dreg:$0x0];
	s2 =	stileid.u32  }
0x82: {  	s1 =	rddreg [dreg:$0x1];
	p0 =	sne.s32 s2, $0x0  }
0x83: {  	s3 =	rddreg [dreg:$0x2];
	[bflag:$0x3] =	sbarrier.arrive $0xFFFF;
	s2 =	simm.s32 @!p0 $0x1C03  }
0x84: {  	[timem:s3], [sflag:s2] =	dma.local @!p0 [hbm:s0], s1  }
0x85: {  	s0 =	simm.s32 @!p0 $0x3  }
0x86: {  	_ =	swait.ge @!p0 [sflag:s0], s1  }
0x87: {  	s1 =	ssub.s32 @!p0 $0x0, s1;
	[sflag:s0] =	ssyncset.done @!p0 $0x0  }
0x88: {  	[sflag:s0] =	ssyncadd.s32 @!p0 s1  }
0x89: {  	[bflag:$0x3] =	sbarrier.arrive $0xFFFF  }
0x8a: {  	_ =	shalt  }

// kernel: kernel.30.cloned.1.call-start
scs
__scs_entry_jumppad:
0x0: {  	(pc) =	sbr.rel $0x88, $3  }
0x1: {  	(tag) =	ssettag $0x0;
	lr =	simm.s32 $0x1  }
0x2: {  	[smem:$0x3F82] =	sst lr;
	_ =	strace $0xD0000000  }
0x3: {  	_ = 	snop  }
0x4: {  	_ = 	snop  }
0x5: {  	_ = 	snop  }
0x6: {  	_ = 	snop  }
0x7: {  	_ = 	snop  }
__scs_overlays_trampoline_lowered:
0x8: {  	[smem:$0x3F91] =	sst s0  }
0x9: {  	[smem:$0x3F92] =	sst s1  }
0xa: {  	[smem:$0x3F93] =	sst s2  }
0xb: {  	[smem:$0x3F94] =	sst s3  }
0xc: {  	[smem:$0x3F95] =	sst s4  }
0xd: {  	[smem:$0x3F96] =	sst s5  }
0xe: {  	[smem:$0x3F97] =	sst s6  }
0xf: {  	[smem:$0x3F98] =	sst s7  }
0x10: {  	[smem:$0x3F99] =	sst s8  }
0x11: {  	[smem:$0x3F9A] =	sst s9;
	s0 =	simm.s32 @!p0 $0x0  }
0x12: {  	s1 =	sld [smem:$0x3F80];
	s0 =	simm.s32 @p0 $0x1  }
0x13: {  	[smem:$0x3F9B] =	sst s0;
	s0 =	simm.s32 @!p1 $0x0  }
0x14: {  	s2 =	sld [smem:$0x3F7F];
	s0 =	simm.s32 @p1 $0x1  }
0x15: {  	[smem:$0x3F9C] =	sst s0;
	s0 =	simm.s32 @!p2 $0x0  }
0x16: {  	s3 =	sld [smem:$0x3FDB];
	s0 =	simm.s32 @p2 $0x1  }
0x17: {  	s4 =	simm.s32 $0x1BF5;
	[smem:$0x3F9E] =	sst s0  }
0x18: {  	s0 =	sld [smem:$0x3F81];
	_ =	swait.ge [sflag:s4], $0x0  }
0x19: {  	s7 =	sld [smem:$0x3F82]  }
0x1a: {  	s8 =	sadd.s32 $0xFFFFE003, lr  }
0x1b: {  	s9 =	sadd.s32 $0xFFFFFEF7, lr;
	s5 =	simm.s32 $0xFFFFFFFF;
	p2 =	slt.u32 s8, $0xFFFFF086  }
0x1c: {  	p1 =	slt.u32 s9, $0xF7A;
	s5 =	simm.s32 @!p2 $0x0  }
0x1d: {  	s5 =	simm.s32 @p1 $0x1;
	p0 =	seq.s32 s7, s2  }
0x1e: {  	s7 =	smul.u32 @!p0 $0xF7A, s2;
	p2 =	seq.s32 @!p0 s5, $0x0  }
0x1f: {  	s9 =	smul.u32 $0xF7A, s1;
	s8 =	simm.s32 @!p0 $0x1BF5;
	p2 =	por !p2, p0  }
0x20: {  	[sflag:s8] =	ssyncset.s32 @!p0 $0xFFFFF086;
	s6 =	sadd.s32 @!p0 s3, s7;
	s7 =	simm.s32 @!p0 $0x108  }
0x21: {  	s3 =	sadd.s32 s3, s9;
	s6 =	sadd.s32 @!p0 $0x88, s6;
	s7 =	simm.s32 @p2 $0x1082  }
0x22: {  	[simem:s7], [sflag:s8] =	dma.local @!p0 [hbm:s6], $0xF7A  }
0x23: {  	s9 =	sor.u32 $0xD0000000, s2;
	s6 =	simm.s32 $0x108;
	_ =	swait.ge @!p0 [sflag:s8], $0x0  }
0x24: {  	s3 =	sadd.s32 $0x88, s3;
	s6 =	simm.s32 @!p1 $0x1082;
	[sflag:s4] =	ssyncset.s32 $0xFFFFF086  }
0x25: {  	[simem:s6], [sflag:s4] =	dma.local [hbm:s3], $0xF7A  }
0x26: {  	[smem:$0x3F82] =	sst s1;
	(tag) =	ssettag s2;
	_ =	strace s9  }
0x27: {  	s1 =	sld [smem:$0x3F92]  }
0x28: {  	s2 =	sld [smem:$0x3F93]  }
0x29: {  	s4 =	sld [smem:$0x3F95]  }
0x2a: {  	p0 =	seq.s32 s5, $0x0;
	s5 =	sld [smem:$0x3F96]  }
0x2b: {  	s6 =	sld [smem:$0x3F97]  }
0x2c: {  	s7 =	sld [smem:$0x3F98]  }
0x2d: {  	s3 =	simm.s32 $0x108;
	s8 =	sld [smem:$0x3F99]  }
0x2e: {  	s3 =	simm.s32 @!p0 $0x1082;
	s9 =	sld [smem:$0x3F9A]  }
0x2f: {  	lr =	sadd.s32 s0, s3;
	s0 =	sld [smem:$0x3F91]  }
0x30: {  	s3 =	sld [smem:$0x3F94]  }
0x31: {  	[smem:$0x3F9D] =	sst s10  }
0x32: {  	s10 =	sld [smem:$0x3F9B];
	_ =	sdelay $0x3  }
0x33: {  	p0 =	seq.s32 s10, $0x1;
	s10 =	sld [smem:$0x3F9D];
	_ =	sdelay $0x3  }
0x34: {  	[smem:$0x3F9D] =	sst s10  }
0x35: {  	s10 =	sld [smem:$0x3F9C];
	_ =	sdelay $0x3  }
0x36: {  	p1 =	seq.s32 s10, $0x1;
	s10 =	sld [smem:$0x3F9D];
	_ =	sdelay $0x3  }
0x37: {  	[smem:$0x3F9D] =	sst s10  }
0x38: {  	s10 =	sld [smem:$0x3F9E]  }
0x39: {  	_ = 	snop;
	(pc) =	sbr.ind lr, $3  }
0x3a: {  	_ = 	snop  }
0x3b: {  	_ = 	snop  }
0x3c: {  	p2 =	seq.s32 s10, $0x1;
	s10 =	sld [smem:$0x3F9D]  }
0x3d: {  	_ =	shalt  }
0x3e: {  	_ =	shalt  }
0x3f: {  	_ =	shalt  }
0x40: {  	_ =	shalt  }
0x41: {  	_ =	shalt  }
0x42: {  	_ =	shalt  }
0x43: {  	_ =	shalt  }
0x44: {  	_ =	shalt  }
0x45: {  	_ =	shalt  }
0x46: {  	_ =	shalt  }
0x47: {  	_ =	shalt  }
0x48: {  	_ =	shalt  }
0x49: {  	_ =	shalt  }
0x4a: {  	_ =	shalt  }
0x4b: {  	_ =	shalt  }
0x4c: {  	_ =	shalt  }
0x4d: {  	_ =	shalt  }
0x4e: {  	_ =	shalt  }
0x4f: {  	_ =	shalt  }
0x50: {  	_ =	shalt  }
0x51: {  	_ =	shalt  }
0x52: {  	_ =	shalt  }
0x53: {  	_ =	shalt  }
0x54: {  	_ =	shalt  }
0x55: {  	_ =	shalt  }
0x56: {  	_ =	shalt  }
0x57: {  	_ =	shalt  }
0x58: {  	_ =	shalt  }
0x59: {  	_ =	shalt  }
0x5a: {  	_ =	shalt  }
0x5b: {  	_ =	shalt  }
0x5c: {  	_ =	shalt  }
0x5d: {  	_ =	shalt  }
0x5e: {  	_ =	shalt  }
0x5f: {  	_ =	shalt  }
0x60: {  	_ =	shalt  }
0x61: {  	_ =	shalt  }
0x62: {  	_ =	shalt  }
0x63: {  	_ =	shalt  }
0x64: {  	_ =	shalt  }
0x65: {  	_ =	shalt  }
0x66: {  	_ =	shalt  }
0x67: {  	_ =	shalt  }
0x68: {  	_ =	shalt  }
0x69: {  	_ =	shalt  }
0x6a: {  	_ =	shalt  }
0x6b: {  	_ =	shalt  }
0x6c: {  	_ =	shalt  }
0x6d: {  	_ =	shalt  }
0x6e: {  	_ =	shalt  }
0x6f: {  	_ =	shalt  }
0x70: {  	_ =	shalt  }
0x71: {  	_ =	shalt  }
0x72: {  	_ =	shalt  }
0x73: {  	_ =	shalt  }
0x74: {  	_ =	shalt  }
0x75: {  	_ =	shalt  }
0x76: {  	_ =	shalt  }
0x77: {  	_ =	shalt  }
0x78: {  	_ =	shalt  }
0x79: {  	_ =	shalt  }
0x7a: {  	_ =	shalt  }
0x7b: {  	_ =	shalt  }
0x7c: {  	_ =	shalt  }
0x7d: {  	_ =	shalt  }
0x7e: {  	_ =	shalt  }
0x7f: {  	_ =	shalt  }
0x80: {  	_ =	shalt  }
0x81: {  	_ =	shalt  }
0x82: {  	_ =	shalt  }
0x83: {  	_ =	shalt  }
0x84: {  	_ =	shalt  }
0x85: {  	_ =	shalt  }
0x86: {  	_ =	shalt  }
0x87: {  	_ =	shalt  }
.Lfunc_end0:
.L_simem_size_0:
called_computation.3_lowered:
.L_overlay_start_0:
0x88: {  	s2 =	sld [smem:$0x3FD9]  }
0x89: {  	s3 =	sld [smem:$0x3FFE];
	_ =	sdelay $0x1  }
0x8a: {  	s1 =	srdreg.scid  }
0x8b: {  	s0 =	sand.u32 $0x1, s1  }
0x8c: {  	s17 =	sshll.u32 s0, $0xA;
	s2 =	sadd.s32 s3, s2  }
0x8d: {  	s2 =	sadd.s32 s2, s17  }
0x8e: {  	[smem:$0x3FA9] =	sst s2  }
0x8f: {  	_ = 	snop  }
0x90: {  	s18 =	sld [smem:$0x3FC8];
	(tm) =	ssettm $0x1  }
0x91: {  	s19 =	sld [smem:$0x3FFB];
	_ =	sdelay $0x3  }
0x92: {  	_ =	strace s19  }
0x93: {  	s2 =	sld [smem:$0x3FFC];
	_ =	sdelay $0x3  }
0x94: {  	_ =	strace s2  }
0x95: {  	s2 =	sld [smem:$0x3FFD];
	_ =	sdelay $0x3  }
0x96: {  	_ =	strace s2  }
0x97: {  	_ =	strace $0x8FFFFFFF  }
0x98: {  	s20 =	sld [smem:$0x3FDB];
	_ =	sdelay $0x1  }
0x99: {  	s4 =	simm.s32 $_scs_section_size  }
0x9a: {  	s5 =	simm.s32 $_size__tile_overlayer_lowered;
	s6 =	simm.s32 $_tile_overlayer_lowered  }
0x9b: {  	s7 =	simm.s32 $0x1BFF;
	s21 =	sshll.u32 s6, $0x1;
	s4 =	sadd.s32 s4, s20  }
0x9c: {  	s22 =	simm.s32 $0x0;
	s5 =	sshll.u32 s5, $0x1;
	s6 =	sadd.s32 s21, s4  }
0x9d: {  	[timem:s22], [sflag:s7] =	dma.local [hbm:s6], s5  }
0x9e: {  	_ =	swait.ge [sflag:s7], s5  }
0x9f: {  	s5 =	ssub.s32 $0x0, s5;
	[sflag:s7] =	ssyncset.done $0x0  }
0xa0: {  	[sflag:s7] =	ssyncadd.s32 s5;
	_ =	sdelay $0x1  }
0xa1: {  	s23 =	simm.s32 $0x1B8B  }
0xa2: {  	_ =	swait.ge [sflag:s23], $0x1  }
0xa3: {  	[sflag:s23] =	ssyncset.done $0x0  }
0xa4: {  	[sflag:s23] =	ssyncadd.s32 $0xFFFFFFFF  }
0xa5: {  	s5 =	sld [smem:$0x0]  }
0xa6: {  	s6 =	sand.u32 $0xFFFFFFFE, s1  }
0xa7: {  	p0 =	sne.s32 s1, s6  }
0xa8: {  	s6 =	sshll.u32 @p0 s6, $0xE  }
0xa9: {  	s6 =	sadd.s32 @p0 $0x11B8D, s6;
	s7 =	sshll.u32 @p0 s5, $0x11  }
0xaa: {  	s6 =	sor.u32 @p0 s7, s6  }
0xab: {  	[sflag:s6] =	ssyncadd.remote.s32 @p0 $0x1;
	_ =	sdelay $0x1  }
0xac: {  	s6 =	simm.s32 @p0 $0x1B8D  }
0xad: {  	_ =	swait.eq @p0 [sflag:s6], $0x1  }
0xae: {  	[sflag:s6] =	ssyncadd.s32 @p0 $0xFFFFFFFF  }
0xaf: {  	s7 =	sshll.u32 @!p0 s1, $0xE  }
0xb0: {  	s7 =	sor.u32 @!p0 $0x4000, s7;
	s6 =	simm.s32 @!p0 $0x1B8D  }
0xb1: {  	s5 =	sshll.u32 @!p0 s5, $0x11;
	s7 =	sadd.s32 @!p0 $0x11B8D, s7;
	_ =	swait.eq @!p0 [sflag:s6], $0x1  }
0xb2: {  	s5 =	sor.u32 @!p0 s5, s7;
	[sflag:s6] =	ssyncadd.s32 @!p0 $0xFFFFFFFF  }
0xb3: {  	s25 =	simm.s32 $0x1B8E;
	s24 =	sld [smem:$0x3FFE];
	[sflag:s5] =	ssyncadd.remote.s32 @!p0 $0x1  }
0xb4: {  	s26 =	simm.s32 $execute0_lowered;
	[smem:$0x3FD2] =	sst s25  }
0xb5: {  	s6 =	sshll.u32 s26, $0x1;
	_ =	strace $0x8000004F;
	[dreg:$0x1] =	wrdreg $0xFFFFFFFF  }
0xb6: {  	s28 =	simm.s32 $_size_execute0_lowered;
	s4 =	sadd.s32 s4, s6;
	[dreg:$0x0] =	wrdreg $0x0  }
0xb7: {  	s6 =	sshll.u32 s28, $0x1;
	[dreg:$0x2] =	wrdreg s4  }
0xb8: {  	[dreg:$0x3] =	wrdreg s6  }
0xb9: {  	[dreg:$0x4] =	wrdreg $0xC0  }
0xba: {  	_ =	task [dreg:s22], $0x5FFFF  }
0xbb: {  	[dreg:$0x1] =	wrdreg $0xFFFFFFFF  }
0xbc: {  	[dreg:$0x0] =	wrdreg $0x60  }
0xbd: {  	[dreg:$0x2] =	wrdreg s18  }
0xbe: {  	[dreg:$0x3] =	wrdreg s24  }
0xbf: {  	[dreg:$0x4] =	wrdreg $0xE1000  }
0xc0: {  	[dreg:$0x5] =	wrdreg $0xA  }
0xc1: {  	_ =	task.clear_ibuf [dreg:s22], $0x6FFFF;
	_ =	strace $0x9000004F  }
0xc2: {  	s29 =	simm.s32 $0xA;
	_ =	strace $0x80000051  }
0xc3: {  	_ =	swait.ge [sflag:s29], $0x1  }
0xc4: {  	[sflag:s29] =	ssyncadd.s32 $0xFFFFFFFF  }
0xc5: {  	_ =	strace $0x90000051  }
0xc6: {  	_ =	sfence  }
0xc7: {  	s30 =	sld [smem:$0x0];
	_ =	sdelay $0x2  }
0xc8: {  	s31 =	sshll.u32 s1, $0xD;
	s1 =	sshrl.u32 s1, $0x2  }
0xc9: {  	s4 =	sand.u32 $0x4000, s31;
	s1 =	sadd.s32 s1, s30  }
0xca: {  	s0 =	sor.u32 s4, s0;
	s1 =	sshll.u32 s1, $0x11  }
0xcb: {  	s0 =	sor.u32 s1, s0  }
0xcc: {  	s0 =	sadd.s32 $0x8F2B, s0  }
0xcd: {  	[sflag:s0] =	ssyncadd.remote.s32 $0x1  }
0xce: {  	_ =	sfence.sel $0xFFFF  }
0xcf: {  	[dreg:$0x0] =	wrdreg $0xFFFFFFFF;
	(pc) =	sbr.abs _section_cstart, $3  }
0xd0: {  	[dreg:$0x1] =	wrdreg $0xFFFFFFFF  }
0xd1: {  	_ =	task.clear_ibuf [dreg:s22], $0x2FFFF;
	_ =	strace $0x9FFFFFFF  }
0xd2: {  	(tm) =	ssettm $0x7FFFFFFF  }
0xd3: {  	_ =	shalt  }
tec
execute0_lowered:
.L_overlay_start_1:
0x0: {  	(tag) =	ssettag $0x1  }
0x1: {  	s14 =	rddreg [dreg:$0x0]  }
0x2: {  	s0 =	srdreg.scid;
	s4 =	rddreg [dreg:$0x1]  }
0x3: {  	s2 =	rddreg [dreg:$0x2];
	s1 =	stileid.u32;
	s3 =	simm.s32 $0x0  }
0x4: {  	s16 =	simm.s32 $0x3;
	s17 =	simm.s32 $0x100;
	s18 =	simm.s32 $0x80  }
0x5: {  	s6 =	sand.u32 $0x1, s0;
	s0 =	rddreg [dreg:$0x3];
	s10 =	smul.u32 $0x28000, s1  }
0x6: {  	[smem:$0x7FF] =	sst s3;
	s15 =	smul.u32 $0x980, s1;
	s5 =	sshll.u32 s6, $0x4  }
0x7: {  	s11 =	sadd.s32 $0x46400, s4;
	s24 =	smul.u32 $0x9800, s6;
	s22 =	sor.u32 s1, s5  }
0x8: {  	_ =	strace $0x80000050;
	s7 =	ssub.s32 $0x2, s6;
	s5 =	smul.u32 $0x1400, s22  }
0x9: {  	s9 =	sshrl.u32 s7, $0x1;
	s20 =	sshrl.u32 s10, $0x2;
	s8 =	smul.u32 $0x980, s22  }
0xa: {  	s13 =	ssub.s32 s7, s9;
	s23 =	smul.u32 $0x4C00, s22;
	s25 =	sshll.u32 s22, $0x4  }
0xb: {  	s26 =	sshll.u32 s22, $0xA;
	s15 =	sadd.s32 s15, s24;
	p0 =	sgt.u32 s22, $0x10  }
0xc: {  	s22 =	simm.s32 $0x0;
	s7 =	sadd.s32 s25, s14;
	s28 =	sadd.s32 s26, s11  }
0xd: {  	s10 =	smax.u32 s13, $0x1;
	s29 =	sshll.u32 s15, $0x3;
	s31 =	sadd.s32 $0x13980, s15  }
0xe: {  	s15 =	sadd.s32 $0x13900, s15;
	s12 =	sadd.s32 s5, s4;
	s19 =	sshrl.u32 s8, $0x3  }
0xf: {  	s4 =	sadd.s32 s20, s2;
	s6 =	sadd.s32 s11, s23;
	s7 =	sadd.s32 $0x4D10, s7  }
0x10: {  	s8 =	sadd.s32 $0x98000, s28;
	s30 =	sadd.s32 s11, s29;
	s15 =	sshrl.u32 s15, $0x3  }
0x11: {  	s20 =	simm.s32 $0x1;
	s21 =	sadd.s32 s14, s19;
	s9 =	sadd.s32 $0xE2800, s12  }
0x12: {  	s11 =	sadd.s32 $0x800, s30;
	s12 =	sshrl.u32 s31, $0x3;
	s13 =	sadd.s32 $0x400, s30  }
0x13: {  	s19 =	simm.s32 $0x2100;
	s5 =	sadd.s32 $0x2710, s21;
	s12 =	sadd.s32 s12, s14  }
0x14: {  	v0 =	vimm.f32 $0.0e+00;
	s14 =	sadd.s32 s15, s14;
	s15 =	simm.s32 $0x4100;
	s21 =	simm.s32 $0x2  }
.LBB2_1:
0x15: {  	s24 =	simm.s32 $0x100;
	s23 =	simm.s32 $0x0  }
.LBB2_2:
0x16: {  	p1 =	sne.s32 s24, $0x27F00;
	[tilespmem:s23+$0x4130] =	vst v0;
	s25 =	smov.u32 s24;
	s24 =	sadd.s32 $0x100, s24  }
.Ltmp0:
0x17: {  	[tilespmem:s23+$0x4120] =	vst v0;
	(pc) =	sbr.rel @p1 .LBB2_2-.Ltmp0, $3  }
0x18: {  	[tilespmem:s23+$0x4100] =	vst v0  }
0x19: {  	[tilespmem:s23+$0x4110] =	vst v0;
	_ =	sdelay $0x1  }
0x1a: {  	s23 =	sshra.s32 s25, $0x2  }
0x1b: {  	[tilespmem:s23+$0x4130] =	vst v0  }
0x1c: {  	[tilespmem:s23+$0x4120] =	vst v0  }
0x1d: {  	[tilespmem:s23+$0x4100] =	vst v0  }
0x1e: {  	[tilespmem:s23+$0x4110] =	vst v0  }
0x1f: {  	[spmem:s4] =	stream.linear.scatter [tilespmem:s15], [sflag:$0x3], $0xA000, $0x38;
	[tilespmem:$0x18100] =	vst v63  }
0x20: {  	_ =	swait.ge [sflag:s16], $0xA000  }
0x21: {  	[sflag:s16] =	ssyncset.done $0x0  }
0x22: {  	[sflag:s16] =	ssyncadd.s32 $0xFFFF6000  }
0x23: {  	s29 =	simm.s32 $0x0;
	[bflag:$0x0] =	sbarrier.arrive $0xFFFF  }
0x24: {  	[tilespmem:s29], [sflag:$0x1] =	stream.linear.gather [hbm4b:s5+s29], $0x80, $0x38;
	[tilespmem:$0x18100] =	vst v63  }
0x25: {  	_ = 	snop  }
0x26: {  	[tilespmem:s17], [sflag:$0x1] =	stream.linear.gather [hbm4b:s6+s29], $0x2000, $0x38;
	[tilespmem:$0x18100] =	vst v63  }
0x27: {  	s30 =	sadd.s32 $0x0, s14  }
0x28: {  	[tilespmem:s18], [sflag:$0x2] =	stream.linear.gather [hbm4b:s30+s3], $0x80, $0x38;
	[tilespmem:$0x18100] =	vst v63  }
0x29: {  	_ = 	snop  }
0x2a: {  	[tilespmem:s19], [sflag:$0x2] =	stream.linear.gather [hbm4b:s13+s3], $0x2000, $0x38;
	[tilespmem:$0x18100] =	vst v63  }
0x2b: {  	_ =	swait.ge [sflag:s20], $0x80  }
0x2c: {  	[sflag:s20] =	ssyncset.done $0x0  }
0x2d: {  	[sflag:s20] =	ssyncadd.s32 $0xFFFFFF80  }
0x2e: {  	_ =	swait.ge [sflag:s20], $0x2000  }
0x2f: {  	[sflag:s20] =	ssyncset.done $0x0  }
0x30: {  	[sflag:s20] =	ssyncadd.s32 $0xFFFFE000  }
0x31: {  	[spmem:s2] =	stream.indirect.scatter.add.f32 [tilespmem:s17], [sflag:$0x3], $0x40, s3, s18, $0xb8;
	[tilespmem:$0x18100] =	vst v63  }
0x32: {  	_ =	swait.ge [sflag:s16], $0x2000  }
0x33: {  	[sflag:s16] =	ssyncset.done $0x0  }
0x34: {  	s31 =	sadd.s32 $0x0, s12;
	[sflag:s16] =	ssyncadd.s32 $0xFFFFE000  }
0x35: {  	[tilespmem:s3], [sflag:$0x1] =	stream.linear.gather [hbm4b:s31+s3], $0x80, $0x38;
	[tilespmem:$0x18100] =	vst v63  }
0x36: {  	_ = 	snop  }
0x37: {  	[tilespmem:s17], [sflag:$0x1] =	stream.linear.gather [hbm4b:s11+s3], $0x2000, $0x38;
	[tilespmem:$0x18100] =	vst v63  }
0x38: {  	_ =	swait.ge [sflag:s21], $0x80  }
0x39: {  	[sflag:s21] =	ssyncset.done $0x0  }
0x3a: {  	[sflag:s21] =	ssyncadd.s32 $0xFFFFFF80  }
0x3b: {  	_ =	swait.ge [sflag:s21], $0x2000  }
0x3c: {  	[sflag:s21] =	ssyncset.done $0x0  }
0x3d: {  	[sflag:s21] =	ssyncadd.s32 $0xFFFFE000  }
0x3e: {  	[spmem:s2] =	stream.indirect.scatter.add.f32 [tilespmem:s19], [sflag:$0x3], $0x40, s18, s18, $0xb8;
	[tilespmem:$0x18100] =	vst v63  }
0x3f: {  	s23 =	simm.s32 $0x20;
	s26 =	simm.s32 $0x40;
	_ =	swait.ge [sflag:s16], $0x2000  }
0x40: {  	s24 =	sadd.s32 $0x800, s11;
	s25 =	sadd.s32 $0x800, s13;
	[sflag:s16] =	ssyncset.done $0x0  }
.LBB2_4:
0x41: {  	s28 =	sadd.s32 s23, s14  }
0x42: {  	[sflag:s16] =	ssyncadd.s32 $0xFFFFE000;
	s29 =	smov.u32 s26;
	s30 =	sadd.s32 $0x20, s26  }
0x43: {  	[tilespmem:s18], [sflag:$0x2] =	stream.linear.gather [hbm4b:s28+s3], $0x80, $0x38;
	[tilespmem:$0x18100] =	vst v63  }
0x44: {  	p1 =	sne.s32 s26, $0x100  }
0x45: {  	[tilespmem:s19], [sflag:$0x2] =	stream.linear.gather [hbm4b:s25+s3], $0x2000, $0x38;
	[tilespmem:$0x18100] =	vst v63  }
0x46: {  	_ =	swait.ge [sflag:s20], $0x80  }
0x47: {  	[sflag:s20] =	ssyncset.done $0x0  }
0x48: {  	[sflag:s20] =	ssyncadd.s32 $0xFFFFFF80  }
0x49: {  	_ =	swait.ge [sflag:s20], $0x2000  }
0x4a: {  	[sflag:s20] =	ssyncset.done $0x0  }
0x4b: {  	[sflag:s20] =	ssyncadd.s32 $0xFFFFE000  }
0x4c: {  	[spmem:s2] =	stream.indirect.scatter.add.f32 [tilespmem:s17], [sflag:$0x3], $0x40, s3, s18, $0xb8;
	[tilespmem:$0x18100] =	vst v63  }
0x4d: {  	_ =	swait.ge [sflag:s16], $0x2000  }
0x4e: {  	[sflag:s16] =	ssyncset.done $0x0  }
0x4f: {  	s26 =	sadd.s32 s23, s12;
	s23 =	smov.u32 s29;
	[sflag:s16] =	ssyncadd.s32 $0xFFFFE000  }
0x50: {  	[tilespmem:s3], [sflag:$0x1] =	stream.linear.gather [hbm4b:s26+s3], $0x80, $0x38;
	[tilespmem:$0x18100] =	vst v63  }
0x51: {  	_ = 	snop  }
0x52: {  	[tilespmem:s17], [sflag:$0x1] =	stream.linear.gather [hbm4b:s24+s3], $0x2000, $0x38;
	[tilespmem:$0x18100] =	vst v63  }
0x53: {  	_ =	swait.ge [sflag:s21], $0x80  }
0x54: {  	[sflag:s21] =	ssyncset.done $0x0  }
0x55: {  	[sflag:s21] =	ssyncadd.s32 $0xFFFFFF80  }
0x56: {  	_ =	swait.ge [sflag:s21], $0x2000  }
.Ltmp1:
0x57: {  	[sflag:s21] =	ssyncset.done $0x0;
	(pc) =	sbr.rel @p1 .LBB2_4-.Ltmp1, $4  }
0x58: {  	[sflag:s21] =	ssyncadd.s32 $0xFFFFE000  }
0x59: {  	[spmem:s2] =	stream.indirect.scatter.add.f32 [tilespmem:s19], [sflag:$0x3], $0x40, s18, s18, $0xb8;
	[tilespmem:$0x18100] =	vst v63  }
0x5a: {  	s25 =	sadd.s32 $0x800, s25;
	_ =	swait.ge [sflag:s16], $0x2000  }
0x5b: {  	s26 =	smov.u32 s30;
	s24 =	sadd.s32 $0x800, s24;
	[sflag:s16] =	ssyncset.done $0x0  }
0x5c: {  	s26 =	sadd.s32 s23, s14;
	[sflag:s16] =	ssyncadd.s32 $0xFFFFE000  }
0x5d: {  	[tilespmem:s18], [sflag:$0x2] =	stream.linear.gather [hbm4b:s26+s3], $0x80, $0x38;
	[tilespmem:$0x18100] =	vst v63  }
0x5e: {  	_ = 	snop  }
0x5f: {  	[tilespmem:s19], [sflag:$0x2] =	stream.linear.gather [hbm4b:s25+s3], $0x2000, $0x38;
	[tilespmem:$0x18100] =	vst v63  }
0x60: {  	_ =	swait.ge [sflag:s20], $0x80  }
0x61: {  	[sflag:s20] =	ssyncset.done $0x0  }
0x62: {  	[sflag:s20] =	ssyncadd.s32 $0xFFFFFF80  }
0x63: {  	_ =	swait.ge [sflag:s20], $0x2000  }
0x64: {  	[sflag:s20] =	ssyncset.done $0x0  }
0x65: {  	[sflag:s20] =	ssyncadd.s32 $0xFFFFE000  }
0x66: {  	[spmem:s2] =	stream.indirect.scatter.add.f32 [tilespmem:s17], [sflag:$0x3], $0x40, s3, s18, $0xb8;
	[tilespmem:$0x18100] =	vst v63  }
0x67: {  	_ =	swait.ge [sflag:s16], $0x2000  }
0x68: {  	[sflag:s16] =	ssyncset.done $0x0  }
0x69: {  	s31 =	sadd.s32 s23, s12;
	[sflag:s16] =	ssyncadd.s32 $0xFFFFE000  }
0x6a: {  	[tilespmem:s3], [sflag:$0x1] =	stream.linear.gather [hbm4b:s31+s3], $0x80, $0x38;
	[tilespmem:$0x18100] =	vst v63  }
0x6b: {  	_ = 	snop  }
0x6c: {  	[tilespmem:s17], [sflag:$0x1] =	stream.linear.gather [hbm4b:s24+s3], $0x2000, $0x38;
	[tilespmem:$0x18100] =	vst v63  }
0x6d: {  	_ =	swait.ge [sflag:s21], $0x80  }
0x6e: {  	[sflag:s21] =	ssyncset.done $0x0  }
0x6f: {  	[sflag:s21] =	ssyncadd.s32 $0xFFFFFF80  }
0x70: {  	_ =	swait.ge [sflag:s21], $0x2000  }
0x71: {  	[sflag:s21] =	ssyncset.done $0x0  }
0x72: {  	[sflag:s21] =	ssyncadd.s32 $0xFFFFE000  }
0x73: {  	[spmem:s2] =	stream.indirect.scatter.add.f32 [tilespmem:s19], [sflag:$0x3], $0x40, s18, s18, $0xb8;
	[tilespmem:$0x18100] =	vst v63  }
0x74: {  	_ =	swait.ge [sflag:s16], $0x2000  }
0x75: {  	[sflag:s16] =	ssyncset.done $0x0  }
0x76: {  	[sflag:s16] =	ssyncadd.s32 $0xFFFFE000  }
0x77: {  	_ =	swait.ge [sflag:s20], $0x80  }
0x78: {  	[sflag:s20] =	ssyncset.done $0x0  }
0x79: {  	[sflag:s20] =	ssyncadd.s32 $0xFFFFFF80  }
0x7a: {  	_ =	swait.ge [sflag:s20], $0x2000  }
0x7b: {  	[sflag:s20] =	ssyncset.done $0x0  }
0x7c: {  	[sflag:s20] =	ssyncadd.s32 $0xFFFFE000  }
0x7d: {  	[spmem:s2] =	stream.indirect.scatter.add.f32 [tilespmem:s17], [sflag:$0x3], $0x40, s3, s18, $0xb8;
	[tilespmem:$0x18100] =	vst v63  }
0x7e: {  	_ =	swait.ge [sflag:s16], $0x2000  }
0x7f: {  	[sflag:s16] =	ssyncset.done $0x0  }
0x80: {  	s23 =	simm.s32 @!p0 $0x0;
	s24 =	simm.s32 @!p0 $0x3;
	[sflag:s16] =	ssyncadd.s32 $0xFFFFE000  }
0x81: {  	[tilespmem:s23], [sflag:$0x3] =	stream.linear.gather @!p0 [hbm4b:s7+s23], $0x80, $0x38;
	[tilespmem:$0x18100] =	vst v63  }
0x82: {  	_ =	swait.ge @!p0 [sflag:s24], $0x80  }
0x83: {  	[sflag:s24] =	ssyncset.done @!p0 $0x0  }
0x84: {  	s25 =	simm.s32 @!p0 $0x100;
	[sflag:s24] =	ssyncadd.s32 @!p0 $0xFFFFFF80  }
0x85: {  	[tilespmem:s25], [sflag:$0x3] =	stream.linear.gather @!p0 [hbm4b:s8+s23], $0x2000, $0x38;
	[tilespmem:$0x18100] =	vst v63  }
0x86: {  	_ =	swait.ge @!p0 [sflag:s24], $0x2000  }
0x87: {  	[sflag:s24] =	ssyncset.done @!p0 $0x0  }
0x88: {  	s26 =	simm.s32 @!p0 $0x80;
	[sflag:s24] =	ssyncadd.s32 @!p0 $0xFFFFE000  }
0x89: {  	[spmem:s2] =	stream.indirect.scatter.add.f32 @!p0 [tilespmem:s25], [sflag:$0x3], $0x40, s23, s26, $0xb8;
	[tilespmem:$0x18100] =	vst v63  }
0x8a: {  	_ =	swait.ge @!p0 [sflag:s24], $0x2000  }
0x8b: {  	[sflag:s24] =	ssyncset.done @!p0 $0x0  }
0x8c: {  	[sflag:s24] =	ssyncadd.s32 @!p0 $0xFFFFE000  }
0x8d: {  	[bflag:$0x0] =	sbarrier.arrive $0xFFFF  }
0x8e: {  	[tilespmem:s15], [sflag:$0x3] =	stream.linear.gather [spmem:s4], $0xA000, $0x38;
	[tilespmem:$0x18100] =	vst v63  }
0x8f: {  	s22 =	sadd.s32 $0x1, s22;
	_ =	swait.ge [sflag:s16], $0xA000  }
0x90: {  	p1 =	sne.s32 s22, s10;
	[sflag:s16] =	ssyncset.done $0x0  }
.Ltmp2:
0x91: {  	[sflag:s16] =	ssyncadd.s32 $0xFFFF6000;
	(pc) =	sbr.rel @p1 .LBB2_1-.Ltmp2, $4  }
0x92: {  	[hbm4b:s9+s3] =	stream.linear.scatter [tilespmem:s15], [sflag:$0x3], $0xA000, $0x38;
	[tilespmem:$0x18100] =	vst v63  }
0x93: {  	_ =	swait.ge [sflag:s16], $0xA000  }
0x94: {  	[sflag:s16] =	ssyncset.done $0x0  }
0x95: {  	[sflag:s16] =	ssyncadd.s32 $0xFFFF6000  }
0x96: {  	_ =	sfence.sel $0x180000  }
0x97: {  	[bflag:$0x0] =	sbarrier.arrive $0xFFFF  }
0x98: {  	p0 =	sne.s32 s1, $0x0;
	_ =	strace $0x90000050  }
0x99: {  	s0 =	sadd.s32 @!p0 $0x100000, s0;
	[bflag:$0x2] =	sbarrier.arrive $0xFFFF  }
0x9a: {  	[sflag:s0] =	ssyncadd.tile.s32 @!p0 $0x1;
	_ =	shalt  }
.Lfunc_end2:
_tile_overlayer_lowered:
.L_overlay_start_2:
0x9b: {  	(tag) =	ssettag $0x2  }
0x9c: {  	s0 =	rddreg [dreg:$0x0];
	s2 =	stileid.u32  }
0x9d: {  	s1 =	rddreg [dreg:$0x1];
	p0 =	sne.s32 s2, $0x0  }
0x9e: {  	s3 =	rddreg [dreg:$0x2];
	[bflag:$0x3] =	sbarrier.arrive $0xFFFF;
	s2 =	simm.s32 @!p0 $0x1C03  }
0x9f: {  	[timem:s3], [sflag:s2] =	dma.local @!p0 [hbm:s0], s1  }
0xa0: {  	s0 =	simm.s32 @!p0 $0x3  }
0xa1: {  	_ =	swait.ge @!p0 [sflag:s0], s1  }
0xa2: {  	s1 =	ssub.s32 @!p0 $0x0, s1;
	[sflag:s0] =	ssyncset.done @!p0 $0x0  }
0xa3: {  	[sflag:s0] =	ssyncadd.s32 @!p0 s1  }
0xa4: {  	[bflag:$0x3] =	sbarrier.arrive $0xFFFF  }
0xa5: {  	_ =	shalt  }

// kernel: kernel.33.cloned.1.call-start
scs
__scs_entry_jumppad:
0x0: {  	(pc) =	sbr.rel $0x88, $3  }
0x1: {  	(tag) =	ssettag $0x0;
	lr =	simm.s32 $0x1  }
0x2: {  	[smem:$0x3F82] =	sst lr;
	_ =	strace $0xD0000000  }
0x3: {  	_ = 	snop  }
0x4: {  	_ = 	snop  }
0x5: {  	_ = 	snop  }
0x6: {  	_ = 	snop  }
0x7: {  	_ = 	snop  }
__scs_overlays_trampoline_lowered:
0x8: {  	[smem:$0x3F91] =	sst s0  }
0x9: {  	[smem:$0x3F92] =	sst s1  }
0xa: {  	[smem:$0x3F93] =	sst s2  }
0xb: {  	[smem:$0x3F94] =	sst s3  }
0xc: {  	[smem:$0x3F95] =	sst s4  }
0xd: {  	[smem:$0x3F96] =	sst s5  }
0xe: {  	[smem:$0x3F97] =	sst s6  }
0xf: {  	[smem:$0x3F98] =	sst s7  }
0x10: {  	[smem:$0x3F99] =	sst s8  }
0x11: {  	[smem:$0x3F9A] =	sst s9;
	s0 =	simm.s32 @!p0 $0x0  }
0x12: {  	s1 =	sld [smem:$0x3F80];
	s0 =	simm.s32 @p0 $0x1  }
0x13: {  	[smem:$0x3F9B] =	sst s0;
	s0 =	simm.s32 @!p1 $0x0  }
0x14: {  	s2 =	sld [smem:$0x3F7F];
	s0 =	simm.s32 @p1 $0x1  }
0x15: {  	[smem:$0x3F9C] =	sst s0;
	s0 =	simm.s32 @!p2 $0x0  }
0x16: {  	s3 =	sld [smem:$0x3FDB];
	s0 =	simm.s32 @p2 $0x1  }
0x17: {  	s4 =	simm.s32 $0x1BF5;
	[smem:$0x3F9E] =	sst s0  }
0x18: {  	s0 =	sld [smem:$0x3F81];
	_ =	swait.ge [sflag:s4], $0x0  }
0x19: {  	s7 =	sld [smem:$0x3F82]  }
0x1a: {  	s8 =	sadd.s32 $0xFFFFE003, lr  }
0x1b: {  	s9 =	sadd.s32 $0xFFFFFEF7, lr;
	s5 =	simm.s32 $0xFFFFFFFF;
	p2 =	slt.u32 s8, $0xFFFFF086  }
0x1c: {  	p1 =	slt.u32 s9, $0xF7A;
	s5 =	simm.s32 @!p2 $0x0  }
0x1d: {  	s5 =	simm.s32 @p1 $0x1;
	p0 =	seq.s32 s7, s2  }
0x1e: {  	s7 =	smul.u32 @!p0 $0xF7A, s2;
	p2 =	seq.s32 @!p0 s5, $0x0  }
0x1f: {  	s9 =	smul.u32 $0xF7A, s1;
	s8 =	simm.s32 @!p0 $0x1BF5;
	p2 =	por !p2, p0  }
0x20: {  	[sflag:s8] =	ssyncset.s32 @!p0 $0xFFFFF086;
	s6 =	sadd.s32 @!p0 s3, s7;
	s7 =	simm.s32 @!p0 $0x108  }
0x21: {  	s3 =	sadd.s32 s3, s9;
	s6 =	sadd.s32 @!p0 $0x88, s6;
	s7 =	simm.s32 @p2 $0x1082  }
0x22: {  	[simem:s7], [sflag:s8] =	dma.local @!p0 [hbm:s6], $0xF7A  }
0x23: {  	s9 =	sor.u32 $0xD0000000, s2;
	s6 =	simm.s32 $0x108;
	_ =	swait.ge @!p0 [sflag:s8], $0x0  }
0x24: {  	s3 =	sadd.s32 $0x88, s3;
	s6 =	simm.s32 @!p1 $0x1082;
	[sflag:s4] =	ssyncset.s32 $0xFFFFF086  }
0x25: {  	[simem:s6], [sflag:s4] =	dma.local [hbm:s3], $0xF7A  }
0x26: {  	[smem:$0x3F82] =	sst s1;
	(tag) =	ssettag s2;
	_ =	strace s9  }
0x27: {  	s1 =	sld [smem:$0x3F92]  }
0x28: {  	s2 =	sld [smem:$0x3F93]  }
0x29: {  	s4 =	sld [smem:$0x3F95]  }
0x2a: {  	p0 =	seq.s32 s5, $0x0;
	s5 =	sld [smem:$0x3F96]  }
0x2b: {  	s6 =	sld [smem:$0x3F97]  }
0x2c: {  	s7 =	sld [smem:$0x3F98]  }
0x2d: {  	s3 =	simm.s32 $0x108;
	s8 =	sld [smem:$0x3F99]  }
0x2e: {  	s3 =	simm.s32 @!p0 $0x1082;
	s9 =	sld [smem:$0x3F9A]  }
0x2f: {  	lr =	sadd.s32 s0, s3;
	s0 =	sld [smem:$0x3F91]  }
0x30: {  	s3 =	sld [smem:$0x3F94]  }
0x31: {  	[smem:$0x3F9D] =	sst s10  }
0x32: {  	s10 =	sld [smem:$0x3F9B];
	_ =	sdelay $0x3  }
0x33: {  	p0 =	seq.s32 s10, $0x1;
	s10 =	sld [smem:$0x3F9D];
	_ =	sdelay $0x3  }
0x34: {  	[smem:$0x3F9D] =	sst s10  }
0x35: {  	s10 =	sld [smem:$0x3F9C];
	_ =	sdelay $0x3  }
0x36: {  	p1 =	seq.s32 s10, $0x1;
	s10 =	sld [smem:$0x3F9D];
	_ =	sdelay $0x3  }
0x37: {  	[smem:$0x3F9D] =	sst s10  }
0x38: {  	s10 =	sld [smem:$0x3F9E]  }
0x39: {  	_ = 	snop;
	(pc) =	sbr.ind lr, $3  }
0x3a: {  	_ = 	snop  }
0x3b: {  	_ = 	snop  }
0x3c: {  	p2 =	seq.s32 s10, $0x1;
	s10 =	sld [smem:$0x3F9D]  }
0x3d: {  	_ =	shalt  }
0x3e: {  	_ =	shalt  }
0x3f: {  	_ =	shalt  }
0x40: {  	_ =	shalt  }
0x41: {  	_ =	shalt  }
0x42: {  	_ =	shalt  }
0x43: {  	_ =	shalt  }
0x44: {  	_ =	shalt  }
0x45: {  	_ =	shalt  }
0x46: {  	_ =	shalt  }
0x47: {  	_ =	shalt  }
0x48: {  	_ =	shalt  }
0x49: {  	_ =	shalt  }
0x4a: {  	_ =	shalt  }
0x4b: {  	_ =	shalt  }
0x4c: {  	_ =	shalt  }
0x4d: {  	_ =	shalt  }
0x4e: {  	_ =	shalt  }
0x4f: {  	_ =	shalt  }
0x50: {  	_ =	shalt  }
0x51: {  	_ =	shalt  }
0x52: {  	_ =	shalt  }
0x53: {  	_ =	shalt  }
0x54: {  	_ =	shalt  }
0x55: {  	_ =	shalt  }
0x56: {  	_ =	shalt  }
0x57: {  	_ =	shalt  }
0x58: {  	_ =	shalt  }
0x59: {  	_ =	shalt  }
0x5a: {  	_ =	shalt  }
0x5b: {  	_ =	shalt  }
0x5c: {  	_ =	shalt  }
0x5d: {  	_ =	shalt  }
0x5e: {  	_ =	shalt  }
0x5f: {  	_ =	shalt  }
0x60: {  	_ =	shalt  }
0x61: {  	_ =	shalt  }
0x62: {  	_ =	shalt  }
0x63: {  	_ =	shalt  }
0x64: {  	_ =	shalt  }
0x65: {  	_ =	shalt  }
0x66: {  	_ =	shalt  }
0x67: {  	_ =	shalt  }
0x68: {  	_ =	shalt  }
0x69: {  	_ =	shalt  }
0x6a: {  	_ =	shalt  }
0x6b: {  	_ =	shalt  }
0x6c: {  	_ =	shalt  }
0x6d: {  	_ =	shalt  }
0x6e: {  	_ =	shalt  }
0x6f: {  	_ =	shalt  }
0x70: {  	_ =	shalt  }
0x71: {  	_ =	shalt  }
0x72: {  	_ =	shalt  }
0x73: {  	_ =	shalt  }
0x74: {  	_ =	shalt  }
0x75: {  	_ =	shalt  }
0x76: {  	_ =	shalt  }
0x77: {  	_ =	shalt  }
0x78: {  	_ =	shalt  }
0x79: {  	_ =	shalt  }
0x7a: {  	_ =	shalt  }
0x7b: {  	_ =	shalt  }
0x7c: {  	_ =	shalt  }
0x7d: {  	_ =	shalt  }
0x7e: {  	_ =	shalt  }
0x7f: {  	_ =	shalt  }
0x80: {  	_ =	shalt  }
0x81: {  	_ =	shalt  }
0x82: {  	_ =	shalt  }
0x83: {  	_ =	shalt  }
0x84: {  	_ =	shalt  }
0x85: {  	_ =	shalt  }
0x86: {  	_ =	shalt  }
0x87: {  	_ =	shalt  }
.Lfunc_end0:
.L_simem_size_0:
called_computation.4_lowered:
.L_overlay_start_0:
0x88: {  	s2 =	sld [smem:$0x3FD9]  }
0x89: {  	s3 =	sld [smem:$0x3FFE];
	_ =	sdelay $0x1  }
0x8a: {  	s1 =	srdreg.scid  }
0x8b: {  	s0 =	sand.u32 $0x1, s1  }
0x8c: {  	s17 =	sshll.u32 s0, $0xA;
	s2 =	sadd.s32 s3, s2  }
0x8d: {  	s2 =	sadd.s32 s2, s17  }
0x8e: {  	[smem:$0x3FA9] =	sst s2  }
0x8f: {  	_ = 	snop  }
0x90: {  	s2 =	sld [smem:$0x3FC7]  }
0x91: {  	s18 =	sld [smem:$0x3FD0];
	(tm) =	ssettm $0x1  }
0x92: {  	s4 =	sld [smem:$0x3FFB];
	_ =	sdelay $0x3  }
0x93: {  	_ =	strace s4  }
0x94: {  	s4 =	sld [smem:$0x3FFC];
	_ =	sdelay $0x3  }
0x95: {  	_ =	strace s4  }
0x96: {  	s4 =	sld [smem:$0x3FFD];
	_ =	sdelay $0x3  }
0x97: {  	_ =	strace s4  }
0x98: {  	_ =	strace $0x8FFFFFFF  }
0x99: {  	s19 =	sld [smem:$0x3FDB];
	_ =	sdelay $0x1  }
0x9a: {  	s5 =	simm.s32 $_scs_section_size  }
0x9b: {  	s6 =	simm.s32 $_size__tile_overlayer_lowered;
	s7 =	simm.s32 $_tile_overlayer_lowered  }
0x9c: {  	s22 =	simm.s32 $0x1BFF;
	s21 =	sshll.u32 s7, $0x1;
	s4 =	sadd.s32 s5, s19  }
0x9d: {  	s8 =	simm.s32 $0x0;
	s20 =	sshll.u32 s6, $0x1;
	s6 =	sadd.s32 s21, s4  }
0x9e: {  	[timem:s8], [sflag:s22] =	dma.local [hbm:s6], s20  }
0x9f: {  	_ =	swait.ge [sflag:s22], s20  }
0xa0: {  	s5 =	ssub.s32 $0x0, s20;
	[sflag:s22] =	ssyncset.done $0x0  }
0xa1: {  	[sflag:s22] =	ssyncadd.s32 s5;
	_ =	sdelay $0x1  }
0xa2: {  	s23 =	simm.s32 $0x1B8B  }
0xa3: {  	_ =	swait.ge [sflag:s23], $0x1  }
0xa4: {  	[sflag:s23] =	ssyncset.done $0x0  }
0xa5: {  	s25 =	simm.s32 $0x1B8E;
	s24 =	sld [smem:$0x3FFE];
	[sflag:s23] =	ssyncadd.s32 $0xFFFFFFFF  }
0xa6: {  	s26 =	simm.s32 $execute0_lowered;
	[smem:$0x3FD2] =	sst s25  }
0xa7: {  	s6 =	sshll.u32 s26, $0x1;
	_ =	strace $0x80000052;
	[dreg:$0x1] =	wrdreg $0xFFFFFFFF  }
0xa8: {  	s28 =	simm.s32 $_size_execute0_lowered;
	s4 =	sadd.s32 s4, s6;
	[dreg:$0x0] =	wrdreg $0x0  }
0xa9: {  	s6 =	sshll.u32 s28, $0x1;
	[dreg:$0x2] =	wrdreg s4  }
0xaa: {  	[dreg:$0x3] =	wrdreg s6  }
0xab: {  	[dreg:$0x4] =	wrdreg $0xC0  }
0xac: {  	_ =	task [dreg:s8], $0x5FFFF  }
0xad: {  	[dreg:$0x1] =	wrdreg $0xFFFFFFFF  }
0xae: {  	[dreg:$0x0] =	wrdreg $0x60  }
0xaf: {  	[dreg:$0x2] =	wrdreg s18  }
0xb0: {  	[dreg:$0x3] =	wrdreg s2  }
0xb1: {  	[dreg:$0x4] =	wrdreg s24  }
0xb2: {  	[dreg:$0x5] =	wrdreg $0x9  }
0xb3: {  	_ =	task.clear_ibuf [dreg:s8], $0x6FFFF;
	_ =	strace $0x90000052  }
0xb4: {  	s29 =	simm.s32 $0x9;
	_ =	strace $0x80000054  }
0xb5: {  	_ =	swait.ge [sflag:s29], $0x1  }
0xb6: {  	[sflag:s29] =	ssyncadd.s32 $0xFFFFFFFF  }
0xb7: {  	_ =	strace $0x90000054  }
0xb8: {  	_ =	sfence  }
0xb9: {  	s30 =	sld [smem:$0x0];
	_ =	sdelay $0x2  }
0xba: {  	s31 =	sshll.u32 s1, $0xD;
	s1 =	sshrl.u32 s1, $0x2  }
0xbb: {  	s3 =	sand.u32 $0x4000, s31;
	s1 =	sadd.s32 s1, s30  }
0xbc: {  	s0 =	sor.u32 s3, s0;
	s1 =	sshll.u32 s1, $0x11  }
0xbd: {  	s0 =	sor.u32 s1, s0  }
0xbe: {  	s0 =	sadd.s32 $0x8F2B, s0  }
0xbf: {  	[sflag:s0] =	ssyncadd.remote.s32 $0x1  }
0xc0: {  	_ =	sfence.sel $0xFFFF  }
0xc1: {  	[dreg:$0x0] =	wrdreg $0xFFFFFFFF;
	(pc) =	sbr.abs _section_cstart, $3  }
0xc2: {  	[dreg:$0x1] =	wrdreg $0xFFFFFFFF  }
0xc3: {  	_ =	task.clear_ibuf [dreg:s8], $0x2FFFF;
	_ =	strace $0x9FFFFFFF  }
0xc4: {  	(tm) =	ssettm $0x7FFFFFFF  }
0xc5: {  	_ =	shalt  }
tec
execute0_lowered:
.L_overlay_start_1:
0x0: {  	(tag) =	ssettag $0x1  }
0x1: {  	s0 =	srdreg.scid  }
0x2: {  	s2 =	rddreg [dreg:$0x0];
	s6 =	sand.u32 $0x1, s0  }
0x3: {  	s4 =	rddreg [dreg:$0x1];
	s0 =	stileid.u32;
	s1 =	sshll.u32 s6, $0x4  }
0x4: {  	s8 =	rddreg [dreg:$0x2];
	s3 =	simm.s32 $0x0;
	s7 =	sor.u32 s0, s1  }
0x5: {  	[smem:$0x7FF] =	sst s3;
	s5 =	smul.u32 $0x271, s7  }
0x6: {  	s10 =	ssub.s32 $0x2, s6;
	s6 =	simm.s32 $0x1388;
	s1 =	rddreg [dreg:$0x3]  }
0x7: {  	_ =	strace $0x80000053;
	s5 =	sadd.s32 s4, s5;
	s4 =	simm.s32 $0x2  }
0x8: {  	[tilespmem:s3], [sflag:$0x2] =	stream.linear.gather [hbm4b:s5+s3], $0x1388, $0x38;
	[tilespmem:$0x14C08] =	vst v63  }
0x9: {  	s11 =	sshrl.u32 s10, $0x1;
	s9 =	smul.u32 $0x2710, s7;
	_ =	swait.ge [sflag:s4], $0x1388  }
0xa: {  	s7 =	simm.s32 $0x1;
	s31 =	ssub.s32 s10, s11;
	[sflag:s4] =	ssyncset.done $0x0  }
0xb: {  	s8 =	sadd.s32 s9, s8;
	s9 =	smax.u32 s31, $0x1;
	[sflag:s4] =	ssyncadd.s32 $0xFFFFEC78  }
0xc: {  	[tilespmem:s6], [sflag:$0x1] =	stream.indirect.gather [hbm4b:s2+s6], $0x10, s3, s6, $0xb8;
	[tilespmem:$0x14C08] =	vst v63  }
0xd: {  	p0 =	sne.s32 s9, $0x1;
	_ =	swait.ge [sflag:s7], $0x13880  }
.Ltmp0:
0xe: {  	[sflag:s7] =	ssyncset.done $0x0;
	(pc) =	sbr.rel @!p0 .LBB2_2-.Ltmp0, $4  }
0xf: {  	s8 =	sadd.s32 $0x59800, s8;
	[sflag:s7] =	ssyncadd.s32 $0xFFFEC780  }
0x10: {  	[hbm4b:s8+s3] =	stream.linear.scatter [tilespmem:s6], [sflag:$0x2], $0x13880, $0x38;
	[tilespmem:$0x14C08] =	vst v63  }
0x11: {  	_ =	swait.ge [sflag:s4], $0x13880  }
0x12: {  	s9 =	sadd.s32 $0xFFFFFFFF, s9;
	[sflag:s4] =	ssyncset.done $0x0  }
.LBB2_1:
0x13: {  	p0 =	sne.s32 s9, $0x1;
	s9 =	sadd.s32 $0xFFFFFFFF, s9;
	[sflag:s4] =	ssyncadd.s32 $0xFFFEC780  }
0x14: {  	[tilespmem:s3], [sflag:$0x2] =	stream.linear.gather [hbm4b:s5+s3], $0x1388, $0x38;
	[tilespmem:$0x14C08] =	vst v63  }
0x15: {  	_ =	swait.ge [sflag:s4], $0x1388  }
0x16: {  	[sflag:s4] =	ssyncset.done $0x0  }
0x17: {  	[sflag:s4] =	ssyncadd.s32 $0xFFFFEC78  }
0x18: {  	[tilespmem:s6], [sflag:$0x1] =	stream.indirect.gather [hbm4b:s2+s6], $0x10, s3, s6, $0xb8;
	[tilespmem:$0x14C08] =	vst v63  }
0x19: {  	_ =	swait.ge [sflag:s7], $0x13880  }
.Ltmp1:
0x1a: {  	[sflag:s7] =	ssyncset.done $0x0;
	(pc) =	sbr.rel @p0 .LBB2_1-.Ltmp1, $4  }
0x1b: {  	[sflag:s7] =	ssyncadd.s32 $0xFFFEC780  }
0x1c: {  	[hbm4b:s8+s3] =	stream.linear.scatter [tilespmem:s6], [sflag:$0x2], $0x13880, $0x38;
	[tilespmem:$0x14C08] =	vst v63  }
0x1d: {  	_ =	swait.ge [sflag:s4], $0x13880  }
0x1e: {  	[sflag:s4] =	ssyncset.done $0x0  }
.LBB2_2:
0x1f: {  	[sflag:s4] =	ssyncadd.s32 $0xFFFEC780  }
0x20: {  	_ =	sfence.sel $0x180000  }
0x21: {  	[bflag:$0x0] =	sbarrier.arrive $0xFFFF  }
0x22: {  	p0 =	sne.s32 s0, $0x0;
	_ =	strace $0x90000053  }
0x23: {  	s0 =	sadd.s32 @!p0 $0x100000, s1;
	[bflag:$0x2] =	sbarrier.arrive $0xFFFF  }
0x24: {  	[sflag:s0] =	ssyncadd.tile.s32 @!p0 $0x1;
	_ =	shalt  }
.Lfunc_end2:
_tile_overlayer_lowered:
.L_overlay_start_2:
0x25: {  	(tag) =	ssettag $0x2  }
0x26: {  	s0 =	rddreg [dreg:$0x0];
	s2 =	stileid.u32  }
0x27: {  	s1 =	rddreg [dreg:$0x1];
	p0 =	sne.s32 s2, $0x0  }
0x28: {  	s3 =	rddreg [dreg:$0x2];
	[bflag:$0x3] =	sbarrier.arrive $0xFFFF;
	s2 =	simm.s32 @!p0 $0x1C02  }
0x29: {  	[timem:s3], [sflag:s2] =	dma.local @!p0 [hbm:s0], s1  }
0x2a: {  	s0 =	simm.s32 @!p0 $0x2  }
0x2b: {  	_ =	swait.ge @!p0 [sflag:s0], s1  }
0x2c: {  	s1 =	ssub.s32 @!p0 $0x0, s1;
	[sflag:s0] =	ssyncset.done @!p0 $0x0  }
0x2d: {  	[sflag:s0] =	ssyncadd.s32 @!p0 s1  }
0x2e: {  	[bflag:$0x3] =	sbarrier.arrive $0xFFFF  }
0x2f: {  	_ =	shalt  }

// kernel: kernel.36.cloned.1.call-start
scs
__scs_entry_jumppad:
0x0: {  	(pc) =	sbr.rel $0x88, $3  }
0x1: {  	(tag) =	ssettag $0x0;
	lr =	simm.s32 $0x1  }
0x2: {  	[smem:$0x3F82] =	sst lr;
	_ =	strace $0xD0000000  }
0x3: {  	_ = 	snop  }
0x4: {  	_ = 	snop  }
0x5: {  	_ = 	snop  }
0x6: {  	_ = 	snop  }
0x7: {  	_ = 	snop  }
__scs_overlays_trampoline_lowered:
0x8: {  	[smem:$0x3F91] =	sst s0  }
0x9: {  	[smem:$0x3F92] =	sst s1  }
0xa: {  	[smem:$0x3F93] =	sst s2  }
0xb: {  	[smem:$0x3F94] =	sst s3  }
0xc: {  	[smem:$0x3F95] =	sst s4  }
0xd: {  	[smem:$0x3F96] =	sst s5  }
0xe: {  	[smem:$0x3F97] =	sst s6  }
0xf: {  	[smem:$0x3F98] =	sst s7  }
0x10: {  	[smem:$0x3F99] =	sst s8  }
0x11: {  	[smem:$0x3F9A] =	sst s9;
	s0 =	simm.s32 @!p0 $0x0  }
0x12: {  	s1 =	sld [smem:$0x3F80];
	s0 =	simm.s32 @p0 $0x1  }
0x13: {  	[smem:$0x3F9B] =	sst s0;
	s0 =	simm.s32 @!p1 $0x0  }
0x14: {  	s2 =	sld [smem:$0x3F7F];
	s0 =	simm.s32 @p1 $0x1  }
0x15: {  	[smem:$0x3F9C] =	sst s0;
	s0 =	simm.s32 @!p2 $0x0  }
0x16: {  	s3 =	sld [smem:$0x3FDB];
	s0 =	simm.s32 @p2 $0x1  }
0x17: {  	s4 =	simm.s32 $0x1BF5;
	[smem:$0x3F9E] =	sst s0  }
0x18: {  	s0 =	sld [smem:$0x3F81];
	_ =	swait.ge [sflag:s4], $0x0  }
0x19: {  	s7 =	sld [smem:$0x3F82]  }
0x1a: {  	s8 =	sadd.s32 $0xFFFFE003, lr  }
0x1b: {  	s9 =	sadd.s32 $0xFFFFFEF7, lr;
	s5 =	simm.s32 $0xFFFFFFFF;
	p2 =	slt.u32 s8, $0xFFFFF086  }
0x1c: {  	p1 =	slt.u32 s9, $0xF7A;
	s5 =	simm.s32 @!p2 $0x0  }
0x1d: {  	s5 =	simm.s32 @p1 $0x1;
	p0 =	seq.s32 s7, s2  }
0x1e: {  	s7 =	smul.u32 @!p0 $0xF7A, s2;
	p2 =	seq.s32 @!p0 s5, $0x0  }
0x1f: {  	s9 =	smul.u32 $0xF7A, s1;
	s8 =	simm.s32 @!p0 $0x1BF5;
	p2 =	por !p2, p0  }
0x20: {  	[sflag:s8] =	ssyncset.s32 @!p0 $0xFFFFF086;
	s6 =	sadd.s32 @!p0 s3, s7;
	s7 =	simm.s32 @!p0 $0x108  }
0x21: {  	s3 =	sadd.s32 s3, s9;
	s6 =	sadd.s32 @!p0 $0x88, s6;
	s7 =	simm.s32 @p2 $0x1082  }
0x22: {  	[simem:s7], [sflag:s8] =	dma.local @!p0 [hbm:s6], $0xF7A  }
0x23: {  	s9 =	sor.u32 $0xD0000000, s2;
	s6 =	simm.s32 $0x108;
	_ =	swait.ge @!p0 [sflag:s8], $0x0  }
0x24: {  	s3 =	sadd.s32 $0x88, s3;
	s6 =	simm.s32 @!p1 $0x1082;
	[sflag:s4] =	ssyncset.s32 $0xFFFFF086  }
0x25: {  	[simem:s6], [sflag:s4] =	dma.local [hbm:s3], $0xF7A  }
0x26: {  	[smem:$0x3F82] =	sst s1;
	(tag) =	ssettag s2;
	_ =	strace s9  }
0x27: {  	s1 =	sld [smem:$0x3F92]  }
0x28: {  	s2 =	sld [smem:$0x3F93]  }
0x29: {  	s4 =	sld [smem:$0x3F95]  }
0x2a: {  	p0 =	seq.s32 s5, $0x0;
	s5 =	sld [smem:$0x3F96]  }
0x2b: {  	s6 =	sld [smem:$0x3F97]  }
0x2c: {  	s7 =	sld [smem:$0x3F98]  }
0x2d: {  	s3 =	simm.s32 $0x108;
	s8 =	sld [smem:$0x3F99]  }
0x2e: {  	s3 =	simm.s32 @!p0 $0x1082;
	s9 =	sld [smem:$0x3F9A]  }
0x2f: {  	lr =	sadd.s32 s0, s3;
	s0 =	sld [smem:$0x3F91]  }
0x30: {  	s3 =	sld [smem:$0x3F94]  }
0x31: {  	[smem:$0x3F9D] =	sst s10  }
0x32: {  	s10 =	sld [smem:$0x3F9B];
	_ =	sdelay $0x3  }
0x33: {  	p0 =	seq.s32 s10, $0x1;
	s10 =	sld [smem:$0x3F9D];
	_ =	sdelay $0x3  }
0x34: {  	[smem:$0x3F9D] =	sst s10  }
0x35: {  	s10 =	sld [smem:$0x3F9C];
	_ =	sdelay $0x3  }
0x36: {  	p1 =	seq.s32 s10, $0x1;
	s10 =	sld [smem:$0x3F9D];
	_ =	sdelay $0x3  }
0x37: {  	[smem:$0x3F9D] =	sst s10  }
0x38: {  	s10 =	sld [smem:$0x3F9E]  }
0x39: {  	_ = 	snop;
	(pc) =	sbr.ind lr, $3  }
0x3a: {  	_ = 	snop  }
0x3b: {  	_ = 	snop  }
0x3c: {  	p2 =	seq.s32 s10, $0x1;
	s10 =	sld [smem:$0x3F9D]  }
0x3d: {  	_ =	shalt  }
0x3e: {  	_ =	shalt  }
0x3f: {  	_ =	shalt  }
0x40: {  	_ =	shalt  }
0x41: {  	_ =	shalt  }
0x42: {  	_ =	shalt  }
0x43: {  	_ =	shalt  }
0x44: {  	_ =	shalt  }
0x45: {  	_ =	shalt  }
0x46: {  	_ =	shalt  }
0x47: {  	_ =	shalt  }
0x48: {  	_ =	shalt  }
0x49: {  	_ =	shalt  }
0x4a: {  	_ =	shalt  }
0x4b: {  	_ =	shalt  }
0x4c: {  	_ =	shalt  }
0x4d: {  	_ =	shalt  }
0x4e: {  	_ =	shalt  }
0x4f: {  	_ =	shalt  }
0x50: {  	_ =	shalt  }
0x51: {  	_ =	shalt  }
0x52: {  	_ =	shalt  }
0x53: {  	_ =	shalt  }
0x54: {  	_ =	shalt  }
0x55: {  	_ =	shalt  }
0x56: {  	_ =	shalt  }
0x57: {  	_ =	shalt  }
0x58: {  	_ =	shalt  }
0x59: {  	_ =	shalt  }
0x5a: {  	_ =	shalt  }
0x5b: {  	_ =	shalt  }
0x5c: {  	_ =	shalt  }
0x5d: {  	_ =	shalt  }
0x5e: {  	_ =	shalt  }
0x5f: {  	_ =	shalt  }
0x60: {  	_ =	shalt  }
0x61: {  	_ =	shalt  }
0x62: {  	_ =	shalt  }
0x63: {  	_ =	shalt  }
0x64: {  	_ =	shalt  }
0x65: {  	_ =	shalt  }
0x66: {  	_ =	shalt  }
0x67: {  	_ =	shalt  }
0x68: {  	_ =	shalt  }
0x69: {  	_ =	shalt  }
0x6a: {  	_ =	shalt  }
0x6b: {  	_ =	shalt  }
0x6c: {  	_ =	shalt  }
0x6d: {  	_ =	shalt  }
0x6e: {  	_ =	shalt  }
0x6f: {  	_ =	shalt  }
0x70: {  	_ =	shalt  }
0x71: {  	_ =	shalt  }
0x72: {  	_ =	shalt  }
0x73: {  	_ =	shalt  }
0x74: {  	_ =	shalt  }
0x75: {  	_ =	shalt  }
0x76: {  	_ =	shalt  }
0x77: {  	_ =	shalt  }
0x78: {  	_ =	shalt  }
0x79: {  	_ =	shalt  }
0x7a: {  	_ =	shalt  }
0x7b: {  	_ =	shalt  }
0x7c: {  	_ =	shalt  }
0x7d: {  	_ =	shalt  }
0x7e: {  	_ =	shalt  }
0x7f: {  	_ =	shalt  }
0x80: {  	_ =	shalt  }
0x81: {  	_ =	shalt  }
0x82: {  	_ =	shalt  }
0x83: {  	_ =	shalt  }
0x84: {  	_ =	shalt  }
0x85: {  	_ =	shalt  }
0x86: {  	_ =	shalt  }
0x87: {  	_ =	shalt  }
.Lfunc_end0:
.L_simem_size_0:
called_computation.5_lowered:
.L_overlay_start_0:
0x88: {  	s2 =	sld [smem:$0x3FD9]  }
0x89: {  	s3 =	sld [smem:$0x3FFE];
	_ =	sdelay $0x1  }
0x8a: {  	s1 =	srdreg.scid  }
0x8b: {  	s0 =	sand.u32 $0x1, s1  }
0x8c: {  	s17 =	sshll.u32 s0, $0xA;
	s2 =	sadd.s32 s3, s2  }
0x8d: {  	s2 =	sadd.s32 s2, s17  }
0x8e: {  	[smem:$0x3FA9] =	sst s2  }
0x8f: {  	_ = 	snop  }
0x90: {  	s2 =	sld [smem:$0x3FC8];
	(tm) =	ssettm $0x1  }
0x91: {  	s18 =	sld [smem:$0x3FFB];
	_ =	sdelay $0x3  }
0x92: {  	_ =	strace s18  }
0x93: {  	s3 =	sld [smem:$0x3FFC];
	_ =	sdelay $0x3  }
0x94: {  	_ =	strace s3  }
0x95: {  	s3 =	sld [smem:$0x3FFD];
	_ =	sdelay $0x3  }
0x96: {  	_ =	strace s3  }
0x97: {  	_ =	strace $0x8FFFFFFF  }
0x98: {  	s19 =	sld [smem:$0x3FDB];
	_ =	sdelay $0x1  }
0x99: {  	s4 =	simm.s32 $_scs_section_size  }
0x9a: {  	s5 =	simm.s32 $_size__tile_overlayer_lowered;
	s6 =	simm.s32 $_tile_overlayer_lowered  }
0x9b: {  	s22 =	simm.s32 $0x1BFF;
	s21 =	sshll.u32 s6, $0x1;
	s3 =	sadd.s32 s4, s19  }
0x9c: {  	s7 =	simm.s32 $0x0;
	s20 =	sshll.u32 s5, $0x1;
	s5 =	sadd.s32 s21, s3  }
0x9d: {  	[timem:s7], [sflag:s22] =	dma.local [hbm:s5], s20  }
0x9e: {  	_ =	swait.ge [sflag:s22], s20  }
0x9f: {  	s4 =	ssub.s32 $0x0, s20;
	[sflag:s22] =	ssyncset.done $0x0  }
0xa0: {  	[sflag:s22] =	ssyncadd.s32 s4;
	_ =	sdelay $0x1  }
0xa1: {  	s23 =	simm.s32 $0x1B8B  }
0xa2: {  	_ =	swait.ge [sflag:s23], $0x1  }
0xa3: {  	[sflag:s23] =	ssyncset.done $0x0  }
0xa4: {  	s25 =	simm.s32 $0x1B8E;
	s24 =	sld [smem:$0x3FFE];
	[sflag:s23] =	ssyncadd.s32 $0xFFFFFFFF  }
0xa5: {  	s26 =	simm.s32 $execute0_lowered;
	[smem:$0x3FD2] =	sst s25  }
0xa6: {  	s5 =	sshll.u32 s26, $0x1;
	_ =	strace $0x80000055;
	[dreg:$0x1] =	wrdreg $0xFFFFFFFF  }
0xa7: {  	s28 =	simm.s32 $_size_execute0_lowered;
	s3 =	sadd.s32 s3, s5;
	[dreg:$0x0] =	wrdreg $0x0  }
0xa8: {  	s5 =	sshll.u32 s28, $0x1;
	[dreg:$0x2] =	wrdreg s3  }
0xa9: {  	[dreg:$0x3] =	wrdreg s5  }
0xaa: {  	[dreg:$0x4] =	wrdreg $0xC0  }
0xab: {  	_ =	task [dreg:s7], $0x5FFFF  }
0xac: {  	[dreg:$0x1] =	wrdreg $0xFFFFFFFF  }
0xad: {  	[dreg:$0x0] =	wrdreg $0x60  }
0xae: {  	[dreg:$0x2] =	wrdreg s2  }
0xaf: {  	[dreg:$0x3] =	wrdreg s24  }
0xb0: {  	[dreg:$0x4] =	wrdreg $0xE1000  }
0xb1: {  	[dreg:$0x5] =	wrdreg $0x9  }
0xb2: {  	_ =	task.clear_ibuf [dreg:s7], $0x6FFFF;
	_ =	strace $0x90000055  }
0xb3: {  	s29 =	simm.s32 $0x9;
	_ =	strace $0x80000057  }
0xb4: {  	_ =	swait.ge [sflag:s29], $0x1  }
0xb5: {  	[sflag:s29] =	ssyncadd.s32 $0xFFFFFFFF  }
0xb6: {  	_ =	strace $0x90000057  }
0xb7: {  	_ =	sfence  }
0xb8: {  	s30 =	sld [smem:$0x0];
	_ =	sdelay $0x2  }
0xb9: {  	s31 =	sshll.u32 s1, $0xD;
	s1 =	sshrl.u32 s1, $0x2  }
0xba: {  	s3 =	sand.u32 $0x4000, s31;
	s1 =	sadd.s32 s1, s30  }
0xbb: {  	s0 =	sor.u32 s3, s0;
	s1 =	sshll.u32 s1, $0x11  }
0xbc: {  	s0 =	sor.u32 s1, s0  }
0xbd: {  	s0 =	sadd.s32 $0x8F2B, s0  }
0xbe: {  	[sflag:s0] =	ssyncadd.remote.s32 $0x1  }
0xbf: {  	_ =	sfence.sel $0xFFFF  }
0xc0: {  	[dreg:$0x0] =	wrdreg $0xFFFFFFFF;
	(pc) =	sbr.abs _section_cstart, $3  }
0xc1: {  	[dreg:$0x1] =	wrdreg $0xFFFFFFFF  }
0xc2: {  	_ =	task.clear_ibuf [dreg:s7], $0x2FFFF;
	_ =	strace $0x9FFFFFFF  }
0xc3: {  	(tm) =	ssettm $0x7FFFFFFF  }
tec
execute0_lowered:
.L_overlay_start_1:
0x0: {  	(tag) =	ssettag $0x1  }
0x1: {  	s0 =	rddreg [dreg:$0x0]  }
0x2: {  	s1 =	srdreg.scid;
	s5 =	rddreg [dreg:$0x1]  }
0x3: {  	s3 =	rddreg [dreg:$0x2];
	s2 =	stileid.u32;
	s4 =	simm.s32 $0x0  }
0x4: {  	s18 =	simm.s32 $0x100;
	s19 =	simm.s32 $0x80;
	s20 =	simm.s32 $0x2100  }
0x5: {  	s21 =	simm.s32 $0x1;
	s6 =	sand.u32 $0x1, s1;
	s1 =	rddreg [dreg:$0x3]  }
0x6: {  	s22 =	simm.s32 $0x2;
	[smem:$0x7FF] =	sst s4;
	s9 =	smul.u32 $0x28000, s2  }
0x7: {  	s14 =	sadd.s32 $0x451200, s5;
	s15 =	smul.u32 $0x980, s2;
	s7 =	sshll.u32 s6, $0x4  }
0x8: {  	s8 =	ssub.s32 $0x2, s6;
	s12 =	smul.u32 $0x9800, s6;
	s23 =	sor.u32 s2, s7  }
0x9: {  	_ =	strace $0x80000056;
	s24 =	sshrl.u32 s8, $0x1;
	s7 =	smul.u32 $0x1400, s23  }
0xa: {  	s25 =	sshrl.u32 s9, $0x2;
	s11 =	ssub.s32 s8, s24;
	s26 =	smul.u32 $0x980, s23  }
0xb: {  	s28 =	smul.u32 $0x4C00, s23;
	s29 =	sshll.u32 s23, $0x7;
	s30 =	sadd.s32 s15, s12  }
0xc: {  	p0 =	sgt.u32 s23, $0x10;
	s23 =	simm.s32 $0x0;
	s9 =	sor.u32 $0x13000, s29  }
0xd: {  	s11 =	smax.u32 s11, $0x1;
	s12 =	sadd.s32 $0x100, s30;
	s10 =	sadd.s32 s7, s5  }
0xe: {  	s5 =	sadd.s32 s25, s3;
	s7 =	sshrl.u32 s26, $0x3;
	s13 =	sshrl.u32 s9, $0x3  }
0xf: {  	s9 =	sshll.u32 s9, $0x3;
	s31 =	sshll.u32 s12, $0x3;
	s6 =	sadd.s32 s0, s7  }
0x10: {  	s7 =	sadd.s32 s14, s28;
	s8 =	sadd.s32 s0, s13;
	s13 =	sadd.s32 $0x80, s30  }
0x11: {  	s9 =	sadd.s32 s14, s9;
	s10 =	sadd.s32 $0x59800, s10;
	s16 =	sshll.u32 s13, $0x3  }
0x12: {  	s17 =	sshrl.u32 s13, $0x3;
	s13 =	sadd.s32 s31, s14;
	s14 =	sadd.s32 s16, s14  }
0x13: {  	v0 =	vimm.f32 $0.0e+00;
	s15 =	sadd.s32 s17, s0;
	s16 =	simm.s32 $0x4100;
	s17 =	simm.s32 $0x3  }
.LBB2_1:
0x14: {  	s25 =	simm.s32 $0x100;
	s24 =	simm.s32 $0x0  }
.LBB2_2:
0x15: {  	p1 =	sne.s32 s25, $0x27F00;
	[tilespmem:s24+$0x4130] =	vst v0;
	s26 =	smov.u32 s25;
	s25 =	sadd.s32 $0x100, s25  }
.Ltmp0:
0x16: {  	[tilespmem:s24+$0x4120] =	vst v0;
	(pc) =	sbr.rel @p1 .LBB2_2-.Ltmp0, $3  }
0x17: {  	[tilespmem:s24+$0x4100] =	vst v0  }
0x18: {  	[tilespmem:s24+$0x4110] =	vst v0;
	_ =	sdelay $0x1  }
0x19: {  	s24 =	sshra.s32 s26, $0x2  }
0x1a: {  	[tilespmem:s24+$0x4130] =	vst v0  }
0x1b: {  	[tilespmem:s24+$0x4120] =	vst v0  }
0x1c: {  	[tilespmem:s24+$0x4100] =	vst v0  }
0x1d: {  	[tilespmem:s24+$0x4110] =	vst v0  }
0x1e: {  	[spmem:s5] =	stream.linear.scatter [tilespmem:s16], [sflag:$0x3], $0xA000, $0x38;
	[tilespmem:$0x18100] =	vst v63  }
0x1f: {  	_ =	swait.ge [sflag:s17], $0xA000  }
0x20: {  	[sflag:s17] =	ssyncset.done $0x0  }
0x21: {  	[sflag:s17] =	ssyncadd.s32 $0xFFFF6000  }
0x22: {  	s28 =	simm.s32 $0x0;
	[bflag:$0x0] =	sbarrier.arrive $0xFFFF  }
0x23: {  	[tilespmem:s28], [sflag:$0x1] =	stream.linear.gather [hbm4b:s6+s28], $0x80, $0x38;
	[tilespmem:$0x18100] =	vst v63  }
0x24: {  	_ = 	snop  }
0x25: {  	[tilespmem:s18], [sflag:$0x1] =	stream.linear.gather [hbm4b:s7+s28], $0x2000, $0x38;
	[tilespmem:$0x18100] =	vst v63  }
0x26: {  	_ = 	snop  }
0x27: {  	[tilespmem:s19], [sflag:$0x2] =	stream.linear.gather [hbm4b:s15+s4], $0x80, $0x38;
	[tilespmem:$0x18100] =	vst v63  }
0x28: {  	s29 =	sadd.s32 $0x0, s14  }
0x29: {  	[tilespmem:s20], [sflag:$0x2] =	stream.linear.gather [hbm4b:s29+s4], $0x2000, $0x38;
	[tilespmem:$0x18100] =	vst v63  }
0x2a: {  	_ =	swait.ge [sflag:s21], $0x80  }
0x2b: {  	[sflag:s21] =	ssyncset.done $0x0  }
0x2c: {  	[sflag:s21] =	ssyncadd.s32 $0xFFFFFF80  }
0x2d: {  	_ =	swait.ge [sflag:s21], $0x2000  }
0x2e: {  	[sflag:s21] =	ssyncset.done $0x0  }
0x2f: {  	[sflag:s21] =	ssyncadd.s32 $0xFFFFE000  }
0x30: {  	[spmem:s3] =	stream.indirect.scatter.add.f32 [tilespmem:s18], [sflag:$0x3], $0x40, s4, s19, $0xb8;
	[tilespmem:$0x18100] =	vst v63  }
0x31: {  	_ =	swait.ge [sflag:s17], $0x2000  }
0x32: {  	s30 =	sshrl.u32 s12, $0x3;
	[sflag:s17] =	ssyncset.done $0x0  }
0x33: {  	s24 =	sadd.s32 s0, s30;
	[sflag:s17] =	ssyncadd.s32 $0xFFFFE000  }
0x34: {  	[tilespmem:s4], [sflag:$0x1] =	stream.linear.gather [hbm4b:s24+s4], $0x80, $0x38;
	[tilespmem:$0x18100] =	vst v63  }
0x35: {  	s31 =	sadd.s32 $0x0, s13  }
0x36: {  	[tilespmem:s18], [sflag:$0x1] =	stream.linear.gather [hbm4b:s31+s4], $0x2000, $0x38;
	[tilespmem:$0x18100] =	vst v63  }
0x37: {  	_ =	swait.ge [sflag:s22], $0x80  }
0x38: {  	[sflag:s22] =	ssyncset.done $0x0  }
0x39: {  	[sflag:s22] =	ssyncadd.s32 $0xFFFFFF80  }
0x3a: {  	_ =	swait.ge [sflag:s22], $0x2000  }
0x3b: {  	[sflag:s22] =	ssyncset.done $0x0  }
0x3c: {  	[sflag:s22] =	ssyncadd.s32 $0xFFFFE000  }
0x3d: {  	[spmem:s3] =	stream.indirect.scatter.add.f32 [tilespmem:s20], [sflag:$0x3], $0x40, s19, s19, $0xb8;
	[tilespmem:$0x18100] =	vst v63  }
0x3e: {  	s25 =	smov.u32 s12;
	_ =	swait.ge [sflag:s17], $0x2000  }
0x3f: {  	s26 =	smov.u32 s15;
	s24 =	simm.s32 $0x800;
	[sflag:s17] =	ssyncset.done $0x0  }
.LBB2_4:
0x40: {  	[sflag:s17] =	ssyncadd.s32 $0xFFFFE000  }
0x41: {  	s25 =	sadd.s32 $0x100, s25;
	s26 =	sadd.s32 $0x20, s26;
	s28 =	smov.u32 s24  }
0x42: {  	[tilespmem:s19], [sflag:$0x2] =	stream.linear.gather [hbm4b:s26+s4], $0x80, $0x38;
	[tilespmem:$0x18100] =	vst v63  }
0x43: {  	p1 =	sne.s32 s24, $0x4000;
	s24 =	sadd.s32 $0x800, s24;
	s29 =	sadd.s32 s28, s14  }
0x44: {  	[tilespmem:s20], [sflag:$0x2] =	stream.linear.gather [hbm4b:s29+s4], $0x2000, $0x38;
	[tilespmem:$0x18100] =	vst v63  }
0x45: {  	_ =	swait.ge [sflag:s21], $0x80  }
0x46: {  	[sflag:s21] =	ssyncset.done $0x0  }
0x47: {  	[sflag:s21] =	ssyncadd.s32 $0xFFFFFF80  }
0x48: {  	_ =	swait.ge [sflag:s21], $0x2000  }
0x49: {  	[sflag:s21] =	ssyncset.done $0x0  }
0x4a: {  	[sflag:s21] =	ssyncadd.s32 $0xFFFFE000  }
0x4b: {  	[spmem:s3] =	stream.indirect.scatter.add.f32 [tilespmem:s18], [sflag:$0x3], $0x40, s4, s19, $0xb8;
	[tilespmem:$0x18100] =	vst v63  }
0x4c: {  	_ =	swait.ge [sflag:s17], $0x2000  }
0x4d: {  	s29 =	sshrl.u32 s25, $0x3;
	[sflag:s17] =	ssyncset.done $0x0  }
0x4e: {  	s29 =	sadd.s32 s0, s29;
	[sflag:s17] =	ssyncadd.s32 $0xFFFFE000  }
0x4f: {  	[tilespmem:s4], [sflag:$0x1] =	stream.linear.gather [hbm4b:s29+s4], $0x80, $0x38;
	[tilespmem:$0x18100] =	vst v63  }
0x50: {  	s28 =	sadd.s32 s28, s13  }
0x51: {  	[tilespmem:s18], [sflag:$0x1] =	stream.linear.gather [hbm4b:s28+s4], $0x2000, $0x38;
	[tilespmem:$0x18100] =	vst v63  }
0x52: {  	_ =	swait.ge [sflag:s22], $0x80  }
0x53: {  	[sflag:s22] =	ssyncset.done $0x0  }
0x54: {  	[sflag:s22] =	ssyncadd.s32 $0xFFFFFF80  }
0x55: {  	_ =	swait.ge [sflag:s22], $0x2000  }
.Ltmp1:
0x56: {  	[sflag:s22] =	ssyncset.done $0x0;
	(pc) =	sbr.rel @p1 .LBB2_4-.Ltmp1, $4  }
0x57: {  	[sflag:s22] =	ssyncadd.s32 $0xFFFFE000  }
0x58: {  	[spmem:s3] =	stream.indirect.scatter.add.f32 [tilespmem:s20], [sflag:$0x3], $0x40, s19, s19, $0xb8;
	[tilespmem:$0x18100] =	vst v63  }
0x59: {  	_ =	swait.ge [sflag:s17], $0x2000  }
0x5a: {  	[sflag:s17] =	ssyncset.done $0x0  }
0x5b: {  	[sflag:s17] =	ssyncadd.s32 $0xFFFFE000  }
0x5c: {  	_ =	swait.ge [sflag:s21], $0x80  }
0x5d: {  	[sflag:s21] =	ssyncset.done $0x0  }
0x5e: {  	[sflag:s21] =	ssyncadd.s32 $0xFFFFFF80  }
0x5f: {  	_ =	swait.ge [sflag:s21], $0x2000  }
0x60: {  	[sflag:s21] =	ssyncset.done $0x0  }
0x61: {  	[sflag:s21] =	ssyncadd.s32 $0xFFFFE000  }
0x62: {  	[spmem:s3] =	stream.indirect.scatter.add.f32 [tilespmem:s18], [sflag:$0x3], $0x40, s4, s19, $0xb8;
	[tilespmem:$0x18100] =	vst v63  }
0x63: {  	_ =	swait.ge [sflag:s17], $0x2000  }
0x64: {  	[sflag:s17] =	ssyncset.done $0x0  }
0x65: {  	s24 =	simm.s32 @!p0 $0x0;
	s25 =	simm.s32 @!p0 $0x3;
	[sflag:s17] =	ssyncadd.s32 $0xFFFFE000  }
0x66: {  	[tilespmem:s24], [sflag:$0x3] =	stream.linear.gather @!p0 [hbm4b:s8+s24], $0x80, $0x38;
	[tilespmem:$0x18100] =	vst v63  }
0x67: {  	_ =	swait.ge @!p0 [sflag:s25], $0x80  }
0x68: {  	[sflag:s25] =	ssyncset.done @!p0 $0x0  }
0x69: {  	s26 =	simm.s32 @!p0 $0x100;
	[sflag:s25] =	ssyncadd.s32 @!p0 $0xFFFFFF80  }
0x6a: {  	[tilespmem:s26], [sflag:$0x3] =	stream.linear.gather @!p0 [hbm4b:s9+s24], $0x2000, $0x38;
	[tilespmem:$0x18100] =	vst v63  }
0x6b: {  	_ =	swait.ge @!p0 [sflag:s25], $0x2000  }
0x6c: {  	[sflag:s25] =	ssyncset.done @!p0 $0x0  }
0x6d: {  	s28 =	simm.s32 @!p0 $0x80;
	[sflag:s25] =	ssyncadd.s32 @!p0 $0xFFFFE000  }
0x6e: {  	[spmem:s3] =	stream.indirect.scatter.add.f32 @!p0 [tilespmem:s26], [sflag:$0x3], $0x40, s24, s28, $0xb8;
	[tilespmem:$0x18100] =	vst v63  }
0x6f: {  	_ =	swait.ge @!p0 [sflag:s25], $0x2000  }
0x70: {  	[sflag:s25] =	ssyncset.done @!p0 $0x0  }
0x71: {  	[sflag:s25] =	ssyncadd.s32 @!p0 $0xFFFFE000  }
0x72: {  	[bflag:$0x0] =	sbarrier.arrive $0xFFFF  }
0x73: {  	[tilespmem:s16], [sflag:$0x3] =	stream.linear.gather [spmem:s5], $0xA000, $0x38;
	[tilespmem:$0x18100] =	vst v63  }
0x74: {  	s23 =	sadd.s32 $0x1, s23;
	_ =	swait.ge [sflag:s17], $0xA000  }
0x75: {  	p1 =	sne.s32 s23, s11;
	[sflag:s17] =	ssyncset.done $0x0  }
.Ltmp2:
0x76: {  	[sflag:s17] =	ssyncadd.s32 $0xFFFF6000;
	(pc) =	sbr.rel @p1 .LBB2_1-.Ltmp2, $4  }
0x77: {  	[hbm4b:s10+s4] =	stream.linear.scatter [tilespmem:s16], [sflag:$0x3], $0xA000, $0x38;
	[tilespmem:$0x18100] =	vst v63  }
0x78: {  	_ =	swait.ge [sflag:s17], $0xA000  }
0x79: {  	[sflag:s17] =	ssyncset.done $0x0  }
0x7a: {  	[sflag:s17] =	ssyncadd.s32 $0xFFFF6000  }
0x7b: {  	_ =	sfence.sel $0x180000  }
0x7c: {  	[bflag:$0x0] =	sbarrier.arrive $0xFFFF  }
0x7d: {  	p0 =	sne.s32 s2, $0x0;
	_ =	strace $0x90000056  }
0x7e: {  	s0 =	sadd.s32 @!p0 $0x100000, s1;
	[bflag:$0x2] =	sbarrier.arrive $0xFFFF  }
0x7f: {  	[sflag:s0] =	ssyncadd.tile.s32 @!p0 $0x1;
	_ =	shalt  }
.Lfunc_end2:
_tile_overlayer_lowered:
.L_overlay_start_2:
0x80: {  	(tag) =	ssettag $0x2  }
0x81: {  	s0 =	rddreg [dreg:$0x0];
	s2 =	stileid.u32  }
0x82: {  	s1 =	rddreg [dreg:$0x1];
	p0 =	sne.s32 s2, $0x0  }
0x83: {  	s3 =	rddreg [dreg:$0x2];
	[bflag:$0x3] =	sbarrier.arrive $0xFFFF;
	s2 =	simm.s32 @!p0 $0x1C03  }
0x84: {  	[timem:s3], [sflag:s2] =	dma.local @!p0 [hbm:s0], s1  }
0x85: {  	s0 =	simm.s32 @!p0 $0x3  }
0x86: {  	_ =	swait.ge @!p0 [sflag:s0], s1  }
0x87: {  	s1 =	ssub.s32 @!p0 $0x0, s1;
	[sflag:s0] =	ssyncset.done @!p0 $0x0  }
0x88: {  	[sflag:s0] =	ssyncadd.s32 @!p0 s1  }
0x89: {  	[bflag:$0x3] =	sbarrier.arrive $0xFFFF  }
0x8a: {  	_ =	shalt  }

// kernel: kernel.39.cloned.1.call-start
scs
__scs_entry_jumppad:
0x0: {  	(pc) =	sbr.rel $0x88, $3  }
0x1: {  	(tag) =	ssettag $0x0;
	lr =	simm.s32 $0x1  }
0x2: {  	[smem:$0x3F82] =	sst lr;
	_ =	strace $0xD0000000  }
0x3: {  	_ = 	snop  }
0x4: {  	_ = 	snop  }
0x5: {  	_ = 	snop  }
0x6: {  	_ = 	snop  }
0x7: {  	_ = 	snop  }
__scs_overlays_trampoline_lowered:
0x8: {  	[smem:$0x3F91] =	sst s0  }
0x9: {  	[smem:$0x3F92] =	sst s1  }
0xa: {  	[smem:$0x3F93] =	sst s2  }
0xb: {  	[smem:$0x3F94] =	sst s3  }
0xc: {  	[smem:$0x3F95] =	sst s4  }
0xd: {  	[smem:$0x3F96] =	sst s5  }
0xe: {  	[smem:$0x3F97] =	sst s6  }
0xf: {  	[smem:$0x3F98] =	sst s7  }
0x10: {  	[smem:$0x3F99] =	sst s8  }
0x11: {  	[smem:$0x3F9A] =	sst s9;
	s0 =	simm.s32 @!p0 $0x0  }
0x12: {  	s1 =	sld [smem:$0x3F80];
	s0 =	simm.s32 @p0 $0x1  }
0x13: {  	[smem:$0x3F9B] =	sst s0;
	s0 =	simm.s32 @!p1 $0x0  }
0x14: {  	s2 =	sld [smem:$0x3F7F];
	s0 =	simm.s32 @p1 $0x1  }
0x15: {  	[smem:$0x3F9C] =	sst s0;
	s0 =	simm.s32 @!p2 $0x0  }
0x16: {  	s3 =	sld [smem:$0x3FDB];
	s0 =	simm.s32 @p2 $0x1  }
0x17: {  	s4 =	simm.s32 $0x1BF5;
	[smem:$0x3F9E] =	sst s0  }
0x18: {  	s0 =	sld [smem:$0x3F81];
	_ =	swait.ge [sflag:s4], $0x0  }
0x19: {  	s7 =	sld [smem:$0x3F82]  }
0x1a: {  	s8 =	sadd.s32 $0xFFFFE003, lr  }
0x1b: {  	s9 =	sadd.s32 $0xFFFFFEF7, lr;
	s5 =	simm.s32 $0xFFFFFFFF;
	p2 =	slt.u32 s8, $0xFFFFF086  }
0x1c: {  	p1 =	slt.u32 s9, $0xF7A;
	s5 =	simm.s32 @!p2 $0x0  }
0x1d: {  	s5 =	simm.s32 @p1 $0x1;
	p0 =	seq.s32 s7, s2  }
0x1e: {  	s7 =	smul.u32 @!p0 $0xF7A, s2;
	p2 =	seq.s32 @!p0 s5, $0x0  }
0x1f: {  	s9 =	smul.u32 $0xF7A, s1;
	s8 =	simm.s32 @!p0 $0x1BF5;
	p2 =	por !p2, p0  }
0x20: {  	[sflag:s8] =	ssyncset.s32 @!p0 $0xFFFFF086;
	s6 =	sadd.s32 @!p0 s3, s7;
	s7 =	simm.s32 @!p0 $0x108  }
0x21: {  	s3 =	sadd.s32 s3, s9;
	s6 =	sadd.s32 @!p0 $0x88, s6;
	s7 =	simm.s32 @p2 $0x1082  }
0x22: {  	[simem:s7], [sflag:s8] =	dma.local @!p0 [hbm:s6], $0xF7A  }
0x23: {  	s9 =	sor.u32 $0xD0000000, s2;
	s6 =	simm.s32 $0x108;
	_ =	swait.ge @!p0 [sflag:s8], $0x0  }
0x24: {  	s3 =	sadd.s32 $0x88, s3;
	s6 =	simm.s32 @!p1 $0x1082;
	[sflag:s4] =	ssyncset.s32 $0xFFFFF086  }
0x25: {  	[simem:s6], [sflag:s4] =	dma.local [hbm:s3], $0xF7A  }
0x26: {  	[smem:$0x3F82] =	sst s1;
	(tag) =	ssettag s2;
	_ =	strace s9  }
0x27: {  	s1 =	sld [smem:$0x3F92]  }
0x28: {  	s2 =	sld [smem:$0x3F93]  }
0x29: {  	s4 =	sld [smem:$0x3F95]  }
0x2a: {  	p0 =	seq.s32 s5, $0x0;
	s5 =	sld [smem:$0x3F96]  }
0x2b: {  	s6 =	sld [smem:$0x3F97]  }
0x2c: {  	s7 =	sld [smem:$0x3F98]  }
0x2d: {  	s3 =	simm.s32 $0x108;
	s8 =	sld [smem:$0x3F99]  }
0x2e: {  	s3 =	simm.s32 @!p0 $0x1082;
	s9 =	sld [smem:$0x3F9A]  }
0x2f: {  	lr =	sadd.s32 s0, s3;
	s0 =	sld [smem:$0x3F91]  }
0x30: {  	s3 =	sld [smem:$0x3F94]  }
0x31: {  	[smem:$0x3F9D] =	sst s10  }
0x32: {  	s10 =	sld [smem:$0x3F9B];
	_ =	sdelay $0x3  }
0x33: {  	p0 =	seq.s32 s10, $0x1;
	s10 =	sld [smem:$0x3F9D];
	_ =	sdelay $0x3  }
0x34: {  	[smem:$0x3F9D] =	sst s10  }
0x35: {  	s10 =	sld [smem:$0x3F9C];
	_ =	sdelay $0x3  }
0x36: {  	p1 =	seq.s32 s10, $0x1;
	s10 =	sld [smem:$0x3F9D];
	_ =	sdelay $0x3  }
0x37: {  	[smem:$0x3F9D] =	sst s10  }
0x38: {  	s10 =	sld [smem:$0x3F9E]  }
0x39: {  	_ = 	snop;
	(pc) =	sbr.ind lr, $3  }
0x3a: {  	_ = 	snop  }
0x3b: {  	_ = 	snop  }
0x3c: {  	p2 =	seq.s32 s10, $0x1;
	s10 =	sld [smem:$0x3F9D]  }
0x3d: {  	_ =	shalt  }
0x3e: {  	_ =	shalt  }
0x3f: {  	_ =	shalt  }
0x40: {  	_ =	shalt  }
0x41: {  	_ =	shalt  }
0x42: {  	_ =	shalt  }
0x43: {  	_ =	shalt  }
0x44: {  	_ =	shalt  }
0x45: {  	_ =	shalt  }
0x46: {  	_ =	shalt  }
0x47: {  	_ =	shalt  }
0x48: {  	_ =	shalt  }
0x49: {  	_ =	shalt  }
0x4a: {  	_ =	shalt  }
0x4b: {  	_ =	shalt  }
0x4c: {  	_ =	shalt  }
0x4d: {  	_ =	shalt  }
0x4e: {  	_ =	shalt  }
0x4f: {  	_ =	shalt  }
0x50: {  	_ =	shalt  }
0x51: {  	_ =	shalt  }
0x52: {  	_ =	shalt  }
0x53: {  	_ =	shalt  }
0x54: {  	_ =	shalt  }
0x55: {  	_ =	shalt  }
0x56: {  	_ =	shalt  }
0x57: {  	_ =	shalt  }
0x58: {  	_ =	shalt  }
0x59: {  	_ =	shalt  }
0x5a: {  	_ =	shalt  }
0x5b: {  	_ =	shalt  }
0x5c: {  	_ =	shalt  }
0x5d: {  	_ =	shalt  }
0x5e: {  	_ =	shalt  }
0x5f: {  	_ =	shalt  }
0x60: {  	_ =	shalt  }
0x61: {  	_ =	shalt  }
0x62: {  	_ =	shalt  }
0x63: {  	_ =	shalt  }
0x64: {  	_ =	shalt  }
0x65: {  	_ =	shalt  }
0x66: {  	_ =	shalt  }
0x67: {  	_ =	shalt  }
0x68: {  	_ =	shalt  }
0x69: {  	_ =	shalt  }
0x6a: {  	_ =	shalt  }
0x6b: {  	_ =	shalt  }
0x6c: {  	_ =	shalt  }
0x6d: {  	_ =	shalt  }
0x6e: {  	_ =	shalt  }
0x6f: {  	_ =	shalt  }
0x70: {  	_ =	shalt  }
0x71: {  	_ =	shalt  }
0x72: {  	_ =	shalt  }
0x73: {  	_ =	shalt  }
0x74: {  	_ =	shalt  }
0x75: {  	_ =	shalt  }
0x76: {  	_ =	shalt  }
0x77: {  	_ =	shalt  }
0x78: {  	_ =	shalt  }
0x79: {  	_ =	shalt  }
0x7a: {  	_ =	shalt  }
0x7b: {  	_ =	shalt  }
0x7c: {  	_ =	shalt  }
0x7d: {  	_ =	shalt  }
0x7e: {  	_ =	shalt  }
0x7f: {  	_ =	shalt  }
0x80: {  	_ =	shalt  }
0x81: {  	_ =	shalt  }
0x82: {  	_ =	shalt  }
0x83: {  	_ =	shalt  }
0x84: {  	_ =	shalt  }
0x85: {  	_ =	shalt  }
0x86: {  	_ =	shalt  }
0x87: {  	_ =	shalt  }
.Lfunc_end0:
.L_simem_size_0:
called_computation.6_lowered:
.L_overlay_start_0:
0x88: {  	s2 =	sld [smem:$0x3FD9]  }
0x89: {  	s3 =	sld [smem:$0x3FFE];
	_ =	sdelay $0x1  }
0x8a: {  	s1 =	srdreg.scid  }
0x8b: {  	s0 =	sand.u32 $0x1, s1  }
0x8c: {  	s17 =	sshll.u32 s0, $0xA;
	s2 =	sadd.s32 s3, s2  }
0x8d: {  	s2 =	sadd.s32 s2, s17  }
0x8e: {  	[smem:$0x3FA9] =	sst s2  }
0x8f: {  	_ = 	snop  }
0x90: {  	s18 =	sld [smem:$0x3FC8];
	(tm) =	ssettm $0x1  }
0x91: {  	s19 =	sld [smem:$0x3FFB];
	_ =	sdelay $0x3  }
0x92: {  	_ =	strace s19  }
0x93: {  	s2 =	sld [smem:$0x3FFC];
	_ =	sdelay $0x3  }
0x94: {  	_ =	strace s2  }
0x95: {  	s2 =	sld [smem:$0x3FFD];
	_ =	sdelay $0x3  }
0x96: {  	_ =	strace s2  }
0x97: {  	_ =	strace $0x8FFFFFFF  }
0x98: {  	s20 =	sld [smem:$0x3FDB];
	_ =	sdelay $0x1  }
0x99: {  	s4 =	simm.s32 $_scs_section_size  }
0x9a: {  	s5 =	simm.s32 $_size__tile_overlayer_lowered;
	s6 =	simm.s32 $_tile_overlayer_lowered  }
0x9b: {  	s7 =	simm.s32 $0x1BFF;
	s21 =	sshll.u32 s6, $0x1;
	s4 =	sadd.s32 s4, s20  }
0x9c: {  	s22 =	simm.s32 $0x0;
	s5 =	sshll.u32 s5, $0x1;
	s6 =	sadd.s32 s21, s4  }
0x9d: {  	[timem:s22], [sflag:s7] =	dma.local [hbm:s6], s5  }
0x9e: {  	_ =	swait.ge [sflag:s7], s5  }
0x9f: {  	s5 =	ssub.s32 $0x0, s5;
	[sflag:s7] =	ssyncset.done $0x0  }
0xa0: {  	[sflag:s7] =	ssyncadd.s32 s5;
	_ =	sdelay $0x1  }
0xa1: {  	s23 =	simm.s32 $0x1B8B  }
0xa2: {  	_ =	swait.ge [sflag:s23], $0x1  }
0xa3: {  	[sflag:s23] =	ssyncset.done $0x0  }
0xa4: {  	[sflag:s23] =	ssyncadd.s32 $0xFFFFFFFF  }
0xa5: {  	s5 =	sld [smem:$0x0]  }
0xa6: {  	s6 =	sand.u32 $0xFFFFFFFE, s1  }
0xa7: {  	p0 =	sne.s32 s1, s6  }
0xa8: {  	s6 =	sshll.u32 @p0 s6, $0xE  }
0xa9: {  	s6 =	sadd.s32 @p0 $0x11B8D, s6;
	s7 =	sshll.u32 @p0 s5, $0x11  }
0xaa: {  	s6 =	sor.u32 @p0 s7, s6  }
0xab: {  	[sflag:s6] =	ssyncadd.remote.s32 @p0 $0x1;
	_ =	sdelay $0x1  }
0xac: {  	s6 =	simm.s32 @p0 $0x1B8D  }
0xad: {  	_ =	swait.eq @p0 [sflag:s6], $0x1  }
0xae: {  	[sflag:s6] =	ssyncadd.s32 @p0 $0xFFFFFFFF  }
0xaf: {  	s7 =	sshll.u32 @!p0 s1, $0xE  }
0xb0: {  	s7 =	sor.u32 @!p0 $0x4000, s7;
	s6 =	simm.s32 @!p0 $0x1B8D  }
0xb1: {  	s5 =	sshll.u32 @!p0 s5, $0x11;
	s7 =	sadd.s32 @!p0 $0x11B8D, s7;
	_ =	swait.eq @!p0 [sflag:s6], $0x1  }
0xb2: {  	s5 =	sor.u32 @!p0 s5, s7;
	[sflag:s6] =	ssyncadd.s32 @!p0 $0xFFFFFFFF  }
0xb3: {  	s25 =	simm.s32 $0x1B8E;
	s24 =	sld [smem:$0x3FFE];
	[sflag:s5] =	ssyncadd.remote.s32 @!p0 $0x1  }
0xb4: {  	s26 =	simm.s32 $execute0_lowered;
	[smem:$0x3FD2] =	sst s25  }
0xb5: {  	s6 =	sshll.u32 s26, $0x1;
	_ =	strace $0x80000058;
	[dreg:$0x1] =	wrdreg $0xFFFFFFFF  }
0xb6: {  	s28 =	simm.s32 $_size_execute0_lowered;
	s4 =	sadd.s32 s4, s6;
	[dreg:$0x0] =	wrdreg $0x0  }
0xb7: {  	s6 =	sshll.u32 s28, $0x1;
	[dreg:$0x2] =	wrdreg s4  }
0xb8: {  	[dreg:$0x3] =	wrdreg s6  }
0xb9: {  	[dreg:$0x4] =	wrdreg $0xC0  }
0xba: {  	_ =	task [dreg:s22], $0x5FFFF  }
0xbb: {  	[dreg:$0x1] =	wrdreg $0xFFFFFFFF  }
0xbc: {  	[dreg:$0x0] =	wrdreg $0x60  }
0xbd: {  	[dreg:$0x2] =	wrdreg s18  }
0xbe: {  	[dreg:$0x3] =	wrdreg s24  }
0xbf: {  	[dreg:$0x4] =	wrdreg $0xE1000  }
0xc0: {  	[dreg:$0x5] =	wrdreg $0xA  }
0xc1: {  	_ =	task.clear_ibuf [dreg:s22], $0x6FFFF;
	_ =	strace $0x90000058  }
0xc2: {  	s29 =	simm.s32 $0xA;
	_ =	strace $0x8000005A  }
0xc3: {  	_ =	swait.ge [sflag:s29], $0x1  }
0xc4: {  	[sflag:s29] =	ssyncadd.s32 $0xFFFFFFFF  }
0xc5: {  	_ =	strace $0x9000005A  }
0xc6: {  	_ =	sfence  }
0xc7: {  	s30 =	sld [smem:$0x0];
	_ =	sdelay $0x2  }
0xc8: {  	s31 =	sshll.u32 s1, $0xD;
	s1 =	sshrl.u32 s1, $0x2  }
0xc9: {  	s4 =	sand.u32 $0x4000, s31;
	s1 =	sadd.s32 s1, s30  }
0xca: {  	s0 =	sor.u32 s4, s0;
	s1 =	sshll.u32 s1, $0x11  }
0xcb: {  	s0 =	sor.u32 s1, s0  }
0xcc: {  	s0 =	sadd.s32 $0x8F2B, s0  }
0xcd: {  	[sflag:s0] =	ssyncadd.remote.s32 $0x1  }
0xce: {  	_ =	sfence.sel $0xFFFF  }
0xcf: {  	[dreg:$0x0] =	wrdreg $0xFFFFFFFF;
	(pc) =	sbr.abs _section_cstart, $3  }
0xd0: {  	[dreg:$0x1] =	wrdreg $0xFFFFFFFF  }
0xd1: {  	_ =	task.clear_ibuf [dreg:s22], $0x2FFFF;
	_ =	strace $0x9FFFFFFF  }
0xd2: {  	(tm) =	ssettm $0x7FFFFFFF  }
0xd3: {  	_ =	shalt  }
tec
execute0_lowered:
.L_overlay_start_1:
0x0: {  	(tag) =	ssettag $0x1  }
0x1: {  	s14 =	rddreg [dreg:$0x0]  }
0x2: {  	s0 =	srdreg.scid;
	s4 =	rddreg [dreg:$0x1]  }
0x3: {  	s2 =	rddreg [dreg:$0x2];
	s1 =	stileid.u32;
	s3 =	simm.s32 $0x0  }
0x4: {  	s16 =	simm.s32 $0x3;
	s17 =	simm.s32 $0x100;
	s18 =	simm.s32 $0x80  }
0x5: {  	s6 =	sand.u32 $0x1, s0;
	s0 =	rddreg [dreg:$0x3];
	s10 =	smul.u32 $0x28000, s1  }
0x6: {  	[smem:$0x7FF] =	sst s3;
	s15 =	smul.u32 $0x980, s1;
	s5 =	sshll.u32 s6, $0x4  }
0x7: {  	s11 =	sadd.s32 $0x81800, s4;
	s24 =	smul.u32 $0x9800, s6;
	s22 =	sor.u32 s1, s5  }
0x8: {  	_ =	strace $0x80000059;
	s7 =	ssub.s32 $0x2, s6;
	s5 =	smul.u32 $0x1400, s22  }
0x9: {  	s9 =	sshrl.u32 s7, $0x1;
	s20 =	sshrl.u32 s10, $0x2;
	s8 =	smul.u32 $0x980, s22  }
0xa: {  	s13 =	ssub.s32 s7, s9;
	s23 =	smul.u32 $0x4C00, s22;
	s25 =	sshll.u32 s22, $0x4  }
0xb: {  	s26 =	sshll.u32 s22, $0xA;
	s15 =	sadd.s32 s15, s24;
	p0 =	sgt.u32 s22, $0x10  }
0xc: {  	s22 =	simm.s32 $0x0;
	s7 =	sadd.s32 s25, s14;
	s28 =	sadd.s32 s26, s11  }
0xd: {  	s10 =	smax.u32 s13, $0x1;
	s29 =	sshll.u32 s15, $0x3;
	s31 =	sadd.s32 $0x13980, s15  }
0xe: {  	s15 =	sadd.s32 $0x13900, s15;
	s12 =	sadd.s32 s5, s4;
	s19 =	sshrl.u32 s8, $0x3  }
0xf: {  	s4 =	sadd.s32 s20, s2;
	s6 =	sadd.s32 s11, s23;
	s7 =	sadd.s32 $0x4D10, s7  }
0x10: {  	s8 =	sadd.s32 $0x98000, s28;
	s30 =	sadd.s32 s11, s29;
	s15 =	sshrl.u32 s15, $0x3  }
0x11: {  	s20 =	simm.s32 $0x1;
	s21 =	sadd.s32 s14, s19;
	s9 =	sadd.s32 $0x11DC00, s12  }
0x12: {  	s11 =	sadd.s32 $0x800, s30;
	s12 =	sshrl.u32 s31, $0x3;
	s13 =	sadd.s32 $0x400, s30  }
0x13: {  	s19 =	simm.s32 $0x2100;
	s5 =	sadd.s32 $0x2710, s21;
	s12 =	sadd.s32 s12, s14  }
0x14: {  	v0 =	vimm.f32 $0.0e+00;
	s14 =	sadd.s32 s15, s14;
	s15 =	simm.s32 $0x4100;
	s21 =	simm.s32 $0x2  }
.LBB2_1:
0x15: {  	s24 =	simm.s32 $0x100;
	s23 =	simm.s32 $0x0  }
.LBB2_2:
0x16: {  	p1 =	sne.s32 s24, $0x27F00;
	[tilespmem:s23+$0x4130] =	vst v0;
	s25 =	smov.u32 s24;
	s24 =	sadd.s32 $0x100, s24  }
.Ltmp0:
0x17: {  	[tilespmem:s23+$0x4120] =	vst v0;
	(pc) =	sbr.rel @p1 .LBB2_2-.Ltmp0, $3  }
0x18: {  	[tilespmem:s23+$0x4100] =	vst v0  }
0x19: {  	[tilespmem:s23+$0x4110] =	vst v0;
	_ =	sdelay $0x1  }
0x1a: {  	s23 =	sshra.s32 s25, $0x2  }
0x1b: {  	[tilespmem:s23+$0x4130] =	vst v0  }
0x1c: {  	[tilespmem:s23+$0x4120] =	vst v0  }
0x1d: {  	[tilespmem:s23+$0x4100] =	vst v0  }
0x1e: {  	[tilespmem:s23+$0x4110] =	vst v0  }
0x1f: {  	[spmem:s4] =	stream.linear.scatter [tilespmem:s15], [sflag:$0x3], $0xA000, $0x38;
	[tilespmem:$0x18100] =	vst v63  }
0x20: {  	_ =	swait.ge [sflag:s16], $0xA000  }
0x21: {  	[sflag:s16] =	ssyncset.done $0x0  }
0x22: {  	[sflag:s16] =	ssyncadd.s32 $0xFFFF6000  }
0x23: {  	s29 =	simm.s32 $0x0;
	[bflag:$0x0] =	sbarrier.arrive $0xFFFF  }
0x24: {  	[tilespmem:s29], [sflag:$0x1] =	stream.linear.gather [hbm4b:s5+s29], $0x80, $0x38;
	[tilespmem:$0x18100] =	vst v63  }
0x25: {  	_ = 	snop  }
0x26: {  	[tilespmem:s17], [sflag:$0x1] =	stream.linear.gather [hbm4b:s6+s29], $0x2000, $0x38;
	[tilespmem:$0x18100] =	vst v63  }
0x27: {  	s30 =	sadd.s32 $0x0, s14  }
0x28: {  	[tilespmem:s18], [sflag:$0x2] =	stream.linear.gather [hbm4b:s30+s3], $0x80, $0x38;
	[tilespmem:$0x18100] =	vst v63  }
0x29: {  	_ = 	snop  }
0x2a: {  	[tilespmem:s19], [sflag:$0x2] =	stream.linear.gather [hbm4b:s13+s3], $0x2000, $0x38;
	[tilespmem:$0x18100] =	vst v63  }
0x2b: {  	_ =	swait.ge [sflag:s20], $0x80  }
0x2c: {  	[sflag:s20] =	ssyncset.done $0x0  }
0x2d: {  	[sflag:s20] =	ssyncadd.s32 $0xFFFFFF80  }
0x2e: {  	_ =	swait.ge [sflag:s20], $0x2000  }
0x2f: {  	[sflag:s20] =	ssyncset.done $0x0  }
0x30: {  	[sflag:s20] =	ssyncadd.s32 $0xFFFFE000  }
0x31: {  	[spmem:s2] =	stream.indirect.scatter.add.f32 [tilespmem:s17], [sflag:$0x3], $0x40, s3, s18, $0xb8;
	[tilespmem:$0x18100] =	vst v63  }
0x32: {  	_ =	swait.ge [sflag:s16], $0x2000  }
0x33: {  	[sflag:s16] =	ssyncset.done $0x0  }
0x34: {  	s31 =	sadd.s32 $0x0, s12;
	[sflag:s16] =	ssyncadd.s32 $0xFFFFE000  }
0x35: {  	[tilespmem:s3], [sflag:$0x1] =	stream.linear.gather [hbm4b:s31+s3], $0x80, $0x38;
	[tilespmem:$0x18100] =	vst v63  }
0x36: {  	_ = 	snop  }
0x37: {  	[tilespmem:s17], [sflag:$0x1] =	stream.linear.gather [hbm4b:s11+s3], $0x2000, $0x38;
	[tilespmem:$0x18100] =	vst v63  }
0x38: {  	_ =	swait.ge [sflag:s21], $0x80  }
0x39: {  	[sflag:s21] =	ssyncset.done $0x0  }
0x3a: {  	[sflag:s21] =	ssyncadd.s32 $0xFFFFFF80  }
0x3b: {  	_ =	swait.ge [sflag:s21], $0x2000  }
0x3c: {  	[sflag:s21] =	ssyncset.done $0x0  }
0x3d: {  	[sflag:s21] =	ssyncadd.s32 $0xFFFFE000  }
0x3e: {  	[spmem:s2] =	stream.indirect.scatter.add.f32 [tilespmem:s19], [sflag:$0x3], $0x40, s18, s18, $0xb8;
	[tilespmem:$0x18100] =	vst v63  }
0x3f: {  	s23 =	simm.s32 $0x20;
	s26 =	simm.s32 $0x40;
	_ =	swait.ge [sflag:s16], $0x2000  }
0x40: {  	s24 =	sadd.s32 $0x800, s11;
	s25 =	sadd.s32 $0x800, s13;
	[sflag:s16] =	ssyncset.done $0x0  }
.LBB2_4:
0x41: {  	s28 =	sadd.s32 s23, s14  }
0x42: {  	[sflag:s16] =	ssyncadd.s32 $0xFFFFE000;
	s29 =	smov.u32 s26;
	s30 =	sadd.s32 $0x20, s26  }
0x43: {  	[tilespmem:s18], [sflag:$0x2] =	stream.linear.gather [hbm4b:s28+s3], $0x80, $0x38;
	[tilespmem:$0x18100] =	vst v63  }
0x44: {  	p1 =	sne.s32 s26, $0x100  }
0x45: {  	[tilespmem:s19], [sflag:$0x2] =	stream.linear.gather [hbm4b:s25+s3], $0x2000, $0x38;
	[tilespmem:$0x18100] =	vst v63  }
0x46: {  	_ =	swait.ge [sflag:s20], $0x80  }
0x47: {  	[sflag:s20] =	ssyncset.done $0x0  }
0x48: {  	[sflag:s20] =	ssyncadd.s32 $0xFFFFFF80  }
0x49: {  	_ =	swait.ge [sflag:s20], $0x2000  }
0x4a: {  	[sflag:s20] =	ssyncset.done $0x0  }
0x4b: {  	[sflag:s20] =	ssyncadd.s32 $0xFFFFE000  }
0x4c: {  	[spmem:s2] =	stream.indirect.scatter.add.f32 [tilespmem:s17], [sflag:$0x3], $0x40, s3, s18, $0xb8;
	[tilespmem:$0x18100] =	vst v63  }
0x4d: {  	_ =	swait.ge [sflag:s16], $0x2000  }
0x4e: {  	[sflag:s16] =	ssyncset.done $0x0  }
0x4f: {  	s26 =	sadd.s32 s23, s12;
	s23 =	smov.u32 s29;
	[sflag:s16] =	ssyncadd.s32 $0xFFFFE000  }
0x50: {  	[tilespmem:s3], [sflag:$0x1] =	stream.linear.gather [hbm4b:s26+s3], $0x80, $0x38;
	[tilespmem:$0x18100] =	vst v63  }
0x51: {  	_ = 	snop  }
0x52: {  	[tilespmem:s17], [sflag:$0x1] =	stream.linear.gather [hbm4b:s24+s3], $0x2000, $0x38;
	[tilespmem:$0x18100] =	vst v63  }
0x53: {  	_ =	swait.ge [sflag:s21], $0x80  }
0x54: {  	[sflag:s21] =	ssyncset.done $0x0  }
0x55: {  	[sflag:s21] =	ssyncadd.s32 $0xFFFFFF80  }
0x56: {  	_ =	swait.ge [sflag:s21], $0x2000  }
.Ltmp1:
0x57: {  	[sflag:s21] =	ssyncset.done $0x0;
	(pc) =	sbr.rel @p1 .LBB2_4-.Ltmp1, $4  }
0x58: {  	[sflag:s21] =	ssyncadd.s32 $0xFFFFE000  }
0x59: {  	[spmem:s2] =	stream.indirect.scatter.add.f32 [tilespmem:s19], [sflag:$0x3], $0x40, s18, s18, $0xb8;
	[tilespmem:$0x18100] =	vst v63  }
0x5a: {  	s25 =	sadd.s32 $0x800, s25;
	_ =	swait.ge [sflag:s16], $0x2000  }
0x5b: {  	s26 =	smov.u32 s30;
	s24 =	sadd.s32 $0x800, s24;
	[sflag:s16] =	ssyncset.done $0x0  }
0x5c: {  	s26 =	sadd.s32 s23, s14;
	[sflag:s16] =	ssyncadd.s32 $0xFFFFE000  }
0x5d: {  	[tilespmem:s18], [sflag:$0x2] =	stream.linear.gather [hbm4b:s26+s3], $0x80, $0x38;
	[tilespmem:$0x18100] =	vst v63  }
0x5e: {  	_ = 	snop  }
0x5f: {  	[tilespmem:s19], [sflag:$0x2] =	stream.linear.gather [hbm4b:s25+s3], $0x2000, $0x38;
	[tilespmem:$0x18100] =	vst v63  }
0x60: {  	_ =	swait.ge [sflag:s20], $0x80  }
0x61: {  	[sflag:s20] =	ssyncset.done $0x0  }
0x62: {  	[sflag:s20] =	ssyncadd.s32 $0xFFFFFF80  }
0x63: {  	_ =	swait.ge [sflag:s20], $0x2000  }
0x64: {  	[sflag:s20] =	ssyncset.done $0x0  }
0x65: {  	[sflag:s20] =	ssyncadd.s32 $0xFFFFE000  }
0x66: {  	[spmem:s2] =	stream.indirect.scatter.add.f32 [tilespmem:s17], [sflag:$0x3], $0x40, s3, s18, $0xb8;
	[tilespmem:$0x18100] =	vst v63  }
0x67: {  	_ =	swait.ge [sflag:s16], $0x2000  }
0x68: {  	[sflag:s16] =	ssyncset.done $0x0  }
0x69: {  	s31 =	sadd.s32 s23, s12;
	[sflag:s16] =	ssyncadd.s32 $0xFFFFE000  }
0x6a: {  	[tilespmem:s3], [sflag:$0x1] =	stream.linear.gather [hbm4b:s31+s3], $0x80, $0x38;
	[tilespmem:$0x18100] =	vst v63  }
0x6b: {  	_ = 	snop  }
0x6c: {  	[tilespmem:s17], [sflag:$0x1] =	stream.linear.gather [hbm4b:s24+s3], $0x2000, $0x38;
	[tilespmem:$0x18100] =	vst v63  }
0x6d: {  	_ =	swait.ge [sflag:s21], $0x80  }
0x6e: {  	[sflag:s21] =	ssyncset.done $0x0  }
0x6f: {  	[sflag:s21] =	ssyncadd.s32 $0xFFFFFF80  }
0x70: {  	_ =	swait.ge [sflag:s21], $0x2000  }
0x71: {  	[sflag:s21] =	ssyncset.done $0x0  }
0x72: {  	[sflag:s21] =	ssyncadd.s32 $0xFFFFE000  }
0x73: {  	[spmem:s2] =	stream.indirect.scatter.add.f32 [tilespmem:s19], [sflag:$0x3], $0x40, s18, s18, $0xb8;
	[tilespmem:$0x18100] =	vst v63  }
0x74: {  	_ =	swait.ge [sflag:s16], $0x2000  }
0x75: {  	[sflag:s16] =	ssyncset.done $0x0  }
0x76: {  	[sflag:s16] =	ssyncadd.s32 $0xFFFFE000  }
0x77: {  	_ =	swait.ge [sflag:s20], $0x80  }
0x78: {  	[sflag:s20] =	ssyncset.done $0x0  }
0x79: {  	[sflag:s20] =	ssyncadd.s32 $0xFFFFFF80  }
0x7a: {  	_ =	swait.ge [sflag:s20], $0x2000  }
0x7b: {  	[sflag:s20] =	ssyncset.done $0x0  }
0x7c: {  	[sflag:s20] =	ssyncadd.s32 $0xFFFFE000  }
0x7d: {  	[spmem:s2] =	stream.indirect.scatter.add.f32 [tilespmem:s17], [sflag:$0x3], $0x40, s3, s18, $0xb8;
	[tilespmem:$0x18100] =	vst v63  }
0x7e: {  	_ =	swait.ge [sflag:s16], $0x2000  }
0x7f: {  	[sflag:s16] =	ssyncset.done $0x0  }
0x80: {  	s23 =	simm.s32 @!p0 $0x0;
	s24 =	simm.s32 @!p0 $0x3;
	[sflag:s16] =	ssyncadd.s32 $0xFFFFE000  }
0x81: {  	[tilespmem:s23], [sflag:$0x3] =	stream.linear.gather @!p0 [hbm4b:s7+s23], $0x80, $0x38;
	[tilespmem:$0x18100] =	vst v63  }
0x82: {  	_ =	swait.ge @!p0 [sflag:s24], $0x80  }
0x83: {  	[sflag:s24] =	ssyncset.done @!p0 $0x0  }
0x84: {  	s25 =	simm.s32 @!p0 $0x100;
	[sflag:s24] =	ssyncadd.s32 @!p0 $0xFFFFFF80  }
0x85: {  	[tilespmem:s25], [sflag:$0x3] =	stream.linear.gather @!p0 [hbm4b:s8+s23], $0x2000, $0x38;
	[tilespmem:$0x18100] =	vst v63  }
0x86: {  	_ =	swait.ge @!p0 [sflag:s24], $0x2000  }
0x87: {  	[sflag:s24] =	ssyncset.done @!p0 $0x0  }
0x88: {  	s26 =	simm.s32 @!p0 $0x80;
	[sflag:s24] =	ssyncadd.s32 @!p0 $0xFFFFE000  }
0x89: {  	[spmem:s2] =	stream.indirect.scatter.add.f32 @!p0 [tilespmem:s25], [sflag:$0x3], $0x40, s23, s26, $0xb8;
	[tilespmem:$0x18100] =	vst v63  }
0x8a: {  	_ =	swait.ge @!p0 [sflag:s24], $0x2000  }
0x8b: {  	[sflag:s24] =	ssyncset.done @!p0 $0x0  }
0x8c: {  	[sflag:s24] =	ssyncadd.s32 @!p0 $0xFFFFE000  }
0x8d: {  	[bflag:$0x0] =	sbarrier.arrive $0xFFFF  }
0x8e: {  	[tilespmem:s15], [sflag:$0x3] =	stream.linear.gather [spmem:s4], $0xA000, $0x38;
	[tilespmem:$0x18100] =	vst v63  }
0x8f: {  	s22 =	sadd.s32 $0x1, s22;
	_ =	swait.ge [sflag:s16], $0xA000  }
0x90: {  	p1 =	sne.s32 s22, s10;
	[sflag:s16] =	ssyncset.done $0x0  }
.Ltmp2:
0x91: {  	[sflag:s16] =	ssyncadd.s32 $0xFFFF6000;
	(pc) =	sbr.rel @p1 .LBB2_1-.Ltmp2, $4  }
0x92: {  	[hbm4b:s9+s3] =	stream.linear.scatter [tilespmem:s15], [sflag:$0x3], $0xA000, $0x38;
	[tilespmem:$0x18100] =	vst v63  }
0x93: {  	_ =	swait.ge [sflag:s16], $0xA000  }
0x94: {  	[sflag:s16] =	ssyncset.done $0x0  }
0x95: {  	[sflag:s16] =	ssyncadd.s32 $0xFFFF6000  }
0x96: {  	_ =	sfence.sel $0x180000  }
0x97: {  	[bflag:$0x0] =	sbarrier.arrive $0xFFFF  }
0x98: {  	p0 =	sne.s32 s1, $0x0;
	_ =	strace $0x90000059  }
0x99: {  	s0 =	sadd.s32 @!p0 $0x100000, s0;
	[bflag:$0x2] =	sbarrier.arrive $0xFFFF  }
0x9a: {  	[sflag:s0] =	ssyncadd.tile.s32 @!p0 $0x1;
	_ =	shalt  }
.Lfunc_end2:
_tile_overlayer_lowered:
.L_overlay_start_2:
0x9b: {  	(tag) =	ssettag $0x2  }
0x9c: {  	s0 =	rddreg [dreg:$0x0];
	s2 =	stileid.u32  }
0x9d: {  	s1 =	rddreg [dreg:$0x1];
	p0 =	sne.s32 s2, $0x0  }
0x9e: {  	s3 =	rddreg [dreg:$0x2];
	[bflag:$0x3] =	sbarrier.arrive $0xFFFF;
	s2 =	simm.s32 @!p0 $0x1C03  }
0x9f: {  	[timem:s3], [sflag:s2] =	dma.local @!p0 [hbm:s0], s1  }
0xa0: {  	s0 =	simm.s32 @!p0 $0x3  }
0xa1: {  	_ =	swait.ge @!p0 [sflag:s0], s1  }
0xa2: {  	s1 =	ssub.s32 @!p0 $0x0, s1;
	[sflag:s0] =	ssyncset.done @!p0 $0x0  }
0xa3: {  	[sflag:s0] =	ssyncadd.s32 @!p0 s1  }
0xa4: {  	[bflag:$0x3] =	sbarrier.arrive $0xFFFF  }
0xa5: {  	_ =	shalt  }

// kernel: kernel.42.cloned.1.call-start
scs
__scs_entry_jumppad:
0x0: {  	(pc) =	sbr.rel $0x88, $3  }
0x1: {  	(tag) =	ssettag $0x0;
	lr =	simm.s32 $0x1  }
0x2: {  	[smem:$0x3F82] =	sst lr;
	_ =	strace $0xD0000000  }
0x3: {  	_ = 	snop  }
0x4: {  	_ = 	snop  }
0x5: {  	_ = 	snop  }
0x6: {  	_ = 	snop  }
0x7: {  	_ = 	snop  }
__scs_overlays_trampoline_lowered:
0x8: {  	[smem:$0x3F91] =	sst s0  }
0x9: {  	[smem:$0x3F92] =	sst s1  }
0xa: {  	[smem:$0x3F93] =	sst s2  }
0xb: {  	[smem:$0x3F94] =	sst s3  }
0xc: {  	[smem:$0x3F95] =	sst s4  }
0xd: {  	[smem:$0x3F96] =	sst s5  }
0xe: {  	[smem:$0x3F97] =	sst s6  }
0xf: {  	[smem:$0x3F98] =	sst s7  }
0x10: {  	[smem:$0x3F99] =	sst s8  }
0x11: {  	[smem:$0x3F9A] =	sst s9;
	s0 =	simm.s32 @!p0 $0x0  }
0x12: {  	s1 =	sld [smem:$0x3F80];
	s0 =	simm.s32 @p0 $0x1  }
0x13: {  	[smem:$0x3F9B] =	sst s0;
	s0 =	simm.s32 @!p1 $0x0  }
0x14: {  	s2 =	sld [smem:$0x3F7F];
	s0 =	simm.s32 @p1 $0x1  }
0x15: {  	[smem:$0x3F9C] =	sst s0;
	s0 =	simm.s32 @!p2 $0x0  }
0x16: {  	s3 =	sld [smem:$0x3FDB];
	s0 =	simm.s32 @p2 $0x1  }
0x17: {  	s4 =	simm.s32 $0x1BF5;
	[smem:$0x3F9E] =	sst s0  }
0x18: {  	s0 =	sld [smem:$0x3F81];
	_ =	swait.ge [sflag:s4], $0x0  }
0x19: {  	s7 =	sld [smem:$0x3F82]  }
0x1a: {  	s8 =	sadd.s32 $0xFFFFE003, lr  }
0x1b: {  	s9 =	sadd.s32 $0xFFFFFEF7, lr;
	s5 =	simm.s32 $0xFFFFFFFF;
	p2 =	slt.u32 s8, $0xFFFFF086  }
0x1c: {  	p1 =	slt.u32 s9, $0xF7A;
	s5 =	simm.s32 @!p2 $0x0  }
0x1d: {  	s5 =	simm.s32 @p1 $0x1;
	p0 =	seq.s32 s7, s2  }
0x1e: {  	s7 =	smul.u32 @!p0 $0xF7A, s2;
	p2 =	seq.s32 @!p0 s5, $0x0  }
0x1f: {  	s9 =	smul.u32 $0xF7A, s1;
	s8 =	simm.s32 @!p0 $0x1BF5;
	p2 =	por !p2, p0  }
0x20: {  	[sflag:s8] =	ssyncset.s32 @!p0 $0xFFFFF086;
	s6 =	sadd.s32 @!p0 s3, s7;
	s7 =	simm.s32 @!p0 $0x108  }
0x21: {  	s3 =	sadd.s32 s3, s9;
	s6 =	sadd.s32 @!p0 $0x88, s6;
	s7 =	simm.s32 @p2 $0x1082  }
0x22: {  	[simem:s7], [sflag:s8] =	dma.local @!p0 [hbm:s6], $0xF7A  }
0x23: {  	s9 =	sor.u32 $0xD0000000, s2;
	s6 =	simm.s32 $0x108;
	_ =	swait.ge @!p0 [sflag:s8], $0x0  }
0x24: {  	s3 =	sadd.s32 $0x88, s3;
	s6 =	simm.s32 @!p1 $0x1082;
	[sflag:s4] =	ssyncset.s32 $0xFFFFF086  }
0x25: {  	[simem:s6], [sflag:s4] =	dma.local [hbm:s3], $0xF7A  }
0x26: {  	[smem:$0x3F82] =	sst s1;
	(tag) =	ssettag s2;
	_ =	strace s9  }
0x27: {  	s1 =	sld [smem:$0x3F92]  }
0x28: {  	s2 =	sld [smem:$0x3F93]  }
0x29: {  	s4 =	sld [smem:$0x3F95]  }
0x2a: {  	p0 =	seq.s32 s5, $0x0;
	s5 =	sld [smem:$0x3F96]  }
0x2b: {  	s6 =	sld [smem:$0x3F97]  }
0x2c: {  	s7 =	sld [smem:$0x3F98]  }
0x2d: {  	s3 =	simm.s32 $0x108;
	s8 =	sld [smem:$0x3F99]  }
0x2e: {  	s3 =	simm.s32 @!p0 $0x1082;
	s9 =	sld [smem:$0x3F9A]  }
0x2f: {  	lr =	sadd.s32 s0, s3;
	s0 =	sld [smem:$0x3F91]  }
0x30: {  	s3 =	sld [smem:$0x3F94]  }
0x31: {  	[smem:$0x3F9D] =	sst s10  }
0x32: {  	s10 =	sld [smem:$0x3F9B];
	_ =	sdelay $0x3  }
0x33: {  	p0 =	seq.s32 s10, $0x1;
	s10 =	sld [smem:$0x3F9D];
	_ =	sdelay $0x3  }
0x34: {  	[smem:$0x3F9D] =	sst s10  }
0x35: {  	s10 =	sld [smem:$0x3F9C];
	_ =	sdelay $0x3  }
0x36: {  	p1 =	seq.s32 s10, $0x1;
	s10 =	sld [smem:$0x3F9D];
	_ =	sdelay $0x3  }
0x37: {  	[smem:$0x3F9D] =	sst s10  }
0x38: {  	s10 =	sld [smem:$0x3F9E]  }
0x39: {  	_ = 	snop;
	(pc) =	sbr.ind lr, $3  }
0x3a: {  	_ = 	snop  }
0x3b: {  	_ = 	snop  }
0x3c: {  	p2 =	seq.s32 s10, $0x1;
	s10 =	sld [smem:$0x3F9D]  }
0x3d: {  	_ =	shalt  }
0x3e: {  	_ =	shalt  }
0x3f: {  	_ =	shalt  }
0x40: {  	_ =	shalt  }
0x41: {  	_ =	shalt  }
0x42: {  	_ =	shalt  }
0x43: {  	_ =	shalt  }
0x44: {  	_ =	shalt  }
0x45: {  	_ =	shalt  }
0x46: {  	_ =	shalt  }
0x47: {  	_ =	shalt  }
0x48: {  	_ =	shalt  }
0x49: {  	_ =	shalt  }
0x4a: {  	_ =	shalt  }
0x4b: {  	_ =	shalt  }
0x4c: {  	_ =	shalt  }
0x4d: {  	_ =	shalt  }
0x4e: {  	_ =	shalt  }
0x4f: {  	_ =	shalt  }
0x50: {  	_ =	shalt  }
0x51: {  	_ =	shalt  }
0x52: {  	_ =	shalt  }
0x53: {  	_ =	shalt  }
0x54: {  	_ =	shalt  }
0x55: {  	_ =	shalt  }
0x56: {  	_ =	shalt  }
0x57: {  	_ =	shalt  }
0x58: {  	_ =	shalt  }
0x59: {  	_ =	shalt  }
0x5a: {  	_ =	shalt  }
0x5b: {  	_ =	shalt  }
0x5c: {  	_ =	shalt  }
0x5d: {  	_ =	shalt  }
0x5e: {  	_ =	shalt  }
0x5f: {  	_ =	shalt  }
0x60: {  	_ =	shalt  }
0x61: {  	_ =	shalt  }
0x62: {  	_ =	shalt  }
0x63: {  	_ =	shalt  }
0x64: {  	_ =	shalt  }
0x65: {  	_ =	shalt  }
0x66: {  	_ =	shalt  }
0x67: {  	_ =	shalt  }
0x68: {  	_ =	shalt  }
0x69: {  	_ =	shalt  }
0x6a: {  	_ =	shalt  }
0x6b: {  	_ =	shalt  }
0x6c: {  	_ =	shalt  }
0x6d: {  	_ =	shalt  }
0x6e: {  	_ =	shalt  }
0x6f: {  	_ =	shalt  }
0x70: {  	_ =	shalt  }
0x71: {  	_ =	shalt  }
0x72: {  	_ =	shalt  }
0x73: {  	_ =	shalt  }
0x74: {  	_ =	shalt  }
0x75: {  	_ =	shalt  }
0x76: {  	_ =	shalt  }
0x77: {  	_ =	shalt  }
0x78: {  	_ =	shalt  }
0x79: {  	_ =	shalt  }
0x7a: {  	_ =	shalt  }
0x7b: {  	_ =	shalt  }
0x7c: {  	_ =	shalt  }
0x7d: {  	_ =	shalt  }
0x7e: {  	_ =	shalt  }
0x7f: {  	_ =	shalt  }
0x80: {  	_ =	shalt  }
0x81: {  	_ =	shalt  }
0x82: {  	_ =	shalt  }
0x83: {  	_ =	shalt  }
0x84: {  	_ =	shalt  }
0x85: {  	_ =	shalt  }
0x86: {  	_ =	shalt  }
0x87: {  	_ =	shalt  }
.Lfunc_end0:
.L_simem_size_0:
called_computation.7_lowered:
.L_overlay_start_0:
0x88: {  	s2 =	sld [smem:$0x3FD9]  }
0x89: {  	s3 =	sld [smem:$0x3FFE];
	_ =	sdelay $0x1  }
0x8a: {  	s1 =	srdreg.scid  }
0x8b: {  	s0 =	sand.u32 $0x1, s1  }
0x8c: {  	s17 =	sshll.u32 s0, $0xA;
	s2 =	sadd.s32 s3, s2  }
0x8d: {  	s2 =	sadd.s32 s2, s17  }
0x8e: {  	[smem:$0x3FA9] =	sst s2  }
0x8f: {  	_ = 	snop  }
0x90: {  	s2 =	sld [smem:$0x3FC7]  }
0x91: {  	s18 =	sld [smem:$0x3FD0];
	(tm) =	ssettm $0x1  }
0x92: {  	s4 =	sld [smem:$0x3FFB];
	_ =	sdelay $0x3  }
0x93: {  	_ =	strace s4  }
0x94: {  	s4 =	sld [smem:$0x3FFC];
	_ =	sdelay $0x3  }
0x95: {  	_ =	strace s4  }
0x96: {  	s4 =	sld [smem:$0x3FFD];
	_ =	sdelay $0x3  }
0x97: {  	_ =	strace s4  }
0x98: {  	_ =	strace $0x8FFFFFFF  }
0x99: {  	s19 =	sld [smem:$0x3FDB];
	_ =	sdelay $0x1  }
0x9a: {  	s5 =	simm.s32 $_scs_section_size  }
0x9b: {  	s6 =	simm.s32 $_size__tile_overlayer_lowered;
	s7 =	simm.s32 $_tile_overlayer_lowered  }
0x9c: {  	s22 =	simm.s32 $0x1BFF;
	s21 =	sshll.u32 s7, $0x1;
	s4 =	sadd.s32 s5, s19  }
0x9d: {  	s8 =	simm.s32 $0x0;
	s20 =	sshll.u32 s6, $0x1;
	s6 =	sadd.s32 s21, s4  }
0x9e: {  	[timem:s8], [sflag:s22] =	dma.local [hbm:s6], s20  }
0x9f: {  	_ =	swait.ge [sflag:s22], s20  }
0xa0: {  	s5 =	ssub.s32 $0x0, s20;
	[sflag:s22] =	ssyncset.done $0x0  }
0xa1: {  	[sflag:s22] =	ssyncadd.s32 s5;
	_ =	sdelay $0x1  }
0xa2: {  	s23 =	simm.s32 $0x1B8B  }
0xa3: {  	_ =	swait.ge [sflag:s23], $0x1  }
0xa4: {  	[sflag:s23] =	ssyncset.done $0x0  }
0xa5: {  	s25 =	simm.s32 $0x1B8E;
	s24 =	sld [smem:$0x3FFE];
	[sflag:s23] =	ssyncadd.s32 $0xFFFFFFFF  }
0xa6: {  	s26 =	simm.s32 $execute0_lowered;
	[smem:$0x3FD2] =	sst s25  }
0xa7: {  	s6 =	sshll.u32 s26, $0x1;
	_ =	strace $0x8000005B;
	[dreg:$0x1] =	wrdreg $0xFFFFFFFF  }
0xa8: {  	s28 =	simm.s32 $_size_execute0_lowered;
	s4 =	sadd.s32 s4, s6;
	[dreg:$0x0] =	wrdreg $0x0  }
0xa9: {  	s6 =	sshll.u32 s28, $0x1;
	[dreg:$0x2] =	wrdreg s4  }
0xaa: {  	[dreg:$0x3] =	wrdreg s6  }
0xab: {  	[dreg:$0x4] =	wrdreg $0xC0  }
0xac: {  	_ =	task [dreg:s8], $0x5FFFF  }
0xad: {  	[dreg:$0x1] =	wrdreg $0xFFFFFFFF  }
0xae: {  	[dreg:$0x0] =	wrdreg $0x60  }
0xaf: {  	[dreg:$0x2] =	wrdreg s18  }
0xb0: {  	[dreg:$0x3] =	wrdreg s2  }
0xb1: {  	[dreg:$0x4] =	wrdreg s24  }
0xb2: {  	[dreg:$0x5] =	wrdreg $0x9  }
0xb3: {  	_ =	task.clear_ibuf [dreg:s8], $0x6FFFF;
	_ =	strace $0x9000005B  }
0xb4: {  	s29 =	simm.s32 $0x9;
	_ =	strace $0x8000005D  }
0xb5: {  	_ =	swait.ge [sflag:s29], $0x1  }
0xb6: {  	[sflag:s29] =	ssyncadd.s32 $0xFFFFFFFF  }
0xb7: {  	_ =	strace $0x9000005D  }
0xb8: {  	_ =	sfence  }
0xb9: {  	s30 =	sld [smem:$0x0];
	_ =	sdelay $0x2  }
0xba: {  	s31 =	sshll.u32 s1, $0xD;
	s1 =	sshrl.u32 s1, $0x2  }
0xbb: {  	s3 =	sand.u32 $0x4000, s31;
	s1 =	sadd.s32 s1, s30  }
0xbc: {  	s0 =	sor.u32 s3, s0;
	s1 =	sshll.u32 s1, $0x11  }
0xbd: {  	s0 =	sor.u32 s1, s0  }
0xbe: {  	s0 =	sadd.s32 $0x8F2B, s0  }
0xbf: {  	[sflag:s0] =	ssyncadd.remote.s32 $0x1  }
0xc0: {  	_ =	sfence.sel $0xFFFF  }
0xc1: {  	[dreg:$0x0] =	wrdreg $0xFFFFFFFF;
	(pc) =	sbr.abs _section_cstart, $3  }
0xc2: {  	[dreg:$0x1] =	wrdreg $0xFFFFFFFF  }
0xc3: {  	_ =	task.clear_ibuf [dreg:s8], $0x2FFFF;
	_ =	strace $0x9FFFFFFF  }
0xc4: {  	(tm) =	ssettm $0x7FFFFFFF  }
0xc5: {  	_ =	shalt  }
tec
execute0_lowered:
.L_overlay_start_1:
0x0: {  	(tag) =	ssettag $0x1  }
0x1: {  	s0 =	srdreg.scid  }
0x2: {  	s2 =	rddreg [dreg:$0x0];
	s6 =	sand.u32 $0x1, s0  }
0x3: {  	s4 =	rddreg [dreg:$0x1];
	s0 =	stileid.u32;
	s1 =	sshll.u32 s6, $0x4  }
0x4: {  	s8 =	rddreg [dreg:$0x2];
	s3 =	simm.s32 $0x0;
	s7 =	sor.u32 s0, s1  }
0x5: {  	[smem:$0x7FF] =	sst s3;
	s5 =	smul.u32 $0x271, s7  }
0x6: {  	s10 =	ssub.s32 $0x2, s6;
	s6 =	simm.s32 $0x1388;
	s1 =	rddreg [dreg:$0x3]  }
0x7: {  	_ =	strace $0x8000005C;
	s5 =	sadd.s32 s4, s5;
	s4 =	simm.s32 $0x2  }
0x8: {  	[tilespmem:s3], [sflag:$0x2] =	stream.linear.gather [hbm4b:s5+s3], $0x1388, $0x38;
	[tilespmem:$0x14C08] =	vst v63  }
0x9: {  	s11 =	sshrl.u32 s10, $0x1;
	s9 =	smul.u32 $0x2710, s7;
	_ =	swait.ge [sflag:s4], $0x1388  }
0xa: {  	s7 =	simm.s32 $0x1;
	s31 =	ssub.s32 s10, s11;
	[sflag:s4] =	ssyncset.done $0x0  }
0xb: {  	s8 =	sadd.s32 s9, s8;
	s9 =	smax.u32 s31, $0x1;
	[sflag:s4] =	ssyncadd.s32 $0xFFFFEC78  }
0xc: {  	[tilespmem:s6], [sflag:$0x1] =	stream.indirect.gather [hbm4b:s2+s6], $0x10, s3, s6, $0xb8;
	[tilespmem:$0x14C08] =	vst v63  }
0xd: {  	p0 =	sne.s32 s9, $0x1;
	_ =	swait.ge [sflag:s7], $0x13880  }
.Ltmp0:
0xe: {  	[sflag:s7] =	ssyncset.done $0x0;
	(pc) =	sbr.rel @!p0 .LBB2_2-.Ltmp0, $4  }
0xf: {  	s8 =	sadd.s32 $0x59800, s8;
	[sflag:s7] =	ssyncadd.s32 $0xFFFEC780  }
0x10: {  	[hbm4b:s8+s3] =	stream.linear.scatter [tilespmem:s6], [sflag:$0x2], $0x13880, $0x38;
	[tilespmem:$0x14C08] =	vst v63  }
0x11: {  	_ =	swait.ge [sflag:s4], $0x13880  }
0x12: {  	s9 =	sadd.s32 $0xFFFFFFFF, s9;
	[sflag:s4] =	ssyncset.done $0x0  }
.LBB2_1:
0x13: {  	p0 =	sne.s32 s9, $0x1;
	s9 =	sadd.s32 $0xFFFFFFFF, s9;
	[sflag:s4] =	ssyncadd.s32 $0xFFFEC780  }
0x14: {  	[tilespmem:s3], [sflag:$0x2] =	stream.linear.gather [hbm4b:s5+s3], $0x1388, $0x38;
	[tilespmem:$0x14C08] =	vst v63  }
0x15: {  	_ =	swait.ge [sflag:s4], $0x1388  }
0x16: {  	[sflag:s4] =	ssyncset.done $0x0  }
0x17: {  	[sflag:s4] =	ssyncadd.s32 $0xFFFFEC78  }
0x18: {  	[tilespmem:s6], [sflag:$0x1] =	stream.indirect.gather [hbm4b:s2+s6], $0x10, s3, s6, $0xb8;
	[tilespmem:$0x14C08] =	vst v63  }
0x19: {  	_ =	swait.ge [sflag:s7], $0x13880  }
.Ltmp1:
0x1a: {  	[sflag:s7] =	ssyncset.done $0x0;
	(pc) =	sbr.rel @p0 .LBB2_1-.Ltmp1, $4  }
0x1b: {  	[sflag:s7] =	ssyncadd.s32 $0xFFFEC780  }
0x1c: {  	[hbm4b:s8+s3] =	stream.linear.scatter [tilespmem:s6], [sflag:$0x2], $0x13880, $0x38;
	[tilespmem:$0x14C08] =	vst v63  }
0x1d: {  	_ =	swait.ge [sflag:s4], $0x13880  }
0x1e: {  	[sflag:s4] =	ssyncset.done $0x0  }
.LBB2_2:
0x1f: {  	[sflag:s4] =	ssyncadd.s32 $0xFFFEC780  }
0x20: {  	_ =	sfence.sel $0x180000  }
0x21: {  	[bflag:$0x0] =	sbarrier.arrive $0xFFFF  }
0x22: {  	p0 =	sne.s32 s0, $0x0;
	_ =	strace $0x9000005C  }
0x23: {  	s0 =	sadd.s32 @!p0 $0x100000, s1;
	[bflag:$0x2] =	sbarrier.arrive $0xFFFF  }
0x24: {  	[sflag:s0] =	ssyncadd.tile.s32 @!p0 $0x1;
	_ =	shalt  }
.Lfunc_end2:
_tile_overlayer_lowered:
.L_overlay_start_2:
0x25: {  	(tag) =	ssettag $0x2  }
0x26: {  	s0 =	rddreg [dreg:$0x0];
	s2 =	stileid.u32  }
0x27: {  	s1 =	rddreg [dreg:$0x1];
	p0 =	sne.s32 s2, $0x0  }
0x28: {  	s3 =	rddreg [dreg:$0x2];
	[bflag:$0x3] =	sbarrier.arrive $0xFFFF;
	s2 =	simm.s32 @!p0 $0x1C02  }
0x29: {  	[timem:s3], [sflag:s2] =	dma.local @!p0 [hbm:s0], s1  }
0x2a: {  	s0 =	simm.s32 @!p0 $0x2  }
0x2b: {  	_ =	swait.ge @!p0 [sflag:s0], s1  }
0x2c: {  	s1 =	ssub.s32 @!p0 $0x0, s1;
	[sflag:s0] =	ssyncset.done @!p0 $0x0  }
0x2d: {  	[sflag:s0] =	ssyncadd.s32 @!p0 s1  }
0x2e: {  	[bflag:$0x3] =	sbarrier.arrive $0xFFFF  }
0x2f: {  	_ =	shalt  }

// kernel: kernel.45.cloned.1.call-start
scs
__scs_entry_jumppad:
0x0: {  	(pc) =	sbr.rel $0x88, $3  }
0x1: {  	(tag) =	ssettag $0x0;
	lr =	simm.s32 $0x1  }
0x2: {  	[smem:$0x3F82] =	sst lr;
	_ =	strace $0xD0000000  }
0x3: {  	_ = 	snop  }
0x4: {  	_ = 	snop  }
0x5: {  	_ = 	snop  }
0x6: {  	_ = 	snop  }
0x7: {  	_ = 	snop  }
__scs_overlays_trampoline_lowered:
0x8: {  	[smem:$0x3F91] =	sst s0  }
0x9: {  	[smem:$0x3F92] =	sst s1  }
0xa: {  	[smem:$0x3F93] =	sst s2  }
0xb: {  	[smem:$0x3F94] =	sst s3  }
0xc: {  	[smem:$0x3F95] =	sst s4  }
0xd: {  	[smem:$0x3F96] =	sst s5  }
0xe: {  	[smem:$0x3F97] =	sst s6  }
0xf: {  	[smem:$0x3F98] =	sst s7  }
0x10: {  	[smem:$0x3F99] =	sst s8  }
0x11: {  	[smem:$0x3F9A] =	sst s9;
	s0 =	simm.s32 @!p0 $0x0  }
0x12: {  	s1 =	sld [smem:$0x3F80];
	s0 =	simm.s32 @p0 $0x1  }
0x13: {  	[smem:$0x3F9B] =	sst s0;
	s0 =	simm.s32 @!p1 $0x0  }
0x14: {  	s2 =	sld [smem:$0x3F7F];
	s0 =	simm.s32 @p1 $0x1  }
0x15: {  	[smem:$0x3F9C] =	sst s0;
	s0 =	simm.s32 @!p2 $0x0  }
0x16: {  	s3 =	sld [smem:$0x3FDB];
	s0 =	simm.s32 @p2 $0x1  }
0x17: {  	s4 =	simm.s32 $0x1BF5;
	[smem:$0x3F9E] =	sst s0  }
0x18: {  	s0 =	sld [smem:$0x3F81];
	_ =	swait.ge [sflag:s4], $0x0  }
0x19: {  	s7 =	sld [smem:$0x3F82]  }
0x1a: {  	s8 =	sadd.s32 $0xFFFFE003, lr  }
0x1b: {  	s9 =	sadd.s32 $0xFFFFFEF7, lr;
	s5 =	simm.s32 $0xFFFFFFFF;
	p2 =	slt.u32 s8, $0xFFFFF086  }
0x1c: {  	p1 =	slt.u32 s9, $0xF7A;
	s5 =	simm.s32 @!p2 $0x0  }
0x1d: {  	s5 =	simm.s32 @p1 $0x1;
	p0 =	seq.s32 s7, s2  }
0x1e: {  	s7 =	smul.u32 @!p0 $0xF7A, s2;
	p2 =	seq.s32 @!p0 s5, $0x0  }
0x1f: {  	s9 =	smul.u32 $0xF7A, s1;
	s8 =	simm.s32 @!p0 $0x1BF5;
	p2 =	por !p2, p0  }
0x20: {  	[sflag:s8] =	ssyncset.s32 @!p0 $0xFFFFF086;
	s6 =	sadd.s32 @!p0 s3, s7;
	s7 =	simm.s32 @!p0 $0x108  }
0x21: {  	s3 =	sadd.s32 s3, s9;
	s6 =	sadd.s32 @!p0 $0x88, s6;
	s7 =	simm.s32 @p2 $0x1082  }
0x22: {  	[simem:s7], [sflag:s8] =	dma.local @!p0 [hbm:s6], $0xF7A  }
0x23: {  	s9 =	sor.u32 $0xD0000000, s2;
	s6 =	simm.s32 $0x108;
	_ =	swait.ge @!p0 [sflag:s8], $0x0  }
0x24: {  	s3 =	sadd.s32 $0x88, s3;
	s6 =	simm.s32 @!p1 $0x1082;
	[sflag:s4] =	ssyncset.s32 $0xFFFFF086  }
0x25: {  	[simem:s6], [sflag:s4] =	dma.local [hbm:s3], $0xF7A  }
0x26: {  	[smem:$0x3F82] =	sst s1;
	(tag) =	ssettag s2;
	_ =	strace s9  }
0x27: {  	s1 =	sld [smem:$0x3F92]  }
0x28: {  	s2 =	sld [smem:$0x3F93]  }
0x29: {  	s4 =	sld [smem:$0x3F95]  }
0x2a: {  	p0 =	seq.s32 s5, $0x0;
	s5 =	sld [smem:$0x3F96]  }
0x2b: {  	s6 =	sld [smem:$0x3F97]  }
0x2c: {  	s7 =	sld [smem:$0x3F98]  }
0x2d: {  	s3 =	simm.s32 $0x108;
	s8 =	sld [smem:$0x3F99]  }
0x2e: {  	s3 =	simm.s32 @!p0 $0x1082;
	s9 =	sld [smem:$0x3F9A]  }
0x2f: {  	lr =	sadd.s32 s0, s3;
	s0 =	sld [smem:$0x3F91]  }
0x30: {  	s3 =	sld [smem:$0x3F94]  }
0x31: {  	[smem:$0x3F9D] =	sst s10  }
0x32: {  	s10 =	sld [smem:$0x3F9B];
	_ =	sdelay $0x3  }
0x33: {  	p0 =	seq.s32 s10, $0x1;
	s10 =	sld [smem:$0x3F9D];
	_ =	sdelay $0x3  }
0x34: {  	[smem:$0x3F9D] =	sst s10  }
0x35: {  	s10 =	sld [smem:$0x3F9C];
	_ =	sdelay $0x3  }
0x36: {  	p1 =	seq.s32 s10, $0x1;
	s10 =	sld [smem:$0x3F9D];
	_ =	sdelay $0x3  }
0x37: {  	[smem:$0x3F9D] =	sst s10  }
0x38: {  	s10 =	sld [smem:$0x3F9E]  }
0x39: {  	_ = 	snop;
	(pc) =	sbr.ind lr, $3  }
0x3a: {  	_ = 	snop  }
0x3b: {  	_ = 	snop  }
0x3c: {  	p2 =	seq.s32 s10, $0x1;
	s10 =	sld [smem:$0x3F9D]  }
0x3d: {  	_ =	shalt  }
0x3e: {  	_ =	shalt  }
0x3f: {  	_ =	shalt  }
0x40: {  	_ =	shalt  }
0x41: {  	_ =	shalt  }
0x42: {  	_ =	shalt  }
0x43: {  	_ =	shalt  }
0x44: {  	_ =	shalt  }
0x45: {  	_ =	shalt  }
0x46: {  	_ =	shalt  }
0x47: {  	_ =	shalt  }
0x48: {  	_ =	shalt  }
0x49: {  	_ =	shalt  }
0x4a: {  	_ =	shalt  }
0x4b: {  	_ =	shalt  }
0x4c: {  	_ =	shalt  }
0x4d: {  	_ =	shalt  }
0x4e: {  	_ =	shalt  }
0x4f: {  	_ =	shalt  }
0x50: {  	_ =	shalt  }
0x51: {  	_ =	shalt  }
0x52: {  	_ =	shalt  }
0x53: {  	_ =	shalt  }
0x54: {  	_ =	shalt  }
0x55: {  	_ =	shalt  }
0x56: {  	_ =	shalt  }
0x57: {  	_ =	shalt  }
0x58: {  	_ =	shalt  }
0x59: {  	_ =	shalt  }
0x5a: {  	_ =	shalt  }
0x5b: {  	_ =	shalt  }
0x5c: {  	_ =	shalt  }
0x5d: {  	_ =	shalt  }
0x5e: {  	_ =	shalt  }
0x5f: {  	_ =	shalt  }
0x60: {  	_ =	shalt  }
0x61: {  	_ =	shalt  }
0x62: {  	_ =	shalt  }
0x63: {  	_ =	shalt  }
0x64: {  	_ =	shalt  }
0x65: {  	_ =	shalt  }
0x66: {  	_ =	shalt  }
0x67: {  	_ =	shalt  }
0x68: {  	_ =	shalt  }
0x69: {  	_ =	shalt  }
0x6a: {  	_ =	shalt  }
0x6b: {  	_ =	shalt  }
0x6c: {  	_ =	shalt  }
0x6d: {  	_ =	shalt  }
0x6e: {  	_ =	shalt  }
0x6f: {  	_ =	shalt  }
0x70: {  	_ =	shalt  }
0x71: {  	_ =	shalt  }
0x72: {  	_ =	shalt  }
0x73: {  	_ =	shalt  }
0x74: {  	_ =	shalt  }
0x75: {  	_ =	shalt  }
0x76: {  	_ =	shalt  }
0x77: {  	_ =	shalt  }
0x78: {  	_ =	shalt  }
0x79: {  	_ =	shalt  }
0x7a: {  	_ =	shalt  }
0x7b: {  	_ =	shalt  }
0x7c: {  	_ =	shalt  }
0x7d: {  	_ =	shalt  }
0x7e: {  	_ =	shalt  }
0x7f: {  	_ =	shalt  }
0x80: {  	_ =	shalt  }
0x81: {  	_ =	shalt  }
0x82: {  	_ =	shalt  }
0x83: {  	_ =	shalt  }
0x84: {  	_ =	shalt  }
0x85: {  	_ =	shalt  }
0x86: {  	_ =	shalt  }
0x87: {  	_ =	shalt  }
.Lfunc_end0:
.L_simem_size_0:
called_computation.8_lowered:
.L_overlay_start_0:
0x88: {  	s2 =	sld [smem:$0x3FD9]  }
0x89: {  	s3 =	sld [smem:$0x3FFE];
	_ =	sdelay $0x1  }
0x8a: {  	s1 =	srdreg.scid  }
0x8b: {  	s0 =	sand.u32 $0x1, s1  }
0x8c: {  	s17 =	sshll.u32 s0, $0xA;
	s2 =	sadd.s32 s3, s2  }
0x8d: {  	s2 =	sadd.s32 s2, s17  }
0x8e: {  	[smem:$0x3FA9] =	sst s2  }
0x8f: {  	_ = 	snop  }
0x90: {  	s2 =	sld [smem:$0x3FC8];
	(tm) =	ssettm $0x1  }
0x91: {  	s18 =	sld [smem:$0x3FFB];
	_ =	sdelay $0x3  }
0x92: {  	_ =	strace s18  }
0x93: {  	s3 =	sld [smem:$0x3FFC];
	_ =	sdelay $0x3  }
0x94: {  	_ =	strace s3  }
0x95: {  	s3 =	sld [smem:$0x3FFD];
	_ =	sdelay $0x3  }
0x96: {  	_ =	strace s3  }
0x97: {  	_ =	strace $0x8FFFFFFF  }
0x98: {  	s19 =	sld [smem:$0x3FDB];
	_ =	sdelay $0x1  }
0x99: {  	s4 =	simm.s32 $_scs_section_size  }
0x9a: {  	s5 =	simm.s32 $_size__tile_overlayer_lowered;
	s6 =	simm.s32 $_tile_overlayer_lowered  }
0x9b: {  	s22 =	simm.s32 $0x1BFF;
	s21 =	sshll.u32 s6, $0x1;
	s3 =	sadd.s32 s4, s19  }
0x9c: {  	s7 =	simm.s32 $0x0;
	s20 =	sshll.u32 s5, $0x1;
	s5 =	sadd.s32 s21, s3  }
0x9d: {  	[timem:s7], [sflag:s22] =	dma.local [hbm:s5], s20  }
0x9e: {  	_ =	swait.ge [sflag:s22], s20  }
0x9f: {  	s4 =	ssub.s32 $0x0, s20;
	[sflag:s22] =	ssyncset.done $0x0  }
0xa0: {  	[sflag:s22] =	ssyncadd.s32 s4;
	_ =	sdelay $0x1  }
0xa1: {  	s23 =	simm.s32 $0x1B8B  }
0xa2: {  	_ =	swait.ge [sflag:s23], $0x1  }
0xa3: {  	[sflag:s23] =	ssyncset.done $0x0  }
0xa4: {  	s25 =	simm.s32 $0x1B8E;
	s24 =	sld [smem:$0x3FFE];
	[sflag:s23] =	ssyncadd.s32 $0xFFFFFFFF  }
0xa5: {  	s26 =	simm.s32 $execute0_lowered;
	[smem:$0x3FD2] =	sst s25  }
0xa6: {  	s5 =	sshll.u32 s26, $0x1;
	_ =	strace $0x8000005E;
	[dreg:$0x1] =	wrdreg $0xFFFFFFFF  }
0xa7: {  	s28 =	simm.s32 $_size_execute0_lowered;
	s3 =	sadd.s32 s3, s5;
	[dreg:$0x0] =	wrdreg $0x0  }
0xa8: {  	s5 =	sshll.u32 s28, $0x1;
	[dreg:$0x2] =	wrdreg s3  }
0xa9: {  	[dreg:$0x3] =	wrdreg s5  }
0xaa: {  	[dreg:$0x4] =	wrdreg $0xC0  }
0xab: {  	_ =	task [dreg:s7], $0x5FFFF  }
0xac: {  	[dreg:$0x1] =	wrdreg $0xFFFFFFFF  }
0xad: {  	[dreg:$0x0] =	wrdreg $0x60  }
0xae: {  	[dreg:$0x2] =	wrdreg s2  }
0xaf: {  	[dreg:$0x3] =	wrdreg s24  }
0xb0: {  	[dreg:$0x4] =	wrdreg $0xE1000  }
0xb1: {  	[dreg:$0x5] =	wrdreg $0x9  }
0xb2: {  	_ =	task.clear_ibuf [dreg:s7], $0x6FFFF;
	_ =	strace $0x9000005E  }
0xb3: {  	s29 =	simm.s32 $0x9;
	_ =	strace $0x80000060  }
0xb4: {  	_ =	swait.ge [sflag:s29], $0x1  }
0xb5: {  	[sflag:s29] =	ssyncadd.s32 $0xFFFFFFFF  }
0xb6: {  	_ =	strace $0x90000060  }
0xb7: {  	_ =	sfence  }
0xb8: {  	s30 =	sld [smem:$0x0];
	_ =	sdelay $0x2  }
0xb9: {  	s31 =	sshll.u32 s1, $0xD;
	s1 =	sshrl.u32 s1, $0x2  }
0xba: {  	s3 =	sand.u32 $0x4000, s31;
	s1 =	sadd.s32 s1, s30  }
0xbb: {  	s0 =	sor.u32 s3, s0;
	s1 =	sshll.u32 s1, $0x11  }
0xbc: {  	s0 =	sor.u32 s1, s0  }
0xbd: {  	s0 =	sadd.s32 $0x8F2B, s0  }
0xbe: {  	[sflag:s0] =	ssyncadd.remote.s32 $0x1  }
0xbf: {  	_ =	sfence.sel $0xFFFF  }
0xc0: {  	[dreg:$0x0] =	wrdreg $0xFFFFFFFF;
	(pc) =	sbr.abs _section_cstart, $3  }
0xc1: {  	[dreg:$0x1] =	wrdreg $0xFFFFFFFF  }
0xc2: {  	_ =	task.clear_ibuf [dreg:s7], $0x2FFFF;
	_ =	strace $0x9FFFFFFF  }
0xc3: {  	(tm) =	ssettm $0x7FFFFFFF  }
tec
execute0_lowered:
.L_overlay_start_1:
0x0: {  	(tag) =	ssettag $0x1  }
0x1: {  	s0 =	rddreg [dreg:$0x0]  }
0x2: {  	s1 =	srdreg.scid;
	s5 =	rddreg [dreg:$0x1]  }
0x3: {  	s3 =	rddreg [dreg:$0x2];
	s2 =	stileid.u32;
	s4 =	simm.s32 $0x0  }
0x4: {  	s18 =	simm.s32 $0x100;
	s19 =	simm.s32 $0x80;
	s20 =	simm.s32 $0x2100  }
0x5: {  	s21 =	simm.s32 $0x1;
	s6 =	sand.u32 $0x1, s1;
	s1 =	rddreg [dreg:$0x3]  }
0x6: {  	s22 =	simm.s32 $0x2;
	[smem:$0x7FF] =	sst s4;
	s9 =	smul.u32 $0x28000, s2  }
0x7: {  	s14 =	sadd.s32 $0x451200, s5;
	s15 =	smul.u32 $0x980, s2;
	s7 =	sshll.u32 s6, $0x4  }
0x8: {  	s8 =	ssub.s32 $0x2, s6;
	s12 =	smul.u32 $0x9800, s6;
	s23 =	sor.u32 s2, s7  }
0x9: {  	_ =	strace $0x8000005F;
	s24 =	sshrl.u32 s8, $0x1;
	s7 =	smul.u32 $0x1400, s23  }
0xa: {  	s25 =	sshrl.u32 s9, $0x2;
	s11 =	ssub.s32 s8, s24;
	s26 =	smul.u32 $0x980, s23  }
0xb: {  	s28 =	smul.u32 $0x4C00, s23;
	s29 =	sshll.u32 s23, $0x7;
	s30 =	sadd.s32 s15, s12  }
0xc: {  	p0 =	sgt.u32 s23, $0x10;
	s23 =	simm.s32 $0x0;
	s9 =	sor.u32 $0x13000, s29  }
0xd: {  	s11 =	smax.u32 s11, $0x1;
	s12 =	sadd.s32 $0x100, s30;
	s10 =	sadd.s32 s7, s5  }
0xe: {  	s5 =	sadd.s32 s25, s3;
	s7 =	sshrl.u32 s26, $0x3;
	s13 =	sshrl.u32 s9, $0x3  }
0xf: {  	s9 =	sshll.u32 s9, $0x3;
	s31 =	sshll.u32 s12, $0x3;
	s6 =	sadd.s32 s0, s7  }
0x10: {  	s7 =	sadd.s32 s14, s28;
	s8 =	sadd.s32 s0, s13;
	s13 =	sadd.s32 $0x80, s30  }
0x11: {  	s9 =	sadd.s32 s14, s9;
	s10 =	sadd.s32 $0x59800, s10;
	s16 =	sshll.u32 s13, $0x3  }
0x12: {  	s17 =	sshrl.u32 s13, $0x3;
	s13 =	sadd.s32 s31, s14;
	s14 =	sadd.s32 s16, s14  }
0x13: {  	v0 =	vimm.f32 $0.0e+00;
	s15 =	sadd.s32 s17, s0;
	s16 =	simm.s32 $0x4100;
	s17 =	simm.s32 $0x3  }
.LBB2_1:
0x14: {  	s25 =	simm.s32 $0x100;
	s24 =	simm.s32 $0x0  }
.LBB2_2:
0x15: {  	p1 =	sne.s32 s25, $0x27F00;
	[tilespmem:s24+$0x4130] =	vst v0;
	s26 =	smov.u32 s25;
	s25 =	sadd.s32 $0x100, s25  }
.Ltmp0:
0x16: {  	[tilespmem:s24+$0x4120] =	vst v0;
	(pc) =	sbr.rel @p1 .LBB2_2-.Ltmp0, $3  }
0x17: {  	[tilespmem:s24+$0x4100] =	vst v0  }
0x18: {  	[tilespmem:s24+$0x4110] =	vst v0;
	_ =	sdelay $0x1  }
0x19: {  	s24 =	sshra.s32 s26, $0x2  }
0x1a: {  	[tilespmem:s24+$0x4130] =	vst v0  }
0x1b: {  	[tilespmem:s24+$0x4120] =	vst v0  }
0x1c: {  	[tilespmem:s24+$0x4100] =	vst v0  }
0x1d: {  	[tilespmem:s24+$0x4110] =	vst v0  }
0x1e: {  	[spmem:s5] =	stream.linear.scatter [tilespmem:s16], [sflag:$0x3], $0xA000, $0x38;
	[tilespmem:$0x18100] =	vst v63  }
0x1f: {  	_ =	swait.ge [sflag:s17], $0xA000  }
0x20: {  	[sflag:s17] =	ssyncset.done $0x0  }
0x21: {  	[sflag:s17] =	ssyncadd.s32 $0xFFFF6000  }
0x22: {  	s28 =	simm.s32 $0x0;
	[bflag:$0x0] =	sbarrier.arrive $0xFFFF  }
0x23: {  	[tilespmem:s28], [sflag:$0x1] =	stream.linear.gather [hbm4b:s6+s28], $0x80, $0x38;
	[tilespmem:$0x18100] =	vst v63  }
0x24: {  	_ = 	snop  }
0x25: {  	[tilespmem:s18], [sflag:$0x1] =	stream.linear.gather [hbm4b:s7+s28], $0x2000, $0x38;
	[tilespmem:$0x18100] =	vst v63  }
0x26: {  	_ = 	snop  }
0x27: {  	[tilespmem:s19], [sflag:$0x2] =	stream.linear.gather [hbm4b:s15+s4], $0x80, $0x38;
	[tilespmem:$0x18100] =	vst v63  }
0x28: {  	s29 =	sadd.s32 $0x0, s14  }
0x29: {  	[tilespmem:s20], [sflag:$0x2] =	stream.linear.gather [hbm4b:s29+s4], $0x2000, $0x38;
	[tilespmem:$0x18100] =	vst v63  }
0x2a: {  	_ =	swait.ge [sflag:s21], $0x80  }
0x2b: {  	[sflag:s21] =	ssyncset.done $0x0  }
0x2c: {  	[sflag:s21] =	ssyncadd.s32 $0xFFFFFF80  }
0x2d: {  	_ =	swait.ge [sflag:s21], $0x2000  }
0x2e: {  	[sflag:s21] =	ssyncset.done $0x0  }
0x2f: {  	[sflag:s21] =	ssyncadd.s32 $0xFFFFE000  }
0x30: {  	[spmem:s3] =	stream.indirect.scatter.add.f32 [tilespmem:s18], [sflag:$0x3], $0x40, s4, s19, $0xb8;
	[tilespmem:$0x18100] =	vst v63  }
0x31: {  	_ =	swait.ge [sflag:s17], $0x2000  }
0x32: {  	s30 =	sshrl.u32 s12, $0x3;
	[sflag:s17] =	ssyncset.done $0x0  }
0x33: {  	s24 =	sadd.s32 s0, s30;
	[sflag:s17] =	ssyncadd.s32 $0xFFFFE000  }
0x34: {  	[tilespmem:s4], [sflag:$0x1] =	stream.linear.gather [hbm4b:s24+s4], $0x80, $0x38;
	[tilespmem:$0x18100] =	vst v63  }
0x35: {  	s31 =	sadd.s32 $0x0, s13  }
0x36: {  	[tilespmem:s18], [sflag:$0x1] =	stream.linear.gather [hbm4b:s31+s4], $0x2000, $0x38;
	[tilespmem:$0x18100] =	vst v63  }
0x37: {  	_ =	swait.ge [sflag:s22], $0x80  }
0x38: {  	[sflag:s22] =	ssyncset.done $0x0  }
0x39: {  	[sflag:s22] =	ssyncadd.s32 $0xFFFFFF80  }
0x3a: {  	_ =	swait.ge [sflag:s22], $0x2000  }
0x3b: {  	[sflag:s22] =	ssyncset.done $0x0  }
0x3c: {  	[sflag:s22] =	ssyncadd.s32 $0xFFFFE000  }
0x3d: {  	[spmem:s3] =	stream.indirect.scatter.add.f32 [tilespmem:s20], [sflag:$0x3], $0x40, s19, s19, $0xb8;
	[tilespmem:$0x18100] =	vst v63  }
0x3e: {  	s25 =	smov.u32 s12;
	_ =	swait.ge [sflag:s17], $0x2000  }
0x3f: {  	s26 =	smov.u32 s15;
	s24 =	simm.s32 $0x800;
	[sflag:s17] =	ssyncset.done $0x0  }
.LBB2_4:
0x40: {  	[sflag:s17] =	ssyncadd.s32 $0xFFFFE000  }
0x41: {  	s25 =	sadd.s32 $0x100, s25;
	s26 =	sadd.s32 $0x20, s26;
	s28 =	smov.u32 s24  }
0x42: {  	[tilespmem:s19], [sflag:$0x2] =	stream.linear.gather [hbm4b:s26+s4], $0x80, $0x38;
	[tilespmem:$0x18100] =	vst v63  }
0x43: {  	p1 =	sne.s32 s24, $0x4000;
	s24 =	sadd.s32 $0x800, s24;
	s29 =	sadd.s32 s28, s14  }
0x44: {  	[tilespmem:s20], [sflag:$0x2] =	stream.linear.gather [hbm4b:s29+s4], $0x2000, $0x38;
	[tilespmem:$0x18100] =	vst v63  }
0x45: {  	_ =	swait.ge [sflag:s21], $0x80  }
0x46: {  	[sflag:s21] =	ssyncset.done $0x0  }
0x47: {  	[sflag:s21] =	ssyncadd.s32 $0xFFFFFF80  }
0x48: {  	_ =	swait.ge [sflag:s21], $0x2000  }
0x49: {  	[sflag:s21] =	ssyncset.done $0x0  }
0x4a: {  	[sflag:s21] =	ssyncadd.s32 $0xFFFFE000  }
0x4b: {  	[spmem:s3] =	stream.indirect.scatter.add.f32 [tilespmem:s18], [sflag:$0x3], $0x40, s4, s19, $0xb8;
	[tilespmem:$0x18100] =	vst v63  }
0x4c: {  	_ =	swait.ge [sflag:s17], $0x2000  }
0x4d: {  	s29 =	sshrl.u32 s25, $0x3;
	[sflag:s17] =	ssyncset.done $0x0  }
0x4e: {  	s29 =	sadd.s32 s0, s29;
	[sflag:s17] =	ssyncadd.s32 $0xFFFFE000  }
0x4f: {  	[tilespmem:s4], [sflag:$0x1] =	stream.linear.gather [hbm4b:s29+s4], $0x80, $0x38;
	[tilespmem:$0x18100] =	vst v63  }
0x50: {  	s28 =	sadd.s32 s28, s13  }
0x51: {  	[tilespmem:s18], [sflag:$0x1] =	stream.linear.gather [hbm4b:s28+s4], $0x2000, $0x38;
	[tilespmem:$0x18100] =	vst v63  }
0x52: {  	_ =	swait.ge [sflag:s22], $0x80  }
0x53: {  	[sflag:s22] =	ssyncset.done $0x0  }
0x54: {  	[sflag:s22] =	ssyncadd.s32 $0xFFFFFF80  }
0x55: {  	_ =	swait.ge [sflag:s22], $0x2000  }
.Ltmp1:
0x56: {  	[sflag:s22] =	ssyncset.done $0x0;
	(pc) =	sbr.rel @p1 .LBB2_4-.Ltmp1, $4  }
0x57: {  	[sflag:s22] =	ssyncadd.s32 $0xFFFFE000  }
0x58: {  	[spmem:s3] =	stream.indirect.scatter.add.f32 [tilespmem:s20], [sflag:$0x3], $0x40, s19, s19, $0xb8;
	[tilespmem:$0x18100] =	vst v63  }
0x59: {  	_ =	swait.ge [sflag:s17], $0x2000  }
0x5a: {  	[sflag:s17] =	ssyncset.done $0x0  }
0x5b: {  	[sflag:s17] =	ssyncadd.s32 $0xFFFFE000  }
0x5c: {  	_ =	swait.ge [sflag:s21], $0x80  }
0x5d: {  	[sflag:s21] =	ssyncset.done $0x0  }
0x5e: {  	[sflag:s21] =	ssyncadd.s32 $0xFFFFFF80  }
0x5f: {  	_ =	swait.ge [sflag:s21], $0x2000  }
0x60: {  	[sflag:s21] =	ssyncset.done $0x0  }
0x61: {  	[sflag:s21] =	ssyncadd.s32 $0xFFFFE000  }
0x62: {  	[spmem:s3] =	stream.indirect.scatter.add.f32 [tilespmem:s18], [sflag:$0x3], $0x40, s4, s19, $0xb8;
	[tilespmem:$0x18100] =	vst v63  }
0x63: {  	_ =	swait.ge [sflag:s17], $0x2000  }
0x64: {  	[sflag:s17] =	ssyncset.done $0x0  }
0x65: {  	s24 =	simm.s32 @!p0 $0x0;
	s25 =	simm.s32 @!p0 $0x3;
	[sflag:s17] =	ssyncadd.s32 $0xFFFFE000  }
0x66: {  	[tilespmem:s24], [sflag:$0x3] =	stream.linear.gather @!p0 [hbm4b:s8+s24], $0x80, $0x38;
	[tilespmem:$0x18100] =	vst v63  }
0x67: {  	_ =	swait.ge @!p0 [sflag:s25], $0x80  }
0x68: {  	[sflag:s25] =	ssyncset.done @!p0 $0x0  }
0x69: {  	s26 =	simm.s32 @!p0 $0x100;
	[sflag:s25] =	ssyncadd.s32 @!p0 $0xFFFFFF80  }
0x6a: {  	[tilespmem:s26], [sflag:$0x3] =	stream.linear.gather @!p0 [hbm4b:s9+s24], $0x2000, $0x38;
	[tilespmem:$0x18100] =	vst v63  }
0x6b: {  	_ =	swait.ge @!p0 [sflag:s25], $0x2000  }
0x6c: {  	[sflag:s25] =	ssyncset.done @!p0 $0x0  }
0x6d: {  	s28 =	simm.s32 @!p0 $0x80;
	[sflag:s25] =	ssyncadd.s32 @!p0 $0xFFFFE000  }
0x6e: {  	[spmem:s3] =	stream.indirect.scatter.add.f32 @!p0 [tilespmem:s26], [sflag:$0x3], $0x40, s24, s28, $0xb8;
	[tilespmem:$0x18100] =	vst v63  }
0x6f: {  	_ =	swait.ge @!p0 [sflag:s25], $0x2000  }
0x70: {  	[sflag:s25] =	ssyncset.done @!p0 $0x0  }
0x71: {  	[sflag:s25] =	ssyncadd.s32 @!p0 $0xFFFFE000  }
0x72: {  	[bflag:$0x0] =	sbarrier.arrive $0xFFFF  }
0x73: {  	[tilespmem:s16], [sflag:$0x3] =	stream.linear.gather [spmem:s5], $0xA000, $0x38;
	[tilespmem:$0x18100] =	vst v63  }
0x74: {  	s23 =	sadd.s32 $0x1, s23;
	_ =	swait.ge [sflag:s17], $0xA000  }
0x75: {  	p1 =	sne.s32 s23, s11;
	[sflag:s17] =	ssyncset.done $0x0  }
.Ltmp2:
0x76: {  	[sflag:s17] =	ssyncadd.s32 $0xFFFF6000;
	(pc) =	sbr.rel @p1 .LBB2_1-.Ltmp2, $4  }
0x77: {  	[hbm4b:s10+s4] =	stream.linear.scatter [tilespmem:s16], [sflag:$0x3], $0xA000, $0x38;
	[tilespmem:$0x18100] =	vst v63  }
0x78: {  	_ =	swait.ge [sflag:s17], $0xA000  }
0x79: {  	[sflag:s17] =	ssyncset.done $0x0  }
0x7a: {  	[sflag:s17] =	ssyncadd.s32 $0xFFFF6000  }
0x7b: {  	_ =	sfence.sel $0x180000  }
0x7c: {  	[bflag:$0x0] =	sbarrier.arrive $0xFFFF  }
0x7d: {  	p0 =	sne.s32 s2, $0x0;
	_ =	strace $0x9000005F  }
0x7e: {  	s0 =	sadd.s32 @!p0 $0x100000, s1;
	[bflag:$0x2] =	sbarrier.arrive $0xFFFF  }
0x7f: {  	[sflag:s0] =	ssyncadd.tile.s32 @!p0 $0x1;
	_ =	shalt  }
.Lfunc_end2:
_tile_overlayer_lowered:
.L_overlay_start_2:
0x80: {  	(tag) =	ssettag $0x2  }
0x81: {  	s0 =	rddreg [dreg:$0x0];
	s2 =	stileid.u32  }
0x82: {  	s1 =	rddreg [dreg:$0x1];
	p0 =	sne.s32 s2, $0x0  }
0x83: {  	s3 =	rddreg [dreg:$0x2];
	[bflag:$0x3] =	sbarrier.arrive $0xFFFF;
	s2 =	simm.s32 @!p0 $0x1C03  }
0x84: {  	[timem:s3], [sflag:s2] =	dma.local @!p0 [hbm:s0], s1  }
0x85: {  	s0 =	simm.s32 @!p0 $0x3  }
0x86: {  	_ =	swait.ge @!p0 [sflag:s0], s1  }
0x87: {  	s1 =	ssub.s32 @!p0 $0x0, s1;
	[sflag:s0] =	ssyncset.done @!p0 $0x0  }
0x88: {  	[sflag:s0] =	ssyncadd.s32 @!p0 s1  }
0x89: {  	[bflag:$0x3] =	sbarrier.arrive $0xFFFF  }
0x8a: {  	_ =	shalt  }

// kernel: kernel.48.cloned.1.call-start
scs
__scs_entry_jumppad:
0x0: {  	(pc) =	sbr.rel $0x88, $3  }
0x1: {  	(tag) =	ssettag $0x0;
	lr =	simm.s32 $0x1  }
0x2: {  	[smem:$0x3F82] =	sst lr;
	_ =	strace $0xD0000000  }
0x3: {  	_ = 	snop  }
0x4: {  	_ = 	snop  }
0x5: {  	_ = 	snop  }
0x6: {  	_ = 	snop  }
0x7: {  	_ = 	snop  }
__scs_overlays_trampoline_lowered:
0x8: {  	[smem:$0x3F91] =	sst s0  }
0x9: {  	[smem:$0x3F92] =	sst s1  }
0xa: {  	[smem:$0x3F93] =	sst s2  }
0xb: {  	[smem:$0x3F94] =	sst s3  }
0xc: {  	[smem:$0x3F95] =	sst s4  }
0xd: {  	[smem:$0x3F96] =	sst s5  }
0xe: {  	[smem:$0x3F97] =	sst s6  }
0xf: {  	[smem:$0x3F98] =	sst s7  }
0x10: {  	[smem:$0x3F99] =	sst s8  }
0x11: {  	[smem:$0x3F9A] =	sst s9;
	s0 =	simm.s32 @!p0 $0x0  }
0x12: {  	s1 =	sld [smem:$0x3F80];
	s0 =	simm.s32 @p0 $0x1  }
0x13: {  	[smem:$0x3F9B] =	sst s0;
	s0 =	simm.s32 @!p1 $0x0  }
0x14: {  	s2 =	sld [smem:$0x3F7F];
	s0 =	simm.s32 @p1 $0x1  }
0x15: {  	[smem:$0x3F9C] =	sst s0;
	s0 =	simm.s32 @!p2 $0x0  }
0x16: {  	s3 =	sld [smem:$0x3FDB];
	s0 =	simm.s32 @p2 $0x1  }
0x17: {  	s4 =	simm.s32 $0x1BF5;
	[smem:$0x3F9E] =	sst s0  }
0x18: {  	s0 =	sld [smem:$0x3F81];
	_ =	swait.ge [sflag:s4], $0x0  }
0x19: {  	s7 =	sld [smem:$0x3F82]  }
0x1a: {  	s8 =	sadd.s32 $0xFFFFE003, lr  }
0x1b: {  	s9 =	sadd.s32 $0xFFFFFEF7, lr;
	s5 =	simm.s32 $0xFFFFFFFF;
	p2 =	slt.u32 s8, $0xFFFFF086  }
0x1c: {  	p1 =	slt.u32 s9, $0xF7A;
	s5 =	simm.s32 @!p2 $0x0  }
0x1d: {  	s5 =	simm.s32 @p1 $0x1;
	p0 =	seq.s32 s7, s2  }
0x1e: {  	s7 =	smul.u32 @!p0 $0xF7A, s2;
	p2 =	seq.s32 @!p0 s5, $0x0  }
0x1f: {  	s9 =	smul.u32 $0xF7A, s1;
	s8 =	simm.s32 @!p0 $0x1BF5;
	p2 =	por !p2, p0  }
0x20: {  	[sflag:s8] =	ssyncset.s32 @!p0 $0xFFFFF086;
	s6 =	sadd.s32 @!p0 s3, s7;
	s7 =	simm.s32 @!p0 $0x108  }
0x21: {  	s3 =	sadd.s32 s3, s9;
	s6 =	sadd.s32 @!p0 $0x88, s6;
	s7 =	simm.s32 @p2 $0x1082  }
0x22: {  	[simem:s7], [sflag:s8] =	dma.local @!p0 [hbm:s6], $0xF7A  }
0x23: {  	s9 =	sor.u32 $0xD0000000, s2;
	s6 =	simm.s32 $0x108;
	_ =	swait.ge @!p0 [sflag:s8], $0x0  }
0x24: {  	s3 =	sadd.s32 $0x88, s3;
	s6 =	simm.s32 @!p1 $0x1082;
	[sflag:s4] =	ssyncset.s32 $0xFFFFF086  }
0x25: {  	[simem:s6], [sflag:s4] =	dma.local [hbm:s3], $0xF7A  }
0x26: {  	[smem:$0x3F82] =	sst s1;
	(tag) =	ssettag s2;
	_ =	strace s9  }
0x27: {  	s1 =	sld [smem:$0x3F92]  }
0x28: {  	s2 =	sld [smem:$0x3F93]  }
0x29: {  	s4 =	sld [smem:$0x3F95]  }
0x2a: {  	p0 =	seq.s32 s5, $0x0;
	s5 =	sld [smem:$0x3F96]  }
0x2b: {  	s6 =	sld [smem:$0x3F97]  }
0x2c: {  	s7 =	sld [smem:$0x3F98]  }
0x2d: {  	s3 =	simm.s32 $0x108;
	s8 =	sld [smem:$0x3F99]  }
0x2e: {  	s3 =	simm.s32 @!p0 $0x1082;
	s9 =	sld [smem:$0x3F9A]  }
0x2f: {  	lr =	sadd.s32 s0, s3;
	s0 =	sld [smem:$0x3F91]  }
0x30: {  	s3 =	sld [smem:$0x3F94]  }
0x31: {  	[smem:$0x3F9D] =	sst s10  }
0x32: {  	s10 =	sld [smem:$0x3F9B];
	_ =	sdelay $0x3  }
0x33: {  	p0 =	seq.s32 s10, $0x1;
	s10 =	sld [smem:$0x3F9D];
	_ =	sdelay $0x3  }
0x34: {  	[smem:$0x3F9D] =	sst s10  }
0x35: {  	s10 =	sld [smem:$0x3F9C];
	_ =	sdelay $0x3  }
0x36: {  	p1 =	seq.s32 s10, $0x1;
	s10 =	sld [smem:$0x3F9D];
	_ =	sdelay $0x3  }
0x37: {  	[smem:$0x3F9D] =	sst s10  }
0x38: {  	s10 =	sld [smem:$0x3F9E]  }
0x39: {  	_ = 	snop;
	(pc) =	sbr.ind lr, $3  }
0x3a: {  	_ = 	snop  }
0x3b: {  	_ = 	snop  }
0x3c: {  	p2 =	seq.s32 s10, $0x1;
	s10 =	sld [smem:$0x3F9D]  }
0x3d: {  	_ =	shalt  }
0x3e: {  	_ =	shalt  }
0x3f: {  	_ =	shalt  }
0x40: {  	_ =	shalt  }
0x41: {  	_ =	shalt  }
0x42: {  	_ =	shalt  }
0x43: {  	_ =	shalt  }
0x44: {  	_ =	shalt  }
0x45: {  	_ =	shalt  }
0x46: {  	_ =	shalt  }
0x47: {  	_ =	shalt  }
0x48: {  	_ =	shalt  }
0x49: {  	_ =	shalt  }
0x4a: {  	_ =	shalt  }
0x4b: {  	_ =	shalt  }
0x4c: {  	_ =	shalt  }
0x4d: {  	_ =	shalt  }
0x4e: {  	_ =	shalt  }
0x4f: {  	_ =	shalt  }
0x50: {  	_ =	shalt  }
0x51: {  	_ =	shalt  }
0x52: {  	_ =	shalt  }
0x53: {  	_ =	shalt  }
0x54: {  	_ =	shalt  }
0x55: {  	_ =	shalt  }
0x56: {  	_ =	shalt  }
0x57: {  	_ =	shalt  }
0x58: {  	_ =	shalt  }
0x59: {  	_ =	shalt  }
0x5a: {  	_ =	shalt  }
0x5b: {  	_ =	shalt  }
0x5c: {  	_ =	shalt  }
0x5d: {  	_ =	shalt  }
0x5e: {  	_ =	shalt  }
0x5f: {  	_ =	shalt  }
0x60: {  	_ =	shalt  }
0x61: {  	_ =	shalt  }
0x62: {  	_ =	shalt  }
0x63: {  	_ =	shalt  }
0x64: {  	_ =	shalt  }
0x65: {  	_ =	shalt  }
0x66: {  	_ =	shalt  }
0x67: {  	_ =	shalt  }
0x68: {  	_ =	shalt  }
0x69: {  	_ =	shalt  }
0x6a: {  	_ =	shalt  }
0x6b: {  	_ =	shalt  }
0x6c: {  	_ =	shalt  }
0x6d: {  	_ =	shalt  }
0x6e: {  	_ =	shalt  }
0x6f: {  	_ =	shalt  }
0x70: {  	_ =	shalt  }
0x71: {  	_ =	shalt  }
0x72: {  	_ =	shalt  }
0x73: {  	_ =	shalt  }
0x74: {  	_ =	shalt  }
0x75: {  	_ =	shalt  }
0x76: {  	_ =	shalt  }
0x77: {  	_ =	shalt  }
0x78: {  	_ =	shalt  }
0x79: {  	_ =	shalt  }
0x7a: {  	_ =	shalt  }
0x7b: {  	_ =	shalt  }
0x7c: {  	_ =	shalt  }
0x7d: {  	_ =	shalt  }
0x7e: {  	_ =	shalt  }
0x7f: {  	_ =	shalt  }
0x80: {  	_ =	shalt  }
0x81: {  	_ =	shalt  }
0x82: {  	_ =	shalt  }
0x83: {  	_ =	shalt  }
0x84: {  	_ =	shalt  }
0x85: {  	_ =	shalt  }
0x86: {  	_ =	shalt  }
0x87: {  	_ =	shalt  }
.Lfunc_end0:
.L_simem_size_0:
called_computation.9_lowered:
.L_overlay_start_0:
0x88: {  	s2 =	sld [smem:$0x3FD9]  }
0x89: {  	s3 =	sld [smem:$0x3FFE];
	_ =	sdelay $0x1  }
0x8a: {  	s1 =	srdreg.scid  }
0x8b: {  	s0 =	sand.u32 $0x1, s1  }
0x8c: {  	s17 =	sshll.u32 s0, $0xA;
	s2 =	sadd.s32 s3, s2  }
0x8d: {  	s2 =	sadd.s32 s2, s17  }
0x8e: {  	[smem:$0x3FA9] =	sst s2  }
0x8f: {  	_ = 	snop  }
0x90: {  	s18 =	sld [smem:$0x3FC8];
	(tm) =	ssettm $0x1  }
0x91: {  	s19 =	sld [smem:$0x3FFB];
	_ =	sdelay $0x3  }
0x92: {  	_ =	strace s19  }
0x93: {  	s2 =	sld [smem:$0x3FFC];
	_ =	sdelay $0x3  }
0x94: {  	_ =	strace s2  }
0x95: {  	s2 =	sld [smem:$0x3FFD];
	_ =	sdelay $0x3  }
0x96: {  	_ =	strace s2  }
0x97: {  	_ =	strace $0x8FFFFFFF  }
0x98: {  	s20 =	sld [smem:$0x3FDB];
	_ =	sdelay $0x1  }
0x99: {  	s4 =	simm.s32 $_scs_section_size  }
0x9a: {  	s5 =	simm.s32 $_size__tile_overlayer_lowered;
	s6 =	simm.s32 $_tile_overlayer_lowered  }
0x9b: {  	s7 =	simm.s32 $0x1BFF;
	s21 =	sshll.u32 s6, $0x1;
	s4 =	sadd.s32 s4, s20  }
0x9c: {  	s22 =	simm.s32 $0x0;
	s5 =	sshll.u32 s5, $0x1;
	s6 =	sadd.s32 s21, s4  }
0x9d: {  	[timem:s22], [sflag:s7] =	dma.local [hbm:s6], s5  }
0x9e: {  	_ =	swait.ge [sflag:s7], s5  }
0x9f: {  	s5 =	ssub.s32 $0x0, s5;
	[sflag:s7] =	ssyncset.done $0x0  }
0xa0: {  	[sflag:s7] =	ssyncadd.s32 s5;
	_ =	sdelay $0x1  }
0xa1: {  	s23 =	simm.s32 $0x1B8B  }
0xa2: {  	_ =	swait.ge [sflag:s23], $0x1  }
0xa3: {  	[sflag:s23] =	ssyncset.done $0x0  }
0xa4: {  	[sflag:s23] =	ssyncadd.s32 $0xFFFFFFFF  }
0xa5: {  	s5 =	sld [smem:$0x0]  }
0xa6: {  	s6 =	sand.u32 $0xFFFFFFFE, s1  }
0xa7: {  	p0 =	sne.s32 s1, s6  }
0xa8: {  	s6 =	sshll.u32 @p0 s6, $0xE  }
0xa9: {  	s6 =	sadd.s32 @p0 $0x11B8D, s6;
	s7 =	sshll.u32 @p0 s5, $0x11  }
0xaa: {  	s6 =	sor.u32 @p0 s7, s6  }
0xab: {  	[sflag:s6] =	ssyncadd.remote.s32 @p0 $0x1;
	_ =	sdelay $0x1  }
0xac: {  	s6 =	simm.s32 @p0 $0x1B8D  }
0xad: {  	_ =	swait.eq @p0 [sflag:s6], $0x1  }
0xae: {  	[sflag:s6] =	ssyncadd.s32 @p0 $0xFFFFFFFF  }
0xaf: {  	s7 =	sshll.u32 @!p0 s1, $0xE  }
0xb0: {  	s7 =	sor.u32 @!p0 $0x4000, s7;
	s6 =	simm.s32 @!p0 $0x1B8D  }
0xb1: {  	s5 =	sshll.u32 @!p0 s5, $0x11;
	s7 =	sadd.s32 @!p0 $0x11B8D, s7;
	_ =	swait.eq @!p0 [sflag:s6], $0x1  }
0xb2: {  	s5 =	sor.u32 @!p0 s5, s7;
	[sflag:s6] =	ssyncadd.s32 @!p0 $0xFFFFFFFF  }
0xb3: {  	s25 =	simm.s32 $0x1B8E;
	s24 =	sld [smem:$0x3FFE];
	[sflag:s5] =	ssyncadd.remote.s32 @!p0 $0x1  }
0xb4: {  	s26 =	simm.s32 $execute0_lowered;
	[smem:$0x3FD2] =	sst s25  }
0xb5: {  	s6 =	sshll.u32 s26, $0x1;
	_ =	strace $0x80000061;
	[dreg:$0x1] =	wrdreg $0xFFFFFFFF  }
0xb6: {  	s28 =	simm.s32 $_size_execute0_lowered;
	s4 =	sadd.s32 s4, s6;
	[dreg:$0x0] =	wrdreg $0x0  }
0xb7: {  	s6 =	sshll.u32 s28, $0x1;
	[dreg:$0x2] =	wrdreg s4  }
0xb8: {  	[dreg:$0x3] =	wrdreg s6  }
0xb9: {  	[dreg:$0x4] =	wrdreg $0xC0  }
0xba: {  	_ =	task [dreg:s22], $0x5FFFF  }
0xbb: {  	[dreg:$0x1] =	wrdreg $0xFFFFFFFF  }
0xbc: {  	[dreg:$0x0] =	wrdreg $0x60  }
0xbd: {  	[dreg:$0x2] =	wrdreg s18  }
0xbe: {  	[dreg:$0x3] =	wrdreg s24  }
0xbf: {  	[dreg:$0x4] =	wrdreg $0xE1000  }
0xc0: {  	[dreg:$0x5] =	wrdreg $0xA  }
0xc1: {  	_ =	task.clear_ibuf [dreg:s22], $0x6FFFF;
	_ =	strace $0x90000061  }
0xc2: {  	s29 =	simm.s32 $0xA;
	_ =	strace $0x80000063  }
0xc3: {  	_ =	swait.ge [sflag:s29], $0x1  }
0xc4: {  	[sflag:s29] =	ssyncadd.s32 $0xFFFFFFFF  }
0xc5: {  	_ =	strace $0x90000063  }
0xc6: {  	_ =	sfence  }
0xc7: {  	s30 =	sld [smem:$0x0];
	_ =	sdelay $0x2  }
0xc8: {  	s31 =	sshll.u32 s1, $0xD;
	s1 =	sshrl.u32 s1, $0x2  }
0xc9: {  	s4 =	sand.u32 $0x4000, s31;
	s1 =	sadd.s32 s1, s30  }
0xca: {  	s0 =	sor.u32 s4, s0;
	s1 =	sshll.u32 s1, $0x11  }
0xcb: {  	s0 =	sor.u32 s1, s0  }
0xcc: {  	s0 =	sadd.s32 $0x8F2B, s0  }
0xcd: {  	[sflag:s0] =	ssyncadd.remote.s32 $0x1  }
0xce: {  	_ =	sfence.sel $0xFFFF  }
0xcf: {  	[dreg:$0x0] =	wrdreg $0xFFFFFFFF;
	(pc) =	sbr.abs _section_cstart, $3  }
0xd0: {  	[dreg:$0x1] =	wrdreg $0xFFFFFFFF  }
0xd1: {  	_ =	task.clear_ibuf [dreg:s22], $0x2FFFF;
	_ =	strace $0x9FFFFFFF  }
0xd2: {  	(tm) =	ssettm $0x7FFFFFFF  }
0xd3: {  	_ =	shalt  }
tec
execute0_lowered:
.L_overlay_start_1:
0x0: {  	(tag) =	ssettag $0x1  }
0x1: {  	s14 =	rddreg [dreg:$0x0]  }
0x2: {  	s0 =	srdreg.scid;
	s4 =	rddreg [dreg:$0x1]  }
0x3: {  	s2 =	rddreg [dreg:$0x2];
	s1 =	stileid.u32;
	s3 =	simm.s32 $0x0  }
0x4: {  	s16 =	simm.s32 $0x3;
	s17 =	simm.s32 $0x100;
	s18 =	simm.s32 $0x80  }
0x5: {  	s6 =	sand.u32 $0x1, s0;
	s0 =	rddreg [dreg:$0x3];
	s10 =	smul.u32 $0x28000, s1  }
0x6: {  	[smem:$0x7FF] =	sst s3;
	s15 =	smul.u32 $0x980, s1;
	s5 =	sshll.u32 s6, $0x4  }
0x7: {  	s11 =	sadd.s32 $0x81800, s4;
	s24 =	smul.u32 $0x9800, s6;
	s22 =	sor.u32 s1, s5  }
0x8: {  	_ =	strace $0x80000062;
	s7 =	ssub.s32 $0x2, s6;
	s5 =	smul.u32 $0x1400, s22  }
0x9: {  	s9 =	sshrl.u32 s7, $0x1;
	s20 =	sshrl.u32 s10, $0x2;
	s8 =	smul.u32 $0x980, s22  }
0xa: {  	s13 =	ssub.s32 s7, s9;
	s23 =	smul.u32 $0x4C00, s22;
	s25 =	sshll.u32 s22, $0x4  }
0xb: {  	s26 =	sshll.u32 s22, $0xA;
	s15 =	sadd.s32 s15, s24;
	p0 =	sgt.u32 s22, $0x10  }
0xc: {  	s22 =	simm.s32 $0x0;
	s7 =	sadd.s32 s25, s14;
	s28 =	sadd.s32 s26, s11  }
0xd: {  	s10 =	smax.u32 s13, $0x1;
	s29 =	sshll.u32 s15, $0x3;
	s31 =	sadd.s32 $0x13980, s15  }
0xe: {  	s15 =	sadd.s32 $0x13900, s15;
	s12 =	sadd.s32 s5, s4;
	s19 =	sshrl.u32 s8, $0x3  }
0xf: {  	s4 =	sadd.s32 s20, s2;
	s6 =	sadd.s32 s11, s23;
	s7 =	sadd.s32 $0x4D10, s7  }
0x10: {  	s8 =	sadd.s32 $0x98000, s28;
	s30 =	sadd.s32 s11, s29;
	s15 =	sshrl.u32 s15, $0x3  }
0x11: {  	s20 =	simm.s32 $0x1;
	s21 =	sadd.s32 s14, s19;
	s9 =	sadd.s32 $0x11DC00, s12  }
0x12: {  	s11 =	sadd.s32 $0x800, s30;
	s12 =	sshrl.u32 s31, $0x3;
	s13 =	sadd.s32 $0x400, s30  }
0x13: {  	s19 =	simm.s32 $0x2100;
	s5 =	sadd.s32 $0x2710, s21;
	s12 =	sadd.s32 s12, s14  }
0x14: {  	v0 =	vimm.f32 $0.0e+00;
	s14 =	sadd.s32 s15, s14;
	s15 =	simm.s32 $0x4100;
	s21 =	simm.s32 $0x2  }
.LBB2_1:
0x15: {  	s24 =	simm.s32 $0x100;
	s23 =	simm.s32 $0x0  }
.LBB2_2:
0x16: {  	p1 =	sne.s32 s24, $0x27F00;
	[tilespmem:s23+$0x4130] =	vst v0;
	s25 =	smov.u32 s24;
	s24 =	sadd.s32 $0x100, s24  }
.Ltmp0:
0x17: {  	[tilespmem:s23+$0x4120] =	vst v0;
	(pc) =	sbr.rel @p1 .LBB2_2-.Ltmp0, $3  }
0x18: {  	[tilespmem:s23+$0x4100] =	vst v0  }
0x19: {  	[tilespmem:s23+$0x4110] =	vst v0;
	_ =	sdelay $0x1  }
0x1a: {  	s23 =	sshra.s32 s25, $0x2  }
0x1b: {  	[tilespmem:s23+$0x4130] =	vst v0  }
0x1c: {  	[tilespmem:s23+$0x4120] =	vst v0  }
0x1d: {  	[tilespmem:s23+$0x4100] =	vst v0  }
0x1e: {  	[tilespmem:s23+$0x4110] =	vst v0  }
0x1f: {  	[spmem:s4] =	stream.linear.scatter [tilespmem:s15], [sflag:$0x3], $0xA000, $0x38;
	[tilespmem:$0x18100] =	vst v63  }
0x20: {  	_ =	swait.ge [sflag:s16], $0xA000  }
0x21: {  	[sflag:s16] =	ssyncset.done $0x0  }
0x22: {  	[sflag:s16] =	ssyncadd.s32 $0xFFFF6000  }
0x23: {  	s29 =	simm.s32 $0x0;
	[bflag:$0x0] =	sbarrier.arrive $0xFFFF  }
0x24: {  	[tilespmem:s29], [sflag:$0x1] =	stream.linear.gather [hbm4b:s5+s29], $0x80, $0x38;
	[tilespmem:$0x18100] =	vst v63  }
0x25: {  	_ = 	snop  }
0x26: {  	[tilespmem:s17], [sflag:$0x1] =	stream.linear.gather [hbm4b:s6+s29], $0x2000, $0x38;
	[tilespmem:$0x18100] =	vst v63  }
0x27: {  	s30 =	sadd.s32 $0x0, s14  }
0x28: {  	[tilespmem:s18], [sflag:$0x2] =	stream.linear.gather [hbm4b:s30+s3], $0x80, $0x38;
	[tilespmem:$0x18100] =	vst v63  }
0x29: {  	_ = 	snop  }
0x2a: {  	[tilespmem:s19], [sflag:$0x2] =	stream.linear.gather [hbm4b:s13+s3], $0x2000, $0x38;
	[tilespmem:$0x18100] =	vst v63  }
0x2b: {  	_ =	swait.ge [sflag:s20], $0x80  }
0x2c: {  	[sflag:s20] =	ssyncset.done $0x0  }
0x2d: {  	[sflag:s20] =	ssyncadd.s32 $0xFFFFFF80  }
0x2e: {  	_ =	swait.ge [sflag:s20], $0x2000  }
0x2f: {  	[sflag:s20] =	ssyncset.done $0x0  }
0x30: {  	[sflag:s20] =	ssyncadd.s32 $0xFFFFE000  }
0x31: {  	[spmem:s2] =	stream.indirect.scatter.add.f32 [tilespmem:s17], [sflag:$0x3], $0x40, s3, s18, $0xb8;
	[tilespmem:$0x18100] =	vst v63  }
0x32: {  	_ =	swait.ge [sflag:s16], $0x2000  }
0x33: {  	[sflag:s16] =	ssyncset.done $0x0  }
0x34: {  	s31 =	sadd.s32 $0x0, s12;
	[sflag:s16] =	ssyncadd.s32 $0xFFFFE000  }
0x35: {  	[tilespmem:s3], [sflag:$0x1] =	stream.linear.gather [hbm4b:s31+s3], $0x80, $0x38;
	[tilespmem:$0x18100] =	vst v63  }
0x36: {  	_ = 	snop  }
0x37: {  	[tilespmem:s17], [sflag:$0x1] =	stream.linear.gather [hbm4b:s11+s3], $0x2000, $0x38;
	[tilespmem:$0x18100] =	vst v63  }
0x38: {  	_ =	swait.ge [sflag:s21], $0x80  }
0x39: {  	[sflag:s21] =	ssyncset.done $0x0  }
0x3a: {  	[sflag:s21] =	ssyncadd.s32 $0xFFFFFF80  }
0x3b: {  	_ =	swait.ge [sflag:s21], $0x2000  }
0x3c: {  	[sflag:s21] =	ssyncset.done $0x0  }
0x3d: {  	[sflag:s21] =	ssyncadd.s32 $0xFFFFE000  }
0x3e: {  	[spmem:s2] =	stream.indirect.scatter.add.f32 [tilespmem:s19], [sflag:$0x3], $0x40, s18, s18, $0xb8;
	[tilespmem:$0x18100] =	vst v63  }
0x3f: {  	s23 =	simm.s32 $0x20;
	s26 =	simm.s32 $0x40;
	_ =	swait.ge [sflag:s16], $0x2000  }
0x40: {  	s24 =	sadd.s32 $0x800, s11;
	s25 =	sadd.s32 $0x800, s13;
	[sflag:s16] =	ssyncset.done $0x0  }
.LBB2_4:
0x41: {  	s28 =	sadd.s32 s23, s14  }
0x42: {  	[sflag:s16] =	ssyncadd.s32 $0xFFFFE000;
	s29 =	smov.u32 s26;
	s30 =	sadd.s32 $0x20, s26  }
0x43: {  	[tilespmem:s18], [sflag:$0x2] =	stream.linear.gather [hbm4b:s28+s3], $0x80, $0x38;
	[tilespmem:$0x18100] =	vst v63  }
0x44: {  	p1 =	sne.s32 s26, $0x100  }
0x45: {  	[tilespmem:s19], [sflag:$0x2] =	stream.linear.gather [hbm4b:s25+s3], $0x2000, $0x38;
	[tilespmem:$0x18100] =	vst v63  }
0x46: {  	_ =	swait.ge [sflag:s20], $0x80  }
0x47: {  	[sflag:s20] =	ssyncset.done $0x0  }
0x48: {  	[sflag:s20] =	ssyncadd.s32 $0xFFFFFF80  }
0x49: {  	_ =	swait.ge [sflag:s20], $0x2000  }
0x4a: {  	[sflag:s20] =	ssyncset.done $0x0  }
0x4b: {  	[sflag:s20] =	ssyncadd.s32 $0xFFFFE000  }
0x4c: {  	[spmem:s2] =	stream.indirect.scatter.add.f32 [tilespmem:s17], [sflag:$0x3], $0x40, s3, s18, $0xb8;
	[tilespmem:$0x18100] =	vst v63  }
0x4d: {  	_ =	swait.ge [sflag:s16], $0x2000  }
0x4e: {  	[sflag:s16] =	ssyncset.done $0x0  }
0x4f: {  	s26 =	sadd.s32 s23, s12;
	s23 =	smov.u32 s29;
	[sflag:s16] =	ssyncadd.s32 $0xFFFFE000  }
0x50: {  	[tilespmem:s3], [sflag:$0x1] =	stream.linear.gather [hbm4b:s26+s3], $0x80, $0x38;
	[tilespmem:$0x18100] =	vst v63  }
0x51: {  	_ = 	snop  }
0x52: {  	[tilespmem:s17], [sflag:$0x1] =	stream.linear.gather [hbm4b:s24+s3], $0x2000, $0x38;
	[tilespmem:$0x18100] =	vst v63  }
0x53: {  	_ =	swait.ge [sflag:s21], $0x80  }
0x54: {  	[sflag:s21] =	ssyncset.done $0x0  }
0x55: {  	[sflag:s21] =	ssyncadd.s32 $0xFFFFFF80  }
0x56: {  	_ =	swait.ge [sflag:s21], $0x2000  }
.Ltmp1:
0x57: {  	[sflag:s21] =	ssyncset.done $0x0;
	(pc) =	sbr.rel @p1 .LBB2_4-.Ltmp1, $4  }
0x58: {  	[sflag:s21] =	ssyncadd.s32 $0xFFFFE000  }
0x59: {  	[spmem:s2] =	stream.indirect.scatter.add.f32 [tilespmem:s19], [sflag:$0x3], $0x40, s18, s18, $0xb8;
	[tilespmem:$0x18100] =	vst v63  }
0x5a: {  	s25 =	sadd.s32 $0x800, s25;
	_ =	swait.ge [sflag:s16], $0x2000  }
0x5b: {  	s26 =	smov.u32 s30;
	s24 =	sadd.s32 $0x800, s24;
	[sflag:s16] =	ssyncset.done $0x0  }
0x5c: {  	s26 =	sadd.s32 s23, s14;
	[sflag:s16] =	ssyncadd.s32 $0xFFFFE000  }
0x5d: {  	[tilespmem:s18], [sflag:$0x2] =	stream.linear.gather [hbm4b:s26+s3], $0x80, $0x38;
	[tilespmem:$0x18100] =	vst v63  }
0x5e: {  	_ = 	snop  }
0x5f: {  	[tilespmem:s19], [sflag:$0x2] =	stream.linear.gather [hbm4b:s25+s3], $0x2000, $0x38;
	[tilespmem:$0x18100] =	vst v63  }
0x60: {  	_ =	swait.ge [sflag:s20], $0x80  }
0x61: {  	[sflag:s20] =	ssyncset.done $0x0  }
0x62: {  	[sflag:s20] =	ssyncadd.s32 $0xFFFFFF80  }
0x63: {  	_ =	swait.ge [sflag:s20], $0x2000  }
0x64: {  	[sflag:s20] =	ssyncset.done $0x0  }
0x65: {  	[sflag:s20] =	ssyncadd.s32 $0xFFFFE000  }
0x66: {  	[spmem:s2] =	stream.indirect.scatter.add.f32 [tilespmem:s17], [sflag:$0x3], $0x40, s3, s18, $0xb8;
	[tilespmem:$0x18100] =	vst v63  }
0x67: {  	_ =	swait.ge [sflag:s16], $0x2000  }
0x68: {  	[sflag:s16] =	ssyncset.done $0x0  }
0x69: {  	s31 =	sadd.s32 s23, s12;
	[sflag:s16] =	ssyncadd.s32 $0xFFFFE000  }
0x6a: {  	[tilespmem:s3], [sflag:$0x1] =	stream.linear.gather [hbm4b:s31+s3], $0x80, $0x38;
	[tilespmem:$0x18100] =	vst v63  }
0x6b: {  	_ = 	snop  }
0x6c: {  	[tilespmem:s17], [sflag:$0x1] =	stream.linear.gather [hbm4b:s24+s3], $0x2000, $0x38;
	[tilespmem:$0x18100] =	vst v63  }
0x6d: {  	_ =	swait.ge [sflag:s21], $0x80  }
0x6e: {  	[sflag:s21] =	ssyncset.done $0x0  }
0x6f: {  	[sflag:s21] =	ssyncadd.s32 $0xFFFFFF80  }
0x70: {  	_ =	swait.ge [sflag:s21], $0x2000  }
0x71: {  	[sflag:s21] =	ssyncset.done $0x0  }
0x72: {  	[sflag:s21] =	ssyncadd.s32 $0xFFFFE000  }
0x73: {  	[spmem:s2] =	stream.indirect.scatter.add.f32 [tilespmem:s19], [sflag:$0x3], $0x40, s18, s18, $0xb8;
	[tilespmem:$0x18100] =	vst v63  }
0x74: {  	_ =	swait.ge [sflag:s16], $0x2000  }
0x75: {  	[sflag:s16] =	ssyncset.done $0x0  }
0x76: {  	[sflag:s16] =	ssyncadd.s32 $0xFFFFE000  }
0x77: {  	_ =	swait.ge [sflag:s20], $0x80  }
0x78: {  	[sflag:s20] =	ssyncset.done $0x0  }
0x79: {  	[sflag:s20] =	ssyncadd.s32 $0xFFFFFF80  }
0x7a: {  	_ =	swait.ge [sflag:s20], $0x2000  }
0x7b: {  	[sflag:s20] =	ssyncset.done $0x0  }
0x7c: {  	[sflag:s20] =	ssyncadd.s32 $0xFFFFE000  }
0x7d: {  	[spmem:s2] =	stream.indirect.scatter.add.f32 [tilespmem:s17], [sflag:$0x3], $0x40, s3, s18, $0xb8;
	[tilespmem:$0x18100] =	vst v63  }
0x7e: {  	_ =	swait.ge [sflag:s16], $0x2000  }
0x7f: {  	[sflag:s16] =	ssyncset.done $0x0  }
0x80: {  	s23 =	simm.s32 @!p0 $0x0;
	s24 =	simm.s32 @!p0 $0x3;
	[sflag:s16] =	ssyncadd.s32 $0xFFFFE000  }
0x81: {  	[tilespmem:s23], [sflag:$0x3] =	stream.linear.gather @!p0 [hbm4b:s7+s23], $0x80, $0x38;
	[tilespmem:$0x18100] =	vst v63  }
0x82: {  	_ =	swait.ge @!p0 [sflag:s24], $0x80  }
0x83: {  	[sflag:s24] =	ssyncset.done @!p0 $0x0  }
0x84: {  	s25 =	simm.s32 @!p0 $0x100;
	[sflag:s24] =	ssyncadd.s32 @!p0 $0xFFFFFF80  }
0x85: {  	[tilespmem:s25], [sflag:$0x3] =	stream.linear.gather @!p0 [hbm4b:s8+s23], $0x2000, $0x38;
	[tilespmem:$0x18100] =	vst v63  }
0x86: {  	_ =	swait.ge @!p0 [sflag:s24], $0x2000  }
0x87: {  	[sflag:s24] =	ssyncset.done @!p0 $0x0  }
0x88: {  	s26 =	simm.s32 @!p0 $0x80;
	[sflag:s24] =	ssyncadd.s32 @!p0 $0xFFFFE000  }
0x89: {  	[spmem:s2] =	stream.indirect.scatter.add.f32 @!p0 [tilespmem:s25], [sflag:$0x3], $0x40, s23, s26, $0xb8;
	[tilespmem:$0x18100] =	vst v63  }
0x8a: {  	_ =	swait.ge @!p0 [sflag:s24], $0x2000  }
0x8b: {  	[sflag:s24] =	ssyncset.done @!p0 $0x0  }
0x8c: {  	[sflag:s24] =	ssyncadd.s32 @!p0 $0xFFFFE000  }
0x8d: {  	[bflag:$0x0] =	sbarrier.arrive $0xFFFF  }
0x8e: {  	[tilespmem:s15], [sflag:$0x3] =	stream.linear.gather [spmem:s4], $0xA000, $0x38;
	[tilespmem:$0x18100] =	vst v63  }
0x8f: {  	s22 =	sadd.s32 $0x1, s22;
	_ =	swait.ge [sflag:s16], $0xA000  }
0x90: {  	p1 =	sne.s32 s22, s10;
	[sflag:s16] =	ssyncset.done $0x0  }
.Ltmp2:
0x91: {  	[sflag:s16] =	ssyncadd.s32 $0xFFFF6000;
	(pc) =	sbr.rel @p1 .LBB2_1-.Ltmp2, $4  }
0x92: {  	[hbm4b:s9+s3] =	stream.linear.scatter [tilespmem:s15], [sflag:$0x3], $0xA000, $0x38;
	[tilespmem:$0x18100] =	vst v63  }
0x93: {  	_ =	swait.ge [sflag:s16], $0xA000  }
0x94: {  	[sflag:s16] =	ssyncset.done $0x0  }
0x95: {  	[sflag:s16] =	ssyncadd.s32 $0xFFFF6000  }
0x96: {  	_ =	sfence.sel $0x180000  }
0x97: {  	[bflag:$0x0] =	sbarrier.arrive $0xFFFF  }
0x98: {  	p0 =	sne.s32 s1, $0x0;
	_ =	strace $0x90000062  }
0x99: {  	s0 =	sadd.s32 @!p0 $0x100000, s0;
	[bflag:$0x2] =	sbarrier.arrive $0xFFFF  }
0x9a: {  	[sflag:s0] =	ssyncadd.tile.s32 @!p0 $0x1;
	_ =	shalt  }
.Lfunc_end2:
_tile_overlayer_lowered:
.L_overlay_start_2:
0x9b: {  	(tag) =	ssettag $0x2  }
0x9c: {  	s0 =	rddreg [dreg:$0x0];
	s2 =	stileid.u32  }
0x9d: {  	s1 =	rddreg [dreg:$0x1];
	p0 =	sne.s32 s2, $0x0  }
0x9e: {  	s3 =	rddreg [dreg:$0x2];
	[bflag:$0x3] =	sbarrier.arrive $0xFFFF;
	s2 =	simm.s32 @!p0 $0x1C03  }
0x9f: {  	[timem:s3], [sflag:s2] =	dma.local @!p0 [hbm:s0], s1  }
0xa0: {  	s0 =	simm.s32 @!p0 $0x3  }
0xa1: {  	_ =	swait.ge @!p0 [sflag:s0], s1  }
0xa2: {  	s1 =	ssub.s32 @!p0 $0x0, s1;
	[sflag:s0] =	ssyncset.done @!p0 $0x0  }
0xa3: {  	[sflag:s0] =	ssyncadd.s32 @!p0 s1  }
0xa4: {  	[bflag:$0x3] =	sbarrier.arrive $0xFFFF  }
0xa5: {  	_ =	shalt  }

</sc_bundles>
